<compile_context>
chip_gen: v7x
topology: tpu7x:2x2x1
jax: 0.10.2.dev20260603
libtpu: 0.0.44.dev20260713+nightly
codegen_flags: <defaults>
</compile_context>

<pallas_src>
import functools

import jax
import jax.numpy as jnp
from jax import lax
from jax.experimental import pallas as pl
from jax.experimental.pallas import tpu as pltpu
from jax.experimental.pallas import tpu_sc as plsc

N = 10000
E = 320000
D = 128

NC = 2
NS = 16
NW = NC * NS
EPW = E // NW
K = 80
EPWP = 10240
NCHUNK = EPWP // K
NB = 4
NI = 8
NP = 10240
RPT = NP // NS

_mesh = plsc.VectorSubcoreMesh(core_axis_name="c", subcore_axis_name="s")
_sc_params = pltpu.CompilerParams(needs_layout_passes=False,
                                 use_tc_tiling_on_sc=False)


@functools.partial(
    pl.kernel, mesh=_mesh,
    out_type=jax.ShapeDtypeStruct((NC, NP, D), jnp.float32),
    scratch_types=[
        pltpu.VMEM((NI, K), jnp.int32),
        pltpu.VMEM((NI, K), jnp.int32),
        pltpu.VMEM((NB, K, D), jnp.float32),
        pltpu.VMEM_SHARED((NP, D), jnp.float32),
        [pltpu.SemaphoreType.DMA] * NI,
        [pltpu.SemaphoreType.DMA] * NI,
        [pltpu.SemaphoreType.DMA] * NB,
        [pltpu.SemaphoreType.DMA] * NB,
    ],
    compiler_params=_sc_params)
def _sc_feature(table_hbm, src_hbm, dst_hbm, zrows_hbm, out_hbm,
                srcb, dstb, rows_v, acc, isems, jsems, gsems, ssems):
    c = lax.axis_index("c")
    s = lax.axis_index("s")
    wid = c * NS + s
    pltpu.sync_copy(zrows_hbm, acc.at[pl.ds(s * RPT, RPT)])
    plsc.subcore_barrier()

    def idx_start(ch, sl):
        pltpu.async_copy(src_hbm.at[wid, ch], srcb.at[sl], isems[sl])
        pltpu.async_copy(dst_hbm.at[wid, ch], dstb.at[sl], jsems[sl])

    def gather_start(ch, sl):
        pltpu.make_async_copy(src_hbm.at[wid, ch], srcb.at[sl],
                              isems[sl]).wait()
        pltpu.async_copy(table_hbm.at[srcb.at[sl]], rows_v.at[sl % NB],
                         gsems[sl % NB])

    for ch in range(NB):
        idx_start(ch, ch)
    for ch in range(2):
        gather_start(ch, ch)

    def group(g, carry):
        for k in range(NI):
            ch = g * NI + k
            b = k % NB
            pltpu.make_async_copy(table_hbm.at[srcb.at[k]], rows_v.at[b],
                                  gsems[b]).wait()
            pltpu.make_async_copy(dst_hbm.at[wid, ch], dstb.at[k],
                                  jsems[k]).wait()
            pltpu.async_copy(rows_v.at[b], acc.at[dstb.at[k]], ssems[b],
                             add=True)

            @pl.when(ch + 2 < NCHUNK)
            def _():
                b2 = (k + 2) % NB

                @pl.when(ch >= 2)
                def _():
                    pltpu.make_async_copy(
                        rows_v.at[b2], acc.at[dstb.at[(k + 6) % NI]],
                        ssems[b2]).wait()

                gather_start(ch + 2, (k + 2) % NI)

            @pl.when(ch + NB < NCHUNK)
            def _():
                idx_start(ch + NB, (k + NB) % NI)
        return carry

    lax.fori_loop(0, NCHUNK // NI, group, 0)
    for ch in (NCHUNK - 2, NCHUNK - 1):
        k = ch % NI
        pltpu.make_async_copy(rows_v.at[k % NB], acc.at[dstb.at[k]],
                              ssems[k % NB]).wait()

    plsc.subcore_barrier()
    pltpu.sync_copy(acc.at[pl.ds(s * RPT, RPT)],
                    out_hbm.at[c, pl.ds(s * RPT, RPT)])


SPAN = 5120


@functools.partial(
    pl.kernel, mesh=_mesh,
    out_type=jax.ShapeDtypeStruct((NW, NP), jnp.int32),
    scratch_types=[
        pltpu.VMEM((NCHUNK, K), jnp.int32),
        pltpu.VMEM((16 * SPAN,), jnp.int32),
    ],
    compiler_params=_sc_params)
def _sc_counts(dst_hbm, zhist_hbm, cnt_hbm, dst_v, hist):
    c = lax.axis_index("c")
    s = lax.axis_index("s")
    wid = c * NS + s
    pltpu.sync_copy(dst_hbm.at[wid], dst_v)
    lane = lax.iota(jnp.int32, 16)
    ones16 = jnp.ones((16,), jnp.int32)

    for h in range(NP // SPAN):
        lo = h * SPAN
        pltpu.sync_copy(zhist_hbm, hist)

        def cbody(i, carry):
            for b in range(K // 16):
                d = dst_v[i, pl.ds(b * 16, 16)]
                m = (d >= lo) & (d < lo + SPAN)
                dloc = jnp.where(m, d - lo, 0) + lane * SPAN
                plsc.addupdate_scatter(hist, [dloc], ones16, mask=m)
            return carry

        lax.fori_loop(0, NCHUNK, cbody, 0)

        def rbody(cc, carry):
            accv = hist[pl.ds(cc * 16, 16)]
            for j in range(1, 16):
                accv = accv + hist[pl.ds(j * SPAN + cc * 16, 16)]
            hist[pl.ds(cc * 16, 16)] = accv
            return carry

        lax.fori_loop(0, SPAN // 16, rbody, 0)
        pltpu.sync_copy(hist.at[pl.ds(0, SPAN)],
                        cnt_hbm.at[wid, pl.ds(lo, SPAN)])


BN = 512


def _tc_layer0(p0, p1, cnt_parts, x, wl, bl, wr):
    def body(p0_ref, p1_ref, cp_ref, x_ref, wl_ref, bl_ref, wr_ref,
             h_ref, cnt_ref):
        sums = p0_ref[:, :] + p1_ref[:, :]
        cnt = jnp.sum(cp_ref[:, :].astype(jnp.float32), axis=0)[:, None]
        cnt = jnp.maximum(cnt, 1.0)
        agg = sums / cnt
        out = (jnp.dot(agg, wl_ref[:], preferred_element_type=jnp.float32)
               + bl_ref[:]
               + jnp.dot(x_ref[:], wr_ref[:], preferred_element_type=jnp.float32))
        nrm = jnp.sqrt(jnp.sum(out * out, axis=1, keepdims=True))
        out = out / jnp.maximum(nrm, 1e-12)
        h_ref[:, :] = jnp.maximum(out, 0.0)
        cnt_ref[:, :] = cnt

    return pl.pallas_call(
        body,
        grid=(NP // BN,),
        in_specs=[
            pl.BlockSpec((BN, D), lambda i: (i, 0)),
            pl.BlockSpec((BN, D), lambda i: (i, 0)),
            pl.BlockSpec((NW, BN), lambda i: (0, i)),
            pl.BlockSpec((BN, D), lambda i: (i, 0)),
            pl.BlockSpec((D, D), lambda i: (0, 0)),
            pl.BlockSpec((1, D), lambda i: (0, 0)),
            pl.BlockSpec((D, D), lambda i: (0, 0)),
        ],
        out_specs=[
            pl.BlockSpec((BN, D), lambda i: (i, 0)),
            pl.BlockSpec((BN, 1), lambda i: (i, 0)),
        ],
        out_shape=[
            jax.ShapeDtypeStruct((NP, D), jnp.float32),
            jax.ShapeDtypeStruct((NP, 1), jnp.float32),
        ],
    )(p0, p1, cnt_parts, x, wl, bl, wr)


def _tc_layer1(q0, q1, cnt, h, wl, bl, wr):
    def body(q0_ref, q1_ref, cnt_ref, h_ref, wl_ref, bl_ref, wr_ref, o_ref):
        agg = (q0_ref[:, :] + q1_ref[:, :]) / cnt_ref[:, :]
        out = (jnp.dot(agg, wl_ref[:], preferred_element_type=jnp.float32)
               + bl_ref[:]
               + jnp.dot(h_ref[:], wr_ref[:], preferred_element_type=jnp.float32))
        nrm = jnp.sqrt(jnp.sum(out * out, axis=1, keepdims=True))
        o_ref[:, :] = out / jnp.maximum(nrm, 1e-12)

    return pl.pallas_call(
        body,
        grid=(NP // BN,),
        in_specs=[
            pl.BlockSpec((BN, D), lambda i: (i, 0)),
            pl.BlockSpec((BN, D), lambda i: (i, 0)),
            pl.BlockSpec((BN, 1), lambda i: (i, 0)),
            pl.BlockSpec((BN, D), lambda i: (i, 0)),
            pl.BlockSpec((D, D), lambda i: (0, 0)),
            pl.BlockSpec((1, D), lambda i: (0, 0)),
            pl.BlockSpec((D, D), lambda i: (0, 0)),
        ],
        out_specs=pl.BlockSpec((BN, D), lambda i: (i, 0)),
        out_shape=jax.ShapeDtypeStruct((NP, D), jnp.float32),
    )(q0, q1, cnt, h, wl, bl, wr)


def kernel(x, edge_index, Wl0, bl0, Wr0, Wl1, bl1, Wr1):
    pad = EPWP - EPW
    src2 = jnp.pad(edge_index[0].astype(jnp.int32).reshape(NW, EPW),
                   ((0, 0), (0, pad)))
    dst2 = jnp.pad(edge_index[1].astype(jnp.int32).reshape(NW, EPW),
                   ((0, 0), (0, pad)), constant_values=N)
    src3 = src2.reshape(NW, NCHUNK, K)
    dst3 = dst2.reshape(NW, NCHUNK, K)

    zrows = jnp.zeros((RPT, D), jnp.float32)
    zhist = jnp.zeros((16 * SPAN,), jnp.int32)

    x_pad = jnp.pad(x, ((0, NP - N), (0, 0)))

    cnt_parts = _sc_counts(dst3, zhist)
    p = _sc_feature(x, src3, dst3, zrows)
    h, cnt = _tc_layer0(p[0], p[1], cnt_parts, x_pad, Wl0,
                        bl0.reshape(1, D), Wr0)

    q = _sc_feature(h, src3, dst3, zrows)
    out = _tc_layer1(q[0], q[1], cnt, h, Wl1, bl1.reshape(1, D), Wr1)
    return out[:N]

# --- scband reference (transcript-rebuilt; emitter-appended) ---
"""Pipeline reference for scband-gnnencoder-31679678775439 (READ-ONLY COPY).

The authoritative reference and input builder live on the scoring server;
editing this copy changes nothing except your own understanding.
"""

import jax, jax.numpy as jnp
import numpy as np

N = 10000
E = 320000
D = 128
H = 128


def setup_inputs(seed: int = 0) -> dict:
    key = jax.random.key(seed)
    ks = jax.random.split(key, 9)
    x = jax.random.normal(ks[0], (N, D), dtype=jnp.float32)
    edge_index = jax.random.randint(ks[1], (2, E), 0, N)
    s = 1.0 / np.sqrt(D)
    Wl0 = jax.random.normal(ks[2], (D, H), dtype=jnp.float32) * s
    bl0 = jnp.zeros((H,), dtype=jnp.float32)
    Wr0 = jax.random.normal(ks[3], (D, H), dtype=jnp.float32) * s
    Wl1 = jax.random.normal(ks[4], (H, H), dtype=jnp.float32) * s
    bl1 = jnp.zeros((H,), dtype=jnp.float32)
    Wr1 = jax.random.normal(ks[5], (H, H), dtype=jnp.float32) * s
    return {"x": x, "edge_index": edge_index, "Wl0": Wl0, "bl0": bl0, "Wr0": Wr0,
            "Wl1": Wl1, "bl1": bl1, "Wr1": Wr1}


def _sage_conv(x, Wl, bl, Wr, src, dst):
    # SAGEConv with mean aggregation, root weight, normalize=True
    msgs = x[src]                                   # gather source node feats per edge
    sums = jax.ops.segment_sum(msgs, dst, num_segments=N)
    cnt = jax.ops.segment_sum(jnp.ones((src.shape[0], 1), x.dtype), dst, num_segments=N)
    agg = sums / jnp.maximum(cnt, 1.0)              # mean aggregation
    out = agg @ Wl + bl + x @ Wr                    # lin_l(aggr) + lin_r(x)
    nrm = jnp.linalg.norm(out, axis=-1, keepdims=True)
    return out / jnp.maximum(nrm, 1e-12)            # F.normalize(out, p=2, dim=-1)


def reference(x, edge_index, Wl0, bl0, Wr0, Wl1, bl1, Wr1):
    src = edge_index[0]
    dst = edge_index[1]
    h = jax.nn.relu(_sage_conv(x, Wl0, bl0, Wr0, src, dst))   # layer 0 + relu
    h = _sage_conv(h, Wl1, bl1, Wr1, src, dst)                # last layer, no relu
    return h

if __name__ == "__main__":
    import jax
    _d = setup_inputs()
    print(jax.jit(kernel)(*tuple(_d.values())))

</pallas_src>

<mosaic_0001>
#map = affine_map<(d0, d1) -> (0, 0, 0)>
#map1 = affine_map<(d0, d1) -> (0)>
#map2 = affine_map<(d0, d1) -> (0, 0)>
module attributes {stable_mosaic.version = 14 : i64} {
  func.func @_sc_counts(%arg0: i32, %arg1: i32, %arg2: memref<32x128x80xi32, #tpu.memory_space<hbm>>, %arg3: memref<81920xi32, #tpu.memory_space<hbm>>, %arg4: memref<32x10240xi32, #tpu.memory_space<hbm>>, %arg5: memref<128x80xi32, #tpu.memory_space<vmem>>, %arg6: memref<81920xi32, #tpu.memory_space<vmem>>) attributes {dimension_semantics = [#tpu.dimension_semantics<core_parallel>, #tpu.dimension_semantics<subcore_parallel>], iteration_bounds = array<i64: 2, 16>, scalar_prefetch = 0 : i64, scratch_operands = 2 : i64, tpu.core_type = #tpu.core_type<sc_vector_subcore>, window_params = [{transform_indices = #map}, {transform_indices = #map1}, {transform_indices = #map2}]} {
    %mul3A = arith.constant 16 : i32
    %mul3A_0 = arith.muli %arg0, %mul3A : i32
    %add3A = arith.addi %mul3A_0, %arg1 : i32
    "tpu.region"() ({
      %run_scoped3A = tpu.sem_alloc : memref<!tpu.dma_semaphore, #tpu.memory_space<semaphore_mem>>
      %dma_start3A = arith.constant 0 : i32
      %dma_start3A_25 = arith.constant 0 : i32
      %dma_start3A_26 = tpu.memref_slice %arg2[%add3A, %dma_start3A, %dma_start3A_25] : memref<32x128x80xi32, #tpu.memory_space<hbm>> -> memref<1x128x80xi32, #tpu.memory_space<hbm>>
      %dma_start3A_27 = tpu.memref_squeeze %dma_start3A_26 : memref<1x128x80xi32, #tpu.memory_space<hbm>> -> memref<128x80xi32, #tpu.memory_space<hbm>>
      %dma_start3A_28 = arith.constant 0 : i32
      %dma_start3A_29 = arith.constant 0 : i32
      %dma_start3A_30 = tpu.memref_slice %arg2[%add3A, %dma_start3A_28, %dma_start3A_29] : memref<32x128x80xi32, #tpu.memory_space<hbm>> -> memref<1x128x80xi32, #tpu.memory_space<hbm>>
      %dma_start3A_31 = tpu.memref_squeeze %dma_start3A_30 : memref<1x128x80xi32, #tpu.memory_space<hbm>> -> memref<128x80xi32, #tpu.memory_space<hbm>>
      tpu.enqueue_dma source(%dma_start3A_31 : memref<128x80xi32, #tpu.memory_space<hbm>>) target(%arg5 : memref<128x80xi32, #tpu.memory_space<vmem>>) target_semaphore(%run_scoped3A : memref<!tpu.dma_semaphore, #tpu.memory_space<semaphore_mem>>)
      %dma_wait3A = arith.constant 0 : i32
      %dma_wait3A_32 = arith.constant 0 : i32
      %dma_wait3A_33 = tpu.memref_slice %arg2[%add3A, %dma_wait3A, %dma_wait3A_32] : memref<32x128x80xi32, #tpu.memory_space<hbm>> -> memref<1x128x80xi32, #tpu.memory_space<hbm>>
      %dma_wait3A_34 = tpu.memref_squeeze %dma_wait3A_33 : memref<1x128x80xi32, #tpu.memory_space<hbm>> -> memref<128x80xi32, #tpu.memory_space<hbm>>
      %dma_wait3A_35 = arith.constant 0 : i32
      %dma_wait3A_36 = arith.constant 0 : i32
      %dma_wait3A_37 = tpu.memref_slice %arg2[%add3A, %dma_wait3A_35, %dma_wait3A_36] : memref<32x128x80xi32, #tpu.memory_space<hbm>> -> memref<1x128x80xi32, #tpu.memory_space<hbm>>
      %dma_wait3A_38 = tpu.memref_squeeze %dma_wait3A_37 : memref<1x128x80xi32, #tpu.memory_space<hbm>> -> memref<128x80xi32, #tpu.memory_space<hbm>>
      tpu.wait_dma2 semaphore(%run_scoped3A : memref<!tpu.dma_semaphore, #tpu.memory_space<semaphore_mem>>) src(%dma_wait3A_38 : memref<128x80xi32, #tpu.memory_space<hbm>>) dst(%arg5 : memref<128x80xi32, #tpu.memory_space<vmem>>)
      tpu.yield
    }) : () -> ()
    %iota3A = tpu.iota {dimensions = array<i32: 0>} : vector<16xi32>
    %broadcast_in_dim3A = arith.constant 1 : i32
    %broadcast_in_dim3A_1 = vector.broadcast %broadcast_in_dim3A : i32 to vector<16xi32>
    "tpu.region"() ({
      %run_scoped3A = tpu.sem_alloc : memref<!tpu.dma_semaphore, #tpu.memory_space<semaphore_mem>>
      tpu.enqueue_dma source(%arg3 : memref<81920xi32, #tpu.memory_space<hbm>>) target(%arg6 : memref<81920xi32, #tpu.memory_space<vmem>>) target_semaphore(%run_scoped3A : memref<!tpu.dma_semaphore, #tpu.memory_space<semaphore_mem>>)
      tpu.wait_dma2 semaphore(%run_scoped3A : memref<!tpu.dma_semaphore, #tpu.memory_space<semaphore_mem>>) src(%arg3 : memref<81920xi32, #tpu.memory_space<hbm>>) dst(%arg6 : memref<81920xi32, #tpu.memory_space<vmem>>)
      tpu.yield
    }) : () -> ()
    %scan3A = arith.constant 0 : i32
    %scan3A_2 = arith.constant 0 : i32
    %scan3A_3 = arith.constant 128 : i32
    %scan3A_4 = arith.addi %scan3A_2, %scan3A_3 : i32
    %scan3A_5 = arith.constant 1 : i32
    scf.for %scan3A_25 = %scan3A_2 to %scan3A_4 step %scan3A_5  : i32 {
      %get3A = arith.index_cast %scan3A_25 : i32 to index
      %get3A_26 = arith.constant 0 : index
      %get3A_27 = tpu.vector_load %arg5[%get3A, %get3A_26] {strides = array<i32>} : memref<128x80xi32, #tpu.memory_space<vmem>>, vector<16xi32>,
      %ge3A = arith.constant 0 : i32
      %ge3A_28 = vector.broadcast %ge3A : i32 to vector<16xi32>
      %ge3A_29 = arith.cmpi sge, %get3A_27, %ge3A_28 : vector<16xi32>
      %lt3A = arith.constant 5120 : i32
      %lt3A_30 = vector.broadcast %lt3A : i32 to vector<16xi32>
      %lt3A_31 = arith.cmpi slt, %get3A_27, %lt3A_30 : vector<16xi32>
      %and3A = arith.andi %ge3A_29, %lt3A_31 : vector<16xi1>
      %sub3A = arith.constant 0 : i32
      %sub3A_32 = vector.broadcast %sub3A : i32 to vector<16xi32>
      %sub3A_33 = arith.subi %get3A_27, %sub3A_32 : vector<16xi32>
      %jit3A = arith.constant 0 : i32
      %broadcast_in_dim3A_34 = vector.broadcast %jit3A : i32 to vector<16xi32>
      %select_n3A = arith.select %and3A, %sub3A_33, %broadcast_in_dim3A_34 : vector<16xi1>, vector<16xi32>
      %mul3A_35 = arith.constant 5120 : i32
      %mul3A_36 = vector.broadcast %mul3A_35 : i32 to vector<16xi32>
      %mul3A_37 = arith.muli %iota3A, %mul3A_36 : vector<16xi32>
      %add3A_38 = arith.addi %select_n3A, %mul3A_37 : vector<16xi32>
      tpu.vector_store_idx %arg6[%add3A_38], %broadcast_in_dim3A_1 masked %and3A {add = true} : memref<81920xi32, #tpu.memory_space<vmem>>[vector<16xi32>], vector<16xi32>, vector<16xi1>
      %get3A_39 = arith.index_cast %scan3A_25 : i32 to index
      %get3A_40 = arith.constant 16 : index
      %get3A_41 = tpu.vector_load %arg5[%get3A_39, %get3A_40] {strides = array<i32>} : memref<128x80xi32, #tpu.memory_space<vmem>>, vector<16xi32>,
      %ge3A_42 = arith.constant 0 : i32
      %ge3A_43 = vector.broadcast %ge3A_42 : i32 to vector<16xi32>
      %ge3A_44 = arith.cmpi sge, %get3A_41, %ge3A_43 : vector<16xi32>
      %lt3A_45 = arith.constant 5120 : i32
      %lt3A_46 = vector.broadcast %lt3A_45 : i32 to vector<16xi32>
      %lt3A_47 = arith.cmpi slt, %get3A_41, %lt3A_46 : vector<16xi32>
      %and3A_48 = arith.andi %ge3A_44, %lt3A_47 : vector<16xi1>
      %sub3A_49 = arith.constant 0 : i32
      %sub3A_50 = vector.broadcast %sub3A_49 : i32 to vector<16xi32>
      %sub3A_51 = arith.subi %get3A_41, %sub3A_50 : vector<16xi32>
      %jit3A_52 = arith.constant 0 : i32
      %broadcast_in_dim3A_53 = vector.broadcast %jit3A_52 : i32 to vector<16xi32>
      %select_n3A_54 = arith.select %and3A_48, %sub3A_51, %broadcast_in_dim3A_53 : vector<16xi1>, vector<16xi32>
      %mul3A_55 = arith.constant 5120 : i32
      %mul3A_56 = vector.broadcast %mul3A_55 : i32 to vector<16xi32>
      %mul3A_57 = arith.muli %iota3A, %mul3A_56 : vector<16xi32>
      %add3A_58 = arith.addi %select_n3A_54, %mul3A_57 : vector<16xi32>
      tpu.vector_store_idx %arg6[%add3A_58], %broadcast_in_dim3A_1 masked %and3A_48 {add = true} : memref<81920xi32, #tpu.memory_space<vmem>>[vector<16xi32>], vector<16xi32>, vector<16xi1>
      %get3A_59 = arith.index_cast %scan3A_25 : i32 to index
      %get3A_60 = arith.constant 32 : index
      %get3A_61 = tpu.vector_load %arg5[%get3A_59, %get3A_60] {strides = array<i32>} : memref<128x80xi32, #tpu.memory_space<vmem>>, vector<16xi32>,
      %ge3A_62 = arith.constant 0 : i32
      %ge3A_63 = vector.broadcast %ge3A_62 : i32 to vector<16xi32>
      %ge3A_64 = arith.cmpi sge, %get3A_61, %ge3A_63 : vector<16xi32>
      %lt3A_65 = arith.constant 5120 : i32
      %lt3A_66 = vector.broadcast %lt3A_65 : i32 to vector<16xi32>
      %lt3A_67 = arith.cmpi slt, %get3A_61, %lt3A_66 : vector<16xi32>
      %and3A_68 = arith.andi %ge3A_64, %lt3A_67 : vector<16xi1>
      %sub3A_69 = arith.constant 0 : i32
      %sub3A_70 = vector.broadcast %sub3A_69 : i32 to vector<16xi32>
      %sub3A_71 = arith.subi %get3A_61, %sub3A_70 : vector<16xi32>
      %jit3A_72 = arith.constant 0 : i32
      %broadcast_in_dim3A_73 = vector.broadcast %jit3A_72 : i32 to vector<16xi32>
      %select_n3A_74 = arith.select %and3A_68, %sub3A_71, %broadcast_in_dim3A_73 : vector<16xi1>, vector<16xi32>
      %mul3A_75 = arith.constant 5120 : i32
      %mul3A_76 = vector.broadcast %mul3A_75 : i32 to vector<16xi32>
      %mul3A_77 = arith.muli %iota3A, %mul3A_76 : vector<16xi32>
      %add3A_78 = arith.addi %select_n3A_74, %mul3A_77 : vector<16xi32>
      tpu.vector_store_idx %arg6[%add3A_78], %broadcast_in_dim3A_1 masked %and3A_68 {add = true} : memref<81920xi32, #tpu.memory_space<vmem>>[vector<16xi32>], vector<16xi32>, vector<16xi1>
      %get3A_79 = arith.index_cast %scan3A_25 : i32 to index
      %get3A_80 = arith.constant 48 : index
      %get3A_81 = tpu.vector_load %arg5[%get3A_79, %get3A_80] {strides = array<i32>} : memref<128x80xi32, #tpu.memory_space<vmem>>, vector<16xi32>,
      %ge3A_82 = arith.constant 0 : i32
      %ge3A_83 = vector.broadcast %ge3A_82 : i32 to vector<16xi32>
      %ge3A_84 = arith.cmpi sge, %get3A_81, %ge3A_83 : vector<16xi32>
      %lt3A_85 = arith.constant 5120 : i32
      %lt3A_86 = vector.broadcast %lt3A_85 : i32 to vector<16xi32>
      %lt3A_87 = arith.cmpi slt, %get3A_81, %lt3A_86 : vector<16xi32>
      %and3A_88 = arith.andi %ge3A_84, %lt3A_87 : vector<16xi1>
      %sub3A_89 = arith.constant 0 : i32
      %sub3A_90 = vector.broadcast %sub3A_89 : i32 to vector<16xi32>
      %sub3A_91 = arith.subi %get3A_81, %sub3A_90 : vector<16xi32>
      %jit3A_92 = arith.constant 0 : i32
      %broadcast_in_dim3A_93 = vector.broadcast %jit3A_92 : i32 to vector<16xi32>
      %select_n3A_94 = arith.select %and3A_88, %sub3A_91, %broadcast_in_dim3A_93 : vector<16xi1>, vector<16xi32>
      %mul3A_95 = arith.constant 5120 : i32
      %mul3A_96 = vector.broadcast %mul3A_95 : i32 to vector<16xi32>
      %mul3A_97 = arith.muli %iota3A, %mul3A_96 : vector<16xi32>
      %add3A_98 = arith.addi %select_n3A_94, %mul3A_97 : vector<16xi32>
      tpu.vector_store_idx %arg6[%add3A_98], %broadcast_in_dim3A_1 masked %and3A_88 {add = true} : memref<81920xi32, #tpu.memory_space<vmem>>[vector<16xi32>], vector<16xi32>, vector<16xi1>
      %get3A_99 = arith.index_cast %scan3A_25 : i32 to index
      %get3A_100 = arith.constant 64 : index
      %get3A_101 = tpu.vector_load %arg5[%get3A_99, %get3A_100] {strides = array<i32>} : memref<128x80xi32, #tpu.memory_space<vmem>>, vector<16xi32>,
      %ge3A_102 = arith.constant 0 : i32
      %ge3A_103 = vector.broadcast %ge3A_102 : i32 to vector<16xi32>
      %ge3A_104 = arith.cmpi sge, %get3A_101, %ge3A_103 : vector<16xi32>
      %lt3A_105 = arith.constant 5120 : i32
      %lt3A_106 = vector.broadcast %lt3A_105 : i32 to vector<16xi32>
      %lt3A_107 = arith.cmpi slt, %get3A_101, %lt3A_106 : vector<16xi32>
      %and3A_108 = arith.andi %ge3A_104, %lt3A_107 : vector<16xi1>
      %sub3A_109 = arith.constant 0 : i32
      %sub3A_110 = vector.broadcast %sub3A_109 : i32 to vector<16xi32>
      %sub3A_111 = arith.subi %get3A_101, %sub3A_110 : vector<16xi32>
      %jit3A_112 = arith.constant 0 : i32
      %broadcast_in_dim3A_113 = vector.broadcast %jit3A_112 : i32 to vector<16xi32>
      %select_n3A_114 = arith.select %and3A_108, %sub3A_111, %broadcast_in_dim3A_113 : vector<16xi1>, vector<16xi32>
      %mul3A_115 = arith.constant 5120 : i32
      %mul3A_116 = vector.broadcast %mul3A_115 : i32 to vector<16xi32>
      %mul3A_117 = arith.muli %iota3A, %mul3A_116 : vector<16xi32>
      %add3A_118 = arith.addi %select_n3A_114, %mul3A_117 : vector<16xi32>
      tpu.vector_store_idx %arg6[%add3A_118], %broadcast_in_dim3A_1 masked %and3A_108 {add = true} : memref<81920xi32, #tpu.memory_space<vmem>>[vector<16xi32>], vector<16xi32>, vector<16xi1>
    }
    %scan3A_6 = arith.constant 128 : i32
    %scan3A_7 = arith.constant 0 : i32
    %scan3A_8 = arith.constant 0 : i32
    %scan3A_9 = arith.constant 320 : i32
    %scan3A_10 = arith.addi %scan3A_8, %scan3A_9 : i32
    %scan3A_11 = arith.constant 1 : i32
    scf.for %scan3A_25 = %scan3A_8 to %scan3A_10 step %scan3A_11  : i32 {
      %mul3A_26 = arith.constant 16 : i32
      %mul3A_27 = arith.muli %scan3A_25, %mul3A_26 : i32
      %get3A = arith.index_cast %mul3A_27 : i32 to index
      %get3A_28 = tpu.vector_load %arg6[%get3A] {strides = array<i32>} : memref<81920xi32, #tpu.memory_space<vmem>>, vector<16xi32>,
      %mul3A_29 = arith.constant 16 : i32
      %mul3A_30 = arith.muli %scan3A_25, %mul3A_29 : i32
      %add3A_31 = arith.constant 5120 : i32
      %add3A_32 = arith.addi %add3A_31, %mul3A_30 : i32
      %get3A_33 = arith.index_cast %add3A_32 : i32 to index
      %get3A_34 = tpu.vector_load %arg6[%get3A_33] {strides = array<i32>} : memref<81920xi32, #tpu.memory_space<vmem>>, vector<16xi32>,
      %add3A_35 = arith.addi %get3A_28, %get3A_34 : vector<16xi32>
      %mul3A_36 = arith.constant 16 : i32
      %mul3A_37 = arith.muli %scan3A_25, %mul3A_36 : i32
      %add3A_38 = arith.constant 10240 : i32
      %add3A_39 = arith.addi %add3A_38, %mul3A_37 : i32
      %get3A_40 = arith.index_cast %add3A_39 : i32 to index
      %get3A_41 = tpu.vector_load %arg6[%get3A_40] {strides = array<i32>} : memref<81920xi32, #tpu.memory_space<vmem>>, vector<16xi32>,
      %add3A_42 = arith.addi %add3A_35, %get3A_41 : vector<16xi32>
      %mul3A_43 = arith.constant 16 : i32
      %mul3A_44 = arith.muli %scan3A_25, %mul3A_43 : i32
      %add3A_45 = arith.constant 15360 : i32
      %add3A_46 = arith.addi %add3A_45, %mul3A_44 : i32
      %get3A_47 = arith.index_cast %add3A_46 : i32 to index
      %get3A_48 = tpu.vector_load %arg6[%get3A_47] {strides = array<i32>} : memref<81920xi32, #tpu.memory_space<vmem>>, vector<16xi32>,
      %add3A_49 = arith.addi %add3A_42, %get3A_48 : vector<16xi32>
      %mul3A_50 = arith.constant 16 : i32
      %mul3A_51 = arith.muli %scan3A_25, %mul3A_50 : i32
      %add3A_52 = arith.constant 20480 : i32
      %add3A_53 = arith.addi %add3A_52, %mul3A_51 : i32
      %get3A_54 = arith.index_cast %add3A_53 : i32 to index
      %get3A_55 = tpu.vector_load %arg6[%get3A_54] {strides = array<i32>} : memref<81920xi32, #tpu.memory_space<vmem>>, vector<16xi32>,
      %add3A_56 = arith.addi %add3A_49, %get3A_55 : vector<16xi32>
      %mul3A_57 = arith.constant 16 : i32
      %mul3A_58 = arith.muli %scan3A_25, %mul3A_57 : i32
      %add3A_59 = arith.constant 25600 : i32
      %add3A_60 = arith.addi %add3A_59, %mul3A_58 : i32
      %get3A_61 = arith.index_cast %add3A_60 : i32 to index
      %get3A_62 = tpu.vector_load %arg6[%get3A_61] {strides = array<i32>} : memref<81920xi32, #tpu.memory_space<vmem>>, vector<16xi32>,
      %add3A_63 = arith.addi %add3A_56, %get3A_62 : vector<16xi32>
      %mul3A_64 = arith.constant 16 : i32
      %mul3A_65 = arith.muli %scan3A_25, %mul3A_64 : i32
      %add3A_66 = arith.constant 30720 : i32
      %add3A_67 = arith.addi %add3A_66, %mul3A_65 : i32
      %get3A_68 = arith.index_cast %add3A_67 : i32 to index
      %get3A_69 = tpu.vector_load %arg6[%get3A_68] {strides = array<i32>} : memref<81920xi32, #tpu.memory_space<vmem>>, vector<16xi32>,
      %add3A_70 = arith.addi %add3A_63, %get3A_69 : vector<16xi32>
      %mul3A_71 = arith.constant 16 : i32
      %mul3A_72 = arith.muli %scan3A_25, %mul3A_71 : i32
      %add3A_73 = arith.constant 35840 : i32
      %add3A_74 = arith.addi %add3A_73, %mul3A_72 : i32
      %get3A_75 = arith.index_cast %add3A_74 : i32 to index
      %get3A_76 = tpu.vector_load %arg6[%get3A_75] {strides = array<i32>} : memref<81920xi32, #tpu.memory_space<vmem>>, vector<16xi32>,
      %add3A_77 = arith.addi %add3A_70, %get3A_76 : vector<16xi32>
      %mul3A_78 = arith.constant 16 : i32
      %mul3A_79 = arith.muli %scan3A_25, %mul3A_78 : i32
      %add3A_80 = arith.constant 40960 : i32
      %add3A_81 = arith.addi %add3A_80, %mul3A_79 : i32
      %get3A_82 = arith.index_cast %add3A_81 : i32 to index
      %get3A_83 = tpu.vector_load %arg6[%get3A_82] {strides = array<i32>} : memref<81920xi32, #tpu.memory_space<vmem>>, vector<16xi32>,
      %add3A_84 = arith.addi %add3A_77, %get3A_83 : vector<16xi32>
      %mul3A_85 = arith.constant 16 : i32
      %mul3A_86 = arith.muli %scan3A_25, %mul3A_85 : i32
      %add3A_87 = arith.constant 46080 : i32
      %add3A_88 = arith.addi %add3A_87, %mul3A_86 : i32
      %get3A_89 = arith.index_cast %add3A_88 : i32 to index
      %get3A_90 = tpu.vector_load %arg6[%get3A_89] {strides = array<i32>} : memref<81920xi32, #tpu.memory_space<vmem>>, vector<16xi32>,
      %add3A_91 = arith.addi %add3A_84, %get3A_90 : vector<16xi32>
      %mul3A_92 = arith.constant 16 : i32
      %mul3A_93 = arith.muli %scan3A_25, %mul3A_92 : i32
      %add3A_94 = arith.constant 51200 : i32
      %add3A_95 = arith.addi %add3A_94, %mul3A_93 : i32
      %get3A_96 = arith.index_cast %add3A_95 : i32 to index
      %get3A_97 = tpu.vector_load %arg6[%get3A_96] {strides = array<i32>} : memref<81920xi32, #tpu.memory_space<vmem>>, vector<16xi32>,
      %add3A_98 = arith.addi %add3A_91, %get3A_97 : vector<16xi32>
      %mul3A_99 = arith.constant 16 : i32
      %mul3A_100 = arith.muli %scan3A_25, %mul3A_99 : i32
      %add3A_101 = arith.constant 56320 : i32
      %add3A_102 = arith.addi %add3A_101, %mul3A_100 : i32
      %get3A_103 = arith.index_cast %add3A_102 : i32 to index
      %get3A_104 = tpu.vector_load %arg6[%get3A_103] {strides = array<i32>} : memref<81920xi32, #tpu.memory_space<vmem>>, vector<16xi32>,
      %add3A_105 = arith.addi %add3A_98, %get3A_104 : vector<16xi32>
      %mul3A_106 = arith.constant 16 : i32
      %mul3A_107 = arith.muli %scan3A_25, %mul3A_106 : i32
      %add3A_108 = arith.constant 61440 : i32
      %add3A_109 = arith.addi %add3A_108, %mul3A_107 : i32
      %get3A_110 = arith.index_cast %add3A_109 : i32 to index
      %get3A_111 = tpu.vector_load %arg6[%get3A_110] {strides = array<i32>} : memref<81920xi32, #tpu.memory_space<vmem>>, vector<16xi32>,
      %add3A_112 = arith.addi %add3A_105, %get3A_111 : vector<16xi32>
      %mul3A_113 = arith.constant 16 : i32
      %mul3A_114 = arith.muli %scan3A_25, %mul3A_113 : i32
      %add3A_115 = arith.constant 66560 : i32
      %add3A_116 = arith.addi %add3A_115, %mul3A_114 : i32
      %get3A_117 = arith.index_cast %add3A_116 : i32 to index
      %get3A_118 = tpu.vector_load %arg6[%get3A_117] {strides = array<i32>} : memref<81920xi32, #tpu.memory_space<vmem>>, vector<16xi32>,
      %add3A_119 = arith.addi %add3A_112, %get3A_118 : vector<16xi32>
      %mul3A_120 = arith.constant 16 : i32
      %mul3A_121 = arith.muli %scan3A_25, %mul3A_120 : i32
      %add3A_122 = arith.constant 71680 : i32
      %add3A_123 = arith.addi %add3A_122, %mul3A_121 : i32
      %get3A_124 = arith.index_cast %add3A_123 : i32 to index
      %get3A_125 = tpu.vector_load %arg6[%get3A_124] {strides = array<i32>} : memref<81920xi32, #tpu.memory_space<vmem>>, vector<16xi32>,
      %add3A_126 = arith.addi %add3A_119, %get3A_125 : vector<16xi32>
      %mul3A_127 = arith.constant 16 : i32
      %mul3A_128 = arith.muli %scan3A_25, %mul3A_127 : i32
      %add3A_129 = arith.constant 76800 : i32
      %add3A_130 = arith.addi %add3A_129, %mul3A_128 : i32
      %get3A_131 = arith.index_cast %add3A_130 : i32 to index
      %get3A_132 = tpu.vector_load %arg6[%get3A_131] {strides = array<i32>} : memref<81920xi32, #tpu.memory_space<vmem>>, vector<16xi32>,
      %add3A_133 = arith.addi %add3A_126, %get3A_132 : vector<16xi32>
      %mul3A_134 = arith.constant 16 : i32
      %mul3A_135 = arith.muli %scan3A_25, %mul3A_134 : i32
      %swap3A = arith.index_cast %mul3A_135 : i32 to index
      %swap3A_136 = tpu.vector_load %arg6[%swap3A] {strides = array<i32>} : memref<81920xi32, #tpu.memory_space<vmem>>, vector<16xi32>,
      tpu.vector_store %arg6[%swap3A], %add3A_133 {strides = array<i32>} : memref<81920xi32, #tpu.memory_space<vmem>>, vector<16xi32>,
    }
    %scan3A_12 = arith.constant 320 : i32
    "tpu.region"() ({
      %run_scoped3A = tpu.sem_alloc : memref<!tpu.dma_semaphore, #tpu.memory_space<semaphore_mem>>
      %dma_start3A = arith.constant 0 : i32
      %dma_start3A_25 = tpu.memref_slice %arg6[%dma_start3A] : memref<81920xi32, #tpu.memory_space<vmem>> -> memref<5120xi32, #tpu.memory_space<vmem>>
      %dma_start3A_26 = arith.constant 0 : i32
      %dma_start3A_27 = tpu.memref_slice %arg4[%add3A, %dma_start3A_26] : memref<32x10240xi32, #tpu.memory_space<hbm>> -> memref<1x5120xi32, #tpu.memory_space<hbm>>
      %dma_start3A_28 = tpu.memref_squeeze %dma_start3A_27 : memref<1x5120xi32, #tpu.memory_space<hbm>> -> memref<5120xi32, #tpu.memory_space<hbm>>
      %dma_start3A_29 = arith.constant 0 : i32
      %dma_start3A_30 = tpu.memref_slice %arg4[%add3A, %dma_start3A_29] : memref<32x10240xi32, #tpu.memory_space<hbm>> -> memref<1x5120xi32, #tpu.memory_space<hbm>>
      %dma_start3A_31 = tpu.memref_squeeze %dma_start3A_30 : memref<1x5120xi32, #tpu.memory_space<hbm>> -> memref<5120xi32, #tpu.memory_space<hbm>>
      %dma_start3A_32 = arith.constant 0 : i32
      %dma_start3A_33 = tpu.memref_slice %arg6[%dma_start3A_32] : memref<81920xi32, #tpu.memory_space<vmem>> -> memref<5120xi32, #tpu.memory_space<vmem>>
      tpu.enqueue_dma source(%dma_start3A_33 : memref<5120xi32, #tpu.memory_space<vmem>>) target(%dma_start3A_31 : memref<5120xi32, #tpu.memory_space<hbm>>) target_semaphore(%run_scoped3A : memref<!tpu.dma_semaphore, #tpu.memory_space<semaphore_mem>>)
      %dma_wait3A = arith.constant 0 : i32
      %dma_wait3A_34 = tpu.memref_slice %arg6[%dma_wait3A] : memref<81920xi32, #tpu.memory_space<vmem>> -> memref<5120xi32, #tpu.memory_space<vmem>>
      %dma_wait3A_35 = arith.constant 0 : i32
      %dma_wait3A_36 = tpu.memref_slice %arg4[%add3A, %dma_wait3A_35] : memref<32x10240xi32, #tpu.memory_space<hbm>> -> memref<1x5120xi32, #tpu.memory_space<hbm>>
      %dma_wait3A_37 = tpu.memref_squeeze %dma_wait3A_36 : memref<1x5120xi32, #tpu.memory_space<hbm>> -> memref<5120xi32, #tpu.memory_space<hbm>>
      %dma_wait3A_38 = arith.constant 0 : i32
      %dma_wait3A_39 = tpu.memref_slice %arg4[%add3A, %dma_wait3A_38] : memref<32x10240xi32, #tpu.memory_space<hbm>> -> memref<1x5120xi32, #tpu.memory_space<hbm>>
      %dma_wait3A_40 = tpu.memref_squeeze %dma_wait3A_39 : memref<1x5120xi32, #tpu.memory_space<hbm>> -> memref<5120xi32, #tpu.memory_space<hbm>>
      %dma_wait3A_41 = arith.constant 0 : i32
      %dma_wait3A_42 = tpu.memref_slice %arg6[%dma_wait3A_41] : memref<81920xi32, #tpu.memory_space<vmem>> -> memref<5120xi32, #tpu.memory_space<vmem>>
      tpu.wait_dma2 semaphore(%run_scoped3A : memref<!tpu.dma_semaphore, #tpu.memory_space<semaphore_mem>>) src(%dma_wait3A_42 : memref<5120xi32, #tpu.memory_space<vmem>>) dst(%dma_wait3A_40 : memref<5120xi32, #tpu.memory_space<hbm>>)
      tpu.yield
    }) : () -> ()
    "tpu.region"() ({
      %run_scoped3A = tpu.sem_alloc : memref<!tpu.dma_semaphore, #tpu.memory_space<semaphore_mem>>
      tpu.enqueue_dma source(%arg3 : memref<81920xi32, #tpu.memory_space<hbm>>) target(%arg6 : memref<81920xi32, #tpu.memory_space<vmem>>) target_semaphore(%run_scoped3A : memref<!tpu.dma_semaphore, #tpu.memory_space<semaphore_mem>>)
      tpu.wait_dma2 semaphore(%run_scoped3A : memref<!tpu.dma_semaphore, #tpu.memory_space<semaphore_mem>>) src(%arg3 : memref<81920xi32, #tpu.memory_space<hbm>>) dst(%arg6 : memref<81920xi32, #tpu.memory_space<vmem>>)
      tpu.yield
    }) : () -> ()
    %scan3A_13 = arith.constant 0 : i32
    %scan3A_14 = arith.constant 0 : i32
    %scan3A_15 = arith.constant 128 : i32
    %scan3A_16 = arith.addi %scan3A_14, %scan3A_15 : i32
    %scan3A_17 = arith.constant 1 : i32
    scf.for %scan3A_25 = %scan3A_14 to %scan3A_16 step %scan3A_17  : i32 {
      %get3A = arith.index_cast %scan3A_25 : i32 to index
      %get3A_26 = arith.constant 0 : index
      %get3A_27 = tpu.vector_load %arg5[%get3A, %get3A_26] {strides = array<i32>} : memref<128x80xi32, #tpu.memory_space<vmem>>, vector<16xi32>,
      %ge3A = arith.constant 5120 : i32
      %ge3A_28 = vector.broadcast %ge3A : i32 to vector<16xi32>
      %ge3A_29 = arith.cmpi sge, %get3A_27, %ge3A_28 : vector<16xi32>
      %lt3A = arith.constant 10240 : i32
      %lt3A_30 = vector.broadcast %lt3A : i32 to vector<16xi32>
      %lt3A_31 = arith.cmpi slt, %get3A_27, %lt3A_30 : vector<16xi32>
      %and3A = arith.andi %ge3A_29, %lt3A_31 : vector<16xi1>
      %sub3A = arith.constant 5120 : i32
      %sub3A_32 = vector.broadcast %sub3A : i32 to vector<16xi32>
      %sub3A_33 = arith.subi %get3A_27, %sub3A_32 : vector<16xi32>
      %jit3A = arith.constant 0 : i32
      %broadcast_in_dim3A_34 = vector.broadcast %jit3A : i32 to vector<16xi32>
      %select_n3A = arith.select %and3A, %sub3A_33, %broadcast_in_dim3A_34 : vector<16xi1>, vector<16xi32>
      %mul3A_35 = arith.constant 5120 : i32
      %mul3A_36 = vector.broadcast %mul3A_35 : i32 to vector<16xi32>
      %mul3A_37 = arith.muli %iota3A, %mul3A_36 : vector<16xi32>
      %add3A_38 = arith.addi %select_n3A, %mul3A_37 : vector<16xi32>
      tpu.vector_store_idx %arg6[%add3A_38], %broadcast_in_dim3A_1 masked %and3A {add = true} : memref<81920xi32, #tpu.memory_space<vmem>>[vector<16xi32>], vector<16xi32>, vector<16xi1>
      %get3A_39 = arith.index_cast %scan3A_25 : i32 to index
      %get3A_40 = arith.constant 16 : index
      %get3A_41 = tpu.vector_load %arg5[%get3A_39, %get3A_40] {strides = array<i32>} : memref<128x80xi32, #tpu.memory_space<vmem>>, vector<16xi32>,
      %ge3A_42 = arith.constant 5120 : i32
      %ge3A_43 = vector.broadcast %ge3A_42 : i32 to vector<16xi32>
      %ge3A_44 = arith.cmpi sge, %get3A_41, %ge3A_43 : vector<16xi32>
      %lt3A_45 = arith.constant 10240 : i32
      %lt3A_46 = vector.broadcast %lt3A_45 : i32 to vector<16xi32>
      %lt3A_47 = arith.cmpi slt, %get3A_41, %lt3A_46 : vector<16xi32>
      %and3A_48 = arith.andi %ge3A_44, %lt3A_47 : vector<16xi1>
      %sub3A_49 = arith.constant 5120 : i32
      %sub3A_50 = vector.broadcast %sub3A_49 : i32 to vector<16xi32>
      %sub3A_51 = arith.subi %get3A_41, %sub3A_50 : vector<16xi32>
      %jit3A_52 = arith.constant 0 : i32
      %broadcast_in_dim3A_53 = vector.broadcast %jit3A_52 : i32 to vector<16xi32>
      %select_n3A_54 = arith.select %and3A_48, %sub3A_51, %broadcast_in_dim3A_53 : vector<16xi1>, vector<16xi32>
      %mul3A_55 = arith.constant 5120 : i32
      %mul3A_56 = vector.broadcast %mul3A_55 : i32 to vector<16xi32>
      %mul3A_57 = arith.muli %iota3A, %mul3A_56 : vector<16xi32>
      %add3A_58 = arith.addi %select_n3A_54, %mul3A_57 : vector<16xi32>
      tpu.vector_store_idx %arg6[%add3A_58], %broadcast_in_dim3A_1 masked %and3A_48 {add = true} : memref<81920xi32, #tpu.memory_space<vmem>>[vector<16xi32>], vector<16xi32>, vector<16xi1>
      %get3A_59 = arith.index_cast %scan3A_25 : i32 to index
      %get3A_60 = arith.constant 32 : index
      %get3A_61 = tpu.vector_load %arg5[%get3A_59, %get3A_60] {strides = array<i32>} : memref<128x80xi32, #tpu.memory_space<vmem>>, vector<16xi32>,
      %ge3A_62 = arith.constant 5120 : i32
      %ge3A_63 = vector.broadcast %ge3A_62 : i32 to vector<16xi32>
      %ge3A_64 = arith.cmpi sge, %get3A_61, %ge3A_63 : vector<16xi32>
      %lt3A_65 = arith.constant 10240 : i32
      %lt3A_66 = vector.broadcast %lt3A_65 : i32 to vector<16xi32>
      %lt3A_67 = arith.cmpi slt, %get3A_61, %lt3A_66 : vector<16xi32>
      %and3A_68 = arith.andi %ge3A_64, %lt3A_67 : vector<16xi1>
      %sub3A_69 = arith.constant 5120 : i32
      %sub3A_70 = vector.broadcast %sub3A_69 : i32 to vector<16xi32>
      %sub3A_71 = arith.subi %get3A_61, %sub3A_70 : vector<16xi32>
      %jit3A_72 = arith.constant 0 : i32
      %broadcast_in_dim3A_73 = vector.broadcast %jit3A_72 : i32 to vector<16xi32>
      %select_n3A_74 = arith.select %and3A_68, %sub3A_71, %broadcast_in_dim3A_73 : vector<16xi1>, vector<16xi32>
      %mul3A_75 = arith.constant 5120 : i32
      %mul3A_76 = vector.broadcast %mul3A_75 : i32 to vector<16xi32>
      %mul3A_77 = arith.muli %iota3A, %mul3A_76 : vector<16xi32>
      %add3A_78 = arith.addi %select_n3A_74, %mul3A_77 : vector<16xi32>
      tpu.vector_store_idx %arg6[%add3A_78], %broadcast_in_dim3A_1 masked %and3A_68 {add = true} : memref<81920xi32, #tpu.memory_space<vmem>>[vector<16xi32>], vector<16xi32>, vector<16xi1>
      %get3A_79 = arith.index_cast %scan3A_25 : i32 to index
      %get3A_80 = arith.constant 48 : index
      %get3A_81 = tpu.vector_load %arg5[%get3A_79, %get3A_80] {strides = array<i32>} : memref<128x80xi32, #tpu.memory_space<vmem>>, vector<16xi32>,
      %ge3A_82 = arith.constant 5120 : i32
      %ge3A_83 = vector.broadcast %ge3A_82 : i32 to vector<16xi32>
      %ge3A_84 = arith.cmpi sge, %get3A_81, %ge3A_83 : vector<16xi32>
      %lt3A_85 = arith.constant 10240 : i32
      %lt3A_86 = vector.broadcast %lt3A_85 : i32 to vector<16xi32>
      %lt3A_87 = arith.cmpi slt, %get3A_81, %lt3A_86 : vector<16xi32>
      %and3A_88 = arith.andi %ge3A_84, %lt3A_87 : vector<16xi1>
      %sub3A_89 = arith.constant 5120 : i32
      %sub3A_90 = vector.broadcast %sub3A_89 : i32 to vector<16xi32>
      %sub3A_91 = arith.subi %get3A_81, %sub3A_90 : vector<16xi32>
      %jit3A_92 = arith.constant 0 : i32
      %broadcast_in_dim3A_93 = vector.broadcast %jit3A_92 : i32 to vector<16xi32>
      %select_n3A_94 = arith.select %and3A_88, %sub3A_91, %broadcast_in_dim3A_93 : vector<16xi1>, vector<16xi32>
      %mul3A_95 = arith.constant 5120 : i32
      %mul3A_96 = vector.broadcast %mul3A_95 : i32 to vector<16xi32>
      %mul3A_97 = arith.muli %iota3A, %mul3A_96 : vector<16xi32>
      %add3A_98 = arith.addi %select_n3A_94, %mul3A_97 : vector<16xi32>
      tpu.vector_store_idx %arg6[%add3A_98], %broadcast_in_dim3A_1 masked %and3A_88 {add = true} : memref<81920xi32, #tpu.memory_space<vmem>>[vector<16xi32>], vector<16xi32>, vector<16xi1>
      %get3A_99 = arith.index_cast %scan3A_25 : i32 to index
      %get3A_100 = arith.constant 64 : index
      %get3A_101 = tpu.vector_load %arg5[%get3A_99, %get3A_100] {strides = array<i32>} : memref<128x80xi32, #tpu.memory_space<vmem>>, vector<16xi32>,
      %ge3A_102 = arith.constant 5120 : i32
      %ge3A_103 = vector.broadcast %ge3A_102 : i32 to vector<16xi32>
      %ge3A_104 = arith.cmpi sge, %get3A_101, %ge3A_103 : vector<16xi32>
      %lt3A_105 = arith.constant 10240 : i32
      %lt3A_106 = vector.broadcast %lt3A_105 : i32 to vector<16xi32>
      %lt3A_107 = arith.cmpi slt, %get3A_101, %lt3A_106 : vector<16xi32>
      %and3A_108 = arith.andi %ge3A_104, %lt3A_107 : vector<16xi1>
      %sub3A_109 = arith.constant 5120 : i32
      %sub3A_110 = vector.broadcast %sub3A_109 : i32 to vector<16xi32>
      %sub3A_111 = arith.subi %get3A_101, %sub3A_110 : vector<16xi32>
      %jit3A_112 = arith.constant 0 : i32
      %broadcast_in_dim3A_113 = vector.broadcast %jit3A_112 : i32 to vector<16xi32>
      %select_n3A_114 = arith.select %and3A_108, %sub3A_111, %broadcast_in_dim3A_113 : vector<16xi1>, vector<16xi32>
      %mul3A_115 = arith.constant 5120 : i32
      %mul3A_116 = vector.broadcast %mul3A_115 : i32 to vector<16xi32>
      %mul3A_117 = arith.muli %iota3A, %mul3A_116 : vector<16xi32>
      %add3A_118 = arith.addi %select_n3A_114, %mul3A_117 : vector<16xi32>
      tpu.vector_store_idx %arg6[%add3A_118], %broadcast_in_dim3A_1 masked %and3A_108 {add = true} : memref<81920xi32, #tpu.memory_space<vmem>>[vector<16xi32>], vector<16xi32>, vector<16xi1>
    }
    %scan3A_18 = arith.constant 128 : i32
    %scan3A_19 = arith.constant 0 : i32
    %scan3A_20 = arith.constant 0 : i32
    %scan3A_21 = arith.constant 320 : i32
    %scan3A_22 = arith.addi %scan3A_20, %scan3A_21 : i32
    %scan3A_23 = arith.constant 1 : i32
    scf.for %scan3A_25 = %scan3A_20 to %scan3A_22 step %scan3A_23  : i32 {
      %mul3A_26 = arith.constant 16 : i32
      %mul3A_27 = arith.muli %scan3A_25, %mul3A_26 : i32
      %get3A = arith.index_cast %mul3A_27 : i32 to index
      %get3A_28 = tpu.vector_load %arg6[%get3A] {strides = array<i32>} : memref<81920xi32, #tpu.memory_space<vmem>>, vector<16xi32>,
      %mul3A_29 = arith.constant 16 : i32
      %mul3A_30 = arith.muli %scan3A_25, %mul3A_29 : i32
      %add3A_31 = arith.constant 5120 : i32
      %add3A_32 = arith.addi %add3A_31, %mul3A_30 : i32
      %get3A_33 = arith.index_cast %add3A_32 : i32 to index
      %get3A_34 = tpu.vector_load %arg6[%get3A_33] {strides = array<i32>} : memref<81920xi32, #tpu.memory_space<vmem>>, vector<16xi32>,
      %add3A_35 = arith.addi %get3A_28, %get3A_34 : vector<16xi32>
      %mul3A_36 = arith.constant 16 : i32
      %mul3A_37 = arith.muli %scan3A_25, %mul3A_36 : i32
      %add3A_38 = arith.constant 10240 : i32
      %add3A_39 = arith.addi %add3A_38, %mul3A_37 : i32
      %get3A_40 = arith.index_cast %add3A_39 : i32 to index
      %get3A_41 = tpu.vector_load %arg6[%get3A_40] {strides = array<i32>} : memref<81920xi32, #tpu.memory_space<vmem>>, vector<16xi32>,
      %add3A_42 = arith.addi %add3A_35, %get3A_41 : vector<16xi32>
      %mul3A_43 = arith.constant 16 : i32
      %mul3A_44 = arith.muli %scan3A_25, %mul3A_43 : i32
      %add3A_45 = arith.constant 15360 : i32
      %add3A_46 = arith.addi %add3A_45, %mul3A_44 : i32
      %get3A_47 = arith.index_cast %add3A_46 : i32 to index
      %get3A_48 = tpu.vector_load %arg6[%get3A_47] {strides = array<i32>} : memref<81920xi32, #tpu.memory_space<vmem>>, vector<16xi32>,
      %add3A_49 = arith.addi %add3A_42, %get3A_48 : vector<16xi32>
      %mul3A_50 = arith.constant 16 : i32
      %mul3A_51 = arith.muli %scan3A_25, %mul3A_50 : i32
      %add3A_52 = arith.constant 20480 : i32
      %add3A_53 = arith.addi %add3A_52, %mul3A_51 : i32
      %get3A_54 = arith.index_cast %add3A_53 : i32 to index
      %get3A_55 = tpu.vector_load %arg6[%get3A_54] {strides = array<i32>} : memref<81920xi32, #tpu.memory_space<vmem>>, vector<16xi32>,
      %add3A_56 = arith.addi %add3A_49, %get3A_55 : vector<16xi32>
      %mul3A_57 = arith.constant 16 : i32
      %mul3A_58 = arith.muli %scan3A_25, %mul3A_57 : i32
      %add3A_59 = arith.constant 25600 : i32
      %add3A_60 = arith.addi %add3A_59, %mul3A_58 : i32
      %get3A_61 = arith.index_cast %add3A_60 : i32 to index
      %get3A_62 = tpu.vector_load %arg6[%get3A_61] {strides = array<i32>} : memref<81920xi32, #tpu.memory_space<vmem>>, vector<16xi32>,
      %add3A_63 = arith.addi %add3A_56, %get3A_62 : vector<16xi32>
      %mul3A_64 = arith.constant 16 : i32
      %mul3A_65 = arith.muli %scan3A_25, %mul3A_64 : i32
      %add3A_66 = arith.constant 30720 : i32
      %add3A_67 = arith.addi %add3A_66, %mul3A_65 : i32
      %get3A_68 = arith.index_cast %add3A_67 : i32 to index
      %get3A_69 = tpu.vector_load %arg6[%get3A_68] {strides = array<i32>} : memref<81920xi32, #tpu.memory_space<vmem>>, vector<16xi32>,
      %add3A_70 = arith.addi %add3A_63, %get3A_69 : vector<16xi32>
      %mul3A_71 = arith.constant 16 : i32
      %mul3A_72 = arith.muli %scan3A_25, %mul3A_71 : i32
      %add3A_73 = arith.constant 35840 : i32
      %add3A_74 = arith.addi %add3A_73, %mul3A_72 : i32
      %get3A_75 = arith.index_cast %add3A_74 : i32 to index
      %get3A_76 = tpu.vector_load %arg6[%get3A_75] {strides = array<i32>} : memref<81920xi32, #tpu.memory_space<vmem>>, vector<16xi32>,
      %add3A_77 = arith.addi %add3A_70, %get3A_76 : vector<16xi32>
      %mul3A_78 = arith.constant 16 : i32
      %mul3A_79 = arith.muli %scan3A_25, %mul3A_78 : i32
      %add3A_80 = arith.constant 40960 : i32
      %add3A_81 = arith.addi %add3A_80, %mul3A_79 : i32
      %get3A_82 = arith.index_cast %add3A_81 : i32 to index
      %get3A_83 = tpu.vector_load %arg6[%get3A_82] {strides = array<i32>} : memref<81920xi32, #tpu.memory_space<vmem>>, vector<16xi32>,
      %add3A_84 = arith.addi %add3A_77, %get3A_83 : vector<16xi32>
      %mul3A_85 = arith.constant 16 : i32
      %mul3A_86 = arith.muli %scan3A_25, %mul3A_85 : i32
      %add3A_87 = arith.constant 46080 : i32
      %add3A_88 = arith.addi %add3A_87, %mul3A_86 : i32
      %get3A_89 = arith.index_cast %add3A_88 : i32 to index
      %get3A_90 = tpu.vector_load %arg6[%get3A_89] {strides = array<i32>} : memref<81920xi32, #tpu.memory_space<vmem>>, vector<16xi32>,
      %add3A_91 = arith.addi %add3A_84, %get3A_90 : vector<16xi32>
      %mul3A_92 = arith.constant 16 : i32
      %mul3A_93 = arith.muli %scan3A_25, %mul3A_92 : i32
      %add3A_94 = arith.constant 51200 : i32
      %add3A_95 = arith.addi %add3A_94, %mul3A_93 : i32
      %get3A_96 = arith.index_cast %add3A_95 : i32 to index
      %get3A_97 = tpu.vector_load %arg6[%get3A_96] {strides = array<i32>} : memref<81920xi32, #tpu.memory_space<vmem>>, vector<16xi32>,
      %add3A_98 = arith.addi %add3A_91, %get3A_97 : vector<16xi32>
      %mul3A_99 = arith.constant 16 : i32
      %mul3A_100 = arith.muli %scan3A_25, %mul3A_99 : i32
      %add3A_101 = arith.constant 56320 : i32
      %add3A_102 = arith.addi %add3A_101, %mul3A_100 : i32
      %get3A_103 = arith.index_cast %add3A_102 : i32 to index
      %get3A_104 = tpu.vector_load %arg6[%get3A_103] {strides = array<i32>} : memref<81920xi32, #tpu.memory_space<vmem>>, vector<16xi32>,
      %add3A_105 = arith.addi %add3A_98, %get3A_104 : vector<16xi32>
      %mul3A_106 = arith.constant 16 : i32
      %mul3A_107 = arith.muli %scan3A_25, %mul3A_106 : i32
      %add3A_108 = arith.constant 61440 : i32
      %add3A_109 = arith.addi %add3A_108, %mul3A_107 : i32
      %get3A_110 = arith.index_cast %add3A_109 : i32 to index
      %get3A_111 = tpu.vector_load %arg6[%get3A_110] {strides = array<i32>} : memref<81920xi32, #tpu.memory_space<vmem>>, vector<16xi32>,
      %add3A_112 = arith.addi %add3A_105, %get3A_111 : vector<16xi32>
      %mul3A_113 = arith.constant 16 : i32
      %mul3A_114 = arith.muli %scan3A_25, %mul3A_113 : i32
      %add3A_115 = arith.constant 66560 : i32
      %add3A_116 = arith.addi %add3A_115, %mul3A_114 : i32
      %get3A_117 = arith.index_cast %add3A_116 : i32 to index
      %get3A_118 = tpu.vector_load %arg6[%get3A_117] {strides = array<i32>} : memref<81920xi32, #tpu.memory_space<vmem>>, vector<16xi32>,
      %add3A_119 = arith.addi %add3A_112, %get3A_118 : vector<16xi32>
      %mul3A_120 = arith.constant 16 : i32
      %mul3A_121 = arith.muli %scan3A_25, %mul3A_120 : i32
      %add3A_122 = arith.constant 71680 : i32
      %add3A_123 = arith.addi %add3A_122, %mul3A_121 : i32
      %get3A_124 = arith.index_cast %add3A_123 : i32 to index
      %get3A_125 = tpu.vector_load %arg6[%get3A_124] {strides = array<i32>} : memref<81920xi32, #tpu.memory_space<vmem>>, vector<16xi32>,
      %add3A_126 = arith.addi %add3A_119, %get3A_125 : vector<16xi32>
      %mul3A_127 = arith.constant 16 : i32
      %mul3A_128 = arith.muli %scan3A_25, %mul3A_127 : i32
      %add3A_129 = arith.constant 76800 : i32
      %add3A_130 = arith.addi %add3A_129, %mul3A_128 : i32
      %get3A_131 = arith.index_cast %add3A_130 : i32 to index
      %get3A_132 = tpu.vector_load %arg6[%get3A_131] {strides = array<i32>} : memref<81920xi32, #tpu.memory_space<vmem>>, vector<16xi32>,
      %add3A_133 = arith.addi %add3A_126, %get3A_132 : vector<16xi32>
      %mul3A_134 = arith.constant 16 : i32
      %mul3A_135 = arith.muli %scan3A_25, %mul3A_134 : i32
      %swap3A = arith.index_cast %mul3A_135 : i32 to index
      %swap3A_136 = tpu.vector_load %arg6[%swap3A] {strides = array<i32>} : memref<81920xi32, #tpu.memory_space<vmem>>, vector<16xi32>,
      tpu.vector_store %arg6[%swap3A], %add3A_133 {strides = array<i32>} : memref<81920xi32, #tpu.memory_space<vmem>>, vector<16xi32>,
    }
    %scan3A_24 = arith.constant 320 : i32
    "tpu.region"() ({
      %run_scoped3A = tpu.sem_alloc : memref<!tpu.dma_semaphore, #tpu.memory_space<semaphore_mem>>
      %dma_start3A = arith.constant 0 : i32
      %dma_start3A_25 = tpu.memref_slice %arg6[%dma_start3A] : memref<81920xi32, #tpu.memory_space<vmem>> -> memref<5120xi32, #tpu.memory_space<vmem>>
      %dma_start3A_26 = arith.constant 5120 : i32
      %dma_start3A_27 = tpu.memref_slice %arg4[%add3A, %dma_start3A_26] : memref<32x10240xi32, #tpu.memory_space<hbm>> -> memref<1x5120xi32, #tpu.memory_space<hbm>>
      %dma_start3A_28 = tpu.memref_squeeze %dma_start3A_27 : memref<1x5120xi32, #tpu.memory_space<hbm>> -> memref<5120xi32, #tpu.memory_space<hbm>>
      %dma_start3A_29 = arith.constant 5120 : i32
      %dma_start3A_30 = tpu.memref_slice %arg4[%add3A, %dma_start3A_29] : memref<32x10240xi32, #tpu.memory_space<hbm>> -> memref<1x5120xi32, #tpu.memory_space<hbm>>
      %dma_start3A_31 = tpu.memref_squeeze %dma_start3A_30 : memref<1x5120xi32, #tpu.memory_space<hbm>> -> memref<5120xi32, #tpu.memory_space<hbm>>
      %dma_start3A_32 = arith.constant 0 : i32
      %dma_start3A_33 = tpu.memref_slice %arg6[%dma_start3A_32] : memref<81920xi32, #tpu.memory_space<vmem>> -> memref<5120xi32, #tpu.memory_space<vmem>>
      tpu.enqueue_dma source(%dma_start3A_33 : memref<5120xi32, #tpu.memory_space<vmem>>) target(%dma_start3A_31 : memref<5120xi32, #tpu.memory_space<hbm>>) target_semaphore(%run_scoped3A : memref<!tpu.dma_semaphore, #tpu.memory_space<semaphore_mem>>)
      %dma_wait3A = arith.constant 0 : i32
      %dma_wait3A_34 = tpu.memref_slice %arg6[%dma_wait3A] : memref<81920xi32, #tpu.memory_space<vmem>> -> memref<5120xi32, #tpu.memory_space<vmem>>
      %dma_wait3A_35 = arith.constant 5120 : i32
      %dma_wait3A_36 = tpu.memref_slice %arg4[%add3A, %dma_wait3A_35] : memref<32x10240xi32, #tpu.memory_space<hbm>> -> memref<1x5120xi32, #tpu.memory_space<hbm>>
      %dma_wait3A_37 = tpu.memref_squeeze %dma_wait3A_36 : memref<1x5120xi32, #tpu.memory_space<hbm>> -> memref<5120xi32, #tpu.memory_space<hbm>>
      %dma_wait3A_38 = arith.constant 5120 : i32
      %dma_wait3A_39 = tpu.memref_slice %arg4[%add3A, %dma_wait3A_38] : memref<32x10240xi32, #tpu.memory_space<hbm>> -> memref<1x5120xi32, #tpu.memory_space<hbm>>
      %dma_wait3A_40 = tpu.memref_squeeze %dma_wait3A_39 : memref<1x5120xi32, #tpu.memory_space<hbm>> -> memref<5120xi32, #tpu.memory_space<hbm>>
      %dma_wait3A_41 = arith.constant 0 : i32
      %dma_wait3A_42 = tpu.memref_slice %arg6[%dma_wait3A_41] : memref<81920xi32, #tpu.memory_space<vmem>> -> memref<5120xi32, #tpu.memory_space<vmem>>
      tpu.wait_dma2 semaphore(%run_scoped3A : memref<!tpu.dma_semaphore, #tpu.memory_space<semaphore_mem>>) src(%dma_wait3A_42 : memref<5120xi32, #tpu.memory_space<vmem>>) dst(%dma_wait3A_40 : memref<5120xi32, #tpu.memory_space<hbm>>)
      tpu.yield
    }) : () -> ()
    return
  }
}

#map = affine_map<(d0, d1) -> (0, 0)>
#map1 = affine_map<(d0, d1) -> (0, 0, 0)>
module attributes {stable_mosaic.version = 14 : i64} {
  func.func @_sc_feature(%arg0: i32, %arg1: i32, %arg2: memref<10240x128xf32, #tpu.memory_space<hbm>>, %arg3: memref<32x128x80xi32, #tpu.memory_space<hbm>>, %arg4: memref<32x128x80xi32, #tpu.memory_space<hbm>>, %arg5: memref<640x128xf32, #tpu.memory_space<hbm>>, %arg6: memref<2x10240x128xf32, #tpu.memory_space<hbm>>, %arg7: memref<8x80xi32, #tpu.memory_space<vmem>>, %arg8: memref<8x80xi32, #tpu.memory_space<vmem>>, %arg9: memref<4x80x128xf32, #tpu.memory_space<vmem>>, %arg10: memref<10240x128xf32, #tpu.memory_space<vmem_shared>>, %arg11: memref<!tpu.dma_semaphore, #tpu.memory_space<semaphore_mem>>, %arg12: memref<!tpu.dma_semaphore, #tpu.memory_space<semaphore_mem>>, %arg13: memref<!tpu.dma_semaphore, #tpu.memory_space<semaphore_mem>>, %arg14: memref<!tpu.dma_semaphore, #tpu.memory_space<semaphore_mem>>, %arg15: memref<!tpu.dma_semaphore, #tpu.memory_space<semaphore_mem>>, %arg16: memref<!tpu.dma_semaphore, #tpu.memory_space<semaphore_mem>>, %arg17: memref<!tpu.dma_semaphore, #tpu.memory_space<semaphore_mem>>, %arg18: memref<!tpu.dma_semaphore, #tpu.memory_space<semaphore_mem>>, %arg19: memref<!tpu.dma_semaphore, #tpu.memory_space<semaphore_mem>>, %arg20: memref<!tpu.dma_semaphore, #tpu.memory_space<semaphore_mem>>, %arg21: memref<!tpu.dma_semaphore, #tpu.memory_space<semaphore_mem>>, %arg22: memref<!tpu.dma_semaphore, #tpu.memory_space<semaphore_mem>>, %arg23: memref<!tpu.dma_semaphore, #tpu.memory_space<semaphore_mem>>, %arg24: memref<!tpu.dma_semaphore, #tpu.memory_space<semaphore_mem>>, %arg25: memref<!tpu.dma_semaphore, #tpu.memory_space<semaphore_mem>>, %arg26: memref<!tpu.dma_semaphore, #tpu.memory_space<semaphore_mem>>, %arg27: memref<!tpu.dma_semaphore, #tpu.memory_space<semaphore_mem>>, %arg28: memref<!tpu.dma_semaphore, #tpu.memory_space<semaphore_mem>>, %arg29: memref<!tpu.dma_semaphore, #tpu.memory_space<semaphore_mem>>, %arg30: memref<!tpu.dma_semaphore, #tpu.memory_space<semaphore_mem>>, %arg31: memref<!tpu.dma_semaphore, #tpu.memory_space<semaphore_mem>>, %arg32: memref<!tpu.dma_semaphore, #tpu.memory_space<semaphore_mem>>, %arg33: memref<!tpu.dma_semaphore, #tpu.memory_space<semaphore_mem>>, %arg34: memref<!tpu.dma_semaphore, #tpu.memory_space<semaphore_mem>>) attributes {dimension_semantics = [#tpu.dimension_semantics<core_parallel>, #tpu.dimension_semantics<subcore_parallel>], iteration_bounds = array<i64: 2, 16>, scalar_prefetch = 0 : i64, scratch_operands = 28 : i64, tpu.core_type = #tpu.core_type<sc_vector_subcore>, window_params = [{transform_indices = #map}, {transform_indices = #map1}, {transform_indices = #map1}, {transform_indices = #map}, {transform_indices = #map1}]} {
    %mul3A = arith.constant 16 : i32
    %mul3A_0 = arith.muli %arg0, %mul3A : i32
    %add3A = arith.addi %mul3A_0, %arg1 : i32
    %mul3A_1 = arith.constant 640 : i32
    %mul3A_2 = arith.muli %arg1, %mul3A_1 : i32
    "tpu.region"() ({
      %run_scoped3A = tpu.sem_alloc : memref<!tpu.dma_semaphore, #tpu.memory_space<semaphore_mem>>
      %dma_start3A_199 = arith.constant 0 : i32
      %dma_start3A_200 = tpu.memref_slice %arg10[%mul3A_2, %dma_start3A_199] : memref<10240x128xf32, #tpu.memory_space<vmem_shared>> -> memref<640x128xf32, #tpu.memory_space<vmem_shared>>
      tpu.enqueue_dma source(%arg5 : memref<640x128xf32, #tpu.memory_space<hbm>>) target(%dma_start3A_200 : memref<640x128xf32, #tpu.memory_space<vmem_shared>>) target_semaphore(%run_scoped3A : memref<!tpu.dma_semaphore, #tpu.memory_space<semaphore_mem>>)
      %dma_wait3A_201 = arith.constant 0 : i32
      %dma_wait3A_202 = tpu.memref_slice %arg10[%mul3A_2, %dma_wait3A_201] : memref<10240x128xf32, #tpu.memory_space<vmem_shared>> -> memref<640x128xf32, #tpu.memory_space<vmem_shared>>
      tpu.wait_dma2 semaphore(%run_scoped3A : memref<!tpu.dma_semaphore, #tpu.memory_space<semaphore_mem>>) src(%arg5 : memref<640x128xf32, #tpu.memory_space<hbm>>) dst(%dma_wait3A_202 : memref<640x128xf32, #tpu.memory_space<vmem_shared>>)
      tpu.yield
    }) : () -> ()
    %barrier3A = arith.constant 0 : index
    tpu.barrier barrier_id(%barrier3A)
    %dma_start3A = arith.constant 0 : i32
    %dma_start3A_3 = arith.constant 0 : i32
    %dma_start3A_4 = arith.constant 0 : i32
    %dma_start3A_5 = tpu.memref_slice %arg7[%dma_start3A_3, %dma_start3A_4] : memref<8x80xi32, #tpu.memory_space<vmem>> -> memref<1x80xi32, #tpu.memory_space<vmem>>
    %dma_start3A_6 = tpu.memref_squeeze %dma_start3A_5 : memref<1x80xi32, #tpu.memory_space<vmem>> -> memref<80xi32, #tpu.memory_space<vmem>>
    %dma_start3A_7 = arith.constant 0 : i32
    %dma_start3A_8 = tpu.memref_slice %arg3[%add3A, %dma_start3A, %dma_start3A_7] : memref<32x128x80xi32, #tpu.memory_space<hbm>> -> memref<1x1x80xi32, #tpu.memory_space<hbm>>
    %dma_start3A_9 = tpu.memref_squeeze %dma_start3A_8 : memref<1x1x80xi32, #tpu.memory_space<hbm>> -> memref<80xi32, #tpu.memory_space<hbm>>
    %dma_start3A_10 = arith.constant 0 : i32
    %dma_start3A_11 = tpu.memref_slice %arg7[%dma_start3A_3, %dma_start3A_10] : memref<8x80xi32, #tpu.memory_space<vmem>> -> memref<1x80xi32, #tpu.memory_space<vmem>>
    %dma_start3A_12 = tpu.memref_squeeze %dma_start3A_11 : memref<1x80xi32, #tpu.memory_space<vmem>> -> memref<80xi32, #tpu.memory_space<vmem>>
    %dma_start3A_13 = arith.constant 0 : i32
    %dma_start3A_14 = tpu.memref_slice %arg3[%add3A, %dma_start3A, %dma_start3A_13] : memref<32x128x80xi32, #tpu.memory_space<hbm>> -> memref<1x1x80xi32, #tpu.memory_space<hbm>>
    %dma_start3A_15 = tpu.memref_squeeze %dma_start3A_14 : memref<1x1x80xi32, #tpu.memory_space<hbm>> -> memref<80xi32, #tpu.memory_space<hbm>>
    tpu.enqueue_dma source(%dma_start3A_15 : memref<80xi32, #tpu.memory_space<hbm>>) target(%dma_start3A_12 : memref<80xi32, #tpu.memory_space<vmem>>) target_semaphore(%arg11 : memref<!tpu.dma_semaphore, #tpu.memory_space<semaphore_mem>>)
    %dma_start3A_16 = arith.constant 0 : i32
    %dma_start3A_17 = arith.constant 0 : i32
    %dma_start3A_18 = arith.constant 0 : i32
    %dma_start3A_19 = tpu.memref_slice %arg8[%dma_start3A_17, %dma_start3A_18] : memref<8x80xi32, #tpu.memory_space<vmem>> -> memref<1x80xi32, #tpu.memory_space<vmem>>
    %dma_start3A_20 = tpu.memref_squeeze %dma_start3A_19 : memref<1x80xi32, #tpu.memory_space<vmem>> -> memref<80xi32, #tpu.memory_space<vmem>>
    %dma_start3A_21 = arith.constant 0 : i32
    %dma_start3A_22 = tpu.memref_slice %arg4[%add3A, %dma_start3A_16, %dma_start3A_21] : memref<32x128x80xi32, #tpu.memory_space<hbm>> -> memref<1x1x80xi32, #tpu.memory_space<hbm>>
    %dma_start3A_23 = tpu.memref_squeeze %dma_start3A_22 : memref<1x1x80xi32, #tpu.memory_space<hbm>> -> memref<80xi32, #tpu.memory_space<hbm>>
    %dma_start3A_24 = arith.constant 0 : i32
    %dma_start3A_25 = tpu.memref_slice %arg8[%dma_start3A_17, %dma_start3A_24] : memref<8x80xi32, #tpu.memory_space<vmem>> -> memref<1x80xi32, #tpu.memory_space<vmem>>
    %dma_start3A_26 = tpu.memref_squeeze %dma_start3A_25 : memref<1x80xi32, #tpu.memory_space<vmem>> -> memref<80xi32, #tpu.memory_space<vmem>>
    %dma_start3A_27 = arith.constant 0 : i32
    %dma_start3A_28 = tpu.memref_slice %arg4[%add3A, %dma_start3A_16, %dma_start3A_27] : memref<32x128x80xi32, #tpu.memory_space<hbm>> -> memref<1x1x80xi32, #tpu.memory_space<hbm>>
    %dma_start3A_29 = tpu.memref_squeeze %dma_start3A_28 : memref<1x1x80xi32, #tpu.memory_space<hbm>> -> memref<80xi32, #tpu.memory_space<hbm>>
    tpu.enqueue_dma source(%dma_start3A_29 : memref<80xi32, #tpu.memory_space<hbm>>) target(%dma_start3A_26 : memref<80xi32, #tpu.memory_space<vmem>>) target_semaphore(%arg19 : memref<!tpu.dma_semaphore, #tpu.memory_space<semaphore_mem>>)
    %dma_start3A_30 = arith.constant 1 : i32
    %dma_start3A_31 = arith.constant 1 : i32
    %dma_start3A_32 = arith.constant 0 : i32
    %dma_start3A_33 = tpu.memref_slice %arg7[%dma_start3A_31, %dma_start3A_32] : memref<8x80xi32, #tpu.memory_space<vmem>> -> memref<1x80xi32, #tpu.memory_space<vmem>>
    %dma_start3A_34 = tpu.memref_squeeze %dma_start3A_33 : memref<1x80xi32, #tpu.memory_space<vmem>> -> memref<80xi32, #tpu.memory_space<vmem>>
    %dma_start3A_35 = arith.constant 0 : i32
    %dma_start3A_36 = tpu.memref_slice %arg3[%add3A, %dma_start3A_30, %dma_start3A_35] : memref<32x128x80xi32, #tpu.memory_space<hbm>> -> memref<1x1x80xi32, #tpu.memory_space<hbm>>
    %dma_start3A_37 = tpu.memref_squeeze %dma_start3A_36 : memref<1x1x80xi32, #tpu.memory_space<hbm>> -> memref<80xi32, #tpu.memory_space<hbm>>
    %dma_start3A_38 = arith.constant 0 : i32
    %dma_start3A_39 = tpu.memref_slice %arg7[%dma_start3A_31, %dma_start3A_38] : memref<8x80xi32, #tpu.memory_space<vmem>> -> memref<1x80xi32, #tpu.memory_space<vmem>>
    %dma_start3A_40 = tpu.memref_squeeze %dma_start3A_39 : memref<1x80xi32, #tpu.memory_space<vmem>> -> memref<80xi32, #tpu.memory_space<vmem>>
    %dma_start3A_41 = arith.constant 0 : i32
    %dma_start3A_42 = tpu.memref_slice %arg3[%add3A, %dma_start3A_30, %dma_start3A_41] : memref<32x128x80xi32, #tpu.memory_space<hbm>> -> memref<1x1x80xi32, #tpu.memory_space<hbm>>
    %dma_start3A_43 = tpu.memref_squeeze %dma_start3A_42 : memref<1x1x80xi32, #tpu.memory_space<hbm>> -> memref<80xi32, #tpu.memory_space<hbm>>
    tpu.enqueue_dma source(%dma_start3A_43 : memref<80xi32, #tpu.memory_space<hbm>>) target(%dma_start3A_40 : memref<80xi32, #tpu.memory_space<vmem>>) target_semaphore(%arg12 : memref<!tpu.dma_semaphore, #tpu.memory_space<semaphore_mem>>)
    %dma_start3A_44 = arith.constant 1 : i32
    %dma_start3A_45 = arith.constant 1 : i32
    %dma_start3A_46 = arith.constant 0 : i32
    %dma_start3A_47 = tpu.memref_slice %arg8[%dma_start3A_45, %dma_start3A_46] : memref<8x80xi32, #tpu.memory_space<vmem>> -> memref<1x80xi32, #tpu.memory_space<vmem>>
    %dma_start3A_48 = tpu.memref_squeeze %dma_start3A_47 : memref<1x80xi32, #tpu.memory_space<vmem>> -> memref<80xi32, #tpu.memory_space<vmem>>
    %dma_start3A_49 = arith.constant 0 : i32
    %dma_start3A_50 = tpu.memref_slice %arg4[%add3A, %dma_start3A_44, %dma_start3A_49] : memref<32x128x80xi32, #tpu.memory_space<hbm>> -> memref<1x1x80xi32, #tpu.memory_space<hbm>>
    %dma_start3A_51 = tpu.memref_squeeze %dma_start3A_50 : memref<1x1x80xi32, #tpu.memory_space<hbm>> -> memref<80xi32, #tpu.memory_space<hbm>>
    %dma_start3A_52 = arith.constant 0 : i32
    %dma_start3A_53 = tpu.memref_slice %arg8[%dma_start3A_45, %dma_start3A_52] : memref<8x80xi32, #tpu.memory_space<vmem>> -> memref<1x80xi32, #tpu.memory_space<vmem>>
    %dma_start3A_54 = tpu.memref_squeeze %dma_start3A_53 : memref<1x80xi32, #tpu.memory_space<vmem>> -> memref<80xi32, #tpu.memory_space<vmem>>
    %dma_start3A_55 = arith.constant 0 : i32
    %dma_start3A_56 = tpu.memref_slice %arg4[%add3A, %dma_start3A_44, %dma_start3A_55] : memref<32x128x80xi32, #tpu.memory_space<hbm>> -> memref<1x1x80xi32, #tpu.memory_space<hbm>>
    %dma_start3A_57 = tpu.memref_squeeze %dma_start3A_56 : memref<1x1x80xi32, #tpu.memory_space<hbm>> -> memref<80xi32, #tpu.memory_space<hbm>>
    tpu.enqueue_dma source(%dma_start3A_57 : memref<80xi32, #tpu.memory_space<hbm>>) target(%dma_start3A_54 : memref<80xi32, #tpu.memory_space<vmem>>) target_semaphore(%arg20 : memref<!tpu.dma_semaphore, #tpu.memory_space<semaphore_mem>>)
    %dma_start3A_58 = arith.constant 2 : i32
    %dma_start3A_59 = arith.constant 2 : i32
    %dma_start3A_60 = arith.constant 0 : i32
    %dma_start3A_61 = tpu.memref_slice %arg7[%dma_start3A_59, %dma_start3A_60] : memref<8x80xi32, #tpu.memory_space<vmem>> -> memref<1x80xi32, #tpu.memory_space<vmem>>
    %dma_start3A_62 = tpu.memref_squeeze %dma_start3A_61 : memref<1x80xi32, #tpu.memory_space<vmem>> -> memref<80xi32, #tpu.memory_space<vmem>>
    %dma_start3A_63 = arith.constant 0 : i32
    %dma_start3A_64 = tpu.memref_slice %arg3[%add3A, %dma_start3A_58, %dma_start3A_63] : memref<32x128x80xi32, #tpu.memory_space<hbm>> -> memref<1x1x80xi32, #tpu.memory_space<hbm>>
    %dma_start3A_65 = tpu.memref_squeeze %dma_start3A_64 : memref<1x1x80xi32, #tpu.memory_space<hbm>> -> memref<80xi32, #tpu.memory_space<hbm>>
    %dma_start3A_66 = arith.constant 0 : i32
    %dma_start3A_67 = tpu.memref_slice %arg7[%dma_start3A_59, %dma_start3A_66] : memref<8x80xi32, #tpu.memory_space<vmem>> -> memref<1x80xi32, #tpu.memory_space<vmem>>
    %dma_start3A_68 = tpu.memref_squeeze %dma_start3A_67 : memref<1x80xi32, #tpu.memory_space<vmem>> -> memref<80xi32, #tpu.memory_space<vmem>>
    %dma_start3A_69 = arith.constant 0 : i32
    %dma_start3A_70 = tpu.memref_slice %arg3[%add3A, %dma_start3A_58, %dma_start3A_69] : memref<32x128x80xi32, #tpu.memory_space<hbm>> -> memref<1x1x80xi32, #tpu.memory_space<hbm>>
    %dma_start3A_71 = tpu.memref_squeeze %dma_start3A_70 : memref<1x1x80xi32, #tpu.memory_space<hbm>> -> memref<80xi32, #tpu.memory_space<hbm>>
    tpu.enqueue_dma source(%dma_start3A_71 : memref<80xi32, #tpu.memory_space<hbm>>) target(%dma_start3A_68 : memref<80xi32, #tpu.memory_space<vmem>>) target_semaphore(%arg13 : memref<!tpu.dma_semaphore, #tpu.memory_space<semaphore_mem>>)
    %dma_start3A_72 = arith.constant 2 : i32
    %dma_start3A_73 = arith.constant 2 : i32
    %dma_start3A_74 = arith.constant 0 : i32
    %dma_start3A_75 = tpu.memref_slice %arg8[%dma_start3A_73, %dma_start3A_74] : memref<8x80xi32, #tpu.memory_space<vmem>> -> memref<1x80xi32, #tpu.memory_space<vmem>>
    %dma_start3A_76 = tpu.memref_squeeze %dma_start3A_75 : memref<1x80xi32, #tpu.memory_space<vmem>> -> memref<80xi32, #tpu.memory_space<vmem>>
    %dma_start3A_77 = arith.constant 0 : i32
    %dma_start3A_78 = tpu.memref_slice %arg4[%add3A, %dma_start3A_72, %dma_start3A_77] : memref<32x128x80xi32, #tpu.memory_space<hbm>> -> memref<1x1x80xi32, #tpu.memory_space<hbm>>
    %dma_start3A_79 = tpu.memref_squeeze %dma_start3A_78 : memref<1x1x80xi32, #tpu.memory_space<hbm>> -> memref<80xi32, #tpu.memory_space<hbm>>
    %dma_start3A_80 = arith.constant 0 : i32
    %dma_start3A_81 = tpu.memref_slice %arg8[%dma_start3A_73, %dma_start3A_80] : memref<8x80xi32, #tpu.memory_space<vmem>> -> memref<1x80xi32, #tpu.memory_space<vmem>>
    %dma_start3A_82 = tpu.memref_squeeze %dma_start3A_81 : memref<1x80xi32, #tpu.memory_space<vmem>> -> memref<80xi32, #tpu.memory_space<vmem>>
    %dma_start3A_83 = arith.constant 0 : i32
    %dma_start3A_84 = tpu.memref_slice %arg4[%add3A, %dma_start3A_72, %dma_start3A_83] : memref<32x128x80xi32, #tpu.memory_space<hbm>> -> memref<1x1x80xi32, #tpu.memory_space<hbm>>
    %dma_start3A_85 = tpu.memref_squeeze %dma_start3A_84 : memref<1x1x80xi32, #tpu.memory_space<hbm>> -> memref<80xi32, #tpu.memory_space<hbm>>
    tpu.enqueue_dma source(%dma_start3A_85 : memref<80xi32, #tpu.memory_space<hbm>>) target(%dma_start3A_82 : memref<80xi32, #tpu.memory_space<vmem>>) target_semaphore(%arg21 : memref<!tpu.dma_semaphore, #tpu.memory_space<semaphore_mem>>)
    %dma_start3A_86 = arith.constant 3 : i32
    %dma_start3A_87 = arith.constant 3 : i32
    %dma_start3A_88 = arith.constant 0 : i32
    %dma_start3A_89 = tpu.memref_slice %arg7[%dma_start3A_87, %dma_start3A_88] : memref<8x80xi32, #tpu.memory_space<vmem>> -> memref<1x80xi32, #tpu.memory_space<vmem>>
    %dma_start3A_90 = tpu.memref_squeeze %dma_start3A_89 : memref<1x80xi32, #tpu.memory_space<vmem>> -> memref<80xi32, #tpu.memory_space<vmem>>
    %dma_start3A_91 = arith.constant 0 : i32
    %dma_start3A_92 = tpu.memref_slice %arg3[%add3A, %dma_start3A_86, %dma_start3A_91] : memref<32x128x80xi32, #tpu.memory_space<hbm>> -> memref<1x1x80xi32, #tpu.memory_space<hbm>>
    %dma_start3A_93 = tpu.memref_squeeze %dma_start3A_92 : memref<1x1x80xi32, #tpu.memory_space<hbm>> -> memref<80xi32, #tpu.memory_space<hbm>>
    %dma_start3A_94 = arith.constant 0 : i32
    %dma_start3A_95 = tpu.memref_slice %arg7[%dma_start3A_87, %dma_start3A_94] : memref<8x80xi32, #tpu.memory_space<vmem>> -> memref<1x80xi32, #tpu.memory_space<vmem>>
    %dma_start3A_96 = tpu.memref_squeeze %dma_start3A_95 : memref<1x80xi32, #tpu.memory_space<vmem>> -> memref<80xi32, #tpu.memory_space<vmem>>
    %dma_start3A_97 = arith.constant 0 : i32
    %dma_start3A_98 = tpu.memref_slice %arg3[%add3A, %dma_start3A_86, %dma_start3A_97] : memref<32x128x80xi32, #tpu.memory_space<hbm>> -> memref<1x1x80xi32, #tpu.memory_space<hbm>>
    %dma_start3A_99 = tpu.memref_squeeze %dma_start3A_98 : memref<1x1x80xi32, #tpu.memory_space<hbm>> -> memref<80xi32, #tpu.memory_space<hbm>>
    tpu.enqueue_dma source(%dma_start3A_99 : memref<80xi32, #tpu.memory_space<hbm>>) target(%dma_start3A_96 : memref<80xi32, #tpu.memory_space<vmem>>) target_semaphore(%arg14 : memref<!tpu.dma_semaphore, #tpu.memory_space<semaphore_mem>>)
    %dma_start3A_100 = arith.constant 3 : i32
    %dma_start3A_101 = arith.constant 3 : i32
    %dma_start3A_102 = arith.constant 0 : i32
    %dma_start3A_103 = tpu.memref_slice %arg8[%dma_start3A_101, %dma_start3A_102] : memref<8x80xi32, #tpu.memory_space<vmem>> -> memref<1x80xi32, #tpu.memory_space<vmem>>
    %dma_start3A_104 = tpu.memref_squeeze %dma_start3A_103 : memref<1x80xi32, #tpu.memory_space<vmem>> -> memref<80xi32, #tpu.memory_space<vmem>>
    %dma_start3A_105 = arith.constant 0 : i32
    %dma_start3A_106 = tpu.memref_slice %arg4[%add3A, %dma_start3A_100, %dma_start3A_105] : memref<32x128x80xi32, #tpu.memory_space<hbm>> -> memref<1x1x80xi32, #tpu.memory_space<hbm>>
    %dma_start3A_107 = tpu.memref_squeeze %dma_start3A_106 : memref<1x1x80xi32, #tpu.memory_space<hbm>> -> memref<80xi32, #tpu.memory_space<hbm>>
    %dma_start3A_108 = arith.constant 0 : i32
    %dma_start3A_109 = tpu.memref_slice %arg8[%dma_start3A_101, %dma_start3A_108] : memref<8x80xi32, #tpu.memory_space<vmem>> -> memref<1x80xi32, #tpu.memory_space<vmem>>
    %dma_start3A_110 = tpu.memref_squeeze %dma_start3A_109 : memref<1x80xi32, #tpu.memory_space<vmem>> -> memref<80xi32, #tpu.memory_space<vmem>>
    %dma_start3A_111 = arith.constant 0 : i32
    %dma_start3A_112 = tpu.memref_slice %arg4[%add3A, %dma_start3A_100, %dma_start3A_111] : memref<32x128x80xi32, #tpu.memory_space<hbm>> -> memref<1x1x80xi32, #tpu.memory_space<hbm>>
    %dma_start3A_113 = tpu.memref_squeeze %dma_start3A_112 : memref<1x1x80xi32, #tpu.memory_space<hbm>> -> memref<80xi32, #tpu.memory_space<hbm>>
    tpu.enqueue_dma source(%dma_start3A_113 : memref<80xi32, #tpu.memory_space<hbm>>) target(%dma_start3A_110 : memref<80xi32, #tpu.memory_space<vmem>>) target_semaphore(%arg22 : memref<!tpu.dma_semaphore, #tpu.memory_space<semaphore_mem>>)
    %dma_wait3A = arith.constant 0 : i32
    %dma_wait3A_114 = arith.constant 0 : i32
    %dma_wait3A_115 = arith.constant 0 : i32
    %dma_wait3A_116 = tpu.memref_slice %arg7[%dma_wait3A_114, %dma_wait3A_115] : memref<8x80xi32, #tpu.memory_space<vmem>> -> memref<1x80xi32, #tpu.memory_space<vmem>>
    %dma_wait3A_117 = tpu.memref_squeeze %dma_wait3A_116 : memref<1x80xi32, #tpu.memory_space<vmem>> -> memref<80xi32, #tpu.memory_space<vmem>>
    %dma_wait3A_118 = arith.constant 0 : i32
    %dma_wait3A_119 = tpu.memref_slice %arg3[%add3A, %dma_wait3A, %dma_wait3A_118] : memref<32x128x80xi32, #tpu.memory_space<hbm>> -> memref<1x1x80xi32, #tpu.memory_space<hbm>>
    %dma_wait3A_120 = tpu.memref_squeeze %dma_wait3A_119 : memref<1x1x80xi32, #tpu.memory_space<hbm>> -> memref<80xi32, #tpu.memory_space<hbm>>
    %dma_wait3A_121 = arith.constant 0 : i32
    %dma_wait3A_122 = tpu.memref_slice %arg7[%dma_wait3A_114, %dma_wait3A_121] : memref<8x80xi32, #tpu.memory_space<vmem>> -> memref<1x80xi32, #tpu.memory_space<vmem>>
    %dma_wait3A_123 = tpu.memref_squeeze %dma_wait3A_122 : memref<1x80xi32, #tpu.memory_space<vmem>> -> memref<80xi32, #tpu.memory_space<vmem>>
    %dma_wait3A_124 = arith.constant 0 : i32
    %dma_wait3A_125 = tpu.memref_slice %arg3[%add3A, %dma_wait3A, %dma_wait3A_124] : memref<32x128x80xi32, #tpu.memory_space<hbm>> -> memref<1x1x80xi32, #tpu.memory_space<hbm>>
    %dma_wait3A_126 = tpu.memref_squeeze %dma_wait3A_125 : memref<1x1x80xi32, #tpu.memory_space<hbm>> -> memref<80xi32, #tpu.memory_space<hbm>>
    tpu.wait_dma2 semaphore(%arg11 : memref<!tpu.dma_semaphore, #tpu.memory_space<semaphore_mem>>) src(%dma_wait3A_126 : memref<80xi32, #tpu.memory_space<hbm>>) dst(%dma_wait3A_123 : memref<80xi32, #tpu.memory_space<vmem>>)
    %dma_start3A_127 = arith.constant 0 : i32
    %dma_start3A_128 = arith.constant 0 : i32
    %dma_start3A_129 = arith.constant 0 : i32
    %dma_start3A_130 = arith.constant 0 : i32
    %dma_start3A_131 = tpu.memref_slice %arg9[%dma_start3A_128, %dma_start3A_129, %dma_start3A_130] : memref<4x80x128xf32, #tpu.memory_space<vmem>> -> memref<1x80x128xf32, #tpu.memory_space<vmem>>
    %dma_start3A_132 = tpu.memref_squeeze %dma_start3A_131 : memref<1x80x128xf32, #tpu.memory_space<vmem>> -> memref<80x128xf32, #tpu.memory_space<vmem>>
    %dma_start3A_133 = arith.constant 0 : i32
    %dma_start3A_134 = tpu.memref_slice %arg7[%dma_start3A_127, %dma_start3A_133] : memref<8x80xi32, #tpu.memory_space<vmem>> -> memref<1x80xi32, #tpu.memory_space<vmem>>
    %dma_start3A_135 = tpu.memref_squeeze %dma_start3A_134 : memref<1x80xi32, #tpu.memory_space<vmem>> -> memref<80xi32, #tpu.memory_space<vmem>>
    %dma_start3A_136 = arith.constant 0 : i32
    %dma_start3A_137 = arith.constant 0 : i32
    %dma_start3A_138 = tpu.memref_slice %arg2[%dma_start3A_136, %dma_start3A_137] : memref<10240x128xf32, #tpu.memory_space<hbm>> -> memref<10240x128xf32, #tpu.memory_space<hbm>>
    tpu.enqueue_indirect_dma source(%dma_start3A_138 : memref<10240x128xf32, #tpu.memory_space<hbm>>) target(%dma_start3A_132 : memref<80x128xf32, #tpu.memory_space<vmem>>) offsets(%dma_start3A_135 : memref<80xi32, #tpu.memory_space<vmem>>) semaphore(%arg27 : memref<!tpu.dma_semaphore, #tpu.memory_space<semaphore_mem>>)
    %dma_wait3A_139 = arith.constant 1 : i32
    %dma_wait3A_140 = arith.constant 1 : i32
    %dma_wait3A_141 = arith.constant 0 : i32
    %dma_wait3A_142 = tpu.memref_slice %arg7[%dma_wait3A_140, %dma_wait3A_141] : memref<8x80xi32, #tpu.memory_space<vmem>> -> memref<1x80xi32, #tpu.memory_space<vmem>>
    %dma_wait3A_143 = tpu.memref_squeeze %dma_wait3A_142 : memref<1x80xi32, #tpu.memory_space<vmem>> -> memref<80xi32, #tpu.memory_space<vmem>>
    %dma_wait3A_144 = arith.constant 0 : i32
    %dma_wait3A_145 = tpu.memref_slice %arg3[%add3A, %dma_wait3A_139, %dma_wait3A_144] : memref<32x128x80xi32, #tpu.memory_space<hbm>> -> memref<1x1x80xi32, #tpu.memory_space<hbm>>
    %dma_wait3A_146 = tpu.memref_squeeze %dma_wait3A_145 : memref<1x1x80xi32, #tpu.memory_space<hbm>> -> memref<80xi32, #tpu.memory_space<hbm>>
    %dma_wait3A_147 = arith.constant 0 : i32
    %dma_wait3A_148 = tpu.memref_slice %arg7[%dma_wait3A_140, %dma_wait3A_147] : memref<8x80xi32, #tpu.memory_space<vmem>> -> memref<1x80xi32, #tpu.memory_space<vmem>>
    %dma_wait3A_149 = tpu.memref_squeeze %dma_wait3A_148 : memref<1x80xi32, #tpu.memory_space<vmem>> -> memref<80xi32, #tpu.memory_space<vmem>>
    %dma_wait3A_150 = arith.constant 0 : i32
    %dma_wait3A_151 = tpu.memref_slice %arg3[%add3A, %dma_wait3A_139, %dma_wait3A_150] : memref<32x128x80xi32, #tpu.memory_space<hbm>> -> memref<1x1x80xi32, #tpu.memory_space<hbm>>
    %dma_wait3A_152 = tpu.memref_squeeze %dma_wait3A_151 : memref<1x1x80xi32, #tpu.memory_space<hbm>> -> memref<80xi32, #tpu.memory_space<hbm>>
    tpu.wait_dma2 semaphore(%arg12 : memref<!tpu.dma_semaphore, #tpu.memory_space<semaphore_mem>>) src(%dma_wait3A_152 : memref<80xi32, #tpu.memory_space<hbm>>) dst(%dma_wait3A_149 : memref<80xi32, #tpu.memory_space<vmem>>)
    %dma_start3A_153 = arith.constant 1 : i32
    %dma_start3A_154 = arith.constant 1 : i32
    %dma_start3A_155 = arith.constant 0 : i32
    %dma_start3A_156 = arith.constant 0 : i32
    %dma_start3A_157 = tpu.memref_slice %arg9[%dma_start3A_154, %dma_start3A_155, %dma_start3A_156] : memref<4x80x128xf32, #tpu.memory_space<vmem>> -> memref<1x80x128xf32, #tpu.memory_space<vmem>>
    %dma_start3A_158 = tpu.memref_squeeze %dma_start3A_157 : memref<1x80x128xf32, #tpu.memory_space<vmem>> -> memref<80x128xf32, #tpu.memory_space<vmem>>
    %dma_start3A_159 = arith.constant 0 : i32
    %dma_start3A_160 = tpu.memref_slice %arg7[%dma_start3A_153, %dma_start3A_159] : memref<8x80xi32, #tpu.memory_space<vmem>> -> memref<1x80xi32, #tpu.memory_space<vmem>>
    %dma_start3A_161 = tpu.memref_squeeze %dma_start3A_160 : memref<1x80xi32, #tpu.memory_space<vmem>> -> memref<80xi32, #tpu.memory_space<vmem>>
    %dma_start3A_162 = arith.constant 0 : i32
    %dma_start3A_163 = arith.constant 0 : i32
    %dma_start3A_164 = tpu.memref_slice %arg2[%dma_start3A_162, %dma_start3A_163] : memref<10240x128xf32, #tpu.memory_space<hbm>> -> memref<10240x128xf32, #tpu.memory_space<hbm>>
    tpu.enqueue_indirect_dma source(%dma_start3A_164 : memref<10240x128xf32, #tpu.memory_space<hbm>>) target(%dma_start3A_158 : memref<80x128xf32, #tpu.memory_space<vmem>>) offsets(%dma_start3A_161 : memref<80xi32, #tpu.memory_space<vmem>>) semaphore(%arg28 : memref<!tpu.dma_semaphore, #tpu.memory_space<semaphore_mem>>)
    %scan3A = arith.constant 0 : i32
    %scan3A_165 = arith.constant 0 : i32
    %scan3A_166 = arith.constant 16 : i32
    %scan3A_167 = arith.addi %scan3A_165, %scan3A_166 : i32
    %scan3A_168 = arith.constant 1 : i32
    scf.for %scan3A_199 = %scan3A_165 to %scan3A_167 step %scan3A_168  : i32 {
      %mul3A_200 = arith.constant 8 : i32
      %mul3A_201 = arith.muli %scan3A_199, %mul3A_200 : i32
      %add3A_202 = arith.constant 0 : i32
      %add3A_203 = arith.addi %mul3A_201, %add3A_202 : i32
      %dma_wait3A_204 = arith.constant 0 : i32
      %dma_wait3A_205 = arith.constant 0 : i32
      %dma_wait3A_206 = arith.constant 0 : i32
      %dma_wait3A_207 = arith.constant 0 : i32
      %dma_wait3A_208 = tpu.memref_slice %arg9[%dma_wait3A_205, %dma_wait3A_206, %dma_wait3A_207] : memref<4x80x128xf32, #tpu.memory_space<vmem>> -> memref<1x80x128xf32, #tpu.memory_space<vmem>>
      %dma_wait3A_209 = tpu.memref_squeeze %dma_wait3A_208 : memref<1x80x128xf32, #tpu.memory_space<vmem>> -> memref<80x128xf32, #tpu.memory_space<vmem>>
      %dma_wait3A_210 = arith.constant 0 : i32
      %dma_wait3A_211 = tpu.memref_slice %arg7[%dma_wait3A_204, %dma_wait3A_210] : memref<8x80xi32, #tpu.memory_space<vmem>> -> memref<1x80xi32, #tpu.memory_space<vmem>>
      %dma_wait3A_212 = tpu.memref_squeeze %dma_wait3A_211 : memref<1x80xi32, #tpu.memory_space<vmem>> -> memref<80xi32, #tpu.memory_space<vmem>>
      %dma_wait3A_213 = arith.constant 0 : i32
      %dma_wait3A_214 = arith.constant 0 : i32
      %dma_wait3A_215 = tpu.memref_slice %arg2[%dma_wait3A_213, %dma_wait3A_214] : memref<10240x128xf32, #tpu.memory_space<hbm>> -> memref<10240x128xf32, #tpu.memory_space<hbm>>
      tpu.wait_indirect_dma semaphore(%arg27 : memref<!tpu.dma_semaphore, #tpu.memory_space<semaphore_mem>>) src(%dma_wait3A_215 : memref<10240x128xf32, #tpu.memory_space<hbm>>) dst(%dma_wait3A_209 : memref<80x128xf32, #tpu.memory_space<vmem>>)
      %dma_wait3A_216 = arith.constant 0 : i32
      %dma_wait3A_217 = arith.constant 0 : i32
      %dma_wait3A_218 = tpu.memref_slice %arg8[%dma_wait3A_216, %dma_wait3A_217] : memref<8x80xi32, #tpu.memory_space<vmem>> -> memref<1x80xi32, #tpu.memory_space<vmem>>
      %dma_wait3A_219 = tpu.memref_squeeze %dma_wait3A_218 : memref<1x80xi32, #tpu.memory_space<vmem>> -> memref<80xi32, #tpu.memory_space<vmem>>
      %dma_wait3A_220 = arith.constant 0 : i32
      %dma_wait3A_221 = tpu.memref_slice %arg4[%add3A, %add3A_203, %dma_wait3A_220] : memref<32x128x80xi32, #tpu.memory_space<hbm>> -> memref<1x1x80xi32, #tpu.memory_space<hbm>>
      %dma_wait3A_222 = tpu.memref_squeeze %dma_wait3A_221 : memref<1x1x80xi32, #tpu.memory_space<hbm>> -> memref<80xi32, #tpu.memory_space<hbm>>
      %dma_wait3A_223 = arith.constant 0 : i32
      %dma_wait3A_224 = tpu.memref_slice %arg8[%dma_wait3A_216, %dma_wait3A_223] : memref<8x80xi32, #tpu.memory_space<vmem>> -> memref<1x80xi32, #tpu.memory_space<vmem>>
      %dma_wait3A_225 = tpu.memref_squeeze %dma_wait3A_224 : memref<1x80xi32, #tpu.memory_space<vmem>> -> memref<80xi32, #tpu.memory_space<vmem>>
      %dma_wait3A_226 = arith.constant 0 : i32
      %dma_wait3A_227 = tpu.memref_slice %arg4[%add3A, %add3A_203, %dma_wait3A_226] : memref<32x128x80xi32, #tpu.memory_space<hbm>> -> memref<1x1x80xi32, #tpu.memory_space<hbm>>
      %dma_wait3A_228 = tpu.memref_squeeze %dma_wait3A_227 : memref<1x1x80xi32, #tpu.memory_space<hbm>> -> memref<80xi32, #tpu.memory_space<hbm>>
      tpu.wait_dma2 semaphore(%arg19 : memref<!tpu.dma_semaphore, #tpu.memory_space<semaphore_mem>>) src(%dma_wait3A_228 : memref<80xi32, #tpu.memory_space<hbm>>) dst(%dma_wait3A_225 : memref<80xi32, #tpu.memory_space<vmem>>)
      %dma_start3A_229 = arith.constant 0 : i32
      %dma_start3A_230 = arith.constant 0 : i32
      %dma_start3A_231 = arith.constant 0 : i32
      %dma_start3A_232 = arith.constant 0 : i32
      %dma_start3A_233 = tpu.memref_slice %arg9[%dma_start3A_229, %dma_start3A_231, %dma_start3A_232] : memref<4x80x128xf32, #tpu.memory_space<vmem>> -> memref<1x80x128xf32, #tpu.memory_space<vmem>>
      %dma_start3A_234 = tpu.memref_squeeze %dma_start3A_233 : memref<1x80x128xf32, #tpu.memory_space<vmem>> -> memref<80x128xf32, #tpu.memory_space<vmem>>
      %dma_start3A_235 = arith.constant 0 : i32
      %dma_start3A_236 = tpu.memref_slice %arg8[%dma_start3A_230, %dma_start3A_235] : memref<8x80xi32, #tpu.memory_space<vmem>> -> memref<1x80xi32, #tpu.memory_space<vmem>>
      %dma_start3A_237 = tpu.memref_squeeze %dma_start3A_236 : memref<1x80xi32, #tpu.memory_space<vmem>> -> memref<80xi32, #tpu.memory_space<vmem>>
      %dma_start3A_238 = arith.constant 0 : i32
      %dma_start3A_239 = arith.constant 0 : i32
      %dma_start3A_240 = tpu.memref_slice %arg10[%dma_start3A_238, %dma_start3A_239] : memref<10240x128xf32, #tpu.memory_space<vmem_shared>> -> memref<10240x128xf32, #tpu.memory_space<vmem_shared>>
      tpu.enqueue_indirect_dma source(%dma_start3A_234 : memref<80x128xf32, #tpu.memory_space<vmem>>) target(%dma_start3A_240 : memref<10240x128xf32, #tpu.memory_space<vmem_shared>>) offsets(%dma_start3A_237 : memref<80xi32, #tpu.memory_space<vmem>>) semaphore(%arg31 : memref<!tpu.dma_semaphore, #tpu.memory_space<semaphore_mem>>) {add = true}
      %add3A_241 = arith.constant 2 : i32
      %add3A_242 = arith.addi %add3A_203, %add3A_241 : i32
      %lt3A = arith.constant 128 : i32
      %lt3A_243 = arith.cmpi slt, %add3A_242, %lt3A : i32
      %convert_element_type3A = arith.extui %lt3A_243 : i1 to i32
      %cond3A = arith.constant 0 : i32
      %cond3A_244 = arith.cmpi ne, %convert_element_type3A, %cond3A : i32
      scf.if %cond3A_244 {
        %ge3A = arith.constant 2 : i32
        %ge3A_637 = arith.cmpi sge, %add3A_203, %ge3A : i32
        %convert_element_type3A_638 = arith.extui %ge3A_637 : i1 to i32
        %cond3A_639 = arith.constant 0 : i32
        %cond3A_640 = arith.cmpi ne, %convert_element_type3A_638, %cond3A_639 : i32
        scf.if %cond3A_640 {
          %dma_wait3A_668 = arith.constant 2 : i32
          %dma_wait3A_669 = arith.constant 6 : i32
          %dma_wait3A_670 = arith.constant 0 : i32
          %dma_wait3A_671 = arith.constant 0 : i32
          %dma_wait3A_672 = tpu.memref_slice %arg9[%dma_wait3A_668, %dma_wait3A_670, %dma_wait3A_671] : memref<4x80x128xf32, #tpu.memory_space<vmem>> -> memref<1x80x128xf32, #tpu.memory_space<vmem>>
          %dma_wait3A_673 = tpu.memref_squeeze %dma_wait3A_672 : memref<1x80x128xf32, #tpu.memory_space<vmem>> -> memref<80x128xf32, #tpu.memory_space<vmem>>
          %dma_wait3A_674 = arith.constant 0 : i32
          %dma_wait3A_675 = tpu.memref_slice %arg8[%dma_wait3A_669, %dma_wait3A_674] : memref<8x80xi32, #tpu.memory_space<vmem>> -> memref<1x80xi32, #tpu.memory_space<vmem>>
          %dma_wait3A_676 = tpu.memref_squeeze %dma_wait3A_675 : memref<1x80xi32, #tpu.memory_space<vmem>> -> memref<80xi32, #tpu.memory_space<vmem>>
          %dma_wait3A_677 = arith.constant 0 : i32
          %dma_wait3A_678 = arith.constant 0 : i32
          %dma_wait3A_679 = tpu.memref_slice %arg10[%dma_wait3A_677, %dma_wait3A_678] : memref<10240x128xf32, #tpu.memory_space<vmem_shared>> -> memref<10240x128xf32, #tpu.memory_space<vmem_shared>>
          tpu.wait_indirect_dma semaphore(%arg33 : memref<!tpu.dma_semaphore, #tpu.memory_space<semaphore_mem>>) src(%dma_wait3A_673 : memref<80x128xf32, #tpu.memory_space<vmem>>) dst(%dma_wait3A_679 : memref<10240x128xf32, #tpu.memory_space<vmem_shared>>)
        } else {
        }
        %add3A_641 = arith.constant 2 : i32
        %add3A_642 = arith.addi %add3A_203, %add3A_641 : i32
        %dma_wait3A_643 = arith.constant 2 : i32
        %dma_wait3A_644 = arith.constant 0 : i32
        %dma_wait3A_645 = tpu.memref_slice %arg7[%dma_wait3A_643, %dma_wait3A_644] : memref<8x80xi32, #tpu.memory_space<vmem>> -> memref<1x80xi32, #tpu.memory_space<vmem>>
        %dma_wait3A_646 = tpu.memref_squeeze %dma_wait3A_645 : memref<1x80xi32, #tpu.memory_space<vmem>> -> memref<80xi32, #tpu.memory_space<vmem>>
        %dma_wait3A_647 = arith.constant 0 : i32
        %dma_wait3A_648 = tpu.memref_slice %arg3[%add3A, %add3A_642, %dma_wait3A_647] : memref<32x128x80xi32, #tpu.memory_space<hbm>> -> memref<1x1x80xi32, #tpu.memory_space<hbm>>
        %dma_wait3A_649 = tpu.memref_squeeze %dma_wait3A_648 : memref<1x1x80xi32, #tpu.memory_space<hbm>> -> memref<80xi32, #tpu.memory_space<hbm>>
        %dma_wait3A_650 = arith.constant 0 : i32
        %dma_wait3A_651 = tpu.memref_slice %arg7[%dma_wait3A_643, %dma_wait3A_650] : memref<8x80xi32, #tpu.memory_space<vmem>> -> memref<1x80xi32, #tpu.memory_space<vmem>>
        %dma_wait3A_652 = tpu.memref_squeeze %dma_wait3A_651 : memref<1x80xi32, #tpu.memory_space<vmem>> -> memref<80xi32, #tpu.memory_space<vmem>>
        %dma_wait3A_653 = arith.constant 0 : i32
        %dma_wait3A_654 = tpu.memref_slice %arg3[%add3A, %add3A_642, %dma_wait3A_653] : memref<32x128x80xi32, #tpu.memory_space<hbm>> -> memref<1x1x80xi32, #tpu.memory_space<hbm>>
        %dma_wait3A_655 = tpu.memref_squeeze %dma_wait3A_654 : memref<1x1x80xi32, #tpu.memory_space<hbm>> -> memref<80xi32, #tpu.memory_space<hbm>>
        tpu.wait_dma2 semaphore(%arg13 : memref<!tpu.dma_semaphore, #tpu.memory_space<semaphore_mem>>) src(%dma_wait3A_655 : memref<80xi32, #tpu.memory_space<hbm>>) dst(%dma_wait3A_652 : memref<80xi32, #tpu.memory_space<vmem>>)
        %dma_start3A_656 = arith.constant 2 : i32
        %dma_start3A_657 = arith.constant 2 : i32
        %dma_start3A_658 = arith.constant 0 : i32
        %dma_start3A_659 = arith.constant 0 : i32
        %dma_start3A_660 = tpu.memref_slice %arg9[%dma_start3A_657, %dma_start3A_658, %dma_start3A_659] : memref<4x80x128xf32, #tpu.memory_space<vmem>> -> memref<1x80x128xf32, #tpu.memory_space<vmem>>
        %dma_start3A_661 = tpu.memref_squeeze %dma_start3A_660 : memref<1x80x128xf32, #tpu.memory_space<vmem>> -> memref<80x128xf32, #tpu.memory_space<vmem>>
        %dma_start3A_662 = arith.constant 0 : i32
        %dma_start3A_663 = tpu.memref_slice %arg7[%dma_start3A_656, %dma_start3A_662] : memref<8x80xi32, #tpu.memory_space<vmem>> -> memref<1x80xi32, #tpu.memory_space<vmem>>
        %dma_start3A_664 = tpu.memref_squeeze %dma_start3A_663 : memref<1x80xi32, #tpu.memory_space<vmem>> -> memref<80xi32, #tpu.memory_space<vmem>>
        %dma_start3A_665 = arith.constant 0 : i32
        %dma_start3A_666 = arith.constant 0 : i32
        %dma_start3A_667 = tpu.memref_slice %arg2[%dma_start3A_665, %dma_start3A_666] : memref<10240x128xf32, #tpu.memory_space<hbm>> -> memref<10240x128xf32, #tpu.memory_space<hbm>>
        tpu.enqueue_indirect_dma source(%dma_start3A_667 : memref<10240x128xf32, #tpu.memory_space<hbm>>) target(%dma_start3A_661 : memref<80x128xf32, #tpu.memory_space<vmem>>) offsets(%dma_start3A_664 : memref<80xi32, #tpu.memory_space<vmem>>) semaphore(%arg29 : memref<!tpu.dma_semaphore, #tpu.memory_space<semaphore_mem>>)
      } else {
      }
      %add3A_245 = arith.constant 4 : i32
      %add3A_246 = arith.addi %add3A_203, %add3A_245 : i32
      %lt3A_247 = arith.constant 128 : i32
      %lt3A_248 = arith.cmpi slt, %add3A_246, %lt3A_247 : i32
      %convert_element_type3A_249 = arith.extui %lt3A_248 : i1 to i32
      %cond3A_250 = arith.constant 0 : i32
      %cond3A_251 = arith.cmpi ne, %convert_element_type3A_249, %cond3A_250 : i32
      scf.if %cond3A_251 {
        %add3A_637 = arith.constant 4 : i32
        %add3A_638 = arith.addi %add3A_203, %add3A_637 : i32
        %dma_start3A_639 = arith.constant 4 : i32
        %dma_start3A_640 = arith.constant 0 : i32
        %dma_start3A_641 = tpu.memref_slice %arg7[%dma_start3A_639, %dma_start3A_640] : memref<8x80xi32, #tpu.memory_space<vmem>> -> memref<1x80xi32, #tpu.memory_space<vmem>>
        %dma_start3A_642 = tpu.memref_squeeze %dma_start3A_641 : memref<1x80xi32, #tpu.memory_space<vmem>> -> memref<80xi32, #tpu.memory_space<vmem>>
        %dma_start3A_643 = arith.constant 0 : i32
        %dma_start3A_644 = tpu.memref_slice %arg3[%add3A, %add3A_638, %dma_start3A_643] : memref<32x128x80xi32, #tpu.memory_space<hbm>> -> memref<1x1x80xi32, #tpu.memory_space<hbm>>
        %dma_start3A_645 = tpu.memref_squeeze %dma_start3A_644 : memref<1x1x80xi32, #tpu.memory_space<hbm>> -> memref<80xi32, #tpu.memory_space<hbm>>
        %dma_start3A_646 = arith.constant 0 : i32
        %dma_start3A_647 = tpu.memref_slice %arg7[%dma_start3A_639, %dma_start3A_646] : memref<8x80xi32, #tpu.memory_space<vmem>> -> memref<1x80xi32, #tpu.memory_space<vmem>>
        %dma_start3A_648 = tpu.memref_squeeze %dma_start3A_647 : memref<1x80xi32, #tpu.memory_space<vmem>> -> memref<80xi32, #tpu.memory_space<vmem>>
        %dma_start3A_649 = arith.constant 0 : i32
        %dma_start3A_650 = tpu.memref_slice %arg3[%add3A, %add3A_638, %dma_start3A_649] : memref<32x128x80xi32, #tpu.memory_space<hbm>> -> memref<1x1x80xi32, #tpu.memory_space<hbm>>
        %dma_start3A_651 = tpu.memref_squeeze %dma_start3A_650 : memref<1x1x80xi32, #tpu.memory_space<hbm>> -> memref<80xi32, #tpu.memory_space<hbm>>
        tpu.enqueue_dma source(%dma_start3A_651 : memref<80xi32, #tpu.memory_space<hbm>>) target(%dma_start3A_648 : memref<80xi32, #tpu.memory_space<vmem>>) target_semaphore(%arg15 : memref<!tpu.dma_semaphore, #tpu.memory_space<semaphore_mem>>)
        %dma_start3A_652 = arith.constant 4 : i32
        %dma_start3A_653 = arith.constant 0 : i32
        %dma_start3A_654 = tpu.memref_slice %arg8[%dma_start3A_652, %dma_start3A_653] : memref<8x80xi32, #tpu.memory_space<vmem>> -> memref<1x80xi32, #tpu.memory_space<vmem>>
        %dma_start3A_655 = tpu.memref_squeeze %dma_start3A_654 : memref<1x80xi32, #tpu.memory_space<vmem>> -> memref<80xi32, #tpu.memory_space<vmem>>
        %dma_start3A_656 = arith.constant 0 : i32
        %dma_start3A_657 = tpu.memref_slice %arg4[%add3A, %add3A_638, %dma_start3A_656] : memref<32x128x80xi32, #tpu.memory_space<hbm>> -> memref<1x1x80xi32, #tpu.memory_space<hbm>>
        %dma_start3A_658 = tpu.memref_squeeze %dma_start3A_657 : memref<1x1x80xi32, #tpu.memory_space<hbm>> -> memref<80xi32, #tpu.memory_space<hbm>>
        %dma_start3A_659 = arith.constant 0 : i32
        %dma_start3A_660 = tpu.memref_slice %arg8[%dma_start3A_652, %dma_start3A_659] : memref<8x80xi32, #tpu.memory_space<vmem>> -> memref<1x80xi32, #tpu.memory_space<vmem>>
        %dma_start3A_661 = tpu.memref_squeeze %dma_start3A_660 : memref<1x80xi32, #tpu.memory_space<vmem>> -> memref<80xi32, #tpu.memory_space<vmem>>
        %dma_start3A_662 = arith.constant 0 : i32
        %dma_start3A_663 = tpu.memref_slice %arg4[%add3A, %add3A_638, %dma_start3A_662] : memref<32x128x80xi32, #tpu.memory_space<hbm>> -> memref<1x1x80xi32, #tpu.memory_space<hbm>>
        %dma_start3A_664 = tpu.memref_squeeze %dma_start3A_663 : memref<1x1x80xi32, #tpu.memory_space<hbm>> -> memref<80xi32, #tpu.memory_space<hbm>>
        tpu.enqueue_dma source(%dma_start3A_664 : memref<80xi32, #tpu.memory_space<hbm>>) target(%dma_start3A_661 : memref<80xi32, #tpu.memory_space<vmem>>) target_semaphore(%arg23 : memref<!tpu.dma_semaphore, #tpu.memory_space<semaphore_mem>>)
      } else {
      }
      %mul3A_252 = arith.constant 8 : i32
      %mul3A_253 = arith.muli %scan3A_199, %mul3A_252 : i32
      %add3A_254 = arith.constant 1 : i32
      %add3A_255 = arith.addi %mul3A_253, %add3A_254 : i32
      %dma_wait3A_256 = arith.constant 1 : i32
      %dma_wait3A_257 = arith.constant 1 : i32
      %dma_wait3A_258 = arith.constant 0 : i32
      %dma_wait3A_259 = arith.constant 0 : i32
      %dma_wait3A_260 = tpu.memref_slice %arg9[%dma_wait3A_257, %dma_wait3A_258, %dma_wait3A_259] : memref<4x80x128xf32, #tpu.memory_space<vmem>> -> memref<1x80x128xf32, #tpu.memory_space<vmem>>
      %dma_wait3A_261 = tpu.memref_squeeze %dma_wait3A_260 : memref<1x80x128xf32, #tpu.memory_space<vmem>> -> memref<80x128xf32, #tpu.memory_space<vmem>>
      %dma_wait3A_262 = arith.constant 0 : i32
      %dma_wait3A_263 = tpu.memref_slice %arg7[%dma_wait3A_256, %dma_wait3A_262] : memref<8x80xi32, #tpu.memory_space<vmem>> -> memref<1x80xi32, #tpu.memory_space<vmem>>
      %dma_wait3A_264 = tpu.memref_squeeze %dma_wait3A_263 : memref<1x80xi32, #tpu.memory_space<vmem>> -> memref<80xi32, #tpu.memory_space<vmem>>
      %dma_wait3A_265 = arith.constant 0 : i32
      %dma_wait3A_266 = arith.constant 0 : i32
      %dma_wait3A_267 = tpu.memref_slice %arg2[%dma_wait3A_265, %dma_wait3A_266] : memref<10240x128xf32, #tpu.memory_space<hbm>> -> memref<10240x128xf32, #tpu.memory_space<hbm>>
      tpu.wait_indirect_dma semaphore(%arg28 : memref<!tpu.dma_semaphore, #tpu.memory_space<semaphore_mem>>) src(%dma_wait3A_267 : memref<10240x128xf32, #tpu.memory_space<hbm>>) dst(%dma_wait3A_261 : memref<80x128xf32, #tpu.memory_space<vmem>>)
      %dma_wait3A_268 = arith.constant 1 : i32
      %dma_wait3A_269 = arith.constant 0 : i32
      %dma_wait3A_270 = tpu.memref_slice %arg8[%dma_wait3A_268, %dma_wait3A_269] : memref<8x80xi32, #tpu.memory_space<vmem>> -> memref<1x80xi32, #tpu.memory_space<vmem>>
      %dma_wait3A_271 = tpu.memref_squeeze %dma_wait3A_270 : memref<1x80xi32, #tpu.memory_space<vmem>> -> memref<80xi32, #tpu.memory_space<vmem>>
      %dma_wait3A_272 = arith.constant 0 : i32
      %dma_wait3A_273 = tpu.memref_slice %arg4[%add3A, %add3A_255, %dma_wait3A_272] : memref<32x128x80xi32, #tpu.memory_space<hbm>> -> memref<1x1x80xi32, #tpu.memory_space<hbm>>
      %dma_wait3A_274 = tpu.memref_squeeze %dma_wait3A_273 : memref<1x1x80xi32, #tpu.memory_space<hbm>> -> memref<80xi32, #tpu.memory_space<hbm>>
      %dma_wait3A_275 = arith.constant 0 : i32
      %dma_wait3A_276 = tpu.memref_slice %arg8[%dma_wait3A_268, %dma_wait3A_275] : memref<8x80xi32, #tpu.memory_space<vmem>> -> memref<1x80xi32, #tpu.memory_space<vmem>>
      %dma_wait3A_277 = tpu.memref_squeeze %dma_wait3A_276 : memref<1x80xi32, #tpu.memory_space<vmem>> -> memref<80xi32, #tpu.memory_space<vmem>>
      %dma_wait3A_278 = arith.constant 0 : i32
      %dma_wait3A_279 = tpu.memref_slice %arg4[%add3A, %add3A_255, %dma_wait3A_278] : memref<32x128x80xi32, #tpu.memory_space<hbm>> -> memref<1x1x80xi32, #tpu.memory_space<hbm>>
      %dma_wait3A_280 = tpu.memref_squeeze %dma_wait3A_279 : memref<1x1x80xi32, #tpu.memory_space<hbm>> -> memref<80xi32, #tpu.memory_space<hbm>>
      tpu.wait_dma2 semaphore(%arg20 : memref<!tpu.dma_semaphore, #tpu.memory_space<semaphore_mem>>) src(%dma_wait3A_280 : memref<80xi32, #tpu.memory_space<hbm>>) dst(%dma_wait3A_277 : memref<80xi32, #tpu.memory_space<vmem>>)
      %dma_start3A_281 = arith.constant 1 : i32
      %dma_start3A_282 = arith.constant 1 : i32
      %dma_start3A_283 = arith.constant 0 : i32
      %dma_start3A_284 = arith.constant 0 : i32
      %dma_start3A_285 = tpu.memref_slice %arg9[%dma_start3A_281, %dma_start3A_283, %dma_start3A_284] : memref<4x80x128xf32, #tpu.memory_space<vmem>> -> memref<1x80x128xf32, #tpu.memory_space<vmem>>
      %dma_start3A_286 = tpu.memref_squeeze %dma_start3A_285 : memref<1x80x128xf32, #tpu.memory_space<vmem>> -> memref<80x128xf32, #tpu.memory_space<vmem>>
      %dma_start3A_287 = arith.constant 0 : i32
      %dma_start3A_288 = tpu.memref_slice %arg8[%dma_start3A_282, %dma_start3A_287] : memref<8x80xi32, #tpu.memory_space<vmem>> -> memref<1x80xi32, #tpu.memory_space<vmem>>
      %dma_start3A_289 = tpu.memref_squeeze %dma_start3A_288 : memref<1x80xi32, #tpu.memory_space<vmem>> -> memref<80xi32, #tpu.memory_space<vmem>>
      %dma_start3A_290 = arith.constant 0 : i32
      %dma_start3A_291 = arith.constant 0 : i32
      %dma_start3A_292 = tpu.memref_slice %arg10[%dma_start3A_290, %dma_start3A_291] : memref<10240x128xf32, #tpu.memory_space<vmem_shared>> -> memref<10240x128xf32, #tpu.memory_space<vmem_shared>>
      tpu.enqueue_indirect_dma source(%dma_start3A_286 : memref<80x128xf32, #tpu.memory_space<vmem>>) target(%dma_start3A_292 : memref<10240x128xf32, #tpu.memory_space<vmem_shared>>) offsets(%dma_start3A_289 : memref<80xi32, #tpu.memory_space<vmem>>) semaphore(%arg32 : memref<!tpu.dma_semaphore, #tpu.memory_space<semaphore_mem>>) {add = true}
      %add3A_293 = arith.constant 2 : i32
      %add3A_294 = arith.addi %add3A_255, %add3A_293 : i32
      %lt3A_295 = arith.constant 128 : i32
      %lt3A_296 = arith.cmpi slt, %add3A_294, %lt3A_295 : i32
      %convert_element_type3A_297 = arith.extui %lt3A_296 : i1 to i32
      %cond3A_298 = arith.constant 0 : i32
      %cond3A_299 = arith.cmpi ne, %convert_element_type3A_297, %cond3A_298 : i32
      scf.if %cond3A_299 {
        %ge3A = arith.constant 2 : i32
        %ge3A_637 = arith.cmpi sge, %add3A_255, %ge3A : i32
        %convert_element_type3A_638 = arith.extui %ge3A_637 : i1 to i32
        %cond3A_639 = arith.constant 0 : i32
        %cond3A_640 = arith.cmpi ne, %convert_element_type3A_638, %cond3A_639 : i32
        scf.if %cond3A_640 {
          %dma_wait3A_668 = arith.constant 3 : i32
          %dma_wait3A_669 = arith.constant 7 : i32
          %dma_wait3A_670 = arith.constant 0 : i32
          %dma_wait3A_671 = arith.constant 0 : i32
          %dma_wait3A_672 = tpu.memref_slice %arg9[%dma_wait3A_668, %dma_wait3A_670, %dma_wait3A_671] : memref<4x80x128xf32, #tpu.memory_space<vmem>> -> memref<1x80x128xf32, #tpu.memory_space<vmem>>
          %dma_wait3A_673 = tpu.memref_squeeze %dma_wait3A_672 : memref<1x80x128xf32, #tpu.memory_space<vmem>> -> memref<80x128xf32, #tpu.memory_space<vmem>>
          %dma_wait3A_674 = arith.constant 0 : i32
          %dma_wait3A_675 = tpu.memref_slice %arg8[%dma_wait3A_669, %dma_wait3A_674] : memref<8x80xi32, #tpu.memory_space<vmem>> -> memref<1x80xi32, #tpu.memory_space<vmem>>
          %dma_wait3A_676 = tpu.memref_squeeze %dma_wait3A_675 : memref<1x80xi32, #tpu.memory_space<vmem>> -> memref<80xi32, #tpu.memory_space<vmem>>
          %dma_wait3A_677 = arith.constant 0 : i32
          %dma_wait3A_678 = arith.constant 0 : i32
          %dma_wait3A_679 = tpu.memref_slice %arg10[%dma_wait3A_677, %dma_wait3A_678] : memref<10240x128xf32, #tpu.memory_space<vmem_shared>> -> memref<10240x128xf32, #tpu.memory_space<vmem_shared>>
          tpu.wait_indirect_dma semaphore(%arg34 : memref<!tpu.dma_semaphore, #tpu.memory_space<semaphore_mem>>) src(%dma_wait3A_673 : memref<80x128xf32, #tpu.memory_space<vmem>>) dst(%dma_wait3A_679 : memref<10240x128xf32, #tpu.memory_space<vmem_shared>>)
        } else {
        }
        %add3A_641 = arith.constant 2 : i32
        %add3A_642 = arith.addi %add3A_255, %add3A_641 : i32
        %dma_wait3A_643 = arith.constant 3 : i32
        %dma_wait3A_644 = arith.constant 0 : i32
        %dma_wait3A_645 = tpu.memref_slice %arg7[%dma_wait3A_643, %dma_wait3A_644] : memref<8x80xi32, #tpu.memory_space<vmem>> -> memref<1x80xi32, #tpu.memory_space<vmem>>
        %dma_wait3A_646 = tpu.memref_squeeze %dma_wait3A_645 : memref<1x80xi32, #tpu.memory_space<vmem>> -> memref<80xi32, #tpu.memory_space<vmem>>
        %dma_wait3A_647 = arith.constant 0 : i32
        %dma_wait3A_648 = tpu.memref_slice %arg3[%add3A, %add3A_642, %dma_wait3A_647] : memref<32x128x80xi32, #tpu.memory_space<hbm>> -> memref<1x1x80xi32, #tpu.memory_space<hbm>>
        %dma_wait3A_649 = tpu.memref_squeeze %dma_wait3A_648 : memref<1x1x80xi32, #tpu.memory_space<hbm>> -> memref<80xi32, #tpu.memory_space<hbm>>
        %dma_wait3A_650 = arith.constant 0 : i32
        %dma_wait3A_651 = tpu.memref_slice %arg7[%dma_wait3A_643, %dma_wait3A_650] : memref<8x80xi32, #tpu.memory_space<vmem>> -> memref<1x80xi32, #tpu.memory_space<vmem>>
        %dma_wait3A_652 = tpu.memref_squeeze %dma_wait3A_651 : memref<1x80xi32, #tpu.memory_space<vmem>> -> memref<80xi32, #tpu.memory_space<vmem>>
        %dma_wait3A_653 = arith.constant 0 : i32
        %dma_wait3A_654 = tpu.memref_slice %arg3[%add3A, %add3A_642, %dma_wait3A_653] : memref<32x128x80xi32, #tpu.memory_space<hbm>> -> memref<1x1x80xi32, #tpu.memory_space<hbm>>
        %dma_wait3A_655 = tpu.memref_squeeze %dma_wait3A_654 : memref<1x1x80xi32, #tpu.memory_space<hbm>> -> memref<80xi32, #tpu.memory_space<hbm>>
        tpu.wait_dma2 semaphore(%arg14 : memref<!tpu.dma_semaphore, #tpu.memory_space<semaphore_mem>>) src(%dma_wait3A_655 : memref<80xi32, #tpu.memory_space<hbm>>) dst(%dma_wait3A_652 : memref<80xi32, #tpu.memory_space<vmem>>)
        %dma_start3A_656 = arith.constant 3 : i32
        %dma_start3A_657 = arith.constant 3 : i32
        %dma_start3A_658 = arith.constant 0 : i32
        %dma_start3A_659 = arith.constant 0 : i32
        %dma_start3A_660 = tpu.memref_slice %arg9[%dma_start3A_657, %dma_start3A_658, %dma_start3A_659] : memref<4x80x128xf32, #tpu.memory_space<vmem>> -> memref<1x80x128xf32, #tpu.memory_space<vmem>>
        %dma_start3A_661 = tpu.memref_squeeze %dma_start3A_660 : memref<1x80x128xf32, #tpu.memory_space<vmem>> -> memref<80x128xf32, #tpu.memory_space<vmem>>
        %dma_start3A_662 = arith.constant 0 : i32
        %dma_start3A_663 = tpu.memref_slice %arg7[%dma_start3A_656, %dma_start3A_662] : memref<8x80xi32, #tpu.memory_space<vmem>> -> memref<1x80xi32, #tpu.memory_space<vmem>>
        %dma_start3A_664 = tpu.memref_squeeze %dma_start3A_663 : memref<1x80xi32, #tpu.memory_space<vmem>> -> memref<80xi32, #tpu.memory_space<vmem>>
        %dma_start3A_665 = arith.constant 0 : i32
        %dma_start3A_666 = arith.constant 0 : i32
        %dma_start3A_667 = tpu.memref_slice %arg2[%dma_start3A_665, %dma_start3A_666] : memref<10240x128xf32, #tpu.memory_space<hbm>> -> memref<10240x128xf32, #tpu.memory_space<hbm>>
        tpu.enqueue_indirect_dma source(%dma_start3A_667 : memref<10240x128xf32, #tpu.memory_space<hbm>>) target(%dma_start3A_661 : memref<80x128xf32, #tpu.memory_space<vmem>>) offsets(%dma_start3A_664 : memref<80xi32, #tpu.memory_space<vmem>>) semaphore(%arg30 : memref<!tpu.dma_semaphore, #tpu.memory_space<semaphore_mem>>)
      } else {
      }
      %add3A_300 = arith.constant 4 : i32
      %add3A_301 = arith.addi %add3A_255, %add3A_300 : i32
      %lt3A_302 = arith.constant 128 : i32
      %lt3A_303 = arith.cmpi slt, %add3A_301, %lt3A_302 : i32
      %convert_element_type3A_304 = arith.extui %lt3A_303 : i1 to i32
      %cond3A_305 = arith.constant 0 : i32
      %cond3A_306 = arith.cmpi ne, %convert_element_type3A_304, %cond3A_305 : i32
      scf.if %cond3A_306 {
        %add3A_637 = arith.constant 4 : i32
        %add3A_638 = arith.addi %add3A_255, %add3A_637 : i32
        %dma_start3A_639 = arith.constant 5 : i32
        %dma_start3A_640 = arith.constant 0 : i32
        %dma_start3A_641 = tpu.memref_slice %arg7[%dma_start3A_639, %dma_start3A_640] : memref<8x80xi32, #tpu.memory_space<vmem>> -> memref<1x80xi32, #tpu.memory_space<vmem>>
        %dma_start3A_642 = tpu.memref_squeeze %dma_start3A_641 : memref<1x80xi32, #tpu.memory_space<vmem>> -> memref<80xi32, #tpu.memory_space<vmem>>
        %dma_start3A_643 = arith.constant 0 : i32
        %dma_start3A_644 = tpu.memref_slice %arg3[%add3A, %add3A_638, %dma_start3A_643] : memref<32x128x80xi32, #tpu.memory_space<hbm>> -> memref<1x1x80xi32, #tpu.memory_space<hbm>>
        %dma_start3A_645 = tpu.memref_squeeze %dma_start3A_644 : memref<1x1x80xi32, #tpu.memory_space<hbm>> -> memref<80xi32, #tpu.memory_space<hbm>>
        %dma_start3A_646 = arith.constant 0 : i32
        %dma_start3A_647 = tpu.memref_slice %arg7[%dma_start3A_639, %dma_start3A_646] : memref<8x80xi32, #tpu.memory_space<vmem>> -> memref<1x80xi32, #tpu.memory_space<vmem>>
        %dma_start3A_648 = tpu.memref_squeeze %dma_start3A_647 : memref<1x80xi32, #tpu.memory_space<vmem>> -> memref<80xi32, #tpu.memory_space<vmem>>
        %dma_start3A_649 = arith.constant 0 : i32
        %dma_start3A_650 = tpu.memref_slice %arg3[%add3A, %add3A_638, %dma_start3A_649] : memref<32x128x80xi32, #tpu.memory_space<hbm>> -> memref<1x1x80xi32, #tpu.memory_space<hbm>>
        %dma_start3A_651 = tpu.memref_squeeze %dma_start3A_650 : memref<1x1x80xi32, #tpu.memory_space<hbm>> -> memref<80xi32, #tpu.memory_space<hbm>>
        tpu.enqueue_dma source(%dma_start3A_651 : memref<80xi32, #tpu.memory_space<hbm>>) target(%dma_start3A_648 : memref<80xi32, #tpu.memory_space<vmem>>) target_semaphore(%arg16 : memref<!tpu.dma_semaphore, #tpu.memory_space<semaphore_mem>>)
        %dma_start3A_652 = arith.constant 5 : i32
        %dma_start3A_653 = arith.constant 0 : i32
        %dma_start3A_654 = tpu.memref_slice %arg8[%dma_start3A_652, %dma_start3A_653] : memref<8x80xi32, #tpu.memory_space<vmem>> -> memref<1x80xi32, #tpu.memory_space<vmem>>
        %dma_start3A_655 = tpu.memref_squeeze %dma_start3A_654 : memref<1x80xi32, #tpu.memory_space<vmem>> -> memref<80xi32, #tpu.memory_space<vmem>>
        %dma_start3A_656 = arith.constant 0 : i32
        %dma_start3A_657 = tpu.memref_slice %arg4[%add3A, %add3A_638, %dma_start3A_656] : memref<32x128x80xi32, #tpu.memory_space<hbm>> -> memref<1x1x80xi32, #tpu.memory_space<hbm>>
        %dma_start3A_658 = tpu.memref_squeeze %dma_start3A_657 : memref<1x1x80xi32, #tpu.memory_space<hbm>> -> memref<80xi32, #tpu.memory_space<hbm>>
        %dma_start3A_659 = arith.constant 0 : i32
        %dma_start3A_660 = tpu.memref_slice %arg8[%dma_start3A_652, %dma_start3A_659] : memref<8x80xi32, #tpu.memory_space<vmem>> -> memref<1x80xi32, #tpu.memory_space<vmem>>
        %dma_start3A_661 = tpu.memref_squeeze %dma_start3A_660 : memref<1x80xi32, #tpu.memory_space<vmem>> -> memref<80xi32, #tpu.memory_space<vmem>>
        %dma_start3A_662 = arith.constant 0 : i32
        %dma_start3A_663 = tpu.memref_slice %arg4[%add3A, %add3A_638, %dma_start3A_662] : memref<32x128x80xi32, #tpu.memory_space<hbm>> -> memref<1x1x80xi32, #tpu.memory_space<hbm>>
        %dma_start3A_664 = tpu.memref_squeeze %dma_start3A_663 : memref<1x1x80xi32, #tpu.memory_space<hbm>> -> memref<80xi32, #tpu.memory_space<hbm>>
        tpu.enqueue_dma source(%dma_start3A_664 : memref<80xi32, #tpu.memory_space<hbm>>) target(%dma_start3A_661 : memref<80xi32, #tpu.memory_space<vmem>>) target_semaphore(%arg24 : memref<!tpu.dma_semaphore, #tpu.memory_space<semaphore_mem>>)
      } else {
      }
      %mul3A_307 = arith.constant 8 : i32
      %mul3A_308 = arith.muli %scan3A_199, %mul3A_307 : i32
      %add3A_309 = arith.constant 2 : i32
      %add3A_310 = arith.addi %mul3A_308, %add3A_309 : i32
      %dma_wait3A_311 = arith.constant 2 : i32
      %dma_wait3A_312 = arith.constant 2 : i32
      %dma_wait3A_313 = arith.constant 0 : i32
      %dma_wait3A_314 = arith.constant 0 : i32
      %dma_wait3A_315 = tpu.memref_slice %arg9[%dma_wait3A_312, %dma_wait3A_313, %dma_wait3A_314] : memref<4x80x128xf32, #tpu.memory_space<vmem>> -> memref<1x80x128xf32, #tpu.memory_space<vmem>>
      %dma_wait3A_316 = tpu.memref_squeeze %dma_wait3A_315 : memref<1x80x128xf32, #tpu.memory_space<vmem>> -> memref<80x128xf32, #tpu.memory_space<vmem>>
      %dma_wait3A_317 = arith.constant 0 : i32
      %dma_wait3A_318 = tpu.memref_slice %arg7[%dma_wait3A_311, %dma_wait3A_317] : memref<8x80xi32, #tpu.memory_space<vmem>> -> memref<1x80xi32, #tpu.memory_space<vmem>>
      %dma_wait3A_319 = tpu.memref_squeeze %dma_wait3A_318 : memref<1x80xi32, #tpu.memory_space<vmem>> -> memref<80xi32, #tpu.memory_space<vmem>>
      %dma_wait3A_320 = arith.constant 0 : i32
      %dma_wait3A_321 = arith.constant 0 : i32
      %dma_wait3A_322 = tpu.memref_slice %arg2[%dma_wait3A_320, %dma_wait3A_321] : memref<10240x128xf32, #tpu.memory_space<hbm>> -> memref<10240x128xf32, #tpu.memory_space<hbm>>
      tpu.wait_indirect_dma semaphore(%arg29 : memref<!tpu.dma_semaphore, #tpu.memory_space<semaphore_mem>>) src(%dma_wait3A_322 : memref<10240x128xf32, #tpu.memory_space<hbm>>) dst(%dma_wait3A_316 : memref<80x128xf32, #tpu.memory_space<vmem>>)
      %dma_wait3A_323 = arith.constant 2 : i32
      %dma_wait3A_324 = arith.constant 0 : i32
      %dma_wait3A_325 = tpu.memref_slice %arg8[%dma_wait3A_323, %dma_wait3A_324] : memref<8x80xi32, #tpu.memory_space<vmem>> -> memref<1x80xi32, #tpu.memory_space<vmem>>
      %dma_wait3A_326 = tpu.memref_squeeze %dma_wait3A_325 : memref<1x80xi32, #tpu.memory_space<vmem>> -> memref<80xi32, #tpu.memory_space<vmem>>
      %dma_wait3A_327 = arith.constant 0 : i32
      %dma_wait3A_328 = tpu.memref_slice %arg4[%add3A, %add3A_310, %dma_wait3A_327] : memref<32x128x80xi32, #tpu.memory_space<hbm>> -> memref<1x1x80xi32, #tpu.memory_space<hbm>>
      %dma_wait3A_329 = tpu.memref_squeeze %dma_wait3A_328 : memref<1x1x80xi32, #tpu.memory_space<hbm>> -> memref<80xi32, #tpu.memory_space<hbm>>
      %dma_wait3A_330 = arith.constant 0 : i32
      %dma_wait3A_331 = tpu.memref_slice %arg8[%dma_wait3A_323, %dma_wait3A_330] : memref<8x80xi32, #tpu.memory_space<vmem>> -> memref<1x80xi32, #tpu.memory_space<vmem>>
      %dma_wait3A_332 = tpu.memref_squeeze %dma_wait3A_331 : memref<1x80xi32, #tpu.memory_space<vmem>> -> memref<80xi32, #tpu.memory_space<vmem>>
      %dma_wait3A_333 = arith.constant 0 : i32
      %dma_wait3A_334 = tpu.memref_slice %arg4[%add3A, %add3A_310, %dma_wait3A_333] : memref<32x128x80xi32, #tpu.memory_space<hbm>> -> memref<1x1x80xi32, #tpu.memory_space<hbm>>
      %dma_wait3A_335 = tpu.memref_squeeze %dma_wait3A_334 : memref<1x1x80xi32, #tpu.memory_space<hbm>> -> memref<80xi32, #tpu.memory_space<hbm>>
      tpu.wait_dma2 semaphore(%arg21 : memref<!tpu.dma_semaphore, #tpu.memory_space<semaphore_mem>>) src(%dma_wait3A_335 : memref<80xi32, #tpu.memory_space<hbm>>) dst(%dma_wait3A_332 : memref<80xi32, #tpu.memory_space<vmem>>)
      %dma_start3A_336 = arith.constant 2 : i32
      %dma_start3A_337 = arith.constant 2 : i32
      %dma_start3A_338 = arith.constant 0 : i32
      %dma_start3A_339 = arith.constant 0 : i32
      %dma_start3A_340 = tpu.memref_slice %arg9[%dma_start3A_336, %dma_start3A_338, %dma_start3A_339] : memref<4x80x128xf32, #tpu.memory_space<vmem>> -> memref<1x80x128xf32, #tpu.memory_space<vmem>>
      %dma_start3A_341 = tpu.memref_squeeze %dma_start3A_340 : memref<1x80x128xf32, #tpu.memory_space<vmem>> -> memref<80x128xf32, #tpu.memory_space<vmem>>
      %dma_start3A_342 = arith.constant 0 : i32
      %dma_start3A_343 = tpu.memref_slice %arg8[%dma_start3A_337, %dma_start3A_342] : memref<8x80xi32, #tpu.memory_space<vmem>> -> memref<1x80xi32, #tpu.memory_space<vmem>>
      %dma_start3A_344 = tpu.memref_squeeze %dma_start3A_343 : memref<1x80xi32, #tpu.memory_space<vmem>> -> memref<80xi32, #tpu.memory_space<vmem>>
      %dma_start3A_345 = arith.constant 0 : i32
      %dma_start3A_346 = arith.constant 0 : i32
      %dma_start3A_347 = tpu.memref_slice %arg10[%dma_start3A_345, %dma_start3A_346] : memref<10240x128xf32, #tpu.memory_space<vmem_shared>> -> memref<10240x128xf32, #tpu.memory_space<vmem_shared>>
      tpu.enqueue_indirect_dma source(%dma_start3A_341 : memref<80x128xf32, #tpu.memory_space<vmem>>) target(%dma_start3A_347 : memref<10240x128xf32, #tpu.memory_space<vmem_shared>>) offsets(%dma_start3A_344 : memref<80xi32, #tpu.memory_space<vmem>>) semaphore(%arg33 : memref<!tpu.dma_semaphore, #tpu.memory_space<semaphore_mem>>) {add = true}
      %add3A_348 = arith.constant 2 : i32
      %add3A_349 = arith.addi %add3A_310, %add3A_348 : i32
      %lt3A_350 = arith.constant 128 : i32
      %lt3A_351 = arith.cmpi slt, %add3A_349, %lt3A_350 : i32
      %convert_element_type3A_352 = arith.extui %lt3A_351 : i1 to i32
      %cond3A_353 = arith.constant 0 : i32
      %cond3A_354 = arith.cmpi ne, %convert_element_type3A_352, %cond3A_353 : i32
      scf.if %cond3A_354 {
        %ge3A = arith.constant 2 : i32
        %ge3A_637 = arith.cmpi sge, %add3A_310, %ge3A : i32
        %convert_element_type3A_638 = arith.extui %ge3A_637 : i1 to i32
        %cond3A_639 = arith.constant 0 : i32
        %cond3A_640 = arith.cmpi ne, %convert_element_type3A_638, %cond3A_639 : i32
        scf.if %cond3A_640 {
          %dma_wait3A_668 = arith.constant 0 : i32
          %dma_wait3A_669 = arith.constant 0 : i32
          %dma_wait3A_670 = arith.constant 0 : i32
          %dma_wait3A_671 = arith.constant 0 : i32
          %dma_wait3A_672 = tpu.memref_slice %arg9[%dma_wait3A_668, %dma_wait3A_670, %dma_wait3A_671] : memref<4x80x128xf32, #tpu.memory_space<vmem>> -> memref<1x80x128xf32, #tpu.memory_space<vmem>>
          %dma_wait3A_673 = tpu.memref_squeeze %dma_wait3A_672 : memref<1x80x128xf32, #tpu.memory_space<vmem>> -> memref<80x128xf32, #tpu.memory_space<vmem>>
          %dma_wait3A_674 = arith.constant 0 : i32
          %dma_wait3A_675 = tpu.memref_slice %arg8[%dma_wait3A_669, %dma_wait3A_674] : memref<8x80xi32, #tpu.memory_space<vmem>> -> memref<1x80xi32, #tpu.memory_space<vmem>>
          %dma_wait3A_676 = tpu.memref_squeeze %dma_wait3A_675 : memref<1x80xi32, #tpu.memory_space<vmem>> -> memref<80xi32, #tpu.memory_space<vmem>>
          %dma_wait3A_677 = arith.constant 0 : i32
          %dma_wait3A_678 = arith.constant 0 : i32
          %dma_wait3A_679 = tpu.memref_slice %arg10[%dma_wait3A_677, %dma_wait3A_678] : memref<10240x128xf32, #tpu.memory_space<vmem_shared>> -> memref<10240x128xf32, #tpu.memory_space<vmem_shared>>
          tpu.wait_indirect_dma semaphore(%arg31 : memref<!tpu.dma_semaphore, #tpu.memory_space<semaphore_mem>>) src(%dma_wait3A_673 : memref<80x128xf32, #tpu.memory_space<vmem>>) dst(%dma_wait3A_679 : memref<10240x128xf32, #tpu.memory_space<vmem_shared>>)
        } else {
        }
        %add3A_641 = arith.constant 2 : i32
        %add3A_642 = arith.addi %add3A_310, %add3A_641 : i32
        %dma_wait3A_643 = arith.constant 4 : i32
        %dma_wait3A_644 = arith.constant 0 : i32
        %dma_wait3A_645 = tpu.memref_slice %arg7[%dma_wait3A_643, %dma_wait3A_644] : memref<8x80xi32, #tpu.memory_space<vmem>> -> memref<1x80xi32, #tpu.memory_space<vmem>>
        %dma_wait3A_646 = tpu.memref_squeeze %dma_wait3A_645 : memref<1x80xi32, #tpu.memory_space<vmem>> -> memref<80xi32, #tpu.memory_space<vmem>>
        %dma_wait3A_647 = arith.constant 0 : i32
        %dma_wait3A_648 = tpu.memref_slice %arg3[%add3A, %add3A_642, %dma_wait3A_647] : memref<32x128x80xi32, #tpu.memory_space<hbm>> -> memref<1x1x80xi32, #tpu.memory_space<hbm>>
        %dma_wait3A_649 = tpu.memref_squeeze %dma_wait3A_648 : memref<1x1x80xi32, #tpu.memory_space<hbm>> -> memref<80xi32, #tpu.memory_space<hbm>>
        %dma_wait3A_650 = arith.constant 0 : i32
        %dma_wait3A_651 = tpu.memref_slice %arg7[%dma_wait3A_643, %dma_wait3A_650] : memref<8x80xi32, #tpu.memory_space<vmem>> -> memref<1x80xi32, #tpu.memory_space<vmem>>
        %dma_wait3A_652 = tpu.memref_squeeze %dma_wait3A_651 : memref<1x80xi32, #tpu.memory_space<vmem>> -> memref<80xi32, #tpu.memory_space<vmem>>
        %dma_wait3A_653 = arith.constant 0 : i32
        %dma_wait3A_654 = tpu.memref_slice %arg3[%add3A, %add3A_642, %dma_wait3A_653] : memref<32x128x80xi32, #tpu.memory_space<hbm>> -> memref<1x1x80xi32, #tpu.memory_space<hbm>>
        %dma_wait3A_655 = tpu.memref_squeeze %dma_wait3A_654 : memref<1x1x80xi32, #tpu.memory_space<hbm>> -> memref<80xi32, #tpu.memory_space<hbm>>
        tpu.wait_dma2 semaphore(%arg15 : memref<!tpu.dma_semaphore, #tpu.memory_space<semaphore_mem>>) src(%dma_wait3A_655 : memref<80xi32, #tpu.memory_space<hbm>>) dst(%dma_wait3A_652 : memref<80xi32, #tpu.memory_space<vmem>>)
        %dma_start3A_656 = arith.constant 4 : i32
        %dma_start3A_657 = arith.constant 0 : i32
        %dma_start3A_658 = arith.constant 0 : i32
        %dma_start3A_659 = arith.constant 0 : i32
        %dma_start3A_660 = tpu.memref_slice %arg9[%dma_start3A_657, %dma_start3A_658, %dma_start3A_659] : memref<4x80x128xf32, #tpu.memory_space<vmem>> -> memref<1x80x128xf32, #tpu.memory_space<vmem>>
        %dma_start3A_661 = tpu.memref_squeeze %dma_start3A_660 : memref<1x80x128xf32, #tpu.memory_space<vmem>> -> memref<80x128xf32, #tpu.memory_space<vmem>>
        %dma_start3A_662 = arith.constant 0 : i32
        %dma_start3A_663 = tpu.memref_slice %arg7[%dma_start3A_656, %dma_start3A_662] : memref<8x80xi32, #tpu.memory_space<vmem>> -> memref<1x80xi32, #tpu.memory_space<vmem>>
        %dma_start3A_664 = tpu.memref_squeeze %dma_start3A_663 : memref<1x80xi32, #tpu.memory_space<vmem>> -> memref<80xi32, #tpu.memory_space<vmem>>
        %dma_start3A_665 = arith.constant 0 : i32
        %dma_start3A_666 = arith.constant 0 : i32
        %dma_start3A_667 = tpu.memref_slice %arg2[%dma_start3A_665, %dma_start3A_666] : memref<10240x128xf32, #tpu.memory_space<hbm>> -> memref<10240x128xf32, #tpu.memory_space<hbm>>
        tpu.enqueue_indirect_dma source(%dma_start3A_667 : memref<10240x128xf32, #tpu.memory_space<hbm>>) target(%dma_start3A_661 : memref<80x128xf32, #tpu.memory_space<vmem>>) offsets(%dma_start3A_664 : memref<80xi32, #tpu.memory_space<vmem>>) semaphore(%arg27 : memref<!tpu.dma_semaphore, #tpu.memory_space<semaphore_mem>>)
      } else {
      }
      %add3A_355 = arith.constant 4 : i32
      %add3A_356 = arith.addi %add3A_310, %add3A_355 : i32
      %lt3A_357 = arith.constant 128 : i32
      %lt3A_358 = arith.cmpi slt, %add3A_356, %lt3A_357 : i32
      %convert_element_type3A_359 = arith.extui %lt3A_358 : i1 to i32
      %cond3A_360 = arith.constant 0 : i32
      %cond3A_361 = arith.cmpi ne, %convert_element_type3A_359, %cond3A_360 : i32
      scf.if %cond3A_361 {
        %add3A_637 = arith.constant 4 : i32
        %add3A_638 = arith.addi %add3A_310, %add3A_637 : i32
        %dma_start3A_639 = arith.constant 6 : i32
        %dma_start3A_640 = arith.constant 0 : i32
        %dma_start3A_641 = tpu.memref_slice %arg7[%dma_start3A_639, %dma_start3A_640] : memref<8x80xi32, #tpu.memory_space<vmem>> -> memref<1x80xi32, #tpu.memory_space<vmem>>
        %dma_start3A_642 = tpu.memref_squeeze %dma_start3A_641 : memref<1x80xi32, #tpu.memory_space<vmem>> -> memref<80xi32, #tpu.memory_space<vmem>>
        %dma_start3A_643 = arith.constant 0 : i32
        %dma_start3A_644 = tpu.memref_slice %arg3[%add3A, %add3A_638, %dma_start3A_643] : memref<32x128x80xi32, #tpu.memory_space<hbm>> -> memref<1x1x80xi32, #tpu.memory_space<hbm>>
        %dma_start3A_645 = tpu.memref_squeeze %dma_start3A_644 : memref<1x1x80xi32, #tpu.memory_space<hbm>> -> memref<80xi32, #tpu.memory_space<hbm>>
        %dma_start3A_646 = arith.constant 0 : i32
        %dma_start3A_647 = tpu.memref_slice %arg7[%dma_start3A_639, %dma_start3A_646] : memref<8x80xi32, #tpu.memory_space<vmem>> -> memref<1x80xi32, #tpu.memory_space<vmem>>
        %dma_start3A_648 = tpu.memref_squeeze %dma_start3A_647 : memref<1x80xi32, #tpu.memory_space<vmem>> -> memref<80xi32, #tpu.memory_space<vmem>>
        %dma_start3A_649 = arith.constant 0 : i32
        %dma_start3A_650 = tpu.memref_slice %arg3[%add3A, %add3A_638, %dma_start3A_649] : memref<32x128x80xi32, #tpu.memory_space<hbm>> -> memref<1x1x80xi32, #tpu.memory_space<hbm>>
        %dma_start3A_651 = tpu.memref_squeeze %dma_start3A_650 : memref<1x1x80xi32, #tpu.memory_space<hbm>> -> memref<80xi32, #tpu.memory_space<hbm>>
        tpu.enqueue_dma source(%dma_start3A_651 : memref<80xi32, #tpu.memory_space<hbm>>) target(%dma_start3A_648 : memref<80xi32, #tpu.memory_space<vmem>>) target_semaphore(%arg17 : memref<!tpu.dma_semaphore, #tpu.memory_space<semaphore_mem>>)
        %dma_start3A_652 = arith.constant 6 : i32
        %dma_start3A_653 = arith.constant 0 : i32
        %dma_start3A_654 = tpu.memref_slice %arg8[%dma_start3A_652, %dma_start3A_653] : memref<8x80xi32, #tpu.memory_space<vmem>> -> memref<1x80xi32, #tpu.memory_space<vmem>>
        %dma_start3A_655 = tpu.memref_squeeze %dma_start3A_654 : memref<1x80xi32, #tpu.memory_space<vmem>> -> memref<80xi32, #tpu.memory_space<vmem>>
        %dma_start3A_656 = arith.constant 0 : i32
        %dma_start3A_657 = tpu.memref_slice %arg4[%add3A, %add3A_638, %dma_start3A_656] : memref<32x128x80xi32, #tpu.memory_space<hbm>> -> memref<1x1x80xi32, #tpu.memory_space<hbm>>
        %dma_start3A_658 = tpu.memref_squeeze %dma_start3A_657 : memref<1x1x80xi32, #tpu.memory_space<hbm>> -> memref<80xi32, #tpu.memory_space<hbm>>
        %dma_start3A_659 = arith.constant 0 : i32
        %dma_start3A_660 = tpu.memref_slice %arg8[%dma_start3A_652, %dma_start3A_659] : memref<8x80xi32, #tpu.memory_space<vmem>> -> memref<1x80xi32, #tpu.memory_space<vmem>>
        %dma_start3A_661 = tpu.memref_squeeze %dma_start3A_660 : memref<1x80xi32, #tpu.memory_space<vmem>> -> memref<80xi32, #tpu.memory_space<vmem>>
        %dma_start3A_662 = arith.constant 0 : i32
        %dma_start3A_663 = tpu.memref_slice %arg4[%add3A, %add3A_638, %dma_start3A_662] : memref<32x128x80xi32, #tpu.memory_space<hbm>> -> memref<1x1x80xi32, #tpu.memory_space<hbm>>
        %dma_start3A_664 = tpu.memref_squeeze %dma_start3A_663 : memref<1x1x80xi32, #tpu.memory_space<hbm>> -> memref<80xi32, #tpu.memory_space<hbm>>
        tpu.enqueue_dma source(%dma_start3A_664 : memref<80xi32, #tpu.memory_space<hbm>>) target(%dma_start3A_661 : memref<80xi32, #tpu.memory_space<vmem>>) target_semaphore(%arg25 : memref<!tpu.dma_semaphore, #tpu.memory_space<semaphore_mem>>)
      } else {
      }
      %mul3A_362 = arith.constant 8 : i32
      %mul3A_363 = arith.muli %scan3A_199, %mul3A_362 : i32
      %add3A_364 = arith.constant 3 : i32
      %add3A_365 = arith.addi %mul3A_363, %add3A_364 : i32
      %dma_wait3A_366 = arith.constant 3 : i32
      %dma_wait3A_367 = arith.constant 3 : i32
      %dma_wait3A_368 = arith.constant 0 : i32
      %dma_wait3A_369 = arith.constant 0 : i32
      %dma_wait3A_370 = tpu.memref_slice %arg9[%dma_wait3A_367, %dma_wait3A_368, %dma_wait3A_369] : memref<4x80x128xf32, #tpu.memory_space<vmem>> -> memref<1x80x128xf32, #tpu.memory_space<vmem>>
      %dma_wait3A_371 = tpu.memref_squeeze %dma_wait3A_370 : memref<1x80x128xf32, #tpu.memory_space<vmem>> -> memref<80x128xf32, #tpu.memory_space<vmem>>
      %dma_wait3A_372 = arith.constant 0 : i32
      %dma_wait3A_373 = tpu.memref_slice %arg7[%dma_wait3A_366, %dma_wait3A_372] : memref<8x80xi32, #tpu.memory_space<vmem>> -> memref<1x80xi32, #tpu.memory_space<vmem>>
      %dma_wait3A_374 = tpu.memref_squeeze %dma_wait3A_373 : memref<1x80xi32, #tpu.memory_space<vmem>> -> memref<80xi32, #tpu.memory_space<vmem>>
      %dma_wait3A_375 = arith.constant 0 : i32
      %dma_wait3A_376 = arith.constant 0 : i32
      %dma_wait3A_377 = tpu.memref_slice %arg2[%dma_wait3A_375, %dma_wait3A_376] : memref<10240x128xf32, #tpu.memory_space<hbm>> -> memref<10240x128xf32, #tpu.memory_space<hbm>>
      tpu.wait_indirect_dma semaphore(%arg30 : memref<!tpu.dma_semaphore, #tpu.memory_space<semaphore_mem>>) src(%dma_wait3A_377 : memref<10240x128xf32, #tpu.memory_space<hbm>>) dst(%dma_wait3A_371 : memref<80x128xf32, #tpu.memory_space<vmem>>)
      %dma_wait3A_378 = arith.constant 3 : i32
      %dma_wait3A_379 = arith.constant 0 : i32
      %dma_wait3A_380 = tpu.memref_slice %arg8[%dma_wait3A_378, %dma_wait3A_379] : memref<8x80xi32, #tpu.memory_space<vmem>> -> memref<1x80xi32, #tpu.memory_space<vmem>>
      %dma_wait3A_381 = tpu.memref_squeeze %dma_wait3A_380 : memref<1x80xi32, #tpu.memory_space<vmem>> -> memref<80xi32, #tpu.memory_space<vmem>>
      %dma_wait3A_382 = arith.constant 0 : i32
      %dma_wait3A_383 = tpu.memref_slice %arg4[%add3A, %add3A_365, %dma_wait3A_382] : memref<32x128x80xi32, #tpu.memory_space<hbm>> -> memref<1x1x80xi32, #tpu.memory_space<hbm>>
      %dma_wait3A_384 = tpu.memref_squeeze %dma_wait3A_383 : memref<1x1x80xi32, #tpu.memory_space<hbm>> -> memref<80xi32, #tpu.memory_space<hbm>>
      %dma_wait3A_385 = arith.constant 0 : i32
      %dma_wait3A_386 = tpu.memref_slice %arg8[%dma_wait3A_378, %dma_wait3A_385] : memref<8x80xi32, #tpu.memory_space<vmem>> -> memref<1x80xi32, #tpu.memory_space<vmem>>
      %dma_wait3A_387 = tpu.memref_squeeze %dma_wait3A_386 : memref<1x80xi32, #tpu.memory_space<vmem>> -> memref<80xi32, #tpu.memory_space<vmem>>
      %dma_wait3A_388 = arith.constant 0 : i32
      %dma_wait3A_389 = tpu.memref_slice %arg4[%add3A, %add3A_365, %dma_wait3A_388] : memref<32x128x80xi32, #tpu.memory_space<hbm>> -> memref<1x1x80xi32, #tpu.memory_space<hbm>>
      %dma_wait3A_390 = tpu.memref_squeeze %dma_wait3A_389 : memref<1x1x80xi32, #tpu.memory_space<hbm>> -> memref<80xi32, #tpu.memory_space<hbm>>
      tpu.wait_dma2 semaphore(%arg22 : memref<!tpu.dma_semaphore, #tpu.memory_space<semaphore_mem>>) src(%dma_wait3A_390 : memref<80xi32, #tpu.memory_space<hbm>>) dst(%dma_wait3A_387 : memref<80xi32, #tpu.memory_space<vmem>>)
      %dma_start3A_391 = arith.constant 3 : i32
      %dma_start3A_392 = arith.constant 3 : i32
      %dma_start3A_393 = arith.constant 0 : i32
      %dma_start3A_394 = arith.constant 0 : i32
      %dma_start3A_395 = tpu.memref_slice %arg9[%dma_start3A_391, %dma_start3A_393, %dma_start3A_394] : memref<4x80x128xf32, #tpu.memory_space<vmem>> -> memref<1x80x128xf32, #tpu.memory_space<vmem>>
      %dma_start3A_396 = tpu.memref_squeeze %dma_start3A_395 : memref<1x80x128xf32, #tpu.memory_space<vmem>> -> memref<80x128xf32, #tpu.memory_space<vmem>>
      %dma_start3A_397 = arith.constant 0 : i32
      %dma_start3A_398 = tpu.memref_slice %arg8[%dma_start3A_392, %dma_start3A_397] : memref<8x80xi32, #tpu.memory_space<vmem>> -> memref<1x80xi32, #tpu.memory_space<vmem>>
      %dma_start3A_399 = tpu.memref_squeeze %dma_start3A_398 : memref<1x80xi32, #tpu.memory_space<vmem>> -> memref<80xi32, #tpu.memory_space<vmem>>
      %dma_start3A_400 = arith.constant 0 : i32
      %dma_start3A_401 = arith.constant 0 : i32
      %dma_start3A_402 = tpu.memref_slice %arg10[%dma_start3A_400, %dma_start3A_401] : memref<10240x128xf32, #tpu.memory_space<vmem_shared>> -> memref<10240x128xf32, #tpu.memory_space<vmem_shared>>
      tpu.enqueue_indirect_dma source(%dma_start3A_396 : memref<80x128xf32, #tpu.memory_space<vmem>>) target(%dma_start3A_402 : memref<10240x128xf32, #tpu.memory_space<vmem_shared>>) offsets(%dma_start3A_399 : memref<80xi32, #tpu.memory_space<vmem>>) semaphore(%arg34 : memref<!tpu.dma_semaphore, #tpu.memory_space<semaphore_mem>>) {add = true}
      %add3A_403 = arith.constant 2 : i32
      %add3A_404 = arith.addi %add3A_365, %add3A_403 : i32
      %lt3A_405 = arith.constant 128 : i32
      %lt3A_406 = arith.cmpi slt, %add3A_404, %lt3A_405 : i32
      %convert_element_type3A_407 = arith.extui %lt3A_406 : i1 to i32
      %cond3A_408 = arith.constant 0 : i32
      %cond3A_409 = arith.cmpi ne, %convert_element_type3A_407, %cond3A_408 : i32
      scf.if %cond3A_409 {
        %ge3A = arith.constant 2 : i32
        %ge3A_637 = arith.cmpi sge, %add3A_365, %ge3A : i32
        %convert_element_type3A_638 = arith.extui %ge3A_637 : i1 to i32
        %cond3A_639 = arith.constant 0 : i32
        %cond3A_640 = arith.cmpi ne, %convert_element_type3A_638, %cond3A_639 : i32
        scf.if %cond3A_640 {
          %dma_wait3A_668 = arith.constant 1 : i32
          %dma_wait3A_669 = arith.constant 1 : i32
          %dma_wait3A_670 = arith.constant 0 : i32
          %dma_wait3A_671 = arith.constant 0 : i32
          %dma_wait3A_672 = tpu.memref_slice %arg9[%dma_wait3A_668, %dma_wait3A_670, %dma_wait3A_671] : memref<4x80x128xf32, #tpu.memory_space<vmem>> -> memref<1x80x128xf32, #tpu.memory_space<vmem>>
          %dma_wait3A_673 = tpu.memref_squeeze %dma_wait3A_672 : memref<1x80x128xf32, #tpu.memory_space<vmem>> -> memref<80x128xf32, #tpu.memory_space<vmem>>
          %dma_wait3A_674 = arith.constant 0 : i32
          %dma_wait3A_675 = tpu.memref_slice %arg8[%dma_wait3A_669, %dma_wait3A_674] : memref<8x80xi32, #tpu.memory_space<vmem>> -> memref<1x80xi32, #tpu.memory_space<vmem>>
          %dma_wait3A_676 = tpu.memref_squeeze %dma_wait3A_675 : memref<1x80xi32, #tpu.memory_space<vmem>> -> memref<80xi32, #tpu.memory_space<vmem>>
          %dma_wait3A_677 = arith.constant 0 : i32
          %dma_wait3A_678 = arith.constant 0 : i32
          %dma_wait3A_679 = tpu.memref_slice %arg10[%dma_wait3A_677, %dma_wait3A_678] : memref<10240x128xf32, #tpu.memory_space<vmem_shared>> -> memref<10240x128xf32, #tpu.memory_space<vmem_shared>>
          tpu.wait_indirect_dma semaphore(%arg32 : memref<!tpu.dma_semaphore, #tpu.memory_space<semaphore_mem>>) src(%dma_wait3A_673 : memref<80x128xf32, #tpu.memory_space<vmem>>) dst(%dma_wait3A_679 : memref<10240x128xf32, #tpu.memory_space<vmem_shared>>)
        } else {
        }
        %add3A_641 = arith.constant 2 : i32
        %add3A_642 = arith.addi %add3A_365, %add3A_641 : i32
        %dma_wait3A_643 = arith.constant 5 : i32
        %dma_wait3A_644 = arith.constant 0 : i32
        %dma_wait3A_645 = tpu.memref_slice %arg7[%dma_wait3A_643, %dma_wait3A_644] : memref<8x80xi32, #tpu.memory_space<vmem>> -> memref<1x80xi32, #tpu.memory_space<vmem>>
        %dma_wait3A_646 = tpu.memref_squeeze %dma_wait3A_645 : memref<1x80xi32, #tpu.memory_space<vmem>> -> memref<80xi32, #tpu.memory_space<vmem>>
        %dma_wait3A_647 = arith.constant 0 : i32
        %dma_wait3A_648 = tpu.memref_slice %arg3[%add3A, %add3A_642, %dma_wait3A_647] : memref<32x128x80xi32, #tpu.memory_space<hbm>> -> memref<1x1x80xi32, #tpu.memory_space<hbm>>
        %dma_wait3A_649 = tpu.memref_squeeze %dma_wait3A_648 : memref<1x1x80xi32, #tpu.memory_space<hbm>> -> memref<80xi32, #tpu.memory_space<hbm>>
        %dma_wait3A_650 = arith.constant 0 : i32
        %dma_wait3A_651 = tpu.memref_slice %arg7[%dma_wait3A_643, %dma_wait3A_650] : memref<8x80xi32, #tpu.memory_space<vmem>> -> memref<1x80xi32, #tpu.memory_space<vmem>>
        %dma_wait3A_652 = tpu.memref_squeeze %dma_wait3A_651 : memref<1x80xi32, #tpu.memory_space<vmem>> -> memref<80xi32, #tpu.memory_space<vmem>>
        %dma_wait3A_653 = arith.constant 0 : i32
        %dma_wait3A_654 = tpu.memref_slice %arg3[%add3A, %add3A_642, %dma_wait3A_653] : memref<32x128x80xi32, #tpu.memory_space<hbm>> -> memref<1x1x80xi32, #tpu.memory_space<hbm>>
        %dma_wait3A_655 = tpu.memref_squeeze %dma_wait3A_654 : memref<1x1x80xi32, #tpu.memory_space<hbm>> -> memref<80xi32, #tpu.memory_space<hbm>>
        tpu.wait_dma2 semaphore(%arg16 : memref<!tpu.dma_semaphore, #tpu.memory_space<semaphore_mem>>) src(%dma_wait3A_655 : memref<80xi32, #tpu.memory_space<hbm>>) dst(%dma_wait3A_652 : memref<80xi32, #tpu.memory_space<vmem>>)
        %dma_start3A_656 = arith.constant 5 : i32
        %dma_start3A_657 = arith.constant 1 : i32
        %dma_start3A_658 = arith.constant 0 : i32
        %dma_start3A_659 = arith.constant 0 : i32
        %dma_start3A_660 = tpu.memref_slice %arg9[%dma_start3A_657, %dma_start3A_658, %dma_start3A_659] : memref<4x80x128xf32, #tpu.memory_space<vmem>> -> memref<1x80x128xf32, #tpu.memory_space<vmem>>
        %dma_start3A_661 = tpu.memref_squeeze %dma_start3A_660 : memref<1x80x128xf32, #tpu.memory_space<vmem>> -> memref<80x128xf32, #tpu.memory_space<vmem>>
        %dma_start3A_662 = arith.constant 0 : i32
        %dma_start3A_663 = tpu.memref_slice %arg7[%dma_start3A_656, %dma_start3A_662] : memref<8x80xi32, #tpu.memory_space<vmem>> -> memref<1x80xi32, #tpu.memory_space<vmem>>
        %dma_start3A_664 = tpu.memref_squeeze %dma_start3A_663 : memref<1x80xi32, #tpu.memory_space<vmem>> -> memref<80xi32, #tpu.memory_space<vmem>>
        %dma_start3A_665 = arith.constant 0 : i32
        %dma_start3A_666 = arith.constant 0 : i32
        %dma_start3A_667 = tpu.memref_slice %arg2[%dma_start3A_665, %dma_start3A_666] : memref<10240x128xf32, #tpu.memory_space<hbm>> -> memref<10240x128xf32, #tpu.memory_space<hbm>>
        tpu.enqueue_indirect_dma source(%dma_start3A_667 : memref<10240x128xf32, #tpu.memory_space<hbm>>) target(%dma_start3A_661 : memref<80x128xf32, #tpu.memory_space<vmem>>) offsets(%dma_start3A_664 : memref<80xi32, #tpu.memory_space<vmem>>) semaphore(%arg28 : memref<!tpu.dma_semaphore, #tpu.memory_space<semaphore_mem>>)
      } else {
      }
      %add3A_410 = arith.constant 4 : i32
      %add3A_411 = arith.addi %add3A_365, %add3A_410 : i32
      %lt3A_412 = arith.constant 128 : i32
      %lt3A_413 = arith.cmpi slt, %add3A_411, %lt3A_412 : i32
      %convert_element_type3A_414 = arith.extui %lt3A_413 : i1 to i32
      %cond3A_415 = arith.constant 0 : i32
      %cond3A_416 = arith.cmpi ne, %convert_element_type3A_414, %cond3A_415 : i32
      scf.if %cond3A_416 {
        %add3A_637 = arith.constant 4 : i32
        %add3A_638 = arith.addi %add3A_365, %add3A_637 : i32
        %dma_start3A_639 = arith.constant 7 : i32
        %dma_start3A_640 = arith.constant 0 : i32
        %dma_start3A_641 = tpu.memref_slice %arg7[%dma_start3A_639, %dma_start3A_640] : memref<8x80xi32, #tpu.memory_space<vmem>> -> memref<1x80xi32, #tpu.memory_space<vmem>>
        %dma_start3A_642 = tpu.memref_squeeze %dma_start3A_641 : memref<1x80xi32, #tpu.memory_space<vmem>> -> memref<80xi32, #tpu.memory_space<vmem>>
        %dma_start3A_643 = arith.constant 0 : i32
        %dma_start3A_644 = tpu.memref_slice %arg3[%add3A, %add3A_638, %dma_start3A_643] : memref<32x128x80xi32, #tpu.memory_space<hbm>> -> memref<1x1x80xi32, #tpu.memory_space<hbm>>
        %dma_start3A_645 = tpu.memref_squeeze %dma_start3A_644 : memref<1x1x80xi32, #tpu.memory_space<hbm>> -> memref<80xi32, #tpu.memory_space<hbm>>
        %dma_start3A_646 = arith.constant 0 : i32
        %dma_start3A_647 = tpu.memref_slice %arg7[%dma_start3A_639, %dma_start3A_646] : memref<8x80xi32, #tpu.memory_space<vmem>> -> memref<1x80xi32, #tpu.memory_space<vmem>>
        %dma_start3A_648 = tpu.memref_squeeze %dma_start3A_647 : memref<1x80xi32, #tpu.memory_space<vmem>> -> memref<80xi32, #tpu.memory_space<vmem>>
        %dma_start3A_649 = arith.constant 0 : i32
        %dma_start3A_650 = tpu.memref_slice %arg3[%add3A, %add3A_638, %dma_start3A_649] : memref<32x128x80xi32, #tpu.memory_space<hbm>> -> memref<1x1x80xi32, #tpu.memory_space<hbm>>
        %dma_start3A_651 = tpu.memref_squeeze %dma_start3A_650 : memref<1x1x80xi32, #tpu.memory_space<hbm>> -> memref<80xi32, #tpu.memory_space<hbm>>
        tpu.enqueue_dma source(%dma_start3A_651 : memref<80xi32, #tpu.memory_space<hbm>>) target(%dma_start3A_648 : memref<80xi32, #tpu.memory_space<vmem>>) target_semaphore(%arg18 : memref<!tpu.dma_semaphore, #tpu.memory_space<semaphore_mem>>)
        %dma_start3A_652 = arith.constant 7 : i32
        %dma_start3A_653 = arith.constant 0 : i32
        %dma_start3A_654 = tpu.memref_slice %arg8[%dma_start3A_652, %dma_start3A_653] : memref<8x80xi32, #tpu.memory_space<vmem>> -> memref<1x80xi32, #tpu.memory_space<vmem>>
        %dma_start3A_655 = tpu.memref_squeeze %dma_start3A_654 : memref<1x80xi32, #tpu.memory_space<vmem>> -> memref<80xi32, #tpu.memory_space<vmem>>
        %dma_start3A_656 = arith.constant 0 : i32
        %dma_start3A_657 = tpu.memref_slice %arg4[%add3A, %add3A_638, %dma_start3A_656] : memref<32x128x80xi32, #tpu.memory_space<hbm>> -> memref<1x1x80xi32, #tpu.memory_space<hbm>>
        %dma_start3A_658 = tpu.memref_squeeze %dma_start3A_657 : memref<1x1x80xi32, #tpu.memory_space<hbm>> -> memref<80xi32, #tpu.memory_space<hbm>>
        %dma_start3A_659 = arith.constant 0 : i32
        %dma_start3A_660 = tpu.memref_slice %arg8[%dma_start3A_652, %dma_start3A_659] : memref<8x80xi32, #tpu.memory_space<vmem>> -> memref<1x80xi32, #tpu.memory_space<vmem>>
        %dma_start3A_661 = tpu.memref_squeeze %dma_start3A_660 : memref<1x80xi32, #tpu.memory_space<vmem>> -> memref<80xi32, #tpu.memory_space<vmem>>
        %dma_start3A_662 = arith.constant 0 : i32
        %dma_start3A_663 = tpu.memref_slice %arg4[%add3A, %add3A_638, %dma_start3A_662] : memref<32x128x80xi32, #tpu.memory_space<hbm>> -> memref<1x1x80xi32, #tpu.memory_space<hbm>>
        %dma_start3A_664 = tpu.memref_squeeze %dma_start3A_663 : memref<1x1x80xi32, #tpu.memory_space<hbm>> -> memref<80xi32, #tpu.memory_space<hbm>>
        tpu.enqueue_dma source(%dma_start3A_664 : memref<80xi32, #tpu.memory_space<hbm>>) target(%dma_start3A_661 : memref<80xi32, #tpu.memory_space<vmem>>) target_semaphore(%arg26 : memref<!tpu.dma_semaphore, #tpu.memory_space<semaphore_mem>>)
      } else {
      }
      %mul3A_417 = arith.constant 8 : i32
      %mul3A_418 = arith.muli %scan3A_199, %mul3A_417 : i32
      %add3A_419 = arith.constant 4 : i32
      %add3A_420 = arith.addi %mul3A_418, %add3A_419 : i32
      %dma_wait3A_421 = arith.constant 4 : i32
      %dma_wait3A_422 = arith.constant 0 : i32
      %dma_wait3A_423 = arith.constant 0 : i32
      %dma_wait3A_424 = arith.constant 0 : i32
      %dma_wait3A_425 = tpu.memref_slice %arg9[%dma_wait3A_422, %dma_wait3A_423, %dma_wait3A_424] : memref<4x80x128xf32, #tpu.memory_space<vmem>> -> memref<1x80x128xf32, #tpu.memory_space<vmem>>
      %dma_wait3A_426 = tpu.memref_squeeze %dma_wait3A_425 : memref<1x80x128xf32, #tpu.memory_space<vmem>> -> memref<80x128xf32, #tpu.memory_space<vmem>>
      %dma_wait3A_427 = arith.constant 0 : i32
      %dma_wait3A_428 = tpu.memref_slice %arg7[%dma_wait3A_421, %dma_wait3A_427] : memref<8x80xi32, #tpu.memory_space<vmem>> -> memref<1x80xi32, #tpu.memory_space<vmem>>
      %dma_wait3A_429 = tpu.memref_squeeze %dma_wait3A_428 : memref<1x80xi32, #tpu.memory_space<vmem>> -> memref<80xi32, #tpu.memory_space<vmem>>
      %dma_wait3A_430 = arith.constant 0 : i32
      %dma_wait3A_431 = arith.constant 0 : i32
      %dma_wait3A_432 = tpu.memref_slice %arg2[%dma_wait3A_430, %dma_wait3A_431] : memref<10240x128xf32, #tpu.memory_space<hbm>> -> memref<10240x128xf32, #tpu.memory_space<hbm>>
      tpu.wait_indirect_dma semaphore(%arg27 : memref<!tpu.dma_semaphore, #tpu.memory_space<semaphore_mem>>) src(%dma_wait3A_432 : memref<10240x128xf32, #tpu.memory_space<hbm>>) dst(%dma_wait3A_426 : memref<80x128xf32, #tpu.memory_space<vmem>>)
      %dma_wait3A_433 = arith.constant 4 : i32
      %dma_wait3A_434 = arith.constant 0 : i32
      %dma_wait3A_435 = tpu.memref_slice %arg8[%dma_wait3A_433, %dma_wait3A_434] : memref<8x80xi32, #tpu.memory_space<vmem>> -> memref<1x80xi32, #tpu.memory_space<vmem>>
      %dma_wait3A_436 = tpu.memref_squeeze %dma_wait3A_435 : memref<1x80xi32, #tpu.memory_space<vmem>> -> memref<80xi32, #tpu.memory_space<vmem>>
      %dma_wait3A_437 = arith.constant 0 : i32
      %dma_wait3A_438 = tpu.memref_slice %arg4[%add3A, %add3A_420, %dma_wait3A_437] : memref<32x128x80xi32, #tpu.memory_space<hbm>> -> memref<1x1x80xi32, #tpu.memory_space<hbm>>
      %dma_wait3A_439 = tpu.memref_squeeze %dma_wait3A_438 : memref<1x1x80xi32, #tpu.memory_space<hbm>> -> memref<80xi32, #tpu.memory_space<hbm>>
      %dma_wait3A_440 = arith.constant 0 : i32
      %dma_wait3A_441 = tpu.memref_slice %arg8[%dma_wait3A_433, %dma_wait3A_440] : memref<8x80xi32, #tpu.memory_space<vmem>> -> memref<1x80xi32, #tpu.memory_space<vmem>>
      %dma_wait3A_442 = tpu.memref_squeeze %dma_wait3A_441 : memref<1x80xi32, #tpu.memory_space<vmem>> -> memref<80xi32, #tpu.memory_space<vmem>>
      %dma_wait3A_443 = arith.constant 0 : i32
      %dma_wait3A_444 = tpu.memref_slice %arg4[%add3A, %add3A_420, %dma_wait3A_443] : memref<32x128x80xi32, #tpu.memory_space<hbm>> -> memref<1x1x80xi32, #tpu.memory_space<hbm>>
      %dma_wait3A_445 = tpu.memref_squeeze %dma_wait3A_444 : memref<1x1x80xi32, #tpu.memory_space<hbm>> -> memref<80xi32, #tpu.memory_space<hbm>>
      tpu.wait_dma2 semaphore(%arg23 : memref<!tpu.dma_semaphore, #tpu.memory_space<semaphore_mem>>) src(%dma_wait3A_445 : memref<80xi32, #tpu.memory_space<hbm>>) dst(%dma_wait3A_442 : memref<80xi32, #tpu.memory_space<vmem>>)
      %dma_start3A_446 = arith.constant 0 : i32
      %dma_start3A_447 = arith.constant 4 : i32
      %dma_start3A_448 = arith.constant 0 : i32
      %dma_start3A_449 = arith.constant 0 : i32
      %dma_start3A_450 = tpu.memref_slice %arg9[%dma_start3A_446, %dma_start3A_448, %dma_start3A_449] : memref<4x80x128xf32, #tpu.memory_space<vmem>> -> memref<1x80x128xf32, #tpu.memory_space<vmem>>
      %dma_start3A_451 = tpu.memref_squeeze %dma_start3A_450 : memref<1x80x128xf32, #tpu.memory_space<vmem>> -> memref<80x128xf32, #tpu.memory_space<vmem>>
      %dma_start3A_452 = arith.constant 0 : i32
      %dma_start3A_453 = tpu.memref_slice %arg8[%dma_start3A_447, %dma_start3A_452] : memref<8x80xi32, #tpu.memory_space<vmem>> -> memref<1x80xi32, #tpu.memory_space<vmem>>
      %dma_start3A_454 = tpu.memref_squeeze %dma_start3A_453 : memref<1x80xi32, #tpu.memory_space<vmem>> -> memref<80xi32, #tpu.memory_space<vmem>>
      %dma_start3A_455 = arith.constant 0 : i32
      %dma_start3A_456 = arith.constant 0 : i32
      %dma_start3A_457 = tpu.memref_slice %arg10[%dma_start3A_455, %dma_start3A_456] : memref<10240x128xf32, #tpu.memory_space<vmem_shared>> -> memref<10240x128xf32, #tpu.memory_space<vmem_shared>>
      tpu.enqueue_indirect_dma source(%dma_start3A_451 : memref<80x128xf32, #tpu.memory_space<vmem>>) target(%dma_start3A_457 : memref<10240x128xf32, #tpu.memory_space<vmem_shared>>) offsets(%dma_start3A_454 : memref<80xi32, #tpu.memory_space<vmem>>) semaphore(%arg31 : memref<!tpu.dma_semaphore, #tpu.memory_space<semaphore_mem>>) {add = true}
      %add3A_458 = arith.constant 2 : i32
      %add3A_459 = arith.addi %add3A_420, %add3A_458 : i32
      %lt3A_460 = arith.constant 128 : i32
      %lt3A_461 = arith.cmpi slt, %add3A_459, %lt3A_460 : i32
      %convert_element_type3A_462 = arith.extui %lt3A_461 : i1 to i32
      %cond3A_463 = arith.constant 0 : i32
      %cond3A_464 = arith.cmpi ne, %convert_element_type3A_462, %cond3A_463 : i32
      scf.if %cond3A_464 {
        %ge3A = arith.constant 2 : i32
        %ge3A_637 = arith.cmpi sge, %add3A_420, %ge3A : i32
        %convert_element_type3A_638 = arith.extui %ge3A_637 : i1 to i32
        %cond3A_639 = arith.constant 0 : i32
        %cond3A_640 = arith.cmpi ne, %convert_element_type3A_638, %cond3A_639 : i32
        scf.if %cond3A_640 {
          %dma_wait3A_668 = arith.constant 2 : i32
          %dma_wait3A_669 = arith.constant 2 : i32
          %dma_wait3A_670 = arith.constant 0 : i32
          %dma_wait3A_671 = arith.constant 0 : i32
          %dma_wait3A_672 = tpu.memref_slice %arg9[%dma_wait3A_668, %dma_wait3A_670, %dma_wait3A_671] : memref<4x80x128xf32, #tpu.memory_space<vmem>> -> memref<1x80x128xf32, #tpu.memory_space<vmem>>
          %dma_wait3A_673 = tpu.memref_squeeze %dma_wait3A_672 : memref<1x80x128xf32, #tpu.memory_space<vmem>> -> memref<80x128xf32, #tpu.memory_space<vmem>>
          %dma_wait3A_674 = arith.constant 0 : i32
          %dma_wait3A_675 = tpu.memref_slice %arg8[%dma_wait3A_669, %dma_wait3A_674] : memref<8x80xi32, #tpu.memory_space<vmem>> -> memref<1x80xi32, #tpu.memory_space<vmem>>
          %dma_wait3A_676 = tpu.memref_squeeze %dma_wait3A_675 : memref<1x80xi32, #tpu.memory_space<vmem>> -> memref<80xi32, #tpu.memory_space<vmem>>
          %dma_wait3A_677 = arith.constant 0 : i32
          %dma_wait3A_678 = arith.constant 0 : i32
          %dma_wait3A_679 = tpu.memref_slice %arg10[%dma_wait3A_677, %dma_wait3A_678] : memref<10240x128xf32, #tpu.memory_space<vmem_shared>> -> memref<10240x128xf32, #tpu.memory_space<vmem_shared>>
          tpu.wait_indirect_dma semaphore(%arg33 : memref<!tpu.dma_semaphore, #tpu.memory_space<semaphore_mem>>) src(%dma_wait3A_673 : memref<80x128xf32, #tpu.memory_space<vmem>>) dst(%dma_wait3A_679 : memref<10240x128xf32, #tpu.memory_space<vmem_shared>>)
        } else {
        }
        %add3A_641 = arith.constant 2 : i32
        %add3A_642 = arith.addi %add3A_420, %add3A_641 : i32
        %dma_wait3A_643 = arith.constant 6 : i32
        %dma_wait3A_644 = arith.constant 0 : i32
        %dma_wait3A_645 = tpu.memref_slice %arg7[%dma_wait3A_643, %dma_wait3A_644] : memref<8x80xi32, #tpu.memory_space<vmem>> -> memref<1x80xi32, #tpu.memory_space<vmem>>
        %dma_wait3A_646 = tpu.memref_squeeze %dma_wait3A_645 : memref<1x80xi32, #tpu.memory_space<vmem>> -> memref<80xi32, #tpu.memory_space<vmem>>
        %dma_wait3A_647 = arith.constant 0 : i32
        %dma_wait3A_648 = tpu.memref_slice %arg3[%add3A, %add3A_642, %dma_wait3A_647] : memref<32x128x80xi32, #tpu.memory_space<hbm>> -> memref<1x1x80xi32, #tpu.memory_space<hbm>>
        %dma_wait3A_649 = tpu.memref_squeeze %dma_wait3A_648 : memref<1x1x80xi32, #tpu.memory_space<hbm>> -> memref<80xi32, #tpu.memory_space<hbm>>
        %dma_wait3A_650 = arith.constant 0 : i32
        %dma_wait3A_651 = tpu.memref_slice %arg7[%dma_wait3A_643, %dma_wait3A_650] : memref<8x80xi32, #tpu.memory_space<vmem>> -> memref<1x80xi32, #tpu.memory_space<vmem>>
        %dma_wait3A_652 = tpu.memref_squeeze %dma_wait3A_651 : memref<1x80xi32, #tpu.memory_space<vmem>> -> memref<80xi32, #tpu.memory_space<vmem>>
        %dma_wait3A_653 = arith.constant 0 : i32
        %dma_wait3A_654 = tpu.memref_slice %arg3[%add3A, %add3A_642, %dma_wait3A_653] : memref<32x128x80xi32, #tpu.memory_space<hbm>> -> memref<1x1x80xi32, #tpu.memory_space<hbm>>
        %dma_wait3A_655 = tpu.memref_squeeze %dma_wait3A_654 : memref<1x1x80xi32, #tpu.memory_space<hbm>> -> memref<80xi32, #tpu.memory_space<hbm>>
        tpu.wait_dma2 semaphore(%arg17 : memref<!tpu.dma_semaphore, #tpu.memory_space<semaphore_mem>>) src(%dma_wait3A_655 : memref<80xi32, #tpu.memory_space<hbm>>) dst(%dma_wait3A_652 : memref<80xi32, #tpu.memory_space<vmem>>)
        %dma_start3A_656 = arith.constant 6 : i32
        %dma_start3A_657 = arith.constant 2 : i32
        %dma_start3A_658 = arith.constant 0 : i32
        %dma_start3A_659 = arith.constant 0 : i32
        %dma_start3A_660 = tpu.memref_slice %arg9[%dma_start3A_657, %dma_start3A_658, %dma_start3A_659] : memref<4x80x128xf32, #tpu.memory_space<vmem>> -> memref<1x80x128xf32, #tpu.memory_space<vmem>>
        %dma_start3A_661 = tpu.memref_squeeze %dma_start3A_660 : memref<1x80x128xf32, #tpu.memory_space<vmem>> -> memref<80x128xf32, #tpu.memory_space<vmem>>
        %dma_start3A_662 = arith.constant 0 : i32
        %dma_start3A_663 = tpu.memref_slice %arg7[%dma_start3A_656, %dma_start3A_662] : memref<8x80xi32, #tpu.memory_space<vmem>> -> memref<1x80xi32, #tpu.memory_space<vmem>>
        %dma_start3A_664 = tpu.memref_squeeze %dma_start3A_663 : memref<1x80xi32, #tpu.memory_space<vmem>> -> memref<80xi32, #tpu.memory_space<vmem>>
        %dma_start3A_665 = arith.constant 0 : i32
        %dma_start3A_666 = arith.constant 0 : i32
        %dma_start3A_667 = tpu.memref_slice %arg2[%dma_start3A_665, %dma_start3A_666] : memref<10240x128xf32, #tpu.memory_space<hbm>> -> memref<10240x128xf32, #tpu.memory_space<hbm>>
        tpu.enqueue_indirect_dma source(%dma_start3A_667 : memref<10240x128xf32, #tpu.memory_space<hbm>>) target(%dma_start3A_661 : memref<80x128xf32, #tpu.memory_space<vmem>>) offsets(%dma_start3A_664 : memref<80xi32, #tpu.memory_space<vmem>>) semaphore(%arg29 : memref<!tpu.dma_semaphore, #tpu.memory_space<semaphore_mem>>)
      } else {
      }
      %add3A_465 = arith.constant 4 : i32
      %add3A_466 = arith.addi %add3A_420, %add3A_465 : i32
      %lt3A_467 = arith.constant 128 : i32
      %lt3A_468 = arith.cmpi slt, %add3A_466, %lt3A_467 : i32
      %convert_element_type3A_469 = arith.extui %lt3A_468 : i1 to i32
      %cond3A_470 = arith.constant 0 : i32
      %cond3A_471 = arith.cmpi ne, %convert_element_type3A_469, %cond3A_470 : i32
      scf.if %cond3A_471 {
        %add3A_637 = arith.constant 4 : i32
        %add3A_638 = arith.addi %add3A_420, %add3A_637 : i32
        %dma_start3A_639 = arith.constant 0 : i32
        %dma_start3A_640 = arith.constant 0 : i32
        %dma_start3A_641 = tpu.memref_slice %arg7[%dma_start3A_639, %dma_start3A_640] : memref<8x80xi32, #tpu.memory_space<vmem>> -> memref<1x80xi32, #tpu.memory_space<vmem>>
        %dma_start3A_642 = tpu.memref_squeeze %dma_start3A_641 : memref<1x80xi32, #tpu.memory_space<vmem>> -> memref<80xi32, #tpu.memory_space<vmem>>
        %dma_start3A_643 = arith.constant 0 : i32
        %dma_start3A_644 = tpu.memref_slice %arg3[%add3A, %add3A_638, %dma_start3A_643] : memref<32x128x80xi32, #tpu.memory_space<hbm>> -> memref<1x1x80xi32, #tpu.memory_space<hbm>>
        %dma_start3A_645 = tpu.memref_squeeze %dma_start3A_644 : memref<1x1x80xi32, #tpu.memory_space<hbm>> -> memref<80xi32, #tpu.memory_space<hbm>>
        %dma_start3A_646 = arith.constant 0 : i32
        %dma_start3A_647 = tpu.memref_slice %arg7[%dma_start3A_639, %dma_start3A_646] : memref<8x80xi32, #tpu.memory_space<vmem>> -> memref<1x80xi32, #tpu.memory_space<vmem>>
        %dma_start3A_648 = tpu.memref_squeeze %dma_start3A_647 : memref<1x80xi32, #tpu.memory_space<vmem>> -> memref<80xi32, #tpu.memory_space<vmem>>
        %dma_start3A_649 = arith.constant 0 : i32
        %dma_start3A_650 = tpu.memref_slice %arg3[%add3A, %add3A_638, %dma_start3A_649] : memref<32x128x80xi32, #tpu.memory_space<hbm>> -> memref<1x1x80xi32, #tpu.memory_space<hbm>>
        %dma_start3A_651 = tpu.memref_squeeze %dma_start3A_650 : memref<1x1x80xi32, #tpu.memory_space<hbm>> -> memref<80xi32, #tpu.memory_space<hbm>>
        tpu.enqueue_dma source(%dma_start3A_651 : memref<80xi32, #tpu.memory_space<hbm>>) target(%dma_start3A_648 : memref<80xi32, #tpu.memory_space<vmem>>) target_semaphore(%arg11 : memref<!tpu.dma_semaphore, #tpu.memory_space<semaphore_mem>>)
        %dma_start3A_652 = arith.constant 0 : i32
        %dma_start3A_653 = arith.constant 0 : i32
        %dma_start3A_654 = tpu.memref_slice %arg8[%dma_start3A_652, %dma_start3A_653] : memref<8x80xi32, #tpu.memory_space<vmem>> -> memref<1x80xi32, #tpu.memory_space<vmem>>
        %dma_start3A_655 = tpu.memref_squeeze %dma_start3A_654 : memref<1x80xi32, #tpu.memory_space<vmem>> -> memref<80xi32, #tpu.memory_space<vmem>>
        %dma_start3A_656 = arith.constant 0 : i32
        %dma_start3A_657 = tpu.memref_slice %arg4[%add3A, %add3A_638, %dma_start3A_656] : memref<32x128x80xi32, #tpu.memory_space<hbm>> -> memref<1x1x80xi32, #tpu.memory_space<hbm>>
        %dma_start3A_658 = tpu.memref_squeeze %dma_start3A_657 : memref<1x1x80xi32, #tpu.memory_space<hbm>> -> memref<80xi32, #tpu.memory_space<hbm>>
        %dma_start3A_659 = arith.constant 0 : i32
        %dma_start3A_660 = tpu.memref_slice %arg8[%dma_start3A_652, %dma_start3A_659] : memref<8x80xi32, #tpu.memory_space<vmem>> -> memref<1x80xi32, #tpu.memory_space<vmem>>
        %dma_start3A_661 = tpu.memref_squeeze %dma_start3A_660 : memref<1x80xi32, #tpu.memory_space<vmem>> -> memref<80xi32, #tpu.memory_space<vmem>>
        %dma_start3A_662 = arith.constant 0 : i32
        %dma_start3A_663 = tpu.memref_slice %arg4[%add3A, %add3A_638, %dma_start3A_662] : memref<32x128x80xi32, #tpu.memory_space<hbm>> -> memref<1x1x80xi32, #tpu.memory_space<hbm>>
        %dma_start3A_664 = tpu.memref_squeeze %dma_start3A_663 : memref<1x1x80xi32, #tpu.memory_space<hbm>> -> memref<80xi32, #tpu.memory_space<hbm>>
        tpu.enqueue_dma source(%dma_start3A_664 : memref<80xi32, #tpu.memory_space<hbm>>) target(%dma_start3A_661 : memref<80xi32, #tpu.memory_space<vmem>>) target_semaphore(%arg19 : memref<!tpu.dma_semaphore, #tpu.memory_space<semaphore_mem>>)
      } else {
      }
      %mul3A_472 = arith.constant 8 : i32
      %mul3A_473 = arith.muli %scan3A_199, %mul3A_472 : i32
      %add3A_474 = arith.constant 5 : i32
      %add3A_475 = arith.addi %mul3A_473, %add3A_474 : i32
      %dma_wait3A_476 = arith.constant 5 : i32
      %dma_wait3A_477 = arith.constant 1 : i32
      %dma_wait3A_478 = arith.constant 0 : i32
      %dma_wait3A_479 = arith.constant 0 : i32
      %dma_wait3A_480 = tpu.memref_slice %arg9[%dma_wait3A_477, %dma_wait3A_478, %dma_wait3A_479] : memref<4x80x128xf32, #tpu.memory_space<vmem>> -> memref<1x80x128xf32, #tpu.memory_space<vmem>>
      %dma_wait3A_481 = tpu.memref_squeeze %dma_wait3A_480 : memref<1x80x128xf32, #tpu.memory_space<vmem>> -> memref<80x128xf32, #tpu.memory_space<vmem>>
      %dma_wait3A_482 = arith.constant 0 : i32
      %dma_wait3A_483 = tpu.memref_slice %arg7[%dma_wait3A_476, %dma_wait3A_482] : memref<8x80xi32, #tpu.memory_space<vmem>> -> memref<1x80xi32, #tpu.memory_space<vmem>>
      %dma_wait3A_484 = tpu.memref_squeeze %dma_wait3A_483 : memref<1x80xi32, #tpu.memory_space<vmem>> -> memref<80xi32, #tpu.memory_space<vmem>>
      %dma_wait3A_485 = arith.constant 0 : i32
      %dma_wait3A_486 = arith.constant 0 : i32
      %dma_wait3A_487 = tpu.memref_slice %arg2[%dma_wait3A_485, %dma_wait3A_486] : memref<10240x128xf32, #tpu.memory_space<hbm>> -> memref<10240x128xf32, #tpu.memory_space<hbm>>
      tpu.wait_indirect_dma semaphore(%arg28 : memref<!tpu.dma_semaphore, #tpu.memory_space<semaphore_mem>>) src(%dma_wait3A_487 : memref<10240x128xf32, #tpu.memory_space<hbm>>) dst(%dma_wait3A_481 : memref<80x128xf32, #tpu.memory_space<vmem>>)
      %dma_wait3A_488 = arith.constant 5 : i32
      %dma_wait3A_489 = arith.constant 0 : i32
      %dma_wait3A_490 = tpu.memref_slice %arg8[%dma_wait3A_488, %dma_wait3A_489] : memref<8x80xi32, #tpu.memory_space<vmem>> -> memref<1x80xi32, #tpu.memory_space<vmem>>
      %dma_wait3A_491 = tpu.memref_squeeze %dma_wait3A_490 : memref<1x80xi32, #tpu.memory_space<vmem>> -> memref<80xi32, #tpu.memory_space<vmem>>
      %dma_wait3A_492 = arith.constant 0 : i32
      %dma_wait3A_493 = tpu.memref_slice %arg4[%add3A, %add3A_475, %dma_wait3A_492] : memref<32x128x80xi32, #tpu.memory_space<hbm>> -> memref<1x1x80xi32, #tpu.memory_space<hbm>>
      %dma_wait3A_494 = tpu.memref_squeeze %dma_wait3A_493 : memref<1x1x80xi32, #tpu.memory_space<hbm>> -> memref<80xi32, #tpu.memory_space<hbm>>
      %dma_wait3A_495 = arith.constant 0 : i32
      %dma_wait3A_496 = tpu.memref_slice %arg8[%dma_wait3A_488, %dma_wait3A_495] : memref<8x80xi32, #tpu.memory_space<vmem>> -> memref<1x80xi32, #tpu.memory_space<vmem>>
      %dma_wait3A_497 = tpu.memref_squeeze %dma_wait3A_496 : memref<1x80xi32, #tpu.memory_space<vmem>> -> memref<80xi32, #tpu.memory_space<vmem>>
      %dma_wait3A_498 = arith.constant 0 : i32
      %dma_wait3A_499 = tpu.memref_slice %arg4[%add3A, %add3A_475, %dma_wait3A_498] : memref<32x128x80xi32, #tpu.memory_space<hbm>> -> memref<1x1x80xi32, #tpu.memory_space<hbm>>
      %dma_wait3A_500 = tpu.memref_squeeze %dma_wait3A_499 : memref<1x1x80xi32, #tpu.memory_space<hbm>> -> memref<80xi32, #tpu.memory_space<hbm>>
      tpu.wait_dma2 semaphore(%arg24 : memref<!tpu.dma_semaphore, #tpu.memory_space<semaphore_mem>>) src(%dma_wait3A_500 : memref<80xi32, #tpu.memory_space<hbm>>) dst(%dma_wait3A_497 : memref<80xi32, #tpu.memory_space<vmem>>)
      %dma_start3A_501 = arith.constant 1 : i32
      %dma_start3A_502 = arith.constant 5 : i32
      %dma_start3A_503 = arith.constant 0 : i32
      %dma_start3A_504 = arith.constant 0 : i32
      %dma_start3A_505 = tpu.memref_slice %arg9[%dma_start3A_501, %dma_start3A_503, %dma_start3A_504] : memref<4x80x128xf32, #tpu.memory_space<vmem>> -> memref<1x80x128xf32, #tpu.memory_space<vmem>>
      %dma_start3A_506 = tpu.memref_squeeze %dma_start3A_505 : memref<1x80x128xf32, #tpu.memory_space<vmem>> -> memref<80x128xf32, #tpu.memory_space<vmem>>
      %dma_start3A_507 = arith.constant 0 : i32
      %dma_start3A_508 = tpu.memref_slice %arg8[%dma_start3A_502, %dma_start3A_507] : memref<8x80xi32, #tpu.memory_space<vmem>> -> memref<1x80xi32, #tpu.memory_space<vmem>>
      %dma_start3A_509 = tpu.memref_squeeze %dma_start3A_508 : memref<1x80xi32, #tpu.memory_space<vmem>> -> memref<80xi32, #tpu.memory_space<vmem>>
      %dma_start3A_510 = arith.constant 0 : i32
      %dma_start3A_511 = arith.constant 0 : i32
      %dma_start3A_512 = tpu.memref_slice %arg10[%dma_start3A_510, %dma_start3A_511] : memref<10240x128xf32, #tpu.memory_space<vmem_shared>> -> memref<10240x128xf32, #tpu.memory_space<vmem_shared>>
      tpu.enqueue_indirect_dma source(%dma_start3A_506 : memref<80x128xf32, #tpu.memory_space<vmem>>) target(%dma_start3A_512 : memref<10240x128xf32, #tpu.memory_space<vmem_shared>>) offsets(%dma_start3A_509 : memref<80xi32, #tpu.memory_space<vmem>>) semaphore(%arg32 : memref<!tpu.dma_semaphore, #tpu.memory_space<semaphore_mem>>) {add = true}
      %add3A_513 = arith.constant 2 : i32
      %add3A_514 = arith.addi %add3A_475, %add3A_513 : i32
      %lt3A_515 = arith.constant 128 : i32
      %lt3A_516 = arith.cmpi slt, %add3A_514, %lt3A_515 : i32
      %convert_element_type3A_517 = arith.extui %lt3A_516 : i1 to i32
      %cond3A_518 = arith.constant 0 : i32
      %cond3A_519 = arith.cmpi ne, %convert_element_type3A_517, %cond3A_518 : i32
      scf.if %cond3A_519 {
        %ge3A = arith.constant 2 : i32
        %ge3A_637 = arith.cmpi sge, %add3A_475, %ge3A : i32
        %convert_element_type3A_638 = arith.extui %ge3A_637 : i1 to i32
        %cond3A_639 = arith.constant 0 : i32
        %cond3A_640 = arith.cmpi ne, %convert_element_type3A_638, %cond3A_639 : i32
        scf.if %cond3A_640 {
          %dma_wait3A_668 = arith.constant 3 : i32
          %dma_wait3A_669 = arith.constant 3 : i32
          %dma_wait3A_670 = arith.constant 0 : i32
          %dma_wait3A_671 = arith.constant 0 : i32
          %dma_wait3A_672 = tpu.memref_slice %arg9[%dma_wait3A_668, %dma_wait3A_670, %dma_wait3A_671] : memref<4x80x128xf32, #tpu.memory_space<vmem>> -> memref<1x80x128xf32, #tpu.memory_space<vmem>>
          %dma_wait3A_673 = tpu.memref_squeeze %dma_wait3A_672 : memref<1x80x128xf32, #tpu.memory_space<vmem>> -> memref<80x128xf32, #tpu.memory_space<vmem>>
          %dma_wait3A_674 = arith.constant 0 : i32
          %dma_wait3A_675 = tpu.memref_slice %arg8[%dma_wait3A_669, %dma_wait3A_674] : memref<8x80xi32, #tpu.memory_space<vmem>> -> memref<1x80xi32, #tpu.memory_space<vmem>>
          %dma_wait3A_676 = tpu.memref_squeeze %dma_wait3A_675 : memref<1x80xi32, #tpu.memory_space<vmem>> -> memref<80xi32, #tpu.memory_space<vmem>>
          %dma_wait3A_677 = arith.constant 0 : i32
          %dma_wait3A_678 = arith.constant 0 : i32
          %dma_wait3A_679 = tpu.memref_slice %arg10[%dma_wait3A_677, %dma_wait3A_678] : memref<10240x128xf32, #tpu.memory_space<vmem_shared>> -> memref<10240x128xf32, #tpu.memory_space<vmem_shared>>
          tpu.wait_indirect_dma semaphore(%arg34 : memref<!tpu.dma_semaphore, #tpu.memory_space<semaphore_mem>>) src(%dma_wait3A_673 : memref<80x128xf32, #tpu.memory_space<vmem>>) dst(%dma_wait3A_679 : memref<10240x128xf32, #tpu.memory_space<vmem_shared>>)
        } else {
        }
        %add3A_641 = arith.constant 2 : i32
        %add3A_642 = arith.addi %add3A_475, %add3A_641 : i32
        %dma_wait3A_643 = arith.constant 7 : i32
        %dma_wait3A_644 = arith.constant 0 : i32
        %dma_wait3A_645 = tpu.memref_slice %arg7[%dma_wait3A_643, %dma_wait3A_644] : memref<8x80xi32, #tpu.memory_space<vmem>> -> memref<1x80xi32, #tpu.memory_space<vmem>>
        %dma_wait3A_646 = tpu.memref_squeeze %dma_wait3A_645 : memref<1x80xi32, #tpu.memory_space<vmem>> -> memref<80xi32, #tpu.memory_space<vmem>>
        %dma_wait3A_647 = arith.constant 0 : i32
        %dma_wait3A_648 = tpu.memref_slice %arg3[%add3A, %add3A_642, %dma_wait3A_647] : memref<32x128x80xi32, #tpu.memory_space<hbm>> -> memref<1x1x80xi32, #tpu.memory_space<hbm>>
        %dma_wait3A_649 = tpu.memref_squeeze %dma_wait3A_648 : memref<1x1x80xi32, #tpu.memory_space<hbm>> -> memref<80xi32, #tpu.memory_space<hbm>>
        %dma_wait3A_650 = arith.constant 0 : i32
        %dma_wait3A_651 = tpu.memref_slice %arg7[%dma_wait3A_643, %dma_wait3A_650] : memref<8x80xi32, #tpu.memory_space<vmem>> -> memref<1x80xi32, #tpu.memory_space<vmem>>
        %dma_wait3A_652 = tpu.memref_squeeze %dma_wait3A_651 : memref<1x80xi32, #tpu.memory_space<vmem>> -> memref<80xi32, #tpu.memory_space<vmem>>
        %dma_wait3A_653 = arith.constant 0 : i32
        %dma_wait3A_654 = tpu.memref_slice %arg3[%add3A, %add3A_642, %dma_wait3A_653] : memref<32x128x80xi32, #tpu.memory_space<hbm>> -> memref<1x1x80xi32, #tpu.memory_space<hbm>>
        %dma_wait3A_655 = tpu.memref_squeeze %dma_wait3A_654 : memref<1x1x80xi32, #tpu.memory_space<hbm>> -> memref<80xi32, #tpu.memory_space<hbm>>
        tpu.wait_dma2 semaphore(%arg18 : memref<!tpu.dma_semaphore, #tpu.memory_space<semaphore_mem>>) src(%dma_wait3A_655 : memref<80xi32, #tpu.memory_space<hbm>>) dst(%dma_wait3A_652 : memref<80xi32, #tpu.memory_space<vmem>>)
        %dma_start3A_656 = arith.constant 7 : i32
        %dma_start3A_657 = arith.constant 3 : i32
        %dma_start3A_658 = arith.constant 0 : i32
        %dma_start3A_659 = arith.constant 0 : i32
        %dma_start3A_660 = tpu.memref_slice %arg9[%dma_start3A_657, %dma_start3A_658, %dma_start3A_659] : memref<4x80x128xf32, #tpu.memory_space<vmem>> -> memref<1x80x128xf32, #tpu.memory_space<vmem>>
        %dma_start3A_661 = tpu.memref_squeeze %dma_start3A_660 : memref<1x80x128xf32, #tpu.memory_space<vmem>> -> memref<80x128xf32, #tpu.memory_space<vmem>>
        %dma_start3A_662 = arith.constant 0 : i32
        %dma_start3A_663 = tpu.memref_slice %arg7[%dma_start3A_656, %dma_start3A_662] : memref<8x80xi32, #tpu.memory_space<vmem>> -> memref<1x80xi32, #tpu.memory_space<vmem>>
        %dma_start3A_664 = tpu.memref_squeeze %dma_start3A_663 : memref<1x80xi32, #tpu.memory_space<vmem>> -> memref<80xi32, #tpu.memory_space<vmem>>
        %dma_start3A_665 = arith.constant 0 : i32
        %dma_start3A_666 = arith.constant 0 : i32
        %dma_start3A_667 = tpu.memref_slice %arg2[%dma_start3A_665, %dma_start3A_666] : memref<10240x128xf32, #tpu.memory_space<hbm>> -> memref<10240x128xf32, #tpu.memory_space<hbm>>
        tpu.enqueue_indirect_dma source(%dma_start3A_667 : memref<10240x128xf32, #tpu.memory_space<hbm>>) target(%dma_start3A_661 : memref<80x128xf32, #tpu.memory_space<vmem>>) offsets(%dma_start3A_664 : memref<80xi32, #tpu.memory_space<vmem>>) semaphore(%arg30 : memref<!tpu.dma_semaphore, #tpu.memory_space<semaphore_mem>>)
      } else {
      }
      %add3A_520 = arith.constant 4 : i32
      %add3A_521 = arith.addi %add3A_475, %add3A_520 : i32
      %lt3A_522 = arith.constant 128 : i32
      %lt3A_523 = arith.cmpi slt, %add3A_521, %lt3A_522 : i32
      %convert_element_type3A_524 = arith.extui %lt3A_523 : i1 to i32
      %cond3A_525 = arith.constant 0 : i32
      %cond3A_526 = arith.cmpi ne, %convert_element_type3A_524, %cond3A_525 : i32
      scf.if %cond3A_526 {
        %add3A_637 = arith.constant 4 : i32
        %add3A_638 = arith.addi %add3A_475, %add3A_637 : i32
        %dma_start3A_639 = arith.constant 1 : i32
        %dma_start3A_640 = arith.constant 0 : i32
        %dma_start3A_641 = tpu.memref_slice %arg7[%dma_start3A_639, %dma_start3A_640] : memref<8x80xi32, #tpu.memory_space<vmem>> -> memref<1x80xi32, #tpu.memory_space<vmem>>
        %dma_start3A_642 = tpu.memref_squeeze %dma_start3A_641 : memref<1x80xi32, #tpu.memory_space<vmem>> -> memref<80xi32, #tpu.memory_space<vmem>>
        %dma_start3A_643 = arith.constant 0 : i32
        %dma_start3A_644 = tpu.memref_slice %arg3[%add3A, %add3A_638, %dma_start3A_643] : memref<32x128x80xi32, #tpu.memory_space<hbm>> -> memref<1x1x80xi32, #tpu.memory_space<hbm>>
        %dma_start3A_645 = tpu.memref_squeeze %dma_start3A_644 : memref<1x1x80xi32, #tpu.memory_space<hbm>> -> memref<80xi32, #tpu.memory_space<hbm>>
        %dma_start3A_646 = arith.constant 0 : i32
        %dma_start3A_647 = tpu.memref_slice %arg7[%dma_start3A_639, %dma_start3A_646] : memref<8x80xi32, #tpu.memory_space<vmem>> -> memref<1x80xi32, #tpu.memory_space<vmem>>
        %dma_start3A_648 = tpu.memref_squeeze %dma_start3A_647 : memref<1x80xi32, #tpu.memory_space<vmem>> -> memref<80xi32, #tpu.memory_space<vmem>>
        %dma_start3A_649 = arith.constant 0 : i32
        %dma_start3A_650 = tpu.memref_slice %arg3[%add3A, %add3A_638, %dma_start3A_649] : memref<32x128x80xi32, #tpu.memory_space<hbm>> -> memref<1x1x80xi32, #tpu.memory_space<hbm>>
        %dma_start3A_651 = tpu.memref_squeeze %dma_start3A_650 : memref<1x1x80xi32, #tpu.memory_space<hbm>> -> memref<80xi32, #tpu.memory_space<hbm>>
        tpu.enqueue_dma source(%dma_start3A_651 : memref<80xi32, #tpu.memory_space<hbm>>) target(%dma_start3A_648 : memref<80xi32, #tpu.memory_space<vmem>>) target_semaphore(%arg12 : memref<!tpu.dma_semaphore, #tpu.memory_space<semaphore_mem>>)
        %dma_start3A_652 = arith.constant 1 : i32
        %dma_start3A_653 = arith.constant 0 : i32
        %dma_start3A_654 = tpu.memref_slice %arg8[%dma_start3A_652, %dma_start3A_653] : memref<8x80xi32, #tpu.memory_space<vmem>> -> memref<1x80xi32, #tpu.memory_space<vmem>>
        %dma_start3A_655 = tpu.memref_squeeze %dma_start3A_654 : memref<1x80xi32, #tpu.memory_space<vmem>> -> memref<80xi32, #tpu.memory_space<vmem>>
        %dma_start3A_656 = arith.constant 0 : i32
        %dma_start3A_657 = tpu.memref_slice %arg4[%add3A, %add3A_638, %dma_start3A_656] : memref<32x128x80xi32, #tpu.memory_space<hbm>> -> memref<1x1x80xi32, #tpu.memory_space<hbm>>
        %dma_start3A_658 = tpu.memref_squeeze %dma_start3A_657 : memref<1x1x80xi32, #tpu.memory_space<hbm>> -> memref<80xi32, #tpu.memory_space<hbm>>
        %dma_start3A_659 = arith.constant 0 : i32
        %dma_start3A_660 = tpu.memref_slice %arg8[%dma_start3A_652, %dma_start3A_659] : memref<8x80xi32, #tpu.memory_space<vmem>> -> memref<1x80xi32, #tpu.memory_space<vmem>>
        %dma_start3A_661 = tpu.memref_squeeze %dma_start3A_660 : memref<1x80xi32, #tpu.memory_space<vmem>> -> memref<80xi32, #tpu.memory_space<vmem>>
        %dma_start3A_662 = arith.constant 0 : i32
        %dma_start3A_663 = tpu.memref_slice %arg4[%add3A, %add3A_638, %dma_start3A_662] : memref<32x128x80xi32, #tpu.memory_space<hbm>> -> memref<1x1x80xi32, #tpu.memory_space<hbm>>
        %dma_start3A_664 = tpu.memref_squeeze %dma_start3A_663 : memref<1x1x80xi32, #tpu.memory_space<hbm>> -> memref<80xi32, #tpu.memory_space<hbm>>
        tpu.enqueue_dma source(%dma_start3A_664 : memref<80xi32, #tpu.memory_space<hbm>>) target(%dma_start3A_661 : memref<80xi32, #tpu.memory_space<vmem>>) target_semaphore(%arg20 : memref<!tpu.dma_semaphore, #tpu.memory_space<semaphore_mem>>)
      } else {
      }
      %mul3A_527 = arith.constant 8 : i32
      %mul3A_528 = arith.muli %scan3A_199, %mul3A_527 : i32
      %add3A_529 = arith.constant 6 : i32
      %add3A_530 = arith.addi %mul3A_528, %add3A_529 : i32
      %dma_wait3A_531 = arith.constant 6 : i32
      %dma_wait3A_532 = arith.constant 2 : i32
      %dma_wait3A_533 = arith.constant 0 : i32
      %dma_wait3A_534 = arith.constant 0 : i32
      %dma_wait3A_535 = tpu.memref_slice %arg9[%dma_wait3A_532, %dma_wait3A_533, %dma_wait3A_534] : memref<4x80x128xf32, #tpu.memory_space<vmem>> -> memref<1x80x128xf32, #tpu.memory_space<vmem>>
      %dma_wait3A_536 = tpu.memref_squeeze %dma_wait3A_535 : memref<1x80x128xf32, #tpu.memory_space<vmem>> -> memref<80x128xf32, #tpu.memory_space<vmem>>
      %dma_wait3A_537 = arith.constant 0 : i32
      %dma_wait3A_538 = tpu.memref_slice %arg7[%dma_wait3A_531, %dma_wait3A_537] : memref<8x80xi32, #tpu.memory_space<vmem>> -> memref<1x80xi32, #tpu.memory_space<vmem>>
      %dma_wait3A_539 = tpu.memref_squeeze %dma_wait3A_538 : memref<1x80xi32, #tpu.memory_space<vmem>> -> memref<80xi32, #tpu.memory_space<vmem>>
      %dma_wait3A_540 = arith.constant 0 : i32
      %dma_wait3A_541 = arith.constant 0 : i32
      %dma_wait3A_542 = tpu.memref_slice %arg2[%dma_wait3A_540, %dma_wait3A_541] : memref<10240x128xf32, #tpu.memory_space<hbm>> -> memref<10240x128xf32, #tpu.memory_space<hbm>>
      tpu.wait_indirect_dma semaphore(%arg29 : memref<!tpu.dma_semaphore, #tpu.memory_space<semaphore_mem>>) src(%dma_wait3A_542 : memref<10240x128xf32, #tpu.memory_space<hbm>>) dst(%dma_wait3A_536 : memref<80x128xf32, #tpu.memory_space<vmem>>)
      %dma_wait3A_543 = arith.constant 6 : i32
      %dma_wait3A_544 = arith.constant 0 : i32
      %dma_wait3A_545 = tpu.memref_slice %arg8[%dma_wait3A_543, %dma_wait3A_544] : memref<8x80xi32, #tpu.memory_space<vmem>> -> memref<1x80xi32, #tpu.memory_space<vmem>>
      %dma_wait3A_546 = tpu.memref_squeeze %dma_wait3A_545 : memref<1x80xi32, #tpu.memory_space<vmem>> -> memref<80xi32, #tpu.memory_space<vmem>>
      %dma_wait3A_547 = arith.constant 0 : i32
      %dma_wait3A_548 = tpu.memref_slice %arg4[%add3A, %add3A_530, %dma_wait3A_547] : memref<32x128x80xi32, #tpu.memory_space<hbm>> -> memref<1x1x80xi32, #tpu.memory_space<hbm>>
      %dma_wait3A_549 = tpu.memref_squeeze %dma_wait3A_548 : memref<1x1x80xi32, #tpu.memory_space<hbm>> -> memref<80xi32, #tpu.memory_space<hbm>>
      %dma_wait3A_550 = arith.constant 0 : i32
      %dma_wait3A_551 = tpu.memref_slice %arg8[%dma_wait3A_543, %dma_wait3A_550] : memref<8x80xi32, #tpu.memory_space<vmem>> -> memref<1x80xi32, #tpu.memory_space<vmem>>
      %dma_wait3A_552 = tpu.memref_squeeze %dma_wait3A_551 : memref<1x80xi32, #tpu.memory_space<vmem>> -> memref<80xi32, #tpu.memory_space<vmem>>
      %dma_wait3A_553 = arith.constant 0 : i32
      %dma_wait3A_554 = tpu.memref_slice %arg4[%add3A, %add3A_530, %dma_wait3A_553] : memref<32x128x80xi32, #tpu.memory_space<hbm>> -> memref<1x1x80xi32, #tpu.memory_space<hbm>>
      %dma_wait3A_555 = tpu.memref_squeeze %dma_wait3A_554 : memref<1x1x80xi32, #tpu.memory_space<hbm>> -> memref<80xi32, #tpu.memory_space<hbm>>
      tpu.wait_dma2 semaphore(%arg25 : memref<!tpu.dma_semaphore, #tpu.memory_space<semaphore_mem>>) src(%dma_wait3A_555 : memref<80xi32, #tpu.memory_space<hbm>>) dst(%dma_wait3A_552 : memref<80xi32, #tpu.memory_space<vmem>>)
      %dma_start3A_556 = arith.constant 2 : i32
      %dma_start3A_557 = arith.constant 6 : i32
      %dma_start3A_558 = arith.constant 0 : i32
      %dma_start3A_559 = arith.constant 0 : i32
      %dma_start3A_560 = tpu.memref_slice %arg9[%dma_start3A_556, %dma_start3A_558, %dma_start3A_559] : memref<4x80x128xf32, #tpu.memory_space<vmem>> -> memref<1x80x128xf32, #tpu.memory_space<vmem>>
      %dma_start3A_561 = tpu.memref_squeeze %dma_start3A_560 : memref<1x80x128xf32, #tpu.memory_space<vmem>> -> memref<80x128xf32, #tpu.memory_space<vmem>>
      %dma_start3A_562 = arith.constant 0 : i32
      %dma_start3A_563 = tpu.memref_slice %arg8[%dma_start3A_557, %dma_start3A_562] : memref<8x80xi32, #tpu.memory_space<vmem>> -> memref<1x80xi32, #tpu.memory_space<vmem>>
      %dma_start3A_564 = tpu.memref_squeeze %dma_start3A_563 : memref<1x80xi32, #tpu.memory_space<vmem>> -> memref<80xi32, #tpu.memory_space<vmem>>
      %dma_start3A_565 = arith.constant 0 : i32
      %dma_start3A_566 = arith.constant 0 : i32
      %dma_start3A_567 = tpu.memref_slice %arg10[%dma_start3A_565, %dma_start3A_566] : memref<10240x128xf32, #tpu.memory_space<vmem_shared>> -> memref<10240x128xf32, #tpu.memory_space<vmem_shared>>
      tpu.enqueue_indirect_dma source(%dma_start3A_561 : memref<80x128xf32, #tpu.memory_space<vmem>>) target(%dma_start3A_567 : memref<10240x128xf32, #tpu.memory_space<vmem_shared>>) offsets(%dma_start3A_564 : memref<80xi32, #tpu.memory_space<vmem>>) semaphore(%arg33 : memref<!tpu.dma_semaphore, #tpu.memory_space<semaphore_mem>>) {add = true}
      %add3A_568 = arith.constant 2 : i32
      %add3A_569 = arith.addi %add3A_530, %add3A_568 : i32
      %lt3A_570 = arith.constant 128 : i32
      %lt3A_571 = arith.cmpi slt, %add3A_569, %lt3A_570 : i32
      %convert_element_type3A_572 = arith.extui %lt3A_571 : i1 to i32
      %cond3A_573 = arith.constant 0 : i32
      %cond3A_574 = arith.cmpi ne, %convert_element_type3A_572, %cond3A_573 : i32
      scf.if %cond3A_574 {
        %ge3A = arith.constant 2 : i32
        %ge3A_637 = arith.cmpi sge, %add3A_530, %ge3A : i32
        %convert_element_type3A_638 = arith.extui %ge3A_637 : i1 to i32
        %cond3A_639 = arith.constant 0 : i32
        %cond3A_640 = arith.cmpi ne, %convert_element_type3A_638, %cond3A_639 : i32
        scf.if %cond3A_640 {
          %dma_wait3A_668 = arith.constant 0 : i32
          %dma_wait3A_669 = arith.constant 4 : i32
          %dma_wait3A_670 = arith.constant 0 : i32
          %dma_wait3A_671 = arith.constant 0 : i32
          %dma_wait3A_672 = tpu.memref_slice %arg9[%dma_wait3A_668, %dma_wait3A_670, %dma_wait3A_671] : memref<4x80x128xf32, #tpu.memory_space<vmem>> -> memref<1x80x128xf32, #tpu.memory_space<vmem>>
          %dma_wait3A_673 = tpu.memref_squeeze %dma_wait3A_672 : memref<1x80x128xf32, #tpu.memory_space<vmem>> -> memref<80x128xf32, #tpu.memory_space<vmem>>
          %dma_wait3A_674 = arith.constant 0 : i32
          %dma_wait3A_675 = tpu.memref_slice %arg8[%dma_wait3A_669, %dma_wait3A_674] : memref<8x80xi32, #tpu.memory_space<vmem>> -> memref<1x80xi32, #tpu.memory_space<vmem>>
          %dma_wait3A_676 = tpu.memref_squeeze %dma_wait3A_675 : memref<1x80xi32, #tpu.memory_space<vmem>> -> memref<80xi32, #tpu.memory_space<vmem>>
          %dma_wait3A_677 = arith.constant 0 : i32
          %dma_wait3A_678 = arith.constant 0 : i32
          %dma_wait3A_679 = tpu.memref_slice %arg10[%dma_wait3A_677, %dma_wait3A_678] : memref<10240x128xf32, #tpu.memory_space<vmem_shared>> -> memref<10240x128xf32, #tpu.memory_space<vmem_shared>>
          tpu.wait_indirect_dma semaphore(%arg31 : memref<!tpu.dma_semaphore, #tpu.memory_space<semaphore_mem>>) src(%dma_wait3A_673 : memref<80x128xf32, #tpu.memory_space<vmem>>) dst(%dma_wait3A_679 : memref<10240x128xf32, #tpu.memory_space<vmem_shared>>)
        } else {
        }
        %add3A_641 = arith.constant 2 : i32
        %add3A_642 = arith.addi %add3A_530, %add3A_641 : i32
        %dma_wait3A_643 = arith.constant 0 : i32
        %dma_wait3A_644 = arith.constant 0 : i32
        %dma_wait3A_645 = tpu.memref_slice %arg7[%dma_wait3A_643, %dma_wait3A_644] : memref<8x80xi32, #tpu.memory_space<vmem>> -> memref<1x80xi32, #tpu.memory_space<vmem>>
        %dma_wait3A_646 = tpu.memref_squeeze %dma_wait3A_645 : memref<1x80xi32, #tpu.memory_space<vmem>> -> memref<80xi32, #tpu.memory_space<vmem>>
        %dma_wait3A_647 = arith.constant 0 : i32
        %dma_wait3A_648 = tpu.memref_slice %arg3[%add3A, %add3A_642, %dma_wait3A_647] : memref<32x128x80xi32, #tpu.memory_space<hbm>> -> memref<1x1x80xi32, #tpu.memory_space<hbm>>
        %dma_wait3A_649 = tpu.memref_squeeze %dma_wait3A_648 : memref<1x1x80xi32, #tpu.memory_space<hbm>> -> memref<80xi32, #tpu.memory_space<hbm>>
        %dma_wait3A_650 = arith.constant 0 : i32
        %dma_wait3A_651 = tpu.memref_slice %arg7[%dma_wait3A_643, %dma_wait3A_650] : memref<8x80xi32, #tpu.memory_space<vmem>> -> memref<1x80xi32, #tpu.memory_space<vmem>>
        %dma_wait3A_652 = tpu.memref_squeeze %dma_wait3A_651 : memref<1x80xi32, #tpu.memory_space<vmem>> -> memref<80xi32, #tpu.memory_space<vmem>>
        %dma_wait3A_653 = arith.constant 0 : i32
        %dma_wait3A_654 = tpu.memref_slice %arg3[%add3A, %add3A_642, %dma_wait3A_653] : memref<32x128x80xi32, #tpu.memory_space<hbm>> -> memref<1x1x80xi32, #tpu.memory_space<hbm>>
        %dma_wait3A_655 = tpu.memref_squeeze %dma_wait3A_654 : memref<1x1x80xi32, #tpu.memory_space<hbm>> -> memref<80xi32, #tpu.memory_space<hbm>>
        tpu.wait_dma2 semaphore(%arg11 : memref<!tpu.dma_semaphore, #tpu.memory_space<semaphore_mem>>) src(%dma_wait3A_655 : memref<80xi32, #tpu.memory_space<hbm>>) dst(%dma_wait3A_652 : memref<80xi32, #tpu.memory_space<vmem>>)
        %dma_start3A_656 = arith.constant 0 : i32
        %dma_start3A_657 = arith.constant 0 : i32
        %dma_start3A_658 = arith.constant 0 : i32
        %dma_start3A_659 = arith.constant 0 : i32
        %dma_start3A_660 = tpu.memref_slice %arg9[%dma_start3A_657, %dma_start3A_658, %dma_start3A_659] : memref<4x80x128xf32, #tpu.memory_space<vmem>> -> memref<1x80x128xf32, #tpu.memory_space<vmem>>
        %dma_start3A_661 = tpu.memref_squeeze %dma_start3A_660 : memref<1x80x128xf32, #tpu.memory_space<vmem>> -> memref<80x128xf32, #tpu.memory_space<vmem>>
        %dma_start3A_662 = arith.constant 0 : i32
        %dma_start3A_663 = tpu.memref_slice %arg7[%dma_start3A_656, %dma_start3A_662] : memref<8x80xi32, #tpu.memory_space<vmem>> -> memref<1x80xi32, #tpu.memory_space<vmem>>
        %dma_start3A_664 = tpu.memref_squeeze %dma_start3A_663 : memref<1x80xi32, #tpu.memory_space<vmem>> -> memref<80xi32, #tpu.memory_space<vmem>>
        %dma_start3A_665 = arith.constant 0 : i32
        %dma_start3A_666 = arith.constant 0 : i32
        %dma_start3A_667 = tpu.memref_slice %arg2[%dma_start3A_665, %dma_start3A_666] : memref<10240x128xf32, #tpu.memory_space<hbm>> -> memref<10240x128xf32, #tpu.memory_space<hbm>>
        tpu.enqueue_indirect_dma source(%dma_start3A_667 : memref<10240x128xf32, #tpu.memory_space<hbm>>) target(%dma_start3A_661 : memref<80x128xf32, #tpu.memory_space<vmem>>) offsets(%dma_start3A_664 : memref<80xi32, #tpu.memory_space<vmem>>) semaphore(%arg27 : memref<!tpu.dma_semaphore, #tpu.memory_space<semaphore_mem>>)
      } else {
      }
      %add3A_575 = arith.constant 4 : i32
      %add3A_576 = arith.addi %add3A_530, %add3A_575 : i32
      %lt3A_577 = arith.constant 128 : i32
      %lt3A_578 = arith.cmpi slt, %add3A_576, %lt3A_577 : i32
      %convert_element_type3A_579 = arith.extui %lt3A_578 : i1 to i32
      %cond3A_580 = arith.constant 0 : i32
      %cond3A_581 = arith.cmpi ne, %convert_element_type3A_579, %cond3A_580 : i32
      scf.if %cond3A_581 {
        %add3A_637 = arith.constant 4 : i32
        %add3A_638 = arith.addi %add3A_530, %add3A_637 : i32
        %dma_start3A_639 = arith.constant 2 : i32
        %dma_start3A_640 = arith.constant 0 : i32
        %dma_start3A_641 = tpu.memref_slice %arg7[%dma_start3A_639, %dma_start3A_640] : memref<8x80xi32, #tpu.memory_space<vmem>> -> memref<1x80xi32, #tpu.memory_space<vmem>>
        %dma_start3A_642 = tpu.memref_squeeze %dma_start3A_641 : memref<1x80xi32, #tpu.memory_space<vmem>> -> memref<80xi32, #tpu.memory_space<vmem>>
        %dma_start3A_643 = arith.constant 0 : i32
        %dma_start3A_644 = tpu.memref_slice %arg3[%add3A, %add3A_638, %dma_start3A_643] : memref<32x128x80xi32, #tpu.memory_space<hbm>> -> memref<1x1x80xi32, #tpu.memory_space<hbm>>
        %dma_start3A_645 = tpu.memref_squeeze %dma_start3A_644 : memref<1x1x80xi32, #tpu.memory_space<hbm>> -> memref<80xi32, #tpu.memory_space<hbm>>
        %dma_start3A_646 = arith.constant 0 : i32
        %dma_start3A_647 = tpu.memref_slice %arg7[%dma_start3A_639, %dma_start3A_646] : memref<8x80xi32, #tpu.memory_space<vmem>> -> memref<1x80xi32, #tpu.memory_space<vmem>>
        %dma_start3A_648 = tpu.memref_squeeze %dma_start3A_647 : memref<1x80xi32, #tpu.memory_space<vmem>> -> memref<80xi32, #tpu.memory_space<vmem>>
        %dma_start3A_649 = arith.constant 0 : i32
        %dma_start3A_650 = tpu.memref_slice %arg3[%add3A, %add3A_638, %dma_start3A_649] : memref<32x128x80xi32, #tpu.memory_space<hbm>> -> memref<1x1x80xi32, #tpu.memory_space<hbm>>
        %dma_start3A_651 = tpu.memref_squeeze %dma_start3A_650 : memref<1x1x80xi32, #tpu.memory_space<hbm>> -> memref<80xi32, #tpu.memory_space<hbm>>
        tpu.enqueue_dma source(%dma_start3A_651 : memref<80xi32, #tpu.memory_space<hbm>>) target(%dma_start3A_648 : memref<80xi32, #tpu.memory_space<vmem>>) target_semaphore(%arg13 : memref<!tpu.dma_semaphore, #tpu.memory_space<semaphore_mem>>)
        %dma_start3A_652 = arith.constant 2 : i32
        %dma_start3A_653 = arith.constant 0 : i32
        %dma_start3A_654 = tpu.memref_slice %arg8[%dma_start3A_652, %dma_start3A_653] : memref<8x80xi32, #tpu.memory_space<vmem>> -> memref<1x80xi32, #tpu.memory_space<vmem>>
        %dma_start3A_655 = tpu.memref_squeeze %dma_start3A_654 : memref<1x80xi32, #tpu.memory_space<vmem>> -> memref<80xi32, #tpu.memory_space<vmem>>
        %dma_start3A_656 = arith.constant 0 : i32
        %dma_start3A_657 = tpu.memref_slice %arg4[%add3A, %add3A_638, %dma_start3A_656] : memref<32x128x80xi32, #tpu.memory_space<hbm>> -> memref<1x1x80xi32, #tpu.memory_space<hbm>>
        %dma_start3A_658 = tpu.memref_squeeze %dma_start3A_657 : memref<1x1x80xi32, #tpu.memory_space<hbm>> -> memref<80xi32, #tpu.memory_space<hbm>>
        %dma_start3A_659 = arith.constant 0 : i32
        %dma_start3A_660 = tpu.memref_slice %arg8[%dma_start3A_652, %dma_start3A_659] : memref<8x80xi32, #tpu.memory_space<vmem>> -> memref<1x80xi32, #tpu.memory_space<vmem>>
        %dma_start3A_661 = tpu.memref_squeeze %dma_start3A_660 : memref<1x80xi32, #tpu.memory_space<vmem>> -> memref<80xi32, #tpu.memory_space<vmem>>
        %dma_start3A_662 = arith.constant 0 : i32
        %dma_start3A_663 = tpu.memref_slice %arg4[%add3A, %add3A_638, %dma_start3A_662] : memref<32x128x80xi32, #tpu.memory_space<hbm>> -> memref<1x1x80xi32, #tpu.memory_space<hbm>>
        %dma_start3A_664 = tpu.memref_squeeze %dma_start3A_663 : memref<1x1x80xi32, #tpu.memory_space<hbm>> -> memref<80xi32, #tpu.memory_space<hbm>>
        tpu.enqueue_dma source(%dma_start3A_664 : memref<80xi32, #tpu.memory_space<hbm>>) target(%dma_start3A_661 : memref<80xi32, #tpu.memory_space<vmem>>) target_semaphore(%arg21 : memref<!tpu.dma_semaphore, #tpu.memory_space<semaphore_mem>>)
      } else {
      }
      %mul3A_582 = arith.constant 8 : i32
      %mul3A_583 = arith.muli %scan3A_199, %mul3A_582 : i32
      %add3A_584 = arith.constant 7 : i32
      %add3A_585 = arith.addi %mul3A_583, %add3A_584 : i32
      %dma_wait3A_586 = arith.constant 7 : i32
      %dma_wait3A_587 = arith.constant 3 : i32
      %dma_wait3A_588 = arith.constant 0 : i32
      %dma_wait3A_589 = arith.constant 0 : i32
      %dma_wait3A_590 = tpu.memref_slice %arg9[%dma_wait3A_587, %dma_wait3A_588, %dma_wait3A_589] : memref<4x80x128xf32, #tpu.memory_space<vmem>> -> memref<1x80x128xf32, #tpu.memory_space<vmem>>
      %dma_wait3A_591 = tpu.memref_squeeze %dma_wait3A_590 : memref<1x80x128xf32, #tpu.memory_space<vmem>> -> memref<80x128xf32, #tpu.memory_space<vmem>>
      %dma_wait3A_592 = arith.constant 0 : i32
      %dma_wait3A_593 = tpu.memref_slice %arg7[%dma_wait3A_586, %dma_wait3A_592] : memref<8x80xi32, #tpu.memory_space<vmem>> -> memref<1x80xi32, #tpu.memory_space<vmem>>
      %dma_wait3A_594 = tpu.memref_squeeze %dma_wait3A_593 : memref<1x80xi32, #tpu.memory_space<vmem>> -> memref<80xi32, #tpu.memory_space<vmem>>
      %dma_wait3A_595 = arith.constant 0 : i32
      %dma_wait3A_596 = arith.constant 0 : i32
      %dma_wait3A_597 = tpu.memref_slice %arg2[%dma_wait3A_595, %dma_wait3A_596] : memref<10240x128xf32, #tpu.memory_space<hbm>> -> memref<10240x128xf32, #tpu.memory_space<hbm>>
      tpu.wait_indirect_dma semaphore(%arg30 : memref<!tpu.dma_semaphore, #tpu.memory_space<semaphore_mem>>) src(%dma_wait3A_597 : memref<10240x128xf32, #tpu.memory_space<hbm>>) dst(%dma_wait3A_591 : memref<80x128xf32, #tpu.memory_space<vmem>>)
      %dma_wait3A_598 = arith.constant 7 : i32
      %dma_wait3A_599 = arith.constant 0 : i32
      %dma_wait3A_600 = tpu.memref_slice %arg8[%dma_wait3A_598, %dma_wait3A_599] : memref<8x80xi32, #tpu.memory_space<vmem>> -> memref<1x80xi32, #tpu.memory_space<vmem>>
      %dma_wait3A_601 = tpu.memref_squeeze %dma_wait3A_600 : memref<1x80xi32, #tpu.memory_space<vmem>> -> memref<80xi32, #tpu.memory_space<vmem>>
      %dma_wait3A_602 = arith.constant 0 : i32
      %dma_wait3A_603 = tpu.memref_slice %arg4[%add3A, %add3A_585, %dma_wait3A_602] : memref<32x128x80xi32, #tpu.memory_space<hbm>> -> memref<1x1x80xi32, #tpu.memory_space<hbm>>
      %dma_wait3A_604 = tpu.memref_squeeze %dma_wait3A_603 : memref<1x1x80xi32, #tpu.memory_space<hbm>> -> memref<80xi32, #tpu.memory_space<hbm>>
      %dma_wait3A_605 = arith.constant 0 : i32
      %dma_wait3A_606 = tpu.memref_slice %arg8[%dma_wait3A_598, %dma_wait3A_605] : memref<8x80xi32, #tpu.memory_space<vmem>> -> memref<1x80xi32, #tpu.memory_space<vmem>>
      %dma_wait3A_607 = tpu.memref_squeeze %dma_wait3A_606 : memref<1x80xi32, #tpu.memory_space<vmem>> -> memref<80xi32, #tpu.memory_space<vmem>>
      %dma_wait3A_608 = arith.constant 0 : i32
      %dma_wait3A_609 = tpu.memref_slice %arg4[%add3A, %add3A_585, %dma_wait3A_608] : memref<32x128x80xi32, #tpu.memory_space<hbm>> -> memref<1x1x80xi32, #tpu.memory_space<hbm>>
      %dma_wait3A_610 = tpu.memref_squeeze %dma_wait3A_609 : memref<1x1x80xi32, #tpu.memory_space<hbm>> -> memref<80xi32, #tpu.memory_space<hbm>>
      tpu.wait_dma2 semaphore(%arg26 : memref<!tpu.dma_semaphore, #tpu.memory_space<semaphore_mem>>) src(%dma_wait3A_610 : memref<80xi32, #tpu.memory_space<hbm>>) dst(%dma_wait3A_607 : memref<80xi32, #tpu.memory_space<vmem>>)
      %dma_start3A_611 = arith.constant 3 : i32
      %dma_start3A_612 = arith.constant 7 : i32
      %dma_start3A_613 = arith.constant 0 : i32
      %dma_start3A_614 = arith.constant 0 : i32
      %dma_start3A_615 = tpu.memref_slice %arg9[%dma_start3A_611, %dma_start3A_613, %dma_start3A_614] : memref<4x80x128xf32, #tpu.memory_space<vmem>> -> memref<1x80x128xf32, #tpu.memory_space<vmem>>
      %dma_start3A_616 = tpu.memref_squeeze %dma_start3A_615 : memref<1x80x128xf32, #tpu.memory_space<vmem>> -> memref<80x128xf32, #tpu.memory_space<vmem>>
      %dma_start3A_617 = arith.constant 0 : i32
      %dma_start3A_618 = tpu.memref_slice %arg8[%dma_start3A_612, %dma_start3A_617] : memref<8x80xi32, #tpu.memory_space<vmem>> -> memref<1x80xi32, #tpu.memory_space<vmem>>
      %dma_start3A_619 = tpu.memref_squeeze %dma_start3A_618 : memref<1x80xi32, #tpu.memory_space<vmem>> -> memref<80xi32, #tpu.memory_space<vmem>>
      %dma_start3A_620 = arith.constant 0 : i32
      %dma_start3A_621 = arith.constant 0 : i32
      %dma_start3A_622 = tpu.memref_slice %arg10[%dma_start3A_620, %dma_start3A_621] : memref<10240x128xf32, #tpu.memory_space<vmem_shared>> -> memref<10240x128xf32, #tpu.memory_space<vmem_shared>>
      tpu.enqueue_indirect_dma source(%dma_start3A_616 : memref<80x128xf32, #tpu.memory_space<vmem>>) target(%dma_start3A_622 : memref<10240x128xf32, #tpu.memory_space<vmem_shared>>) offsets(%dma_start3A_619 : memref<80xi32, #tpu.memory_space<vmem>>) semaphore(%arg34 : memref<!tpu.dma_semaphore, #tpu.memory_space<semaphore_mem>>) {add = true}
      %add3A_623 = arith.constant 2 : i32
      %add3A_624 = arith.addi %add3A_585, %add3A_623 : i32
      %lt3A_625 = arith.constant 128 : i32
      %lt3A_626 = arith.cmpi slt, %add3A_624, %lt3A_625 : i32
      %convert_element_type3A_627 = arith.extui %lt3A_626 : i1 to i32
      %cond3A_628 = arith.constant 0 : i32
      %cond3A_629 = arith.cmpi ne, %convert_element_type3A_627, %cond3A_628 : i32
      scf.if %cond3A_629 {
        %ge3A = arith.constant 2 : i32
        %ge3A_637 = arith.cmpi sge, %add3A_585, %ge3A : i32
        %convert_element_type3A_638 = arith.extui %ge3A_637 : i1 to i32
        %cond3A_639 = arith.constant 0 : i32
        %cond3A_640 = arith.cmpi ne, %convert_element_type3A_638, %cond3A_639 : i32
        scf.if %cond3A_640 {
          %dma_wait3A_668 = arith.constant 1 : i32
          %dma_wait3A_669 = arith.constant 5 : i32
          %dma_wait3A_670 = arith.constant 0 : i32
          %dma_wait3A_671 = arith.constant 0 : i32
          %dma_wait3A_672 = tpu.memref_slice %arg9[%dma_wait3A_668, %dma_wait3A_670, %dma_wait3A_671] : memref<4x80x128xf32, #tpu.memory_space<vmem>> -> memref<1x80x128xf32, #tpu.memory_space<vmem>>
          %dma_wait3A_673 = tpu.memref_squeeze %dma_wait3A_672 : memref<1x80x128xf32, #tpu.memory_space<vmem>> -> memref<80x128xf32, #tpu.memory_space<vmem>>
          %dma_wait3A_674 = arith.constant 0 : i32
          %dma_wait3A_675 = tpu.memref_slice %arg8[%dma_wait3A_669, %dma_wait3A_674] : memref<8x80xi32, #tpu.memory_space<vmem>> -> memref<1x80xi32, #tpu.memory_space<vmem>>
          %dma_wait3A_676 = tpu.memref_squeeze %dma_wait3A_675 : memref<1x80xi32, #tpu.memory_space<vmem>> -> memref<80xi32, #tpu.memory_space<vmem>>
          %dma_wait3A_677 = arith.constant 0 : i32
          %dma_wait3A_678 = arith.constant 0 : i32
          %dma_wait3A_679 = tpu.memref_slice %arg10[%dma_wait3A_677, %dma_wait3A_678] : memref<10240x128xf32, #tpu.memory_space<vmem_shared>> -> memref<10240x128xf32, #tpu.memory_space<vmem_shared>>
          tpu.wait_indirect_dma semaphore(%arg32 : memref<!tpu.dma_semaphore, #tpu.memory_space<semaphore_mem>>) src(%dma_wait3A_673 : memref<80x128xf32, #tpu.memory_space<vmem>>) dst(%dma_wait3A_679 : memref<10240x128xf32, #tpu.memory_space<vmem_shared>>)
        } else {
        }
        %add3A_641 = arith.constant 2 : i32
        %add3A_642 = arith.addi %add3A_585, %add3A_641 : i32
        %dma_wait3A_643 = arith.constant 1 : i32
        %dma_wait3A_644 = arith.constant 0 : i32
        %dma_wait3A_645 = tpu.memref_slice %arg7[%dma_wait3A_643, %dma_wait3A_644] : memref<8x80xi32, #tpu.memory_space<vmem>> -> memref<1x80xi32, #tpu.memory_space<vmem>>
        %dma_wait3A_646 = tpu.memref_squeeze %dma_wait3A_645 : memref<1x80xi32, #tpu.memory_space<vmem>> -> memref<80xi32, #tpu.memory_space<vmem>>
        %dma_wait3A_647 = arith.constant 0 : i32
        %dma_wait3A_648 = tpu.memref_slice %arg3[%add3A, %add3A_642, %dma_wait3A_647] : memref<32x128x80xi32, #tpu.memory_space<hbm>> -> memref<1x1x80xi32, #tpu.memory_space<hbm>>
        %dma_wait3A_649 = tpu.memref_squeeze %dma_wait3A_648 : memref<1x1x80xi32, #tpu.memory_space<hbm>> -> memref<80xi32, #tpu.memory_space<hbm>>
        %dma_wait3A_650 = arith.constant 0 : i32
        %dma_wait3A_651 = tpu.memref_slice %arg7[%dma_wait3A_643, %dma_wait3A_650] : memref<8x80xi32, #tpu.memory_space<vmem>> -> memref<1x80xi32, #tpu.memory_space<vmem>>
        %dma_wait3A_652 = tpu.memref_squeeze %dma_wait3A_651 : memref<1x80xi32, #tpu.memory_space<vmem>> -> memref<80xi32, #tpu.memory_space<vmem>>
        %dma_wait3A_653 = arith.constant 0 : i32
        %dma_wait3A_654 = tpu.memref_slice %arg3[%add3A, %add3A_642, %dma_wait3A_653] : memref<32x128x80xi32, #tpu.memory_space<hbm>> -> memref<1x1x80xi32, #tpu.memory_space<hbm>>
        %dma_wait3A_655 = tpu.memref_squeeze %dma_wait3A_654 : memref<1x1x80xi32, #tpu.memory_space<hbm>> -> memref<80xi32, #tpu.memory_space<hbm>>
        tpu.wait_dma2 semaphore(%arg12 : memref<!tpu.dma_semaphore, #tpu.memory_space<semaphore_mem>>) src(%dma_wait3A_655 : memref<80xi32, #tpu.memory_space<hbm>>) dst(%dma_wait3A_652 : memref<80xi32, #tpu.memory_space<vmem>>)
        %dma_start3A_656 = arith.constant 1 : i32
        %dma_start3A_657 = arith.constant 1 : i32
        %dma_start3A_658 = arith.constant 0 : i32
        %dma_start3A_659 = arith.constant 0 : i32
        %dma_start3A_660 = tpu.memref_slice %arg9[%dma_start3A_657, %dma_start3A_658, %dma_start3A_659] : memref<4x80x128xf32, #tpu.memory_space<vmem>> -> memref<1x80x128xf32, #tpu.memory_space<vmem>>
        %dma_start3A_661 = tpu.memref_squeeze %dma_start3A_660 : memref<1x80x128xf32, #tpu.memory_space<vmem>> -> memref<80x128xf32, #tpu.memory_space<vmem>>
        %dma_start3A_662 = arith.constant 0 : i32
        %dma_start3A_663 = tpu.memref_slice %arg7[%dma_start3A_656, %dma_start3A_662] : memref<8x80xi32, #tpu.memory_space<vmem>> -> memref<1x80xi32, #tpu.memory_space<vmem>>
        %dma_start3A_664 = tpu.memref_squeeze %dma_start3A_663 : memref<1x80xi32, #tpu.memory_space<vmem>> -> memref<80xi32, #tpu.memory_space<vmem>>
        %dma_start3A_665 = arith.constant 0 : i32
        %dma_start3A_666 = arith.constant 0 : i32
        %dma_start3A_667 = tpu.memref_slice %arg2[%dma_start3A_665, %dma_start3A_666] : memref<10240x128xf32, #tpu.memory_space<hbm>> -> memref<10240x128xf32, #tpu.memory_space<hbm>>
        tpu.enqueue_indirect_dma source(%dma_start3A_667 : memref<10240x128xf32, #tpu.memory_space<hbm>>) target(%dma_start3A_661 : memref<80x128xf32, #tpu.memory_space<vmem>>) offsets(%dma_start3A_664 : memref<80xi32, #tpu.memory_space<vmem>>) semaphore(%arg28 : memref<!tpu.dma_semaphore, #tpu.memory_space<semaphore_mem>>)
      } else {
      }
      %add3A_630 = arith.constant 4 : i32
      %add3A_631 = arith.addi %add3A_585, %add3A_630 : i32
      %lt3A_632 = arith.constant 128 : i32
      %lt3A_633 = arith.cmpi slt, %add3A_631, %lt3A_632 : i32
      %convert_element_type3A_634 = arith.extui %lt3A_633 : i1 to i32
      %cond3A_635 = arith.constant 0 : i32
      %cond3A_636 = arith.cmpi ne, %convert_element_type3A_634, %cond3A_635 : i32
      scf.if %cond3A_636 {
        %add3A_637 = arith.constant 4 : i32
        %add3A_638 = arith.addi %add3A_585, %add3A_637 : i32
        %dma_start3A_639 = arith.constant 3 : i32
        %dma_start3A_640 = arith.constant 0 : i32
        %dma_start3A_641 = tpu.memref_slice %arg7[%dma_start3A_639, %dma_start3A_640] : memref<8x80xi32, #tpu.memory_space<vmem>> -> memref<1x80xi32, #tpu.memory_space<vmem>>
        %dma_start3A_642 = tpu.memref_squeeze %dma_start3A_641 : memref<1x80xi32, #tpu.memory_space<vmem>> -> memref<80xi32, #tpu.memory_space<vmem>>
        %dma_start3A_643 = arith.constant 0 : i32
        %dma_start3A_644 = tpu.memref_slice %arg3[%add3A, %add3A_638, %dma_start3A_643] : memref<32x128x80xi32, #tpu.memory_space<hbm>> -> memref<1x1x80xi32, #tpu.memory_space<hbm>>
        %dma_start3A_645 = tpu.memref_squeeze %dma_start3A_644 : memref<1x1x80xi32, #tpu.memory_space<hbm>> -> memref<80xi32, #tpu.memory_space<hbm>>
        %dma_start3A_646 = arith.constant 0 : i32
        %dma_start3A_647 = tpu.memref_slice %arg7[%dma_start3A_639, %dma_start3A_646] : memref<8x80xi32, #tpu.memory_space<vmem>> -> memref<1x80xi32, #tpu.memory_space<vmem>>
        %dma_start3A_648 = tpu.memref_squeeze %dma_start3A_647 : memref<1x80xi32, #tpu.memory_space<vmem>> -> memref<80xi32, #tpu.memory_space<vmem>>
        %dma_start3A_649 = arith.constant 0 : i32
        %dma_start3A_650 = tpu.memref_slice %arg3[%add3A, %add3A_638, %dma_start3A_649] : memref<32x128x80xi32, #tpu.memory_space<hbm>> -> memref<1x1x80xi32, #tpu.memory_space<hbm>>
        %dma_start3A_651 = tpu.memref_squeeze %dma_start3A_650 : memref<1x1x80xi32, #tpu.memory_space<hbm>> -> memref<80xi32, #tpu.memory_space<hbm>>
        tpu.enqueue_dma source(%dma_start3A_651 : memref<80xi32, #tpu.memory_space<hbm>>) target(%dma_start3A_648 : memref<80xi32, #tpu.memory_space<vmem>>) target_semaphore(%arg14 : memref<!tpu.dma_semaphore, #tpu.memory_space<semaphore_mem>>)
        %dma_start3A_652 = arith.constant 3 : i32
        %dma_start3A_653 = arith.constant 0 : i32
        %dma_start3A_654 = tpu.memref_slice %arg8[%dma_start3A_652, %dma_start3A_653] : memref<8x80xi32, #tpu.memory_space<vmem>> -> memref<1x80xi32, #tpu.memory_space<vmem>>
        %dma_start3A_655 = tpu.memref_squeeze %dma_start3A_654 : memref<1x80xi32, #tpu.memory_space<vmem>> -> memref<80xi32, #tpu.memory_space<vmem>>
        %dma_start3A_656 = arith.constant 0 : i32
        %dma_start3A_657 = tpu.memref_slice %arg4[%add3A, %add3A_638, %dma_start3A_656] : memref<32x128x80xi32, #tpu.memory_space<hbm>> -> memref<1x1x80xi32, #tpu.memory_space<hbm>>
        %dma_start3A_658 = tpu.memref_squeeze %dma_start3A_657 : memref<1x1x80xi32, #tpu.memory_space<hbm>> -> memref<80xi32, #tpu.memory_space<hbm>>
        %dma_start3A_659 = arith.constant 0 : i32
        %dma_start3A_660 = tpu.memref_slice %arg8[%dma_start3A_652, %dma_start3A_659] : memref<8x80xi32, #tpu.memory_space<vmem>> -> memref<1x80xi32, #tpu.memory_space<vmem>>
        %dma_start3A_661 = tpu.memref_squeeze %dma_start3A_660 : memref<1x80xi32, #tpu.memory_space<vmem>> -> memref<80xi32, #tpu.memory_space<vmem>>
        %dma_start3A_662 = arith.constant 0 : i32
        %dma_start3A_663 = tpu.memref_slice %arg4[%add3A, %add3A_638, %dma_start3A_662] : memref<32x128x80xi32, #tpu.memory_space<hbm>> -> memref<1x1x80xi32, #tpu.memory_space<hbm>>
        %dma_start3A_664 = tpu.memref_squeeze %dma_start3A_663 : memref<1x1x80xi32, #tpu.memory_space<hbm>> -> memref<80xi32, #tpu.memory_space<hbm>>
        tpu.enqueue_dma source(%dma_start3A_664 : memref<80xi32, #tpu.memory_space<hbm>>) target(%dma_start3A_661 : memref<80xi32, #tpu.memory_space<vmem>>) target_semaphore(%arg22 : memref<!tpu.dma_semaphore, #tpu.memory_space<semaphore_mem>>)
      } else {
      }
    }
    %scan3A_169 = arith.constant 16 : i32
    %dma_wait3A_170 = arith.constant 2 : i32
    %dma_wait3A_171 = arith.constant 6 : i32
    %dma_wait3A_172 = arith.constant 0 : i32
    %dma_wait3A_173 = arith.constant 0 : i32
    %dma_wait3A_174 = tpu.memref_slice %arg9[%dma_wait3A_170, %dma_wait3A_172, %dma_wait3A_173] : memref<4x80x128xf32, #tpu.memory_space<vmem>> -> memref<1x80x128xf32, #tpu.memory_space<vmem>>
    %dma_wait3A_175 = tpu.memref_squeeze %dma_wait3A_174 : memref<1x80x128xf32, #tpu.memory_space<vmem>> -> memref<80x128xf32, #tpu.memory_space<vmem>>
    %dma_wait3A_176 = arith.constant 0 : i32
    %dma_wait3A_177 = tpu.memref_slice %arg8[%dma_wait3A_171, %dma_wait3A_176] : memref<8x80xi32, #tpu.memory_space<vmem>> -> memref<1x80xi32, #tpu.memory_space<vmem>>
    %dma_wait3A_178 = tpu.memref_squeeze %dma_wait3A_177 : memref<1x80xi32, #tpu.memory_space<vmem>> -> memref<80xi32, #tpu.memory_space<vmem>>
    %dma_wait3A_179 = arith.constant 0 : i32
    %dma_wait3A_180 = arith.constant 0 : i32
    %dma_wait3A_181 = tpu.memref_slice %arg10[%dma_wait3A_179, %dma_wait3A_180] : memref<10240x128xf32, #tpu.memory_space<vmem_shared>> -> memref<10240x128xf32, #tpu.memory_space<vmem_shared>>
    tpu.wait_indirect_dma semaphore(%arg33 : memref<!tpu.dma_semaphore, #tpu.memory_space<semaphore_mem>>) src(%dma_wait3A_175 : memref<80x128xf32, #tpu.memory_space<vmem>>) dst(%dma_wait3A_181 : memref<10240x128xf32, #tpu.memory_space<vmem_shared>>)
    %dma_wait3A_182 = arith.constant 3 : i32
    %dma_wait3A_183 = arith.constant 7 : i32
    %dma_wait3A_184 = arith.constant 0 : i32
    %dma_wait3A_185 = arith.constant 0 : i32
    %dma_wait3A_186 = tpu.memref_slice %arg9[%dma_wait3A_182, %dma_wait3A_184, %dma_wait3A_185] : memref<4x80x128xf32, #tpu.memory_space<vmem>> -> memref<1x80x128xf32, #tpu.memory_space<vmem>>
    %dma_wait3A_187 = tpu.memref_squeeze %dma_wait3A_186 : memref<1x80x128xf32, #tpu.memory_space<vmem>> -> memref<80x128xf32, #tpu.memory_space<vmem>>
    %dma_wait3A_188 = arith.constant 0 : i32
    %dma_wait3A_189 = tpu.memref_slice %arg8[%dma_wait3A_183, %dma_wait3A_188] : memref<8x80xi32, #tpu.memory_space<vmem>> -> memref<1x80xi32, #tpu.memory_space<vmem>>
    %dma_wait3A_190 = tpu.memref_squeeze %dma_wait3A_189 : memref<1x80xi32, #tpu.memory_space<vmem>> -> memref<80xi32, #tpu.memory_space<vmem>>
    %dma_wait3A_191 = arith.constant 0 : i32
    %dma_wait3A_192 = arith.constant 0 : i32
    %dma_wait3A_193 = tpu.memref_slice %arg10[%dma_wait3A_191, %dma_wait3A_192] : memref<10240x128xf32, #tpu.memory_space<vmem_shared>> -> memref<10240x128xf32, #tpu.memory_space<vmem_shared>>
    tpu.wait_indirect_dma semaphore(%arg34 : memref<!tpu.dma_semaphore, #tpu.memory_space<semaphore_mem>>) src(%dma_wait3A_187 : memref<80x128xf32, #tpu.memory_space<vmem>>) dst(%dma_wait3A_193 : memref<10240x128xf32, #tpu.memory_space<vmem_shared>>)
    %barrier3A_194 = arith.constant 0 : index
    tpu.barrier barrier_id(%barrier3A_194)
    %mul3A_195 = arith.constant 640 : i32
    %mul3A_196 = arith.muli %arg1, %mul3A_195 : i32
    %mul3A_197 = arith.constant 640 : i32
    %mul3A_198 = arith.muli %arg1, %mul3A_197 : i32
    "tpu.region"() ({
      %run_scoped3A = tpu.sem_alloc : memref<!tpu.dma_semaphore, #tpu.memory_space<semaphore_mem>>
      %dma_start3A_199 = arith.constant 0 : i32
      %dma_start3A_200 = tpu.memref_slice %arg6[%arg0, %mul3A_198, %dma_start3A_199] : memref<2x10240x128xf32, #tpu.memory_space<hbm>> -> memref<1x640x128xf32, #tpu.memory_space<hbm>>
      %dma_start3A_201 = tpu.memref_squeeze %dma_start3A_200 : memref<1x640x128xf32, #tpu.memory_space<hbm>> -> memref<640x128xf32, #tpu.memory_space<hbm>>
      %dma_start3A_202 = arith.constant 0 : i32
      %dma_start3A_203 = tpu.memref_slice %arg10[%mul3A_196, %dma_start3A_202] : memref<10240x128xf32, #tpu.memory_space<vmem_shared>> -> memref<640x128xf32, #tpu.memory_space<vmem_shared>>
      tpu.enqueue_dma source(%dma_start3A_203 : memref<640x128xf32, #tpu.memory_space<vmem_shared>>) target(%dma_start3A_201 : memref<640x128xf32, #tpu.memory_space<hbm>>) target_semaphore(%run_scoped3A : memref<!tpu.dma_semaphore, #tpu.memory_space<semaphore_mem>>)
      %dma_wait3A_204 = arith.constant 0 : i32
      %dma_wait3A_205 = tpu.memref_slice %arg6[%arg0, %mul3A_198, %dma_wait3A_204] : memref<2x10240x128xf32, #tpu.memory_space<hbm>> -> memref<1x640x128xf32, #tpu.memory_space<hbm>>
      %dma_wait3A_206 = tpu.memref_squeeze %dma_wait3A_205 : memref<1x640x128xf32, #tpu.memory_space<hbm>> -> memref<640x128xf32, #tpu.memory_space<hbm>>
      %dma_wait3A_207 = arith.constant 0 : i32
      %dma_wait3A_208 = tpu.memref_slice %arg10[%mul3A_196, %dma_wait3A_207] : memref<10240x128xf32, #tpu.memory_space<vmem_shared>> -> memref<640x128xf32, #tpu.memory_space<vmem_shared>>
      tpu.wait_dma2 semaphore(%run_scoped3A : memref<!tpu.dma_semaphore, #tpu.memory_space<semaphore_mem>>) src(%dma_wait3A_208 : memref<640x128xf32, #tpu.memory_space<vmem_shared>>) dst(%dma_wait3A_206 : memref<640x128xf32, #tpu.memory_space<hbm>>)
      tpu.yield
    }) : () -> ()
    return
  }
}

#map = affine_map<(d0, d1) -> (0, 0)>
#map1 = affine_map<(d0, d1) -> (0, 0, 0)>
module attributes {stable_mosaic.version = 14 : i64} {
  func.func @_sc_feature(%arg0: i32, %arg1: i32, %arg2: memref<10000x128xf32, #tpu.memory_space<hbm>>, %arg3: memref<32x128x80xi32, #tpu.memory_space<hbm>>, %arg4: memref<32x128x80xi32, #tpu.memory_space<hbm>>, %arg5: memref<640x128xf32, #tpu.memory_space<hbm>>, %arg6: memref<2x10240x128xf32, #tpu.memory_space<hbm>>, %arg7: memref<8x80xi32, #tpu.memory_space<vmem>>, %arg8: memref<8x80xi32, #tpu.memory_space<vmem>>, %arg9: memref<4x80x128xf32, #tpu.memory_space<vmem>>, %arg10: memref<10240x128xf32, #tpu.memory_space<vmem_shared>>, %arg11: memref<!tpu.dma_semaphore, #tpu.memory_space<semaphore_mem>>, %arg12: memref<!tpu.dma_semaphore, #tpu.memory_space<semaphore_mem>>, %arg13: memref<!tpu.dma_semaphore, #tpu.memory_space<semaphore_mem>>, %arg14: memref<!tpu.dma_semaphore, #tpu.memory_space<semaphore_mem>>, %arg15: memref<!tpu.dma_semaphore, #tpu.memory_space<semaphore_mem>>, %arg16: memref<!tpu.dma_semaphore, #tpu.memory_space<semaphore_mem>>, %arg17: memref<!tpu.dma_semaphore, #tpu.memory_space<semaphore_mem>>, %arg18: memref<!tpu.dma_semaphore, #tpu.memory_space<semaphore_mem>>, %arg19: memref<!tpu.dma_semaphore, #tpu.memory_space<semaphore_mem>>, %arg20: memref<!tpu.dma_semaphore, #tpu.memory_space<semaphore_mem>>, %arg21: memref<!tpu.dma_semaphore, #tpu.memory_space<semaphore_mem>>, %arg22: memref<!tpu.dma_semaphore, #tpu.memory_space<semaphore_mem>>, %arg23: memref<!tpu.dma_semaphore, #tpu.memory_space<semaphore_mem>>, %arg24: memref<!tpu.dma_semaphore, #tpu.memory_space<semaphore_mem>>, %arg25: memref<!tpu.dma_semaphore, #tpu.memory_space<semaphore_mem>>, %arg26: memref<!tpu.dma_semaphore, #tpu.memory_space<semaphore_mem>>, %arg27: memref<!tpu.dma_semaphore, #tpu.memory_space<semaphore_mem>>, %arg28: memref<!tpu.dma_semaphore, #tpu.memory_space<semaphore_mem>>, %arg29: memref<!tpu.dma_semaphore, #tpu.memory_space<semaphore_mem>>, %arg30: memref<!tpu.dma_semaphore, #tpu.memory_space<semaphore_mem>>, %arg31: memref<!tpu.dma_semaphore, #tpu.memory_space<semaphore_mem>>, %arg32: memref<!tpu.dma_semaphore, #tpu.memory_space<semaphore_mem>>, %arg33: memref<!tpu.dma_semaphore, #tpu.memory_space<semaphore_mem>>, %arg34: memref<!tpu.dma_semaphore, #tpu.memory_space<semaphore_mem>>) attributes {dimension_semantics = [#tpu.dimension_semantics<core_parallel>, #tpu.dimension_semantics<subcore_parallel>], iteration_bounds = array<i64: 2, 16>, scalar_prefetch = 0 : i64, scratch_operands = 28 : i64, tpu.core_type = #tpu.core_type<sc_vector_subcore>, window_params = [{transform_indices = #map}, {transform_indices = #map1}, {transform_indices = #map1}, {transform_indices = #map}, {transform_indices = #map1}]} {
    %mul3A = arith.constant 16 : i32
    %mul3A_0 = arith.muli %arg0, %mul3A : i32
    %add3A = arith.addi %mul3A_0, %arg1 : i32
    %mul3A_1 = arith.constant 640 : i32
    %mul3A_2 = arith.muli %arg1, %mul3A_1 : i32
    "tpu.region"() ({
      %run_scoped3A = tpu.sem_alloc : memref<!tpu.dma_semaphore, #tpu.memory_space<semaphore_mem>>
      %dma_start3A_199 = arith.constant 0 : i32
      %dma_start3A_200 = tpu.memref_slice %arg10[%mul3A_2, %dma_start3A_199] : memref<10240x128xf32, #tpu.memory_space<vmem_shared>> -> memref<640x128xf32, #tpu.memory_space<vmem_shared>>
      tpu.enqueue_dma source(%arg5 : memref<640x128xf32, #tpu.memory_space<hbm>>) target(%dma_start3A_200 : memref<640x128xf32, #tpu.memory_space<vmem_shared>>) target_semaphore(%run_scoped3A : memref<!tpu.dma_semaphore, #tpu.memory_space<semaphore_mem>>)
      %dma_wait3A_201 = arith.constant 0 : i32
      %dma_wait3A_202 = tpu.memref_slice %arg10[%mul3A_2, %dma_wait3A_201] : memref<10240x128xf32, #tpu.memory_space<vmem_shared>> -> memref<640x128xf32, #tpu.memory_space<vmem_shared>>
      tpu.wait_dma2 semaphore(%run_scoped3A : memref<!tpu.dma_semaphore, #tpu.memory_space<semaphore_mem>>) src(%arg5 : memref<640x128xf32, #tpu.memory_space<hbm>>) dst(%dma_wait3A_202 : memref<640x128xf32, #tpu.memory_space<vmem_shared>>)
      tpu.yield
    }) : () -> ()
    %barrier3A = arith.constant 0 : index
    tpu.barrier barrier_id(%barrier3A)
    %dma_start3A = arith.constant 0 : i32
    %dma_start3A_3 = arith.constant 0 : i32
    %dma_start3A_4 = arith.constant 0 : i32
    %dma_start3A_5 = tpu.memref_slice %arg7[%dma_start3A_3, %dma_start3A_4] : memref<8x80xi32, #tpu.memory_space<vmem>> -> memref<1x80xi32, #tpu.memory_space<vmem>>
    %dma_start3A_6 = tpu.memref_squeeze %dma_start3A_5 : memref<1x80xi32, #tpu.memory_space<vmem>> -> memref<80xi32, #tpu.memory_space<vmem>>
    %dma_start3A_7 = arith.constant 0 : i32
    %dma_start3A_8 = tpu.memref_slice %arg3[%add3A, %dma_start3A, %dma_start3A_7] : memref<32x128x80xi32, #tpu.memory_space<hbm>> -> memref<1x1x80xi32, #tpu.memory_space<hbm>>
    %dma_start3A_9 = tpu.memref_squeeze %dma_start3A_8 : memref<1x1x80xi32, #tpu.memory_space<hbm>> -> memref<80xi32, #tpu.memory_space<hbm>>
    %dma_start3A_10 = arith.constant 0 : i32
    %dma_start3A_11 = tpu.memref_slice %arg7[%dma_start3A_3, %dma_start3A_10] : memref<8x80xi32, #tpu.memory_space<vmem>> -> memref<1x80xi32, #tpu.memory_space<vmem>>
    %dma_start3A_12 = tpu.memref_squeeze %dma_start3A_11 : memref<1x80xi32, #tpu.memory_space<vmem>> -> memref<80xi32, #tpu.memory_space<vmem>>
    %dma_start3A_13 = arith.constant 0 : i32
    %dma_start3A_14 = tpu.memref_slice %arg3[%add3A, %dma_start3A, %dma_start3A_13] : memref<32x128x80xi32, #tpu.memory_space<hbm>> -> memref<1x1x80xi32, #tpu.memory_space<hbm>>
    %dma_start3A_15 = tpu.memref_squeeze %dma_start3A_14 : memref<1x1x80xi32, #tpu.memory_space<hbm>> -> memref<80xi32, #tpu.memory_space<hbm>>
    tpu.enqueue_dma source(%dma_start3A_15 : memref<80xi32, #tpu.memory_space<hbm>>) target(%dma_start3A_12 : memref<80xi32, #tpu.memory_space<vmem>>) target_semaphore(%arg11 : memref<!tpu.dma_semaphore, #tpu.memory_space<semaphore_mem>>)
    %dma_start3A_16 = arith.constant 0 : i32
    %dma_start3A_17 = arith.constant 0 : i32
    %dma_start3A_18 = arith.constant 0 : i32
    %dma_start3A_19 = tpu.memref_slice %arg8[%dma_start3A_17, %dma_start3A_18] : memref<8x80xi32, #tpu.memory_space<vmem>> -> memref<1x80xi32, #tpu.memory_space<vmem>>
    %dma_start3A_20 = tpu.memref_squeeze %dma_start3A_19 : memref<1x80xi32, #tpu.memory_space<vmem>> -> memref<80xi32, #tpu.memory_space<vmem>>
    %dma_start3A_21 = arith.constant 0 : i32
    %dma_start3A_22 = tpu.memref_slice %arg4[%add3A, %dma_start3A_16, %dma_start3A_21] : memref<32x128x80xi32, #tpu.memory_space<hbm>> -> memref<1x1x80xi32, #tpu.memory_space<hbm>>
    %dma_start3A_23 = tpu.memref_squeeze %dma_start3A_22 : memref<1x1x80xi32, #tpu.memory_space<hbm>> -> memref<80xi32, #tpu.memory_space<hbm>>
    %dma_start3A_24 = arith.constant 0 : i32
    %dma_start3A_25 = tpu.memref_slice %arg8[%dma_start3A_17, %dma_start3A_24] : memref<8x80xi32, #tpu.memory_space<vmem>> -> memref<1x80xi32, #tpu.memory_space<vmem>>
    %dma_start3A_26 = tpu.memref_squeeze %dma_start3A_25 : memref<1x80xi32, #tpu.memory_space<vmem>> -> memref<80xi32, #tpu.memory_space<vmem>>
    %dma_start3A_27 = arith.constant 0 : i32
    %dma_start3A_28 = tpu.memref_slice %arg4[%add3A, %dma_start3A_16, %dma_start3A_27] : memref<32x128x80xi32, #tpu.memory_space<hbm>> -> memref<1x1x80xi32, #tpu.memory_space<hbm>>
    %dma_start3A_29 = tpu.memref_squeeze %dma_start3A_28 : memref<1x1x80xi32, #tpu.memory_space<hbm>> -> memref<80xi32, #tpu.memory_space<hbm>>
    tpu.enqueue_dma source(%dma_start3A_29 : memref<80xi32, #tpu.memory_space<hbm>>) target(%dma_start3A_26 : memref<80xi32, #tpu.memory_space<vmem>>) target_semaphore(%arg19 : memref<!tpu.dma_semaphore, #tpu.memory_space<semaphore_mem>>)
    %dma_start3A_30 = arith.constant 1 : i32
    %dma_start3A_31 = arith.constant 1 : i32
    %dma_start3A_32 = arith.constant 0 : i32
    %dma_start3A_33 = tpu.memref_slice %arg7[%dma_start3A_31, %dma_start3A_32] : memref<8x80xi32, #tpu.memory_space<vmem>> -> memref<1x80xi32, #tpu.memory_space<vmem>>
    %dma_start3A_34 = tpu.memref_squeeze %dma_start3A_33 : memref<1x80xi32, #tpu.memory_space<vmem>> -> memref<80xi32, #tpu.memory_space<vmem>>
    %dma_start3A_35 = arith.constant 0 : i32
    %dma_start3A_36 = tpu.memref_slice %arg3[%add3A, %dma_start3A_30, %dma_start3A_35] : memref<32x128x80xi32, #tpu.memory_space<hbm>> -> memref<1x1x80xi32, #tpu.memory_space<hbm>>
    %dma_start3A_37 = tpu.memref_squeeze %dma_start3A_36 : memref<1x1x80xi32, #tpu.memory_space<hbm>> -> memref<80xi32, #tpu.memory_space<hbm>>
    %dma_start3A_38 = arith.constant 0 : i32
    %dma_start3A_39 = tpu.memref_slice %arg7[%dma_start3A_31, %dma_start3A_38] : memref<8x80xi32, #tpu.memory_space<vmem>> -> memref<1x80xi32, #tpu.memory_space<vmem>>
    %dma_start3A_40 = tpu.memref_squeeze %dma_start3A_39 : memref<1x80xi32, #tpu.memory_space<vmem>> -> memref<80xi32, #tpu.memory_space<vmem>>
    %dma_start3A_41 = arith.constant 0 : i32
    %dma_start3A_42 = tpu.memref_slice %arg3[%add3A, %dma_start3A_30, %dma_start3A_41] : memref<32x128x80xi32, #tpu.memory_space<hbm>> -> memref<1x1x80xi32, #tpu.memory_space<hbm>>
    %dma_start3A_43 = tpu.memref_squeeze %dma_start3A_42 : memref<1x1x80xi32, #tpu.memory_space<hbm>> -> memref<80xi32, #tpu.memory_space<hbm>>
    tpu.enqueue_dma source(%dma_start3A_43 : memref<80xi32, #tpu.memory_space<hbm>>) target(%dma_start3A_40 : memref<80xi32, #tpu.memory_space<vmem>>) target_semaphore(%arg12 : memref<!tpu.dma_semaphore, #tpu.memory_space<semaphore_mem>>)
    %dma_start3A_44 = arith.constant 1 : i32
    %dma_start3A_45 = arith.constant 1 : i32
    %dma_start3A_46 = arith.constant 0 : i32
    %dma_start3A_47 = tpu.memref_slice %arg8[%dma_start3A_45, %dma_start3A_46] : memref<8x80xi32, #tpu.memory_space<vmem>> -> memref<1x80xi32, #tpu.memory_space<vmem>>
    %dma_start3A_48 = tpu.memref_squeeze %dma_start3A_47 : memref<1x80xi32, #tpu.memory_space<vmem>> -> memref<80xi32, #tpu.memory_space<vmem>>
    %dma_start3A_49 = arith.constant 0 : i32
    %dma_start3A_50 = tpu.memref_slice %arg4[%add3A, %dma_start3A_44, %dma_start3A_49] : memref<32x128x80xi32, #tpu.memory_space<hbm>> -> memref<1x1x80xi32, #tpu.memory_space<hbm>>
    %dma_start3A_51 = tpu.memref_squeeze %dma_start3A_50 : memref<1x1x80xi32, #tpu.memory_space<hbm>> -> memref<80xi32, #tpu.memory_space<hbm>>
    %dma_start3A_52 = arith.constant 0 : i32
    %dma_start3A_53 = tpu.memref_slice %arg8[%dma_start3A_45, %dma_start3A_52] : memref<8x80xi32, #tpu.memory_space<vmem>> -> memref<1x80xi32, #tpu.memory_space<vmem>>
    %dma_start3A_54 = tpu.memref_squeeze %dma_start3A_53 : memref<1x80xi32, #tpu.memory_space<vmem>> -> memref<80xi32, #tpu.memory_space<vmem>>
    %dma_start3A_55 = arith.constant 0 : i32
    %dma_start3A_56 = tpu.memref_slice %arg4[%add3A, %dma_start3A_44, %dma_start3A_55] : memref<32x128x80xi32, #tpu.memory_space<hbm>> -> memref<1x1x80xi32, #tpu.memory_space<hbm>>
    %dma_start3A_57 = tpu.memref_squeeze %dma_start3A_56 : memref<1x1x80xi32, #tpu.memory_space<hbm>> -> memref<80xi32, #tpu.memory_space<hbm>>
    tpu.enqueue_dma source(%dma_start3A_57 : memref<80xi32, #tpu.memory_space<hbm>>) target(%dma_start3A_54 : memref<80xi32, #tpu.memory_space<vmem>>) target_semaphore(%arg20 : memref<!tpu.dma_semaphore, #tpu.memory_space<semaphore_mem>>)
    %dma_start3A_58 = arith.constant 2 : i32
    %dma_start3A_59 = arith.constant 2 : i32
    %dma_start3A_60 = arith.constant 0 : i32
    %dma_start3A_61 = tpu.memref_slice %arg7[%dma_start3A_59, %dma_start3A_60] : memref<8x80xi32, #tpu.memory_space<vmem>> -> memref<1x80xi32, #tpu.memory_space<vmem>>
    %dma_start3A_62 = tpu.memref_squeeze %dma_start3A_61 : memref<1x80xi32, #tpu.memory_space<vmem>> -> memref<80xi32, #tpu.memory_space<vmem>>
    %dma_start3A_63 = arith.constant 0 : i32
    %dma_start3A_64 = tpu.memref_slice %arg3[%add3A, %dma_start3A_58, %dma_start3A_63] : memref<32x128x80xi32, #tpu.memory_space<hbm>> -> memref<1x1x80xi32, #tpu.memory_space<hbm>>
    %dma_start3A_65 = tpu.memref_squeeze %dma_start3A_64 : memref<1x1x80xi32, #tpu.memory_space<hbm>> -> memref<80xi32, #tpu.memory_space<hbm>>
    %dma_start3A_66 = arith.constant 0 : i32
    %dma_start3A_67 = tpu.memref_slice %arg7[%dma_start3A_59, %dma_start3A_66] : memref<8x80xi32, #tpu.memory_space<vmem>> -> memref<1x80xi32, #tpu.memory_space<vmem>>
    %dma_start3A_68 = tpu.memref_squeeze %dma_start3A_67 : memref<1x80xi32, #tpu.memory_space<vmem>> -> memref<80xi32, #tpu.memory_space<vmem>>
    %dma_start3A_69 = arith.constant 0 : i32
    %dma_start3A_70 = tpu.memref_slice %arg3[%add3A, %dma_start3A_58, %dma_start3A_69] : memref<32x128x80xi32, #tpu.memory_space<hbm>> -> memref<1x1x80xi32, #tpu.memory_space<hbm>>
    %dma_start3A_71 = tpu.memref_squeeze %dma_start3A_70 : memref<1x1x80xi32, #tpu.memory_space<hbm>> -> memref<80xi32, #tpu.memory_space<hbm>>
    tpu.enqueue_dma source(%dma_start3A_71 : memref<80xi32, #tpu.memory_space<hbm>>) target(%dma_start3A_68 : memref<80xi32, #tpu.memory_space<vmem>>) target_semaphore(%arg13 : memref<!tpu.dma_semaphore, #tpu.memory_space<semaphore_mem>>)
    %dma_start3A_72 = arith.constant 2 : i32
    %dma_start3A_73 = arith.constant 2 : i32
    %dma_start3A_74 = arith.constant 0 : i32
    %dma_start3A_75 = tpu.memref_slice %arg8[%dma_start3A_73, %dma_start3A_74] : memref<8x80xi32, #tpu.memory_space<vmem>> -> memref<1x80xi32, #tpu.memory_space<vmem>>
    %dma_start3A_76 = tpu.memref_squeeze %dma_start3A_75 : memref<1x80xi32, #tpu.memory_space<vmem>> -> memref<80xi32, #tpu.memory_space<vmem>>
    %dma_start3A_77 = arith.constant 0 : i32
    %dma_start3A_78 = tpu.memref_slice %arg4[%add3A, %dma_start3A_72, %dma_start3A_77] : memref<32x128x80xi32, #tpu.memory_space<hbm>> -> memref<1x1x80xi32, #tpu.memory_space<hbm>>
    %dma_start3A_79 = tpu.memref_squeeze %dma_start3A_78 : memref<1x1x80xi32, #tpu.memory_space<hbm>> -> memref<80xi32, #tpu.memory_space<hbm>>
    %dma_start3A_80 = arith.constant 0 : i32
    %dma_start3A_81 = tpu.memref_slice %arg8[%dma_start3A_73, %dma_start3A_80] : memref<8x80xi32, #tpu.memory_space<vmem>> -> memref<1x80xi32, #tpu.memory_space<vmem>>
    %dma_start3A_82 = tpu.memref_squeeze %dma_start3A_81 : memref<1x80xi32, #tpu.memory_space<vmem>> -> memref<80xi32, #tpu.memory_space<vmem>>
    %dma_start3A_83 = arith.constant 0 : i32
    %dma_start3A_84 = tpu.memref_slice %arg4[%add3A, %dma_start3A_72, %dma_start3A_83] : memref<32x128x80xi32, #tpu.memory_space<hbm>> -> memref<1x1x80xi32, #tpu.memory_space<hbm>>
    %dma_start3A_85 = tpu.memref_squeeze %dma_start3A_84 : memref<1x1x80xi32, #tpu.memory_space<hbm>> -> memref<80xi32, #tpu.memory_space<hbm>>
    tpu.enqueue_dma source(%dma_start3A_85 : memref<80xi32, #tpu.memory_space<hbm>>) target(%dma_start3A_82 : memref<80xi32, #tpu.memory_space<vmem>>) target_semaphore(%arg21 : memref<!tpu.dma_semaphore, #tpu.memory_space<semaphore_mem>>)
    %dma_start3A_86 = arith.constant 3 : i32
    %dma_start3A_87 = arith.constant 3 : i32
    %dma_start3A_88 = arith.constant 0 : i32
    %dma_start3A_89 = tpu.memref_slice %arg7[%dma_start3A_87, %dma_start3A_88] : memref<8x80xi32, #tpu.memory_space<vmem>> -> memref<1x80xi32, #tpu.memory_space<vmem>>
    %dma_start3A_90 = tpu.memref_squeeze %dma_start3A_89 : memref<1x80xi32, #tpu.memory_space<vmem>> -> memref<80xi32, #tpu.memory_space<vmem>>
    %dma_start3A_91 = arith.constant 0 : i32
    %dma_start3A_92 = tpu.memref_slice %arg3[%add3A, %dma_start3A_86, %dma_start3A_91] : memref<32x128x80xi32, #tpu.memory_space<hbm>> -> memref<1x1x80xi32, #tpu.memory_space<hbm>>
    %dma_start3A_93 = tpu.memref_squeeze %dma_start3A_92 : memref<1x1x80xi32, #tpu.memory_space<hbm>> -> memref<80xi32, #tpu.memory_space<hbm>>
    %dma_start3A_94 = arith.constant 0 : i32
    %dma_start3A_95 = tpu.memref_slice %arg7[%dma_start3A_87, %dma_start3A_94] : memref<8x80xi32, #tpu.memory_space<vmem>> -> memref<1x80xi32, #tpu.memory_space<vmem>>
    %dma_start3A_96 = tpu.memref_squeeze %dma_start3A_95 : memref<1x80xi32, #tpu.memory_space<vmem>> -> memref<80xi32, #tpu.memory_space<vmem>>
    %dma_start3A_97 = arith.constant 0 : i32
    %dma_start3A_98 = tpu.memref_slice %arg3[%add3A, %dma_start3A_86, %dma_start3A_97] : memref<32x128x80xi32, #tpu.memory_space<hbm>> -> memref<1x1x80xi32, #tpu.memory_space<hbm>>
    %dma_start3A_99 = tpu.memref_squeeze %dma_start3A_98 : memref<1x1x80xi32, #tpu.memory_space<hbm>> -> memref<80xi32, #tpu.memory_space<hbm>>
    tpu.enqueue_dma source(%dma_start3A_99 : memref<80xi32, #tpu.memory_space<hbm>>) target(%dma_start3A_96 : memref<80xi32, #tpu.memory_space<vmem>>) target_semaphore(%arg14 : memref<!tpu.dma_semaphore, #tpu.memory_space<semaphore_mem>>)
    %dma_start3A_100 = arith.constant 3 : i32
    %dma_start3A_101 = arith.constant 3 : i32
    %dma_start3A_102 = arith.constant 0 : i32
    %dma_start3A_103 = tpu.memref_slice %arg8[%dma_start3A_101, %dma_start3A_102] : memref<8x80xi32, #tpu.memory_space<vmem>> -> memref<1x80xi32, #tpu.memory_space<vmem>>
    %dma_start3A_104 = tpu.memref_squeeze %dma_start3A_103 : memref<1x80xi32, #tpu.memory_space<vmem>> -> memref<80xi32, #tpu.memory_space<vmem>>
    %dma_start3A_105 = arith.constant 0 : i32
    %dma_start3A_106 = tpu.memref_slice %arg4[%add3A, %dma_start3A_100, %dma_start3A_105] : memref<32x128x80xi32, #tpu.memory_space<hbm>> -> memref<1x1x80xi32, #tpu.memory_space<hbm>>
    %dma_start3A_107 = tpu.memref_squeeze %dma_start3A_106 : memref<1x1x80xi32, #tpu.memory_space<hbm>> -> memref<80xi32, #tpu.memory_space<hbm>>
    %dma_start3A_108 = arith.constant 0 : i32
    %dma_start3A_109 = tpu.memref_slice %arg8[%dma_start3A_101, %dma_start3A_108] : memref<8x80xi32, #tpu.memory_space<vmem>> -> memref<1x80xi32, #tpu.memory_space<vmem>>
    %dma_start3A_110 = tpu.memref_squeeze %dma_start3A_109 : memref<1x80xi32, #tpu.memory_space<vmem>> -> memref<80xi32, #tpu.memory_space<vmem>>
    %dma_start3A_111 = arith.constant 0 : i32
    %dma_start3A_112 = tpu.memref_slice %arg4[%add3A, %dma_start3A_100, %dma_start3A_111] : memref<32x128x80xi32, #tpu.memory_space<hbm>> -> memref<1x1x80xi32, #tpu.memory_space<hbm>>
    %dma_start3A_113 = tpu.memref_squeeze %dma_start3A_112 : memref<1x1x80xi32, #tpu.memory_space<hbm>> -> memref<80xi32, #tpu.memory_space<hbm>>
    tpu.enqueue_dma source(%dma_start3A_113 : memref<80xi32, #tpu.memory_space<hbm>>) target(%dma_start3A_110 : memref<80xi32, #tpu.memory_space<vmem>>) target_semaphore(%arg22 : memref<!tpu.dma_semaphore, #tpu.memory_space<semaphore_mem>>)
    %dma_wait3A = arith.constant 0 : i32
    %dma_wait3A_114 = arith.constant 0 : i32
    %dma_wait3A_115 = arith.constant 0 : i32
    %dma_wait3A_116 = tpu.memref_slice %arg7[%dma_wait3A_114, %dma_wait3A_115] : memref<8x80xi32, #tpu.memory_space<vmem>> -> memref<1x80xi32, #tpu.memory_space<vmem>>
    %dma_wait3A_117 = tpu.memref_squeeze %dma_wait3A_116 : memref<1x80xi32, #tpu.memory_space<vmem>> -> memref<80xi32, #tpu.memory_space<vmem>>
    %dma_wait3A_118 = arith.constant 0 : i32
    %dma_wait3A_119 = tpu.memref_slice %arg3[%add3A, %dma_wait3A, %dma_wait3A_118] : memref<32x128x80xi32, #tpu.memory_space<hbm>> -> memref<1x1x80xi32, #tpu.memory_space<hbm>>
    %dma_wait3A_120 = tpu.memref_squeeze %dma_wait3A_119 : memref<1x1x80xi32, #tpu.memory_space<hbm>> -> memref<80xi32, #tpu.memory_space<hbm>>
    %dma_wait3A_121 = arith.constant 0 : i32
    %dma_wait3A_122 = tpu.memref_slice %arg7[%dma_wait3A_114, %dma_wait3A_121] : memref<8x80xi32, #tpu.memory_space<vmem>> -> memref<1x80xi32, #tpu.memory_space<vmem>>
    %dma_wait3A_123 = tpu.memref_squeeze %dma_wait3A_122 : memref<1x80xi32, #tpu.memory_space<vmem>> -> memref<80xi32, #tpu.memory_space<vmem>>
    %dma_wait3A_124 = arith.constant 0 : i32
    %dma_wait3A_125 = tpu.memref_slice %arg3[%add3A, %dma_wait3A, %dma_wait3A_124] : memref<32x128x80xi32, #tpu.memory_space<hbm>> -> memref<1x1x80xi32, #tpu.memory_space<hbm>>
    %dma_wait3A_126 = tpu.memref_squeeze %dma_wait3A_125 : memref<1x1x80xi32, #tpu.memory_space<hbm>> -> memref<80xi32, #tpu.memory_space<hbm>>
    tpu.wait_dma2 semaphore(%arg11 : memref<!tpu.dma_semaphore, #tpu.memory_space<semaphore_mem>>) src(%dma_wait3A_126 : memref<80xi32, #tpu.memory_space<hbm>>) dst(%dma_wait3A_123 : memref<80xi32, #tpu.memory_space<vmem>>)
    %dma_start3A_127 = arith.constant 0 : i32
    %dma_start3A_128 = arith.constant 0 : i32
    %dma_start3A_129 = arith.constant 0 : i32
    %dma_start3A_130 = arith.constant 0 : i32
    %dma_start3A_131 = tpu.memref_slice %arg9[%dma_start3A_128, %dma_start3A_129, %dma_start3A_130] : memref<4x80x128xf32, #tpu.memory_space<vmem>> -> memref<1x80x128xf32, #tpu.memory_space<vmem>>
    %dma_start3A_132 = tpu.memref_squeeze %dma_start3A_131 : memref<1x80x128xf32, #tpu.memory_space<vmem>> -> memref<80x128xf32, #tpu.memory_space<vmem>>
    %dma_start3A_133 = arith.constant 0 : i32
    %dma_start3A_134 = tpu.memref_slice %arg7[%dma_start3A_127, %dma_start3A_133] : memref<8x80xi32, #tpu.memory_space<vmem>> -> memref<1x80xi32, #tpu.memory_space<vmem>>
    %dma_start3A_135 = tpu.memref_squeeze %dma_start3A_134 : memref<1x80xi32, #tpu.memory_space<vmem>> -> memref<80xi32, #tpu.memory_space<vmem>>
    %dma_start3A_136 = arith.constant 0 : i32
    %dma_start3A_137 = arith.constant 0 : i32
    %dma_start3A_138 = tpu.memref_slice %arg2[%dma_start3A_136, %dma_start3A_137] : memref<10000x128xf32, #tpu.memory_space<hbm>> -> memref<10000x128xf32, #tpu.memory_space<hbm>>
    tpu.enqueue_indirect_dma source(%dma_start3A_138 : memref<10000x128xf32, #tpu.memory_space<hbm>>) target(%dma_start3A_132 : memref<80x128xf32, #tpu.memory_space<vmem>>) offsets(%dma_start3A_135 : memref<80xi32, #tpu.memory_space<vmem>>) semaphore(%arg27 : memref<!tpu.dma_semaphore, #tpu.memory_space<semaphore_mem>>)
    %dma_wait3A_139 = arith.constant 1 : i32
    %dma_wait3A_140 = arith.constant 1 : i32
    %dma_wait3A_141 = arith.constant 0 : i32
    %dma_wait3A_142 = tpu.memref_slice %arg7[%dma_wait3A_140, %dma_wait3A_141] : memref<8x80xi32, #tpu.memory_space<vmem>> -> memref<1x80xi32, #tpu.memory_space<vmem>>
    %dma_wait3A_143 = tpu.memref_squeeze %dma_wait3A_142 : memref<1x80xi32, #tpu.memory_space<vmem>> -> memref<80xi32, #tpu.memory_space<vmem>>
    %dma_wait3A_144 = arith.constant 0 : i32
    %dma_wait3A_145 = tpu.memref_slice %arg3[%add3A, %dma_wait3A_139, %dma_wait3A_144] : memref<32x128x80xi32, #tpu.memory_space<hbm>> -> memref<1x1x80xi32, #tpu.memory_space<hbm>>
    %dma_wait3A_146 = tpu.memref_squeeze %dma_wait3A_145 : memref<1x1x80xi32, #tpu.memory_space<hbm>> -> memref<80xi32, #tpu.memory_space<hbm>>
    %dma_wait3A_147 = arith.constant 0 : i32
    %dma_wait3A_148 = tpu.memref_slice %arg7[%dma_wait3A_140, %dma_wait3A_147] : memref<8x80xi32, #tpu.memory_space<vmem>> -> memref<1x80xi32, #tpu.memory_space<vmem>>
    %dma_wait3A_149 = tpu.memref_squeeze %dma_wait3A_148 : memref<1x80xi32, #tpu.memory_space<vmem>> -> memref<80xi32, #tpu.memory_space<vmem>>
    %dma_wait3A_150 = arith.constant 0 : i32
    %dma_wait3A_151 = tpu.memref_slice %arg3[%add3A, %dma_wait3A_139, %dma_wait3A_150] : memref<32x128x80xi32, #tpu.memory_space<hbm>> -> memref<1x1x80xi32, #tpu.memory_space<hbm>>
    %dma_wait3A_152 = tpu.memref_squeeze %dma_wait3A_151 : memref<1x1x80xi32, #tpu.memory_space<hbm>> -> memref<80xi32, #tpu.memory_space<hbm>>
    tpu.wait_dma2 semaphore(%arg12 : memref<!tpu.dma_semaphore, #tpu.memory_space<semaphore_mem>>) src(%dma_wait3A_152 : memref<80xi32, #tpu.memory_space<hbm>>) dst(%dma_wait3A_149 : memref<80xi32, #tpu.memory_space<vmem>>)
    %dma_start3A_153 = arith.constant 1 : i32
    %dma_start3A_154 = arith.constant 1 : i32
    %dma_start3A_155 = arith.constant 0 : i32
    %dma_start3A_156 = arith.constant 0 : i32
    %dma_start3A_157 = tpu.memref_slice %arg9[%dma_start3A_154, %dma_start3A_155, %dma_start3A_156] : memref<4x80x128xf32, #tpu.memory_space<vmem>> -> memref<1x80x128xf32, #tpu.memory_space<vmem>>
    %dma_start3A_158 = tpu.memref_squeeze %dma_start3A_157 : memref<1x80x128xf32, #tpu.memory_space<vmem>> -> memref<80x128xf32, #tpu.memory_space<vmem>>
    %dma_start3A_159 = arith.constant 0 : i32
    %dma_start3A_160 = tpu.memref_slice %arg7[%dma_start3A_153, %dma_start3A_159] : memref<8x80xi32, #tpu.memory_space<vmem>> -> memref<1x80xi32, #tpu.memory_space<vmem>>
    %dma_start3A_161 = tpu.memref_squeeze %dma_start3A_160 : memref<1x80xi32, #tpu.memory_space<vmem>> -> memref<80xi32, #tpu.memory_space<vmem>>
    %dma_start3A_162 = arith.constant 0 : i32
    %dma_start3A_163 = arith.constant 0 : i32
    %dma_start3A_164 = tpu.memref_slice %arg2[%dma_start3A_162, %dma_start3A_163] : memref<10000x128xf32, #tpu.memory_space<hbm>> -> memref<10000x128xf32, #tpu.memory_space<hbm>>
    tpu.enqueue_indirect_dma source(%dma_start3A_164 : memref<10000x128xf32, #tpu.memory_space<hbm>>) target(%dma_start3A_158 : memref<80x128xf32, #tpu.memory_space<vmem>>) offsets(%dma_start3A_161 : memref<80xi32, #tpu.memory_space<vmem>>) semaphore(%arg28 : memref<!tpu.dma_semaphore, #tpu.memory_space<semaphore_mem>>)
    %scan3A = arith.constant 0 : i32
    %scan3A_165 = arith.constant 0 : i32
    %scan3A_166 = arith.constant 16 : i32
    %scan3A_167 = arith.addi %scan3A_165, %scan3A_166 : i32
    %scan3A_168 = arith.constant 1 : i32
    scf.for %scan3A_199 = %scan3A_165 to %scan3A_167 step %scan3A_168  : i32 {
      %mul3A_200 = arith.constant 8 : i32
      %mul3A_201 = arith.muli %scan3A_199, %mul3A_200 : i32
      %add3A_202 = arith.constant 0 : i32
      %add3A_203 = arith.addi %mul3A_201, %add3A_202 : i32
      %dma_wait3A_204 = arith.constant 0 : i32
      %dma_wait3A_205 = arith.constant 0 : i32
      %dma_wait3A_206 = arith.constant 0 : i32
      %dma_wait3A_207 = arith.constant 0 : i32
      %dma_wait3A_208 = tpu.memref_slice %arg9[%dma_wait3A_205, %dma_wait3A_206, %dma_wait3A_207] : memref<4x80x128xf32, #tpu.memory_space<vmem>> -> memref<1x80x128xf32, #tpu.memory_space<vmem>>
      %dma_wait3A_209 = tpu.memref_squeeze %dma_wait3A_208 : memref<1x80x128xf32, #tpu.memory_space<vmem>> -> memref<80x128xf32, #tpu.memory_space<vmem>>
      %dma_wait3A_210 = arith.constant 0 : i32
      %dma_wait3A_211 = tpu.memref_slice %arg7[%dma_wait3A_204, %dma_wait3A_210] : memref<8x80xi32, #tpu.memory_space<vmem>> -> memref<1x80xi32, #tpu.memory_space<vmem>>
      %dma_wait3A_212 = tpu.memref_squeeze %dma_wait3A_211 : memref<1x80xi32, #tpu.memory_space<vmem>> -> memref<80xi32, #tpu.memory_space<vmem>>
      %dma_wait3A_213 = arith.constant 0 : i32
      %dma_wait3A_214 = arith.constant 0 : i32
      %dma_wait3A_215 = tpu.memref_slice %arg2[%dma_wait3A_213, %dma_wait3A_214] : memref<10000x128xf32, #tpu.memory_space<hbm>> -> memref<10000x128xf32, #tpu.memory_space<hbm>>
      tpu.wait_indirect_dma semaphore(%arg27 : memref<!tpu.dma_semaphore, #tpu.memory_space<semaphore_mem>>) src(%dma_wait3A_215 : memref<10000x128xf32, #tpu.memory_space<hbm>>) dst(%dma_wait3A_209 : memref<80x128xf32, #tpu.memory_space<vmem>>)
      %dma_wait3A_216 = arith.constant 0 : i32
      %dma_wait3A_217 = arith.constant 0 : i32
      %dma_wait3A_218 = tpu.memref_slice %arg8[%dma_wait3A_216, %dma_wait3A_217] : memref<8x80xi32, #tpu.memory_space<vmem>> -> memref<1x80xi32, #tpu.memory_space<vmem>>
      %dma_wait3A_219 = tpu.memref_squeeze %dma_wait3A_218 : memref<1x80xi32, #tpu.memory_space<vmem>> -> memref<80xi32, #tpu.memory_space<vmem>>
      %dma_wait3A_220 = arith.constant 0 : i32
      %dma_wait3A_221 = tpu.memref_slice %arg4[%add3A, %add3A_203, %dma_wait3A_220] : memref<32x128x80xi32, #tpu.memory_space<hbm>> -> memref<1x1x80xi32, #tpu.memory_space<hbm>>
      %dma_wait3A_222 = tpu.memref_squeeze %dma_wait3A_221 : memref<1x1x80xi32, #tpu.memory_space<hbm>> -> memref<80xi32, #tpu.memory_space<hbm>>
      %dma_wait3A_223 = arith.constant 0 : i32
      %dma_wait3A_224 = tpu.memref_slice %arg8[%dma_wait3A_216, %dma_wait3A_223] : memref<8x80xi32, #tpu.memory_space<vmem>> -> memref<1x80xi32, #tpu.memory_space<vmem>>
      %dma_wait3A_225 = tpu.memref_squeeze %dma_wait3A_224 : memref<1x80xi32, #tpu.memory_space<vmem>> -> memref<80xi32, #tpu.memory_space<vmem>>
      %dma_wait3A_226 = arith.constant 0 : i32
      %dma_wait3A_227 = tpu.memref_slice %arg4[%add3A, %add3A_203, %dma_wait3A_226] : memref<32x128x80xi32, #tpu.memory_space<hbm>> -> memref<1x1x80xi32, #tpu.memory_space<hbm>>
      %dma_wait3A_228 = tpu.memref_squeeze %dma_wait3A_227 : memref<1x1x80xi32, #tpu.memory_space<hbm>> -> memref<80xi32, #tpu.memory_space<hbm>>
      tpu.wait_dma2 semaphore(%arg19 : memref<!tpu.dma_semaphore, #tpu.memory_space<semaphore_mem>>) src(%dma_wait3A_228 : memref<80xi32, #tpu.memory_space<hbm>>) dst(%dma_wait3A_225 : memref<80xi32, #tpu.memory_space<vmem>>)
      %dma_start3A_229 = arith.constant 0 : i32
      %dma_start3A_230 = arith.constant 0 : i32
      %dma_start3A_231 = arith.constant 0 : i32
      %dma_start3A_232 = arith.constant 0 : i32
      %dma_start3A_233 = tpu.memref_slice %arg9[%dma_start3A_229, %dma_start3A_231, %dma_start3A_232] : memref<4x80x128xf32, #tpu.memory_space<vmem>> -> memref<1x80x128xf32, #tpu.memory_space<vmem>>
      %dma_start3A_234 = tpu.memref_squeeze %dma_start3A_233 : memref<1x80x128xf32, #tpu.memory_space<vmem>> -> memref<80x128xf32, #tpu.memory_space<vmem>>
      %dma_start3A_235 = arith.constant 0 : i32
      %dma_start3A_236 = tpu.memref_slice %arg8[%dma_start3A_230, %dma_start3A_235] : memref<8x80xi32, #tpu.memory_space<vmem>> -> memref<1x80xi32, #tpu.memory_space<vmem>>
      %dma_start3A_237 = tpu.memref_squeeze %dma_start3A_236 : memref<1x80xi32, #tpu.memory_space<vmem>> -> memref<80xi32, #tpu.memory_space<vmem>>
      %dma_start3A_238 = arith.constant 0 : i32
      %dma_start3A_239 = arith.constant 0 : i32
      %dma_start3A_240 = tpu.memref_slice %arg10[%dma_start3A_238, %dma_start3A_239] : memref<10240x128xf32, #tpu.memory_space<vmem_shared>> -> memref<10240x128xf32, #tpu.memory_space<vmem_shared>>
      tpu.enqueue_indirect_dma source(%dma_start3A_234 : memref<80x128xf32, #tpu.memory_space<vmem>>) target(%dma_start3A_240 : memref<10240x128xf32, #tpu.memory_space<vmem_shared>>) offsets(%dma_start3A_237 : memref<80xi32, #tpu.memory_space<vmem>>) semaphore(%arg31 : memref<!tpu.dma_semaphore, #tpu.memory_space<semaphore_mem>>) {add = true}
      %add3A_241 = arith.constant 2 : i32
      %add3A_242 = arith.addi %add3A_203, %add3A_241 : i32
      %lt3A = arith.constant 128 : i32
      %lt3A_243 = arith.cmpi slt, %add3A_242, %lt3A : i32
      %convert_element_type3A = arith.extui %lt3A_243 : i1 to i32
      %cond3A = arith.constant 0 : i32
      %cond3A_244 = arith.cmpi ne, %convert_element_type3A, %cond3A : i32
      scf.if %cond3A_244 {
        %ge3A = arith.constant 2 : i32
        %ge3A_637 = arith.cmpi sge, %add3A_203, %ge3A : i32
        %convert_element_type3A_638 = arith.extui %ge3A_637 : i1 to i32
        %cond3A_639 = arith.constant 0 : i32
        %cond3A_640 = arith.cmpi ne, %convert_element_type3A_638, %cond3A_639 : i32
        scf.if %cond3A_640 {
          %dma_wait3A_668 = arith.constant 2 : i32
          %dma_wait3A_669 = arith.constant 6 : i32
          %dma_wait3A_670 = arith.constant 0 : i32
          %dma_wait3A_671 = arith.constant 0 : i32
          %dma_wait3A_672 = tpu.memref_slice %arg9[%dma_wait3A_668, %dma_wait3A_670, %dma_wait3A_671] : memref<4x80x128xf32, #tpu.memory_space<vmem>> -> memref<1x80x128xf32, #tpu.memory_space<vmem>>
          %dma_wait3A_673 = tpu.memref_squeeze %dma_wait3A_672 : memref<1x80x128xf32, #tpu.memory_space<vmem>> -> memref<80x128xf32, #tpu.memory_space<vmem>>
          %dma_wait3A_674 = arith.constant 0 : i32
          %dma_wait3A_675 = tpu.memref_slice %arg8[%dma_wait3A_669, %dma_wait3A_674] : memref<8x80xi32, #tpu.memory_space<vmem>> -> memref<1x80xi32, #tpu.memory_space<vmem>>
          %dma_wait3A_676 = tpu.memref_squeeze %dma_wait3A_675 : memref<1x80xi32, #tpu.memory_space<vmem>> -> memref<80xi32, #tpu.memory_space<vmem>>
          %dma_wait3A_677 = arith.constant 0 : i32
          %dma_wait3A_678 = arith.constant 0 : i32
          %dma_wait3A_679 = tpu.memref_slice %arg10[%dma_wait3A_677, %dma_wait3A_678] : memref<10240x128xf32, #tpu.memory_space<vmem_shared>> -> memref<10240x128xf32, #tpu.memory_space<vmem_shared>>
          tpu.wait_indirect_dma semaphore(%arg33 : memref<!tpu.dma_semaphore, #tpu.memory_space<semaphore_mem>>) src(%dma_wait3A_673 : memref<80x128xf32, #tpu.memory_space<vmem>>) dst(%dma_wait3A_679 : memref<10240x128xf32, #tpu.memory_space<vmem_shared>>)
        } else {
        }
        %add3A_641 = arith.constant 2 : i32
        %add3A_642 = arith.addi %add3A_203, %add3A_641 : i32
        %dma_wait3A_643 = arith.constant 2 : i32
        %dma_wait3A_644 = arith.constant 0 : i32
        %dma_wait3A_645 = tpu.memref_slice %arg7[%dma_wait3A_643, %dma_wait3A_644] : memref<8x80xi32, #tpu.memory_space<vmem>> -> memref<1x80xi32, #tpu.memory_space<vmem>>
        %dma_wait3A_646 = tpu.memref_squeeze %dma_wait3A_645 : memref<1x80xi32, #tpu.memory_space<vmem>> -> memref<80xi32, #tpu.memory_space<vmem>>
        %dma_wait3A_647 = arith.constant 0 : i32
        %dma_wait3A_648 = tpu.memref_slice %arg3[%add3A, %add3A_642, %dma_wait3A_647] : memref<32x128x80xi32, #tpu.memory_space<hbm>> -> memref<1x1x80xi32, #tpu.memory_space<hbm>>
        %dma_wait3A_649 = tpu.memref_squeeze %dma_wait3A_648 : memref<1x1x80xi32, #tpu.memory_space<hbm>> -> memref<80xi32, #tpu.memory_space<hbm>>
        %dma_wait3A_650 = arith.constant 0 : i32
        %dma_wait3A_651 = tpu.memref_slice %arg7[%dma_wait3A_643, %dma_wait3A_650] : memref<8x80xi32, #tpu.memory_space<vmem>> -> memref<1x80xi32, #tpu.memory_space<vmem>>
        %dma_wait3A_652 = tpu.memref_squeeze %dma_wait3A_651 : memref<1x80xi32, #tpu.memory_space<vmem>> -> memref<80xi32, #tpu.memory_space<vmem>>
        %dma_wait3A_653 = arith.constant 0 : i32
        %dma_wait3A_654 = tpu.memref_slice %arg3[%add3A, %add3A_642, %dma_wait3A_653] : memref<32x128x80xi32, #tpu.memory_space<hbm>> -> memref<1x1x80xi32, #tpu.memory_space<hbm>>
        %dma_wait3A_655 = tpu.memref_squeeze %dma_wait3A_654 : memref<1x1x80xi32, #tpu.memory_space<hbm>> -> memref<80xi32, #tpu.memory_space<hbm>>
        tpu.wait_dma2 semaphore(%arg13 : memref<!tpu.dma_semaphore, #tpu.memory_space<semaphore_mem>>) src(%dma_wait3A_655 : memref<80xi32, #tpu.memory_space<hbm>>) dst(%dma_wait3A_652 : memref<80xi32, #tpu.memory_space<vmem>>)
        %dma_start3A_656 = arith.constant 2 : i32
        %dma_start3A_657 = arith.constant 2 : i32
        %dma_start3A_658 = arith.constant 0 : i32
        %dma_start3A_659 = arith.constant 0 : i32
        %dma_start3A_660 = tpu.memref_slice %arg9[%dma_start3A_657, %dma_start3A_658, %dma_start3A_659] : memref<4x80x128xf32, #tpu.memory_space<vmem>> -> memref<1x80x128xf32, #tpu.memory_space<vmem>>
        %dma_start3A_661 = tpu.memref_squeeze %dma_start3A_660 : memref<1x80x128xf32, #tpu.memory_space<vmem>> -> memref<80x128xf32, #tpu.memory_space<vmem>>
        %dma_start3A_662 = arith.constant 0 : i32
        %dma_start3A_663 = tpu.memref_slice %arg7[%dma_start3A_656, %dma_start3A_662] : memref<8x80xi32, #tpu.memory_space<vmem>> -> memref<1x80xi32, #tpu.memory_space<vmem>>
        %dma_start3A_664 = tpu.memref_squeeze %dma_start3A_663 : memref<1x80xi32, #tpu.memory_space<vmem>> -> memref<80xi32, #tpu.memory_space<vmem>>
        %dma_start3A_665 = arith.constant 0 : i32
        %dma_start3A_666 = arith.constant 0 : i32
        %dma_start3A_667 = tpu.memref_slice %arg2[%dma_start3A_665, %dma_start3A_666] : memref<10000x128xf32, #tpu.memory_space<hbm>> -> memref<10000x128xf32, #tpu.memory_space<hbm>>
        tpu.enqueue_indirect_dma source(%dma_start3A_667 : memref<10000x128xf32, #tpu.memory_space<hbm>>) target(%dma_start3A_661 : memref<80x128xf32, #tpu.memory_space<vmem>>) offsets(%dma_start3A_664 : memref<80xi32, #tpu.memory_space<vmem>>) semaphore(%arg29 : memref<!tpu.dma_semaphore, #tpu.memory_space<semaphore_mem>>)
      } else {
      }
      %add3A_245 = arith.constant 4 : i32
      %add3A_246 = arith.addi %add3A_203, %add3A_245 : i32
      %lt3A_247 = arith.constant 128 : i32
      %lt3A_248 = arith.cmpi slt, %add3A_246, %lt3A_247 : i32
      %convert_element_type3A_249 = arith.extui %lt3A_248 : i1 to i32
      %cond3A_250 = arith.constant 0 : i32
      %cond3A_251 = arith.cmpi ne, %convert_element_type3A_249, %cond3A_250 : i32
      scf.if %cond3A_251 {
        %add3A_637 = arith.constant 4 : i32
        %add3A_638 = arith.addi %add3A_203, %add3A_637 : i32
        %dma_start3A_639 = arith.constant 4 : i32
        %dma_start3A_640 = arith.constant 0 : i32
        %dma_start3A_641 = tpu.memref_slice %arg7[%dma_start3A_639, %dma_start3A_640] : memref<8x80xi32, #tpu.memory_space<vmem>> -> memref<1x80xi32, #tpu.memory_space<vmem>>
        %dma_start3A_642 = tpu.memref_squeeze %dma_start3A_641 : memref<1x80xi32, #tpu.memory_space<vmem>> -> memref<80xi32, #tpu.memory_space<vmem>>
        %dma_start3A_643 = arith.constant 0 : i32
        %dma_start3A_644 = tpu.memref_slice %arg3[%add3A, %add3A_638, %dma_start3A_643] : memref<32x128x80xi32, #tpu.memory_space<hbm>> -> memref<1x1x80xi32, #tpu.memory_space<hbm>>
        %dma_start3A_645 = tpu.memref_squeeze %dma_start3A_644 : memref<1x1x80xi32, #tpu.memory_space<hbm>> -> memref<80xi32, #tpu.memory_space<hbm>>
        %dma_start3A_646 = arith.constant 0 : i32
        %dma_start3A_647 = tpu.memref_slice %arg7[%dma_start3A_639, %dma_start3A_646] : memref<8x80xi32, #tpu.memory_space<vmem>> -> memref<1x80xi32, #tpu.memory_space<vmem>>
        %dma_start3A_648 = tpu.memref_squeeze %dma_start3A_647 : memref<1x80xi32, #tpu.memory_space<vmem>> -> memref<80xi32, #tpu.memory_space<vmem>>
        %dma_start3A_649 = arith.constant 0 : i32
        %dma_start3A_650 = tpu.memref_slice %arg3[%add3A, %add3A_638, %dma_start3A_649] : memref<32x128x80xi32, #tpu.memory_space<hbm>> -> memref<1x1x80xi32, #tpu.memory_space<hbm>>
        %dma_start3A_651 = tpu.memref_squeeze %dma_start3A_650 : memref<1x1x80xi32, #tpu.memory_space<hbm>> -> memref<80xi32, #tpu.memory_space<hbm>>
        tpu.enqueue_dma source(%dma_start3A_651 : memref<80xi32, #tpu.memory_space<hbm>>) target(%dma_start3A_648 : memref<80xi32, #tpu.memory_space<vmem>>) target_semaphore(%arg15 : memref<!tpu.dma_semaphore, #tpu.memory_space<semaphore_mem>>)
        %dma_start3A_652 = arith.constant 4 : i32
        %dma_start3A_653 = arith.constant 0 : i32
        %dma_start3A_654 = tpu.memref_slice %arg8[%dma_start3A_652, %dma_start3A_653] : memref<8x80xi32, #tpu.memory_space<vmem>> -> memref<1x80xi32, #tpu.memory_space<vmem>>
        %dma_start3A_655 = tpu.memref_squeeze %dma_start3A_654 : memref<1x80xi32, #tpu.memory_space<vmem>> -> memref<80xi32, #tpu.memory_space<vmem>>
        %dma_start3A_656 = arith.constant 0 : i32
        %dma_start3A_657 = tpu.memref_slice %arg4[%add3A, %add3A_638, %dma_start3A_656] : memref<32x128x80xi32, #tpu.memory_space<hbm>> -> memref<1x1x80xi32, #tpu.memory_space<hbm>>
        %dma_start3A_658 = tpu.memref_squeeze %dma_start3A_657 : memref<1x1x80xi32, #tpu.memory_space<hbm>> -> memref<80xi32, #tpu.memory_space<hbm>>
        %dma_start3A_659 = arith.constant 0 : i32
        %dma_start3A_660 = tpu.memref_slice %arg8[%dma_start3A_652, %dma_start3A_659] : memref<8x80xi32, #tpu.memory_space<vmem>> -> memref<1x80xi32, #tpu.memory_space<vmem>>
        %dma_start3A_661 = tpu.memref_squeeze %dma_start3A_660 : memref<1x80xi32, #tpu.memory_space<vmem>> -> memref<80xi32, #tpu.memory_space<vmem>>
        %dma_start3A_662 = arith.constant 0 : i32
        %dma_start3A_663 = tpu.memref_slice %arg4[%add3A, %add3A_638, %dma_start3A_662] : memref<32x128x80xi32, #tpu.memory_space<hbm>> -> memref<1x1x80xi32, #tpu.memory_space<hbm>>
        %dma_start3A_664 = tpu.memref_squeeze %dma_start3A_663 : memref<1x1x80xi32, #tpu.memory_space<hbm>> -> memref<80xi32, #tpu.memory_space<hbm>>
        tpu.enqueue_dma source(%dma_start3A_664 : memref<80xi32, #tpu.memory_space<hbm>>) target(%dma_start3A_661 : memref<80xi32, #tpu.memory_space<vmem>>) target_semaphore(%arg23 : memref<!tpu.dma_semaphore, #tpu.memory_space<semaphore_mem>>)
      } else {
      }
      %mul3A_252 = arith.constant 8 : i32
      %mul3A_253 = arith.muli %scan3A_199, %mul3A_252 : i32
      %add3A_254 = arith.constant 1 : i32
      %add3A_255 = arith.addi %mul3A_253, %add3A_254 : i32
      %dma_wait3A_256 = arith.constant 1 : i32
      %dma_wait3A_257 = arith.constant 1 : i32
      %dma_wait3A_258 = arith.constant 0 : i32
      %dma_wait3A_259 = arith.constant 0 : i32
      %dma_wait3A_260 = tpu.memref_slice %arg9[%dma_wait3A_257, %dma_wait3A_258, %dma_wait3A_259] : memref<4x80x128xf32, #tpu.memory_space<vmem>> -> memref<1x80x128xf32, #tpu.memory_space<vmem>>
      %dma_wait3A_261 = tpu.memref_squeeze %dma_wait3A_260 : memref<1x80x128xf32, #tpu.memory_space<vmem>> -> memref<80x128xf32, #tpu.memory_space<vmem>>
      %dma_wait3A_262 = arith.constant 0 : i32
      %dma_wait3A_263 = tpu.memref_slice %arg7[%dma_wait3A_256, %dma_wait3A_262] : memref<8x80xi32, #tpu.memory_space<vmem>> -> memref<1x80xi32, #tpu.memory_space<vmem>>
      %dma_wait3A_264 = tpu.memref_squeeze %dma_wait3A_263 : memref<1x80xi32, #tpu.memory_space<vmem>> -> memref<80xi32, #tpu.memory_space<vmem>>
      %dma_wait3A_265 = arith.constant 0 : i32
      %dma_wait3A_266 = arith.constant 0 : i32
      %dma_wait3A_267 = tpu.memref_slice %arg2[%dma_wait3A_265, %dma_wait3A_266] : memref<10000x128xf32, #tpu.memory_space<hbm>> -> memref<10000x128xf32, #tpu.memory_space<hbm>>
      tpu.wait_indirect_dma semaphore(%arg28 : memref<!tpu.dma_semaphore, #tpu.memory_space<semaphore_mem>>) src(%dma_wait3A_267 : memref<10000x128xf32, #tpu.memory_space<hbm>>) dst(%dma_wait3A_261 : memref<80x128xf32, #tpu.memory_space<vmem>>)
      %dma_wait3A_268 = arith.constant 1 : i32
      %dma_wait3A_269 = arith.constant 0 : i32
      %dma_wait3A_270 = tpu.memref_slice %arg8[%dma_wait3A_268, %dma_wait3A_269] : memref<8x80xi32, #tpu.memory_space<vmem>> -> memref<1x80xi32, #tpu.memory_space<vmem>>
      %dma_wait3A_271 = tpu.memref_squeeze %dma_wait3A_270 : memref<1x80xi32, #tpu.memory_space<vmem>> -> memref<80xi32, #tpu.memory_space<vmem>>
      %dma_wait3A_272 = arith.constant 0 : i32
      %dma_wait3A_273 = tpu.memref_slice %arg4[%add3A, %add3A_255, %dma_wait3A_272] : memref<32x128x80xi32, #tpu.memory_space<hbm>> -> memref<1x1x80xi32, #tpu.memory_space<hbm>>
      %dma_wait3A_274 = tpu.memref_squeeze %dma_wait3A_273 : memref<1x1x80xi32, #tpu.memory_space<hbm>> -> memref<80xi32, #tpu.memory_space<hbm>>
      %dma_wait3A_275 = arith.constant 0 : i32
      %dma_wait3A_276 = tpu.memref_slice %arg8[%dma_wait3A_268, %dma_wait3A_275] : memref<8x80xi32, #tpu.memory_space<vmem>> -> memref<1x80xi32, #tpu.memory_space<vmem>>
      %dma_wait3A_277 = tpu.memref_squeeze %dma_wait3A_276 : memref<1x80xi32, #tpu.memory_space<vmem>> -> memref<80xi32, #tpu.memory_space<vmem>>
      %dma_wait3A_278 = arith.constant 0 : i32
      %dma_wait3A_279 = tpu.memref_slice %arg4[%add3A, %add3A_255, %dma_wait3A_278] : memref<32x128x80xi32, #tpu.memory_space<hbm>> -> memref<1x1x80xi32, #tpu.memory_space<hbm>>
      %dma_wait3A_280 = tpu.memref_squeeze %dma_wait3A_279 : memref<1x1x80xi32, #tpu.memory_space<hbm>> -> memref<80xi32, #tpu.memory_space<hbm>>
      tpu.wait_dma2 semaphore(%arg20 : memref<!tpu.dma_semaphore, #tpu.memory_space<semaphore_mem>>) src(%dma_wait3A_280 : memref<80xi32, #tpu.memory_space<hbm>>) dst(%dma_wait3A_277 : memref<80xi32, #tpu.memory_space<vmem>>)
      %dma_start3A_281 = arith.constant 1 : i32
      %dma_start3A_282 = arith.constant 1 : i32
      %dma_start3A_283 = arith.constant 0 : i32
      %dma_start3A_284 = arith.constant 0 : i32
      %dma_start3A_285 = tpu.memref_slice %arg9[%dma_start3A_281, %dma_start3A_283, %dma_start3A_284] : memref<4x80x128xf32, #tpu.memory_space<vmem>> -> memref<1x80x128xf32, #tpu.memory_space<vmem>>
      %dma_start3A_286 = tpu.memref_squeeze %dma_start3A_285 : memref<1x80x128xf32, #tpu.memory_space<vmem>> -> memref<80x128xf32, #tpu.memory_space<vmem>>
      %dma_start3A_287 = arith.constant 0 : i32
      %dma_start3A_288 = tpu.memref_slice %arg8[%dma_start3A_282, %dma_start3A_287] : memref<8x80xi32, #tpu.memory_space<vmem>> -> memref<1x80xi32, #tpu.memory_space<vmem>>
      %dma_start3A_289 = tpu.memref_squeeze %dma_start3A_288 : memref<1x80xi32, #tpu.memory_space<vmem>> -> memref<80xi32, #tpu.memory_space<vmem>>
      %dma_start3A_290 = arith.constant 0 : i32
      %dma_start3A_291 = arith.constant 0 : i32
      %dma_start3A_292 = tpu.memref_slice %arg10[%dma_start3A_290, %dma_start3A_291] : memref<10240x128xf32, #tpu.memory_space<vmem_shared>> -> memref<10240x128xf32, #tpu.memory_space<vmem_shared>>
      tpu.enqueue_indirect_dma source(%dma_start3A_286 : memref<80x128xf32, #tpu.memory_space<vmem>>) target(%dma_start3A_292 : memref<10240x128xf32, #tpu.memory_space<vmem_shared>>) offsets(%dma_start3A_289 : memref<80xi32, #tpu.memory_space<vmem>>) semaphore(%arg32 : memref<!tpu.dma_semaphore, #tpu.memory_space<semaphore_mem>>) {add = true}
      %add3A_293 = arith.constant 2 : i32
      %add3A_294 = arith.addi %add3A_255, %add3A_293 : i32
      %lt3A_295 = arith.constant 128 : i32
      %lt3A_296 = arith.cmpi slt, %add3A_294, %lt3A_295 : i32
      %convert_element_type3A_297 = arith.extui %lt3A_296 : i1 to i32
      %cond3A_298 = arith.constant 0 : i32
      %cond3A_299 = arith.cmpi ne, %convert_element_type3A_297, %cond3A_298 : i32
      scf.if %cond3A_299 {
        %ge3A = arith.constant 2 : i32
        %ge3A_637 = arith.cmpi sge, %add3A_255, %ge3A : i32
        %convert_element_type3A_638 = arith.extui %ge3A_637 : i1 to i32
        %cond3A_639 = arith.constant 0 : i32
        %cond3A_640 = arith.cmpi ne, %convert_element_type3A_638, %cond3A_639 : i32
        scf.if %cond3A_640 {
          %dma_wait3A_668 = arith.constant 3 : i32
          %dma_wait3A_669 = arith.constant 7 : i32
          %dma_wait3A_670 = arith.constant 0 : i32
          %dma_wait3A_671 = arith.constant 0 : i32
          %dma_wait3A_672 = tpu.memref_slice %arg9[%dma_wait3A_668, %dma_wait3A_670, %dma_wait3A_671] : memref<4x80x128xf32, #tpu.memory_space<vmem>> -> memref<1x80x128xf32, #tpu.memory_space<vmem>>
          %dma_wait3A_673 = tpu.memref_squeeze %dma_wait3A_672 : memref<1x80x128xf32, #tpu.memory_space<vmem>> -> memref<80x128xf32, #tpu.memory_space<vmem>>
          %dma_wait3A_674 = arith.constant 0 : i32
          %dma_wait3A_675 = tpu.memref_slice %arg8[%dma_wait3A_669, %dma_wait3A_674] : memref<8x80xi32, #tpu.memory_space<vmem>> -> memref<1x80xi32, #tpu.memory_space<vmem>>
          %dma_wait3A_676 = tpu.memref_squeeze %dma_wait3A_675 : memref<1x80xi32, #tpu.memory_space<vmem>> -> memref<80xi32, #tpu.memory_space<vmem>>
          %dma_wait3A_677 = arith.constant 0 : i32
          %dma_wait3A_678 = arith.constant 0 : i32
          %dma_wait3A_679 = tpu.memref_slice %arg10[%dma_wait3A_677, %dma_wait3A_678] : memref<10240x128xf32, #tpu.memory_space<vmem_shared>> -> memref<10240x128xf32, #tpu.memory_space<vmem_shared>>
          tpu.wait_indirect_dma semaphore(%arg34 : memref<!tpu.dma_semaphore, #tpu.memory_space<semaphore_mem>>) src(%dma_wait3A_673 : memref<80x128xf32, #tpu.memory_space<vmem>>) dst(%dma_wait3A_679 : memref<10240x128xf32, #tpu.memory_space<vmem_shared>>)
        } else {
        }
        %add3A_641 = arith.constant 2 : i32
        %add3A_642 = arith.addi %add3A_255, %add3A_641 : i32
        %dma_wait3A_643 = arith.constant 3 : i32
        %dma_wait3A_644 = arith.constant 0 : i32
        %dma_wait3A_645 = tpu.memref_slice %arg7[%dma_wait3A_643, %dma_wait3A_644] : memref<8x80xi32, #tpu.memory_space<vmem>> -> memref<1x80xi32, #tpu.memory_space<vmem>>
        %dma_wait3A_646 = tpu.memref_squeeze %dma_wait3A_645 : memref<1x80xi32, #tpu.memory_space<vmem>> -> memref<80xi32, #tpu.memory_space<vmem>>
        %dma_wait3A_647 = arith.constant 0 : i32
        %dma_wait3A_648 = tpu.memref_slice %arg3[%add3A, %add3A_642, %dma_wait3A_647] : memref<32x128x80xi32, #tpu.memory_space<hbm>> -> memref<1x1x80xi32, #tpu.memory_space<hbm>>
        %dma_wait3A_649 = tpu.memref_squeeze %dma_wait3A_648 : memref<1x1x80xi32, #tpu.memory_space<hbm>> -> memref<80xi32, #tpu.memory_space<hbm>>
        %dma_wait3A_650 = arith.constant 0 : i32
        %dma_wait3A_651 = tpu.memref_slice %arg7[%dma_wait3A_643, %dma_wait3A_650] : memref<8x80xi32, #tpu.memory_space<vmem>> -> memref<1x80xi32, #tpu.memory_space<vmem>>
        %dma_wait3A_652 = tpu.memref_squeeze %dma_wait3A_651 : memref<1x80xi32, #tpu.memory_space<vmem>> -> memref<80xi32, #tpu.memory_space<vmem>>
        %dma_wait3A_653 = arith.constant 0 : i32
        %dma_wait3A_654 = tpu.memref_slice %arg3[%add3A, %add3A_642, %dma_wait3A_653] : memref<32x128x80xi32, #tpu.memory_space<hbm>> -> memref<1x1x80xi32, #tpu.memory_space<hbm>>
        %dma_wait3A_655 = tpu.memref_squeeze %dma_wait3A_654 : memref<1x1x80xi32, #tpu.memory_space<hbm>> -> memref<80xi32, #tpu.memory_space<hbm>>
        tpu.wait_dma2 semaphore(%arg14 : memref<!tpu.dma_semaphore, #tpu.memory_space<semaphore_mem>>) src(%dma_wait3A_655 : memref<80xi32, #tpu.memory_space<hbm>>) dst(%dma_wait3A_652 : memref<80xi32, #tpu.memory_space<vmem>>)
        %dma_start3A_656 = arith.constant 3 : i32
        %dma_start3A_657 = arith.constant 3 : i32
        %dma_start3A_658 = arith.constant 0 : i32
        %dma_start3A_659 = arith.constant 0 : i32
        %dma_start3A_660 = tpu.memref_slice %arg9[%dma_start3A_657, %dma_start3A_658, %dma_start3A_659] : memref<4x80x128xf32, #tpu.memory_space<vmem>> -> memref<1x80x128xf32, #tpu.memory_space<vmem>>
        %dma_start3A_661 = tpu.memref_squeeze %dma_start3A_660 : memref<1x80x128xf32, #tpu.memory_space<vmem>> -> memref<80x128xf32, #tpu.memory_space<vmem>>
        %dma_start3A_662 = arith.constant 0 : i32
        %dma_start3A_663 = tpu.memref_slice %arg7[%dma_start3A_656, %dma_start3A_662] : memref<8x80xi32, #tpu.memory_space<vmem>> -> memref<1x80xi32, #tpu.memory_space<vmem>>
        %dma_start3A_664 = tpu.memref_squeeze %dma_start3A_663 : memref<1x80xi32, #tpu.memory_space<vmem>> -> memref<80xi32, #tpu.memory_space<vmem>>
        %dma_start3A_665 = arith.constant 0 : i32
        %dma_start3A_666 = arith.constant 0 : i32
        %dma_start3A_667 = tpu.memref_slice %arg2[%dma_start3A_665, %dma_start3A_666] : memref<10000x128xf32, #tpu.memory_space<hbm>> -> memref<10000x128xf32, #tpu.memory_space<hbm>>
        tpu.enqueue_indirect_dma source(%dma_start3A_667 : memref<10000x128xf32, #tpu.memory_space<hbm>>) target(%dma_start3A_661 : memref<80x128xf32, #tpu.memory_space<vmem>>) offsets(%dma_start3A_664 : memref<80xi32, #tpu.memory_space<vmem>>) semaphore(%arg30 : memref<!tpu.dma_semaphore, #tpu.memory_space<semaphore_mem>>)
      } else {
      }
      %add3A_300 = arith.constant 4 : i32
      %add3A_301 = arith.addi %add3A_255, %add3A_300 : i32
      %lt3A_302 = arith.constant 128 : i32
      %lt3A_303 = arith.cmpi slt, %add3A_301, %lt3A_302 : i32
      %convert_element_type3A_304 = arith.extui %lt3A_303 : i1 to i32
      %cond3A_305 = arith.constant 0 : i32
      %cond3A_306 = arith.cmpi ne, %convert_element_type3A_304, %cond3A_305 : i32
      scf.if %cond3A_306 {
        %add3A_637 = arith.constant 4 : i32
        %add3A_638 = arith.addi %add3A_255, %add3A_637 : i32
        %dma_start3A_639 = arith.constant 5 : i32
        %dma_start3A_640 = arith.constant 0 : i32
        %dma_start3A_641 = tpu.memref_slice %arg7[%dma_start3A_639, %dma_start3A_640] : memref<8x80xi32, #tpu.memory_space<vmem>> -> memref<1x80xi32, #tpu.memory_space<vmem>>
        %dma_start3A_642 = tpu.memref_squeeze %dma_start3A_641 : memref<1x80xi32, #tpu.memory_space<vmem>> -> memref<80xi32, #tpu.memory_space<vmem>>
        %dma_start3A_643 = arith.constant 0 : i32
        %dma_start3A_644 = tpu.memref_slice %arg3[%add3A, %add3A_638, %dma_start3A_643] : memref<32x128x80xi32, #tpu.memory_space<hbm>> -> memref<1x1x80xi32, #tpu.memory_space<hbm>>
        %dma_start3A_645 = tpu.memref_squeeze %dma_start3A_644 : memref<1x1x80xi32, #tpu.memory_space<hbm>> -> memref<80xi32, #tpu.memory_space<hbm>>
        %dma_start3A_646 = arith.constant 0 : i32
        %dma_start3A_647 = tpu.memref_slice %arg7[%dma_start3A_639, %dma_start3A_646] : memref<8x80xi32, #tpu.memory_space<vmem>> -> memref<1x80xi32, #tpu.memory_space<vmem>>
        %dma_start3A_648 = tpu.memref_squeeze %dma_start3A_647 : memref<1x80xi32, #tpu.memory_space<vmem>> -> memref<80xi32, #tpu.memory_space<vmem>>
        %dma_start3A_649 = arith.constant 0 : i32
        %dma_start3A_650 = tpu.memref_slice %arg3[%add3A, %add3A_638, %dma_start3A_649] : memref<32x128x80xi32, #tpu.memory_space<hbm>> -> memref<1x1x80xi32, #tpu.memory_space<hbm>>
        %dma_start3A_651 = tpu.memref_squeeze %dma_start3A_650 : memref<1x1x80xi32, #tpu.memory_space<hbm>> -> memref<80xi32, #tpu.memory_space<hbm>>
        tpu.enqueue_dma source(%dma_start3A_651 : memref<80xi32, #tpu.memory_space<hbm>>) target(%dma_start3A_648 : memref<80xi32, #tpu.memory_space<vmem>>) target_semaphore(%arg16 : memref<!tpu.dma_semaphore, #tpu.memory_space<semaphore_mem>>)
        %dma_start3A_652 = arith.constant 5 : i32
        %dma_start3A_653 = arith.constant 0 : i32
        %dma_start3A_654 = tpu.memref_slice %arg8[%dma_start3A_652, %dma_start3A_653] : memref<8x80xi32, #tpu.memory_space<vmem>> -> memref<1x80xi32, #tpu.memory_space<vmem>>
        %dma_start3A_655 = tpu.memref_squeeze %dma_start3A_654 : memref<1x80xi32, #tpu.memory_space<vmem>> -> memref<80xi32, #tpu.memory_space<vmem>>
        %dma_start3A_656 = arith.constant 0 : i32
        %dma_start3A_657 = tpu.memref_slice %arg4[%add3A, %add3A_638, %dma_start3A_656] : memref<32x128x80xi32, #tpu.memory_space<hbm>> -> memref<1x1x80xi32, #tpu.memory_space<hbm>>
        %dma_start3A_658 = tpu.memref_squeeze %dma_start3A_657 : memref<1x1x80xi32, #tpu.memory_space<hbm>> -> memref<80xi32, #tpu.memory_space<hbm>>
        %dma_start3A_659 = arith.constant 0 : i32
        %dma_start3A_660 = tpu.memref_slice %arg8[%dma_start3A_652, %dma_start3A_659] : memref<8x80xi32, #tpu.memory_space<vmem>> -> memref<1x80xi32, #tpu.memory_space<vmem>>
        %dma_start3A_661 = tpu.memref_squeeze %dma_start3A_660 : memref<1x80xi32, #tpu.memory_space<vmem>> -> memref<80xi32, #tpu.memory_space<vmem>>
        %dma_start3A_662 = arith.constant 0 : i32
        %dma_start3A_663 = tpu.memref_slice %arg4[%add3A, %add3A_638, %dma_start3A_662] : memref<32x128x80xi32, #tpu.memory_space<hbm>> -> memref<1x1x80xi32, #tpu.memory_space<hbm>>
        %dma_start3A_664 = tpu.memref_squeeze %dma_start3A_663 : memref<1x1x80xi32, #tpu.memory_space<hbm>> -> memref<80xi32, #tpu.memory_space<hbm>>
        tpu.enqueue_dma source(%dma_start3A_664 : memref<80xi32, #tpu.memory_space<hbm>>) target(%dma_start3A_661 : memref<80xi32, #tpu.memory_space<vmem>>) target_semaphore(%arg24 : memref<!tpu.dma_semaphore, #tpu.memory_space<semaphore_mem>>)
      } else {
      }
      %mul3A_307 = arith.constant 8 : i32
      %mul3A_308 = arith.muli %scan3A_199, %mul3A_307 : i32
      %add3A_309 = arith.constant 2 : i32
      %add3A_310 = arith.addi %mul3A_308, %add3A_309 : i32
      %dma_wait3A_311 = arith.constant 2 : i32
      %dma_wait3A_312 = arith.constant 2 : i32
      %dma_wait3A_313 = arith.constant 0 : i32
      %dma_wait3A_314 = arith.constant 0 : i32
      %dma_wait3A_315 = tpu.memref_slice %arg9[%dma_wait3A_312, %dma_wait3A_313, %dma_wait3A_314] : memref<4x80x128xf32, #tpu.memory_space<vmem>> -> memref<1x80x128xf32, #tpu.memory_space<vmem>>
      %dma_wait3A_316 = tpu.memref_squeeze %dma_wait3A_315 : memref<1x80x128xf32, #tpu.memory_space<vmem>> -> memref<80x128xf32, #tpu.memory_space<vmem>>
      %dma_wait3A_317 = arith.constant 0 : i32
      %dma_wait3A_318 = tpu.memref_slice %arg7[%dma_wait3A_311, %dma_wait3A_317] : memref<8x80xi32, #tpu.memory_space<vmem>> -> memref<1x80xi32, #tpu.memory_space<vmem>>
      %dma_wait3A_319 = tpu.memref_squeeze %dma_wait3A_318 : memref<1x80xi32, #tpu.memory_space<vmem>> -> memref<80xi32, #tpu.memory_space<vmem>>
      %dma_wait3A_320 = arith.constant 0 : i32
      %dma_wait3A_321 = arith.constant 0 : i32
      %dma_wait3A_322 = tpu.memref_slice %arg2[%dma_wait3A_320, %dma_wait3A_321] : memref<10000x128xf32, #tpu.memory_space<hbm>> -> memref<10000x128xf32, #tpu.memory_space<hbm>>
      tpu.wait_indirect_dma semaphore(%arg29 : memref<!tpu.dma_semaphore, #tpu.memory_space<semaphore_mem>>) src(%dma_wait3A_322 : memref<10000x128xf32, #tpu.memory_space<hbm>>) dst(%dma_wait3A_316 : memref<80x128xf32, #tpu.memory_space<vmem>>)
      %dma_wait3A_323 = arith.constant 2 : i32
      %dma_wait3A_324 = arith.constant 0 : i32
      %dma_wait3A_325 = tpu.memref_slice %arg8[%dma_wait3A_323, %dma_wait3A_324] : memref<8x80xi32, #tpu.memory_space<vmem>> -> memref<1x80xi32, #tpu.memory_space<vmem>>
      %dma_wait3A_326 = tpu.memref_squeeze %dma_wait3A_325 : memref<1x80xi32, #tpu.memory_space<vmem>> -> memref<80xi32, #tpu.memory_space<vmem>>
      %dma_wait3A_327 = arith.constant 0 : i32
      %dma_wait3A_328 = tpu.memref_slice %arg4[%add3A, %add3A_310, %dma_wait3A_327] : memref<32x128x80xi32, #tpu.memory_space<hbm>> -> memref<1x1x80xi32, #tpu.memory_space<hbm>>
      %dma_wait3A_329 = tpu.memref_squeeze %dma_wait3A_328 : memref<1x1x80xi32, #tpu.memory_space<hbm>> -> memref<80xi32, #tpu.memory_space<hbm>>
      %dma_wait3A_330 = arith.constant 0 : i32
      %dma_wait3A_331 = tpu.memref_slice %arg8[%dma_wait3A_323, %dma_wait3A_330] : memref<8x80xi32, #tpu.memory_space<vmem>> -> memref<1x80xi32, #tpu.memory_space<vmem>>
      %dma_wait3A_332 = tpu.memref_squeeze %dma_wait3A_331 : memref<1x80xi32, #tpu.memory_space<vmem>> -> memref<80xi32, #tpu.memory_space<vmem>>
      %dma_wait3A_333 = arith.constant 0 : i32
      %dma_wait3A_334 = tpu.memref_slice %arg4[%add3A, %add3A_310, %dma_wait3A_333] : memref<32x128x80xi32, #tpu.memory_space<hbm>> -> memref<1x1x80xi32, #tpu.memory_space<hbm>>
      %dma_wait3A_335 = tpu.memref_squeeze %dma_wait3A_334 : memref<1x1x80xi32, #tpu.memory_space<hbm>> -> memref<80xi32, #tpu.memory_space<hbm>>
      tpu.wait_dma2 semaphore(%arg21 : memref<!tpu.dma_semaphore, #tpu.memory_space<semaphore_mem>>) src(%dma_wait3A_335 : memref<80xi32, #tpu.memory_space<hbm>>) dst(%dma_wait3A_332 : memref<80xi32, #tpu.memory_space<vmem>>)
      %dma_start3A_336 = arith.constant 2 : i32
      %dma_start3A_337 = arith.constant 2 : i32
      %dma_start3A_338 = arith.constant 0 : i32
      %dma_start3A_339 = arith.constant 0 : i32
      %dma_start3A_340 = tpu.memref_slice %arg9[%dma_start3A_336, %dma_start3A_338, %dma_start3A_339] : memref<4x80x128xf32, #tpu.memory_space<vmem>> -> memref<1x80x128xf32, #tpu.memory_space<vmem>>
      %dma_start3A_341 = tpu.memref_squeeze %dma_start3A_340 : memref<1x80x128xf32, #tpu.memory_space<vmem>> -> memref<80x128xf32, #tpu.memory_space<vmem>>
      %dma_start3A_342 = arith.constant 0 : i32
      %dma_start3A_343 = tpu.memref_slice %arg8[%dma_start3A_337, %dma_start3A_342] : memref<8x80xi32, #tpu.memory_space<vmem>> -> memref<1x80xi32, #tpu.memory_space<vmem>>
      %dma_start3A_344 = tpu.memref_squeeze %dma_start3A_343 : memref<1x80xi32, #tpu.memory_space<vmem>> -> memref<80xi32, #tpu.memory_space<vmem>>
      %dma_start3A_345 = arith.constant 0 : i32
      %dma_start3A_346 = arith.constant 0 : i32
      %dma_start3A_347 = tpu.memref_slice %arg10[%dma_start3A_345, %dma_start3A_346] : memref<10240x128xf32, #tpu.memory_space<vmem_shared>> -> memref<10240x128xf32, #tpu.memory_space<vmem_shared>>
      tpu.enqueue_indirect_dma source(%dma_start3A_341 : memref<80x128xf32, #tpu.memory_space<vmem>>) target(%dma_start3A_347 : memref<10240x128xf32, #tpu.memory_space<vmem_shared>>) offsets(%dma_start3A_344 : memref<80xi32, #tpu.memory_space<vmem>>) semaphore(%arg33 : memref<!tpu.dma_semaphore, #tpu.memory_space<semaphore_mem>>) {add = true}
      %add3A_348 = arith.constant 2 : i32
      %add3A_349 = arith.addi %add3A_310, %add3A_348 : i32
      %lt3A_350 = arith.constant 128 : i32
      %lt3A_351 = arith.cmpi slt, %add3A_349, %lt3A_350 : i32
      %convert_element_type3A_352 = arith.extui %lt3A_351 : i1 to i32
      %cond3A_353 = arith.constant 0 : i32
      %cond3A_354 = arith.cmpi ne, %convert_element_type3A_352, %cond3A_353 : i32
      scf.if %cond3A_354 {
        %ge3A = arith.constant 2 : i32
        %ge3A_637 = arith.cmpi sge, %add3A_310, %ge3A : i32
        %convert_element_type3A_638 = arith.extui %ge3A_637 : i1 to i32
        %cond3A_639 = arith.constant 0 : i32
        %cond3A_640 = arith.cmpi ne, %convert_element_type3A_638, %cond3A_639 : i32
        scf.if %cond3A_640 {
          %dma_wait3A_668 = arith.constant 0 : i32
          %dma_wait3A_669 = arith.constant 0 : i32
          %dma_wait3A_670 = arith.constant 0 : i32
          %dma_wait3A_671 = arith.constant 0 : i32
          %dma_wait3A_672 = tpu.memref_slice %arg9[%dma_wait3A_668, %dma_wait3A_670, %dma_wait3A_671] : memref<4x80x128xf32, #tpu.memory_space<vmem>> -> memref<1x80x128xf32, #tpu.memory_space<vmem>>
          %dma_wait3A_673 = tpu.memref_squeeze %dma_wait3A_672 : memref<1x80x128xf32, #tpu.memory_space<vmem>> -> memref<80x128xf32, #tpu.memory_space<vmem>>
          %dma_wait3A_674 = arith.constant 0 : i32
          %dma_wait3A_675 = tpu.memref_slice %arg8[%dma_wait3A_669, %dma_wait3A_674] : memref<8x80xi32, #tpu.memory_space<vmem>> -> memref<1x80xi32, #tpu.memory_space<vmem>>
          %dma_wait3A_676 = tpu.memref_squeeze %dma_wait3A_675 : memref<1x80xi32, #tpu.memory_space<vmem>> -> memref<80xi32, #tpu.memory_space<vmem>>
          %dma_wait3A_677 = arith.constant 0 : i32
          %dma_wait3A_678 = arith.constant 0 : i32
          %dma_wait3A_679 = tpu.memref_slice %arg10[%dma_wait3A_677, %dma_wait3A_678] : memref<10240x128xf32, #tpu.memory_space<vmem_shared>> -> memref<10240x128xf32, #tpu.memory_space<vmem_shared>>
          tpu.wait_indirect_dma semaphore(%arg31 : memref<!tpu.dma_semaphore, #tpu.memory_space<semaphore_mem>>) src(%dma_wait3A_673 : memref<80x128xf32, #tpu.memory_space<vmem>>) dst(%dma_wait3A_679 : memref<10240x128xf32, #tpu.memory_space<vmem_shared>>)
        } else {
        }
        %add3A_641 = arith.constant 2 : i32
        %add3A_642 = arith.addi %add3A_310, %add3A_641 : i32
        %dma_wait3A_643 = arith.constant 4 : i32
        %dma_wait3A_644 = arith.constant 0 : i32
        %dma_wait3A_645 = tpu.memref_slice %arg7[%dma_wait3A_643, %dma_wait3A_644] : memref<8x80xi32, #tpu.memory_space<vmem>> -> memref<1x80xi32, #tpu.memory_space<vmem>>
        %dma_wait3A_646 = tpu.memref_squeeze %dma_wait3A_645 : memref<1x80xi32, #tpu.memory_space<vmem>> -> memref<80xi32, #tpu.memory_space<vmem>>
        %dma_wait3A_647 = arith.constant 0 : i32
        %dma_wait3A_648 = tpu.memref_slice %arg3[%add3A, %add3A_642, %dma_wait3A_647] : memref<32x128x80xi32, #tpu.memory_space<hbm>> -> memref<1x1x80xi32, #tpu.memory_space<hbm>>
        %dma_wait3A_649 = tpu.memref_squeeze %dma_wait3A_648 : memref<1x1x80xi32, #tpu.memory_space<hbm>> -> memref<80xi32, #tpu.memory_space<hbm>>
        %dma_wait3A_650 = arith.constant 0 : i32
        %dma_wait3A_651 = tpu.memref_slice %arg7[%dma_wait3A_643, %dma_wait3A_650] : memref<8x80xi32, #tpu.memory_space<vmem>> -> memref<1x80xi32, #tpu.memory_space<vmem>>
        %dma_wait3A_652 = tpu.memref_squeeze %dma_wait3A_651 : memref<1x80xi32, #tpu.memory_space<vmem>> -> memref<80xi32, #tpu.memory_space<vmem>>
        %dma_wait3A_653 = arith.constant 0 : i32
        %dma_wait3A_654 = tpu.memref_slice %arg3[%add3A, %add3A_642, %dma_wait3A_653] : memref<32x128x80xi32, #tpu.memory_space<hbm>> -> memref<1x1x80xi32, #tpu.memory_space<hbm>>
        %dma_wait3A_655 = tpu.memref_squeeze %dma_wait3A_654 : memref<1x1x80xi32, #tpu.memory_space<hbm>> -> memref<80xi32, #tpu.memory_space<hbm>>
        tpu.wait_dma2 semaphore(%arg15 : memref<!tpu.dma_semaphore, #tpu.memory_space<semaphore_mem>>) src(%dma_wait3A_655 : memref<80xi32, #tpu.memory_space<hbm>>) dst(%dma_wait3A_652 : memref<80xi32, #tpu.memory_space<vmem>>)
        %dma_start3A_656 = arith.constant 4 : i32
        %dma_start3A_657 = arith.constant 0 : i32
        %dma_start3A_658 = arith.constant 0 : i32
        %dma_start3A_659 = arith.constant 0 : i32
        %dma_start3A_660 = tpu.memref_slice %arg9[%dma_start3A_657, %dma_start3A_658, %dma_start3A_659] : memref<4x80x128xf32, #tpu.memory_space<vmem>> -> memref<1x80x128xf32, #tpu.memory_space<vmem>>
        %dma_start3A_661 = tpu.memref_squeeze %dma_start3A_660 : memref<1x80x128xf32, #tpu.memory_space<vmem>> -> memref<80x128xf32, #tpu.memory_space<vmem>>
        %dma_start3A_662 = arith.constant 0 : i32
        %dma_start3A_663 = tpu.memref_slice %arg7[%dma_start3A_656, %dma_start3A_662] : memref<8x80xi32, #tpu.memory_space<vmem>> -> memref<1x80xi32, #tpu.memory_space<vmem>>
        %dma_start3A_664 = tpu.memref_squeeze %dma_start3A_663 : memref<1x80xi32, #tpu.memory_space<vmem>> -> memref<80xi32, #tpu.memory_space<vmem>>
        %dma_start3A_665 = arith.constant 0 : i32
        %dma_start3A_666 = arith.constant 0 : i32
        %dma_start3A_667 = tpu.memref_slice %arg2[%dma_start3A_665, %dma_start3A_666] : memref<10000x128xf32, #tpu.memory_space<hbm>> -> memref<10000x128xf32, #tpu.memory_space<hbm>>
        tpu.enqueue_indirect_dma source(%dma_start3A_667 : memref<10000x128xf32, #tpu.memory_space<hbm>>) target(%dma_start3A_661 : memref<80x128xf32, #tpu.memory_space<vmem>>) offsets(%dma_start3A_664 : memref<80xi32, #tpu.memory_space<vmem>>) semaphore(%arg27 : memref<!tpu.dma_semaphore, #tpu.memory_space<semaphore_mem>>)
      } else {
      }
      %add3A_355 = arith.constant 4 : i32
      %add3A_356 = arith.addi %add3A_310, %add3A_355 : i32
      %lt3A_357 = arith.constant 128 : i32
      %lt3A_358 = arith.cmpi slt, %add3A_356, %lt3A_357 : i32
      %convert_element_type3A_359 = arith.extui %lt3A_358 : i1 to i32
      %cond3A_360 = arith.constant 0 : i32
      %cond3A_361 = arith.cmpi ne, %convert_element_type3A_359, %cond3A_360 : i32
      scf.if %cond3A_361 {
        %add3A_637 = arith.constant 4 : i32
        %add3A_638 = arith.addi %add3A_310, %add3A_637 : i32
        %dma_start3A_639 = arith.constant 6 : i32
        %dma_start3A_640 = arith.constant 0 : i32
        %dma_start3A_641 = tpu.memref_slice %arg7[%dma_start3A_639, %dma_start3A_640] : memref<8x80xi32, #tpu.memory_space<vmem>> -> memref<1x80xi32, #tpu.memory_space<vmem>>
        %dma_start3A_642 = tpu.memref_squeeze %dma_start3A_641 : memref<1x80xi32, #tpu.memory_space<vmem>> -> memref<80xi32, #tpu.memory_space<vmem>>
        %dma_start3A_643 = arith.constant 0 : i32
        %dma_start3A_644 = tpu.memref_slice %arg3[%add3A, %add3A_638, %dma_start3A_643] : memref<32x128x80xi32, #tpu.memory_space<hbm>> -> memref<1x1x80xi32, #tpu.memory_space<hbm>>
        %dma_start3A_645 = tpu.memref_squeeze %dma_start3A_644 : memref<1x1x80xi32, #tpu.memory_space<hbm>> -> memref<80xi32, #tpu.memory_space<hbm>>
        %dma_start3A_646 = arith.constant 0 : i32
        %dma_start3A_647 = tpu.memref_slice %arg7[%dma_start3A_639, %dma_start3A_646] : memref<8x80xi32, #tpu.memory_space<vmem>> -> memref<1x80xi32, #tpu.memory_space<vmem>>
        %dma_start3A_648 = tpu.memref_squeeze %dma_start3A_647 : memref<1x80xi32, #tpu.memory_space<vmem>> -> memref<80xi32, #tpu.memory_space<vmem>>
        %dma_start3A_649 = arith.constant 0 : i32
        %dma_start3A_650 = tpu.memref_slice %arg3[%add3A, %add3A_638, %dma_start3A_649] : memref<32x128x80xi32, #tpu.memory_space<hbm>> -> memref<1x1x80xi32, #tpu.memory_space<hbm>>
        %dma_start3A_651 = tpu.memref_squeeze %dma_start3A_650 : memref<1x1x80xi32, #tpu.memory_space<hbm>> -> memref<80xi32, #tpu.memory_space<hbm>>
        tpu.enqueue_dma source(%dma_start3A_651 : memref<80xi32, #tpu.memory_space<hbm>>) target(%dma_start3A_648 : memref<80xi32, #tpu.memory_space<vmem>>) target_semaphore(%arg17 : memref<!tpu.dma_semaphore, #tpu.memory_space<semaphore_mem>>)
        %dma_start3A_652 = arith.constant 6 : i32
        %dma_start3A_653 = arith.constant 0 : i32
        %dma_start3A_654 = tpu.memref_slice %arg8[%dma_start3A_652, %dma_start3A_653] : memref<8x80xi32, #tpu.memory_space<vmem>> -> memref<1x80xi32, #tpu.memory_space<vmem>>
        %dma_start3A_655 = tpu.memref_squeeze %dma_start3A_654 : memref<1x80xi32, #tpu.memory_space<vmem>> -> memref<80xi32, #tpu.memory_space<vmem>>
        %dma_start3A_656 = arith.constant 0 : i32
        %dma_start3A_657 = tpu.memref_slice %arg4[%add3A, %add3A_638, %dma_start3A_656] : memref<32x128x80xi32, #tpu.memory_space<hbm>> -> memref<1x1x80xi32, #tpu.memory_space<hbm>>
        %dma_start3A_658 = tpu.memref_squeeze %dma_start3A_657 : memref<1x1x80xi32, #tpu.memory_space<hbm>> -> memref<80xi32, #tpu.memory_space<hbm>>
        %dma_start3A_659 = arith.constant 0 : i32
        %dma_start3A_660 = tpu.memref_slice %arg8[%dma_start3A_652, %dma_start3A_659] : memref<8x80xi32, #tpu.memory_space<vmem>> -> memref<1x80xi32, #tpu.memory_space<vmem>>
        %dma_start3A_661 = tpu.memref_squeeze %dma_start3A_660 : memref<1x80xi32, #tpu.memory_space<vmem>> -> memref<80xi32, #tpu.memory_space<vmem>>
        %dma_start3A_662 = arith.constant 0 : i32
        %dma_start3A_663 = tpu.memref_slice %arg4[%add3A, %add3A_638, %dma_start3A_662] : memref<32x128x80xi32, #tpu.memory_space<hbm>> -> memref<1x1x80xi32, #tpu.memory_space<hbm>>
        %dma_start3A_664 = tpu.memref_squeeze %dma_start3A_663 : memref<1x1x80xi32, #tpu.memory_space<hbm>> -> memref<80xi32, #tpu.memory_space<hbm>>
        tpu.enqueue_dma source(%dma_start3A_664 : memref<80xi32, #tpu.memory_space<hbm>>) target(%dma_start3A_661 : memref<80xi32, #tpu.memory_space<vmem>>) target_semaphore(%arg25 : memref<!tpu.dma_semaphore, #tpu.memory_space<semaphore_mem>>)
      } else {
      }
      %mul3A_362 = arith.constant 8 : i32
      %mul3A_363 = arith.muli %scan3A_199, %mul3A_362 : i32
      %add3A_364 = arith.constant 3 : i32
      %add3A_365 = arith.addi %mul3A_363, %add3A_364 : i32
      %dma_wait3A_366 = arith.constant 3 : i32
      %dma_wait3A_367 = arith.constant 3 : i32
      %dma_wait3A_368 = arith.constant 0 : i32
      %dma_wait3A_369 = arith.constant 0 : i32
      %dma_wait3A_370 = tpu.memref_slice %arg9[%dma_wait3A_367, %dma_wait3A_368, %dma_wait3A_369] : memref<4x80x128xf32, #tpu.memory_space<vmem>> -> memref<1x80x128xf32, #tpu.memory_space<vmem>>
      %dma_wait3A_371 = tpu.memref_squeeze %dma_wait3A_370 : memref<1x80x128xf32, #tpu.memory_space<vmem>> -> memref<80x128xf32, #tpu.memory_space<vmem>>
      %dma_wait3A_372 = arith.constant 0 : i32
      %dma_wait3A_373 = tpu.memref_slice %arg7[%dma_wait3A_366, %dma_wait3A_372] : memref<8x80xi32, #tpu.memory_space<vmem>> -> memref<1x80xi32, #tpu.memory_space<vmem>>
      %dma_wait3A_374 = tpu.memref_squeeze %dma_wait3A_373 : memref<1x80xi32, #tpu.memory_space<vmem>> -> memref<80xi32, #tpu.memory_space<vmem>>
      %dma_wait3A_375 = arith.constant 0 : i32
      %dma_wait3A_376 = arith.constant 0 : i32
      %dma_wait3A_377 = tpu.memref_slice %arg2[%dma_wait3A_375, %dma_wait3A_376] : memref<10000x128xf32, #tpu.memory_space<hbm>> -> memref<10000x128xf32, #tpu.memory_space<hbm>>
      tpu.wait_indirect_dma semaphore(%arg30 : memref<!tpu.dma_semaphore, #tpu.memory_space<semaphore_mem>>) src(%dma_wait3A_377 : memref<10000x128xf32, #tpu.memory_space<hbm>>) dst(%dma_wait3A_371 : memref<80x128xf32, #tpu.memory_space<vmem>>)
      %dma_wait3A_378 = arith.constant 3 : i32
      %dma_wait3A_379 = arith.constant 0 : i32
      %dma_wait3A_380 = tpu.memref_slice %arg8[%dma_wait3A_378, %dma_wait3A_379] : memref<8x80xi32, #tpu.memory_space<vmem>> -> memref<1x80xi32, #tpu.memory_space<vmem>>
      %dma_wait3A_381 = tpu.memref_squeeze %dma_wait3A_380 : memref<1x80xi32, #tpu.memory_space<vmem>> -> memref<80xi32, #tpu.memory_space<vmem>>
      %dma_wait3A_382 = arith.constant 0 : i32
      %dma_wait3A_383 = tpu.memref_slice %arg4[%add3A, %add3A_365, %dma_wait3A_382] : memref<32x128x80xi32, #tpu.memory_space<hbm>> -> memref<1x1x80xi32, #tpu.memory_space<hbm>>
      %dma_wait3A_384 = tpu.memref_squeeze %dma_wait3A_383 : memref<1x1x80xi32, #tpu.memory_space<hbm>> -> memref<80xi32, #tpu.memory_space<hbm>>
      %dma_wait3A_385 = arith.constant 0 : i32
      %dma_wait3A_386 = tpu.memref_slice %arg8[%dma_wait3A_378, %dma_wait3A_385] : memref<8x80xi32, #tpu.memory_space<vmem>> -> memref<1x80xi32, #tpu.memory_space<vmem>>
      %dma_wait3A_387 = tpu.memref_squeeze %dma_wait3A_386 : memref<1x80xi32, #tpu.memory_space<vmem>> -> memref<80xi32, #tpu.memory_space<vmem>>
      %dma_wait3A_388 = arith.constant 0 : i32
      %dma_wait3A_389 = tpu.memref_slice %arg4[%add3A, %add3A_365, %dma_wait3A_388] : memref<32x128x80xi32, #tpu.memory_space<hbm>> -> memref<1x1x80xi32, #tpu.memory_space<hbm>>
      %dma_wait3A_390 = tpu.memref_squeeze %dma_wait3A_389 : memref<1x1x80xi32, #tpu.memory_space<hbm>> -> memref<80xi32, #tpu.memory_space<hbm>>
      tpu.wait_dma2 semaphore(%arg22 : memref<!tpu.dma_semaphore, #tpu.memory_space<semaphore_mem>>) src(%dma_wait3A_390 : memref<80xi32, #tpu.memory_space<hbm>>) dst(%dma_wait3A_387 : memref<80xi32, #tpu.memory_space<vmem>>)
      %dma_start3A_391 = arith.constant 3 : i32
      %dma_start3A_392 = arith.constant 3 : i32
      %dma_start3A_393 = arith.constant 0 : i32
      %dma_start3A_394 = arith.constant 0 : i32
      %dma_start3A_395 = tpu.memref_slice %arg9[%dma_start3A_391, %dma_start3A_393, %dma_start3A_394] : memref<4x80x128xf32, #tpu.memory_space<vmem>> -> memref<1x80x128xf32, #tpu.memory_space<vmem>>
      %dma_start3A_396 = tpu.memref_squeeze %dma_start3A_395 : memref<1x80x128xf32, #tpu.memory_space<vmem>> -> memref<80x128xf32, #tpu.memory_space<vmem>>
      %dma_start3A_397 = arith.constant 0 : i32
      %dma_start3A_398 = tpu.memref_slice %arg8[%dma_start3A_392, %dma_start3A_397] : memref<8x80xi32, #tpu.memory_space<vmem>> -> memref<1x80xi32, #tpu.memory_space<vmem>>
      %dma_start3A_399 = tpu.memref_squeeze %dma_start3A_398 : memref<1x80xi32, #tpu.memory_space<vmem>> -> memref<80xi32, #tpu.memory_space<vmem>>
      %dma_start3A_400 = arith.constant 0 : i32
      %dma_start3A_401 = arith.constant 0 : i32
      %dma_start3A_402 = tpu.memref_slice %arg10[%dma_start3A_400, %dma_start3A_401] : memref<10240x128xf32, #tpu.memory_space<vmem_shared>> -> memref<10240x128xf32, #tpu.memory_space<vmem_shared>>
      tpu.enqueue_indirect_dma source(%dma_start3A_396 : memref<80x128xf32, #tpu.memory_space<vmem>>) target(%dma_start3A_402 : memref<10240x128xf32, #tpu.memory_space<vmem_shared>>) offsets(%dma_start3A_399 : memref<80xi32, #tpu.memory_space<vmem>>) semaphore(%arg34 : memref<!tpu.dma_semaphore, #tpu.memory_space<semaphore_mem>>) {add = true}
      %add3A_403 = arith.constant 2 : i32
      %add3A_404 = arith.addi %add3A_365, %add3A_403 : i32
      %lt3A_405 = arith.constant 128 : i32
      %lt3A_406 = arith.cmpi slt, %add3A_404, %lt3A_405 : i32
      %convert_element_type3A_407 = arith.extui %lt3A_406 : i1 to i32
      %cond3A_408 = arith.constant 0 : i32
      %cond3A_409 = arith.cmpi ne, %convert_element_type3A_407, %cond3A_408 : i32
      scf.if %cond3A_409 {
        %ge3A = arith.constant 2 : i32
        %ge3A_637 = arith.cmpi sge, %add3A_365, %ge3A : i32
        %convert_element_type3A_638 = arith.extui %ge3A_637 : i1 to i32
        %cond3A_639 = arith.constant 0 : i32
        %cond3A_640 = arith.cmpi ne, %convert_element_type3A_638, %cond3A_639 : i32
        scf.if %cond3A_640 {
          %dma_wait3A_668 = arith.constant 1 : i32
          %dma_wait3A_669 = arith.constant 1 : i32
          %dma_wait3A_670 = arith.constant 0 : i32
          %dma_wait3A_671 = arith.constant 0 : i32
          %dma_wait3A_672 = tpu.memref_slice %arg9[%dma_wait3A_668, %dma_wait3A_670, %dma_wait3A_671] : memref<4x80x128xf32, #tpu.memory_space<vmem>> -> memref<1x80x128xf32, #tpu.memory_space<vmem>>
          %dma_wait3A_673 = tpu.memref_squeeze %dma_wait3A_672 : memref<1x80x128xf32, #tpu.memory_space<vmem>> -> memref<80x128xf32, #tpu.memory_space<vmem>>
          %dma_wait3A_674 = arith.constant 0 : i32
          %dma_wait3A_675 = tpu.memref_slice %arg8[%dma_wait3A_669, %dma_wait3A_674] : memref<8x80xi32, #tpu.memory_space<vmem>> -> memref<1x80xi32, #tpu.memory_space<vmem>>
          %dma_wait3A_676 = tpu.memref_squeeze %dma_wait3A_675 : memref<1x80xi32, #tpu.memory_space<vmem>> -> memref<80xi32, #tpu.memory_space<vmem>>
          %dma_wait3A_677 = arith.constant 0 : i32
          %dma_wait3A_678 = arith.constant 0 : i32
          %dma_wait3A_679 = tpu.memref_slice %arg10[%dma_wait3A_677, %dma_wait3A_678] : memref<10240x128xf32, #tpu.memory_space<vmem_shared>> -> memref<10240x128xf32, #tpu.memory_space<vmem_shared>>
          tpu.wait_indirect_dma semaphore(%arg32 : memref<!tpu.dma_semaphore, #tpu.memory_space<semaphore_mem>>) src(%dma_wait3A_673 : memref<80x128xf32, #tpu.memory_space<vmem>>) dst(%dma_wait3A_679 : memref<10240x128xf32, #tpu.memory_space<vmem_shared>>)
        } else {
        }
        %add3A_641 = arith.constant 2 : i32
        %add3A_642 = arith.addi %add3A_365, %add3A_641 : i32
        %dma_wait3A_643 = arith.constant 5 : i32
        %dma_wait3A_644 = arith.constant 0 : i32
        %dma_wait3A_645 = tpu.memref_slice %arg7[%dma_wait3A_643, %dma_wait3A_644] : memref<8x80xi32, #tpu.memory_space<vmem>> -> memref<1x80xi32, #tpu.memory_space<vmem>>
        %dma_wait3A_646 = tpu.memref_squeeze %dma_wait3A_645 : memref<1x80xi32, #tpu.memory_space<vmem>> -> memref<80xi32, #tpu.memory_space<vmem>>
        %dma_wait3A_647 = arith.constant 0 : i32
        %dma_wait3A_648 = tpu.memref_slice %arg3[%add3A, %add3A_642, %dma_wait3A_647] : memref<32x128x80xi32, #tpu.memory_space<hbm>> -> memref<1x1x80xi32, #tpu.memory_space<hbm>>
        %dma_wait3A_649 = tpu.memref_squeeze %dma_wait3A_648 : memref<1x1x80xi32, #tpu.memory_space<hbm>> -> memref<80xi32, #tpu.memory_space<hbm>>
        %dma_wait3A_650 = arith.constant 0 : i32
        %dma_wait3A_651 = tpu.memref_slice %arg7[%dma_wait3A_643, %dma_wait3A_650] : memref<8x80xi32, #tpu.memory_space<vmem>> -> memref<1x80xi32, #tpu.memory_space<vmem>>
        %dma_wait3A_652 = tpu.memref_squeeze %dma_wait3A_651 : memref<1x80xi32, #tpu.memory_space<vmem>> -> memref<80xi32, #tpu.memory_space<vmem>>
        %dma_wait3A_653 = arith.constant 0 : i32
        %dma_wait3A_654 = tpu.memref_slice %arg3[%add3A, %add3A_642, %dma_wait3A_653] : memref<32x128x80xi32, #tpu.memory_space<hbm>> -> memref<1x1x80xi32, #tpu.memory_space<hbm>>
        %dma_wait3A_655 = tpu.memref_squeeze %dma_wait3A_654 : memref<1x1x80xi32, #tpu.memory_space<hbm>> -> memref<80xi32, #tpu.memory_space<hbm>>
        tpu.wait_dma2 semaphore(%arg16 : memref<!tpu.dma_semaphore, #tpu.memory_space<semaphore_mem>>) src(%dma_wait3A_655 : memref<80xi32, #tpu.memory_space<hbm>>) dst(%dma_wait3A_652 : memref<80xi32, #tpu.memory_space<vmem>>)
        %dma_start3A_656 = arith.constant 5 : i32
        %dma_start3A_657 = arith.constant 1 : i32
        %dma_start3A_658 = arith.constant 0 : i32
        %dma_start3A_659 = arith.constant 0 : i32
        %dma_start3A_660 = tpu.memref_slice %arg9[%dma_start3A_657, %dma_start3A_658, %dma_start3A_659] : memref<4x80x128xf32, #tpu.memory_space<vmem>> -> memref<1x80x128xf32, #tpu.memory_space<vmem>>
        %dma_start3A_661 = tpu.memref_squeeze %dma_start3A_660 : memref<1x80x128xf32, #tpu.memory_space<vmem>> -> memref<80x128xf32, #tpu.memory_space<vmem>>
        %dma_start3A_662 = arith.constant 0 : i32
        %dma_start3A_663 = tpu.memref_slice %arg7[%dma_start3A_656, %dma_start3A_662] : memref<8x80xi32, #tpu.memory_space<vmem>> -> memref<1x80xi32, #tpu.memory_space<vmem>>
        %dma_start3A_664 = tpu.memref_squeeze %dma_start3A_663 : memref<1x80xi32, #tpu.memory_space<vmem>> -> memref<80xi32, #tpu.memory_space<vmem>>
        %dma_start3A_665 = arith.constant 0 : i32
        %dma_start3A_666 = arith.constant 0 : i32
        %dma_start3A_667 = tpu.memref_slice %arg2[%dma_start3A_665, %dma_start3A_666] : memref<10000x128xf32, #tpu.memory_space<hbm>> -> memref<10000x128xf32, #tpu.memory_space<hbm>>
        tpu.enqueue_indirect_dma source(%dma_start3A_667 : memref<10000x128xf32, #tpu.memory_space<hbm>>) target(%dma_start3A_661 : memref<80x128xf32, #tpu.memory_space<vmem>>) offsets(%dma_start3A_664 : memref<80xi32, #tpu.memory_space<vmem>>) semaphore(%arg28 : memref<!tpu.dma_semaphore, #tpu.memory_space<semaphore_mem>>)
      } else {
      }
      %add3A_410 = arith.constant 4 : i32
      %add3A_411 = arith.addi %add3A_365, %add3A_410 : i32
      %lt3A_412 = arith.constant 128 : i32
      %lt3A_413 = arith.cmpi slt, %add3A_411, %lt3A_412 : i32
      %convert_element_type3A_414 = arith.extui %lt3A_413 : i1 to i32
      %cond3A_415 = arith.constant 0 : i32
      %cond3A_416 = arith.cmpi ne, %convert_element_type3A_414, %cond3A_415 : i32
      scf.if %cond3A_416 {
        %add3A_637 = arith.constant 4 : i32
        %add3A_638 = arith.addi %add3A_365, %add3A_637 : i32
        %dma_start3A_639 = arith.constant 7 : i32
        %dma_start3A_640 = arith.constant 0 : i32
        %dma_start3A_641 = tpu.memref_slice %arg7[%dma_start3A_639, %dma_start3A_640] : memref<8x80xi32, #tpu.memory_space<vmem>> -> memref<1x80xi32, #tpu.memory_space<vmem>>
        %dma_start3A_642 = tpu.memref_squeeze %dma_start3A_641 : memref<1x80xi32, #tpu.memory_space<vmem>> -> memref<80xi32, #tpu.memory_space<vmem>>
        %dma_start3A_643 = arith.constant 0 : i32
        %dma_start3A_644 = tpu.memref_slice %arg3[%add3A, %add3A_638, %dma_start3A_643] : memref<32x128x80xi32, #tpu.memory_space<hbm>> -> memref<1x1x80xi32, #tpu.memory_space<hbm>>
        %dma_start3A_645 = tpu.memref_squeeze %dma_start3A_644 : memref<1x1x80xi32, #tpu.memory_space<hbm>> -> memref<80xi32, #tpu.memory_space<hbm>>
        %dma_start3A_646 = arith.constant 0 : i32
        %dma_start3A_647 = tpu.memref_slice %arg7[%dma_start3A_639, %dma_start3A_646] : memref<8x80xi32, #tpu.memory_space<vmem>> -> memref<1x80xi32, #tpu.memory_space<vmem>>
        %dma_start3A_648 = tpu.memref_squeeze %dma_start3A_647 : memref<1x80xi32, #tpu.memory_space<vmem>> -> memref<80xi32, #tpu.memory_space<vmem>>
        %dma_start3A_649 = arith.constant 0 : i32
        %dma_start3A_650 = tpu.memref_slice %arg3[%add3A, %add3A_638, %dma_start3A_649] : memref<32x128x80xi32, #tpu.memory_space<hbm>> -> memref<1x1x80xi32, #tpu.memory_space<hbm>>
        %dma_start3A_651 = tpu.memref_squeeze %dma_start3A_650 : memref<1x1x80xi32, #tpu.memory_space<hbm>> -> memref<80xi32, #tpu.memory_space<hbm>>
        tpu.enqueue_dma source(%dma_start3A_651 : memref<80xi32, #tpu.memory_space<hbm>>) target(%dma_start3A_648 : memref<80xi32, #tpu.memory_space<vmem>>) target_semaphore(%arg18 : memref<!tpu.dma_semaphore, #tpu.memory_space<semaphore_mem>>)
        %dma_start3A_652 = arith.constant 7 : i32
        %dma_start3A_653 = arith.constant 0 : i32
        %dma_start3A_654 = tpu.memref_slice %arg8[%dma_start3A_652, %dma_start3A_653] : memref<8x80xi32, #tpu.memory_space<vmem>> -> memref<1x80xi32, #tpu.memory_space<vmem>>
        %dma_start3A_655 = tpu.memref_squeeze %dma_start3A_654 : memref<1x80xi32, #tpu.memory_space<vmem>> -> memref<80xi32, #tpu.memory_space<vmem>>
        %dma_start3A_656 = arith.constant 0 : i32
        %dma_start3A_657 = tpu.memref_slice %arg4[%add3A, %add3A_638, %dma_start3A_656] : memref<32x128x80xi32, #tpu.memory_space<hbm>> -> memref<1x1x80xi32, #tpu.memory_space<hbm>>
        %dma_start3A_658 = tpu.memref_squeeze %dma_start3A_657 : memref<1x1x80xi32, #tpu.memory_space<hbm>> -> memref<80xi32, #tpu.memory_space<hbm>>
        %dma_start3A_659 = arith.constant 0 : i32
        %dma_start3A_660 = tpu.memref_slice %arg8[%dma_start3A_652, %dma_start3A_659] : memref<8x80xi32, #tpu.memory_space<vmem>> -> memref<1x80xi32, #tpu.memory_space<vmem>>
        %dma_start3A_661 = tpu.memref_squeeze %dma_start3A_660 : memref<1x80xi32, #tpu.memory_space<vmem>> -> memref<80xi32, #tpu.memory_space<vmem>>
        %dma_start3A_662 = arith.constant 0 : i32
        %dma_start3A_663 = tpu.memref_slice %arg4[%add3A, %add3A_638, %dma_start3A_662] : memref<32x128x80xi32, #tpu.memory_space<hbm>> -> memref<1x1x80xi32, #tpu.memory_space<hbm>>
        %dma_start3A_664 = tpu.memref_squeeze %dma_start3A_663 : memref<1x1x80xi32, #tpu.memory_space<hbm>> -> memref<80xi32, #tpu.memory_space<hbm>>
        tpu.enqueue_dma source(%dma_start3A_664 : memref<80xi32, #tpu.memory_space<hbm>>) target(%dma_start3A_661 : memref<80xi32, #tpu.memory_space<vmem>>) target_semaphore(%arg26 : memref<!tpu.dma_semaphore, #tpu.memory_space<semaphore_mem>>)
      } else {
      }
      %mul3A_417 = arith.constant 8 : i32
      %mul3A_418 = arith.muli %scan3A_199, %mul3A_417 : i32
      %add3A_419 = arith.constant 4 : i32
      %add3A_420 = arith.addi %mul3A_418, %add3A_419 : i32
      %dma_wait3A_421 = arith.constant 4 : i32
      %dma_wait3A_422 = arith.constant 0 : i32
      %dma_wait3A_423 = arith.constant 0 : i32
      %dma_wait3A_424 = arith.constant 0 : i32
      %dma_wait3A_425 = tpu.memref_slice %arg9[%dma_wait3A_422, %dma_wait3A_423, %dma_wait3A_424] : memref<4x80x128xf32, #tpu.memory_space<vmem>> -> memref<1x80x128xf32, #tpu.memory_space<vmem>>
      %dma_wait3A_426 = tpu.memref_squeeze %dma_wait3A_425 : memref<1x80x128xf32, #tpu.memory_space<vmem>> -> memref<80x128xf32, #tpu.memory_space<vmem>>
      %dma_wait3A_427 = arith.constant 0 : i32
      %dma_wait3A_428 = tpu.memref_slice %arg7[%dma_wait3A_421, %dma_wait3A_427] : memref<8x80xi32, #tpu.memory_space<vmem>> -> memref<1x80xi32, #tpu.memory_space<vmem>>
      %dma_wait3A_429 = tpu.memref_squeeze %dma_wait3A_428 : memref<1x80xi32, #tpu.memory_space<vmem>> -> memref<80xi32, #tpu.memory_space<vmem>>
      %dma_wait3A_430 = arith.constant 0 : i32
      %dma_wait3A_431 = arith.constant 0 : i32
      %dma_wait3A_432 = tpu.memref_slice %arg2[%dma_wait3A_430, %dma_wait3A_431] : memref<10000x128xf32, #tpu.memory_space<hbm>> -> memref<10000x128xf32, #tpu.memory_space<hbm>>
      tpu.wait_indirect_dma semaphore(%arg27 : memref<!tpu.dma_semaphore, #tpu.memory_space<semaphore_mem>>) src(%dma_wait3A_432 : memref<10000x128xf32, #tpu.memory_space<hbm>>) dst(%dma_wait3A_426 : memref<80x128xf32, #tpu.memory_space<vmem>>)
      %dma_wait3A_433 = arith.constant 4 : i32
      %dma_wait3A_434 = arith.constant 0 : i32
      %dma_wait3A_435 = tpu.memref_slice %arg8[%dma_wait3A_433, %dma_wait3A_434] : memref<8x80xi32, #tpu.memory_space<vmem>> -> memref<1x80xi32, #tpu.memory_space<vmem>>
      %dma_wait3A_436 = tpu.memref_squeeze %dma_wait3A_435 : memref<1x80xi32, #tpu.memory_space<vmem>> -> memref<80xi32, #tpu.memory_space<vmem>>
      %dma_wait3A_437 = arith.constant 0 : i32
      %dma_wait3A_438 = tpu.memref_slice %arg4[%add3A, %add3A_420, %dma_wait3A_437] : memref<32x128x80xi32, #tpu.memory_space<hbm>> -> memref<1x1x80xi32, #tpu.memory_space<hbm>>
      %dma_wait3A_439 = tpu.memref_squeeze %dma_wait3A_438 : memref<1x1x80xi32, #tpu.memory_space<hbm>> -> memref<80xi32, #tpu.memory_space<hbm>>
      %dma_wait3A_440 = arith.constant 0 : i32
      %dma_wait3A_441 = tpu.memref_slice %arg8[%dma_wait3A_433, %dma_wait3A_440] : memref<8x80xi32, #tpu.memory_space<vmem>> -> memref<1x80xi32, #tpu.memory_space<vmem>>
      %dma_wait3A_442 = tpu.memref_squeeze %dma_wait3A_441 : memref<1x80xi32, #tpu.memory_space<vmem>> -> memref<80xi32, #tpu.memory_space<vmem>>
      %dma_wait3A_443 = arith.constant 0 : i32
      %dma_wait3A_444 = tpu.memref_slice %arg4[%add3A, %add3A_420, %dma_wait3A_443] : memref<32x128x80xi32, #tpu.memory_space<hbm>> -> memref<1x1x80xi32, #tpu.memory_space<hbm>>
      %dma_wait3A_445 = tpu.memref_squeeze %dma_wait3A_444 : memref<1x1x80xi32, #tpu.memory_space<hbm>> -> memref<80xi32, #tpu.memory_space<hbm>>
      tpu.wait_dma2 semaphore(%arg23 : memref<!tpu.dma_semaphore, #tpu.memory_space<semaphore_mem>>) src(%dma_wait3A_445 : memref<80xi32, #tpu.memory_space<hbm>>) dst(%dma_wait3A_442 : memref<80xi32, #tpu.memory_space<vmem>>)
      %dma_start3A_446 = arith.constant 0 : i32
      %dma_start3A_447 = arith.constant 4 : i32
      %dma_start3A_448 = arith.constant 0 : i32
      %dma_start3A_449 = arith.constant 0 : i32
      %dma_start3A_450 = tpu.memref_slice %arg9[%dma_start3A_446, %dma_start3A_448, %dma_start3A_449] : memref<4x80x128xf32, #tpu.memory_space<vmem>> -> memref<1x80x128xf32, #tpu.memory_space<vmem>>
      %dma_start3A_451 = tpu.memref_squeeze %dma_start3A_450 : memref<1x80x128xf32, #tpu.memory_space<vmem>> -> memref<80x128xf32, #tpu.memory_space<vmem>>
      %dma_start3A_452 = arith.constant 0 : i32
      %dma_start3A_453 = tpu.memref_slice %arg8[%dma_start3A_447, %dma_start3A_452] : memref<8x80xi32, #tpu.memory_space<vmem>> -> memref<1x80xi32, #tpu.memory_space<vmem>>
      %dma_start3A_454 = tpu.memref_squeeze %dma_start3A_453 : memref<1x80xi32, #tpu.memory_space<vmem>> -> memref<80xi32, #tpu.memory_space<vmem>>
      %dma_start3A_455 = arith.constant 0 : i32
      %dma_start3A_456 = arith.constant 0 : i32
      %dma_start3A_457 = tpu.memref_slice %arg10[%dma_start3A_455, %dma_start3A_456] : memref<10240x128xf32, #tpu.memory_space<vmem_shared>> -> memref<10240x128xf32, #tpu.memory_space<vmem_shared>>
      tpu.enqueue_indirect_dma source(%dma_start3A_451 : memref<80x128xf32, #tpu.memory_space<vmem>>) target(%dma_start3A_457 : memref<10240x128xf32, #tpu.memory_space<vmem_shared>>) offsets(%dma_start3A_454 : memref<80xi32, #tpu.memory_space<vmem>>) semaphore(%arg31 : memref<!tpu.dma_semaphore, #tpu.memory_space<semaphore_mem>>) {add = true}
      %add3A_458 = arith.constant 2 : i32
      %add3A_459 = arith.addi %add3A_420, %add3A_458 : i32
      %lt3A_460 = arith.constant 128 : i32
      %lt3A_461 = arith.cmpi slt, %add3A_459, %lt3A_460 : i32
      %convert_element_type3A_462 = arith.extui %lt3A_461 : i1 to i32
      %cond3A_463 = arith.constant 0 : i32
      %cond3A_464 = arith.cmpi ne, %convert_element_type3A_462, %cond3A_463 : i32
      scf.if %cond3A_464 {
        %ge3A = arith.constant 2 : i32
        %ge3A_637 = arith.cmpi sge, %add3A_420, %ge3A : i32
        %convert_element_type3A_638 = arith.extui %ge3A_637 : i1 to i32
        %cond3A_639 = arith.constant 0 : i32
        %cond3A_640 = arith.cmpi ne, %convert_element_type3A_638, %cond3A_639 : i32
        scf.if %cond3A_640 {
          %dma_wait3A_668 = arith.constant 2 : i32
          %dma_wait3A_669 = arith.constant 2 : i32
          %dma_wait3A_670 = arith.constant 0 : i32
          %dma_wait3A_671 = arith.constant 0 : i32
          %dma_wait3A_672 = tpu.memref_slice %arg9[%dma_wait3A_668, %dma_wait3A_670, %dma_wait3A_671] : memref<4x80x128xf32, #tpu.memory_space<vmem>> -> memref<1x80x128xf32, #tpu.memory_space<vmem>>
          %dma_wait3A_673 = tpu.memref_squeeze %dma_wait3A_672 : memref<1x80x128xf32, #tpu.memory_space<vmem>> -> memref<80x128xf32, #tpu.memory_space<vmem>>
          %dma_wait3A_674 = arith.constant 0 : i32
          %dma_wait3A_675 = tpu.memref_slice %arg8[%dma_wait3A_669, %dma_wait3A_674] : memref<8x80xi32, #tpu.memory_space<vmem>> -> memref<1x80xi32, #tpu.memory_space<vmem>>
          %dma_wait3A_676 = tpu.memref_squeeze %dma_wait3A_675 : memref<1x80xi32, #tpu.memory_space<vmem>> -> memref<80xi32, #tpu.memory_space<vmem>>
          %dma_wait3A_677 = arith.constant 0 : i32
          %dma_wait3A_678 = arith.constant 0 : i32
          %dma_wait3A_679 = tpu.memref_slice %arg10[%dma_wait3A_677, %dma_wait3A_678] : memref<10240x128xf32, #tpu.memory_space<vmem_shared>> -> memref<10240x128xf32, #tpu.memory_space<vmem_shared>>
          tpu.wait_indirect_dma semaphore(%arg33 : memref<!tpu.dma_semaphore, #tpu.memory_space<semaphore_mem>>) src(%dma_wait3A_673 : memref<80x128xf32, #tpu.memory_space<vmem>>) dst(%dma_wait3A_679 : memref<10240x128xf32, #tpu.memory_space<vmem_shared>>)
        } else {
        }
        %add3A_641 = arith.constant 2 : i32
        %add3A_642 = arith.addi %add3A_420, %add3A_641 : i32
        %dma_wait3A_643 = arith.constant 6 : i32
        %dma_wait3A_644 = arith.constant 0 : i32
        %dma_wait3A_645 = tpu.memref_slice %arg7[%dma_wait3A_643, %dma_wait3A_644] : memref<8x80xi32, #tpu.memory_space<vmem>> -> memref<1x80xi32, #tpu.memory_space<vmem>>
        %dma_wait3A_646 = tpu.memref_squeeze %dma_wait3A_645 : memref<1x80xi32, #tpu.memory_space<vmem>> -> memref<80xi32, #tpu.memory_space<vmem>>
        %dma_wait3A_647 = arith.constant 0 : i32
        %dma_wait3A_648 = tpu.memref_slice %arg3[%add3A, %add3A_642, %dma_wait3A_647] : memref<32x128x80xi32, #tpu.memory_space<hbm>> -> memref<1x1x80xi32, #tpu.memory_space<hbm>>
        %dma_wait3A_649 = tpu.memref_squeeze %dma_wait3A_648 : memref<1x1x80xi32, #tpu.memory_space<hbm>> -> memref<80xi32, #tpu.memory_space<hbm>>
        %dma_wait3A_650 = arith.constant 0 : i32
        %dma_wait3A_651 = tpu.memref_slice %arg7[%dma_wait3A_643, %dma_wait3A_650] : memref<8x80xi32, #tpu.memory_space<vmem>> -> memref<1x80xi32, #tpu.memory_space<vmem>>
        %dma_wait3A_652 = tpu.memref_squeeze %dma_wait3A_651 : memref<1x80xi32, #tpu.memory_space<vmem>> -> memref<80xi32, #tpu.memory_space<vmem>>
        %dma_wait3A_653 = arith.constant 0 : i32
        %dma_wait3A_654 = tpu.memref_slice %arg3[%add3A, %add3A_642, %dma_wait3A_653] : memref<32x128x80xi32, #tpu.memory_space<hbm>> -> memref<1x1x80xi32, #tpu.memory_space<hbm>>
        %dma_wait3A_655 = tpu.memref_squeeze %dma_wait3A_654 : memref<1x1x80xi32, #tpu.memory_space<hbm>> -> memref<80xi32, #tpu.memory_space<hbm>>
        tpu.wait_dma2 semaphore(%arg17 : memref<!tpu.dma_semaphore, #tpu.memory_space<semaphore_mem>>) src(%dma_wait3A_655 : memref<80xi32, #tpu.memory_space<hbm>>) dst(%dma_wait3A_652 : memref<80xi32, #tpu.memory_space<vmem>>)
        %dma_start3A_656 = arith.constant 6 : i32
        %dma_start3A_657 = arith.constant 2 : i32
        %dma_start3A_658 = arith.constant 0 : i32
        %dma_start3A_659 = arith.constant 0 : i32
        %dma_start3A_660 = tpu.memref_slice %arg9[%dma_start3A_657, %dma_start3A_658, %dma_start3A_659] : memref<4x80x128xf32, #tpu.memory_space<vmem>> -> memref<1x80x128xf32, #tpu.memory_space<vmem>>
        %dma_start3A_661 = tpu.memref_squeeze %dma_start3A_660 : memref<1x80x128xf32, #tpu.memory_space<vmem>> -> memref<80x128xf32, #tpu.memory_space<vmem>>
        %dma_start3A_662 = arith.constant 0 : i32
        %dma_start3A_663 = tpu.memref_slice %arg7[%dma_start3A_656, %dma_start3A_662] : memref<8x80xi32, #tpu.memory_space<vmem>> -> memref<1x80xi32, #tpu.memory_space<vmem>>
        %dma_start3A_664 = tpu.memref_squeeze %dma_start3A_663 : memref<1x80xi32, #tpu.memory_space<vmem>> -> memref<80xi32, #tpu.memory_space<vmem>>
        %dma_start3A_665 = arith.constant 0 : i32
        %dma_start3A_666 = arith.constant 0 : i32
        %dma_start3A_667 = tpu.memref_slice %arg2[%dma_start3A_665, %dma_start3A_666] : memref<10000x128xf32, #tpu.memory_space<hbm>> -> memref<10000x128xf32, #tpu.memory_space<hbm>>
        tpu.enqueue_indirect_dma source(%dma_start3A_667 : memref<10000x128xf32, #tpu.memory_space<hbm>>) target(%dma_start3A_661 : memref<80x128xf32, #tpu.memory_space<vmem>>) offsets(%dma_start3A_664 : memref<80xi32, #tpu.memory_space<vmem>>) semaphore(%arg29 : memref<!tpu.dma_semaphore, #tpu.memory_space<semaphore_mem>>)
      } else {
      }
      %add3A_465 = arith.constant 4 : i32
      %add3A_466 = arith.addi %add3A_420, %add3A_465 : i32
      %lt3A_467 = arith.constant 128 : i32
      %lt3A_468 = arith.cmpi slt, %add3A_466, %lt3A_467 : i32
      %convert_element_type3A_469 = arith.extui %lt3A_468 : i1 to i32
      %cond3A_470 = arith.constant 0 : i32
      %cond3A_471 = arith.cmpi ne, %convert_element_type3A_469, %cond3A_470 : i32
      scf.if %cond3A_471 {
        %add3A_637 = arith.constant 4 : i32
        %add3A_638 = arith.addi %add3A_420, %add3A_637 : i32
        %dma_start3A_639 = arith.constant 0 : i32
        %dma_start3A_640 = arith.constant 0 : i32
        %dma_start3A_641 = tpu.memref_slice %arg7[%dma_start3A_639, %dma_start3A_640] : memref<8x80xi32, #tpu.memory_space<vmem>> -> memref<1x80xi32, #tpu.memory_space<vmem>>
        %dma_start3A_642 = tpu.memref_squeeze %dma_start3A_641 : memref<1x80xi32, #tpu.memory_space<vmem>> -> memref<80xi32, #tpu.memory_space<vmem>>
        %dma_start3A_643 = arith.constant 0 : i32
        %dma_start3A_644 = tpu.memref_slice %arg3[%add3A, %add3A_638, %dma_start3A_643] : memref<32x128x80xi32, #tpu.memory_space<hbm>> -> memref<1x1x80xi32, #tpu.memory_space<hbm>>
        %dma_start3A_645 = tpu.memref_squeeze %dma_start3A_644 : memref<1x1x80xi32, #tpu.memory_space<hbm>> -> memref<80xi32, #tpu.memory_space<hbm>>
        %dma_start3A_646 = arith.constant 0 : i32
        %dma_start3A_647 = tpu.memref_slice %arg7[%dma_start3A_639, %dma_start3A_646] : memref<8x80xi32, #tpu.memory_space<vmem>> -> memref<1x80xi32, #tpu.memory_space<vmem>>
        %dma_start3A_648 = tpu.memref_squeeze %dma_start3A_647 : memref<1x80xi32, #tpu.memory_space<vmem>> -> memref<80xi32, #tpu.memory_space<vmem>>
        %dma_start3A_649 = arith.constant 0 : i32
        %dma_start3A_650 = tpu.memref_slice %arg3[%add3A, %add3A_638, %dma_start3A_649] : memref<32x128x80xi32, #tpu.memory_space<hbm>> -> memref<1x1x80xi32, #tpu.memory_space<hbm>>
        %dma_start3A_651 = tpu.memref_squeeze %dma_start3A_650 : memref<1x1x80xi32, #tpu.memory_space<hbm>> -> memref<80xi32, #tpu.memory_space<hbm>>
        tpu.enqueue_dma source(%dma_start3A_651 : memref<80xi32, #tpu.memory_space<hbm>>) target(%dma_start3A_648 : memref<80xi32, #tpu.memory_space<vmem>>) target_semaphore(%arg11 : memref<!tpu.dma_semaphore, #tpu.memory_space<semaphore_mem>>)
        %dma_start3A_652 = arith.constant 0 : i32
        %dma_start3A_653 = arith.constant 0 : i32
        %dma_start3A_654 = tpu.memref_slice %arg8[%dma_start3A_652, %dma_start3A_653] : memref<8x80xi32, #tpu.memory_space<vmem>> -> memref<1x80xi32, #tpu.memory_space<vmem>>
        %dma_start3A_655 = tpu.memref_squeeze %dma_start3A_654 : memref<1x80xi32, #tpu.memory_space<vmem>> -> memref<80xi32, #tpu.memory_space<vmem>>
        %dma_start3A_656 = arith.constant 0 : i32
        %dma_start3A_657 = tpu.memref_slice %arg4[%add3A, %add3A_638, %dma_start3A_656] : memref<32x128x80xi32, #tpu.memory_space<hbm>> -> memref<1x1x80xi32, #tpu.memory_space<hbm>>
        %dma_start3A_658 = tpu.memref_squeeze %dma_start3A_657 : memref<1x1x80xi32, #tpu.memory_space<hbm>> -> memref<80xi32, #tpu.memory_space<hbm>>
        %dma_start3A_659 = arith.constant 0 : i32
        %dma_start3A_660 = tpu.memref_slice %arg8[%dma_start3A_652, %dma_start3A_659] : memref<8x80xi32, #tpu.memory_space<vmem>> -> memref<1x80xi32, #tpu.memory_space<vmem>>
        %dma_start3A_661 = tpu.memref_squeeze %dma_start3A_660 : memref<1x80xi32, #tpu.memory_space<vmem>> -> memref<80xi32, #tpu.memory_space<vmem>>
        %dma_start3A_662 = arith.constant 0 : i32
        %dma_start3A_663 = tpu.memref_slice %arg4[%add3A, %add3A_638, %dma_start3A_662] : memref<32x128x80xi32, #tpu.memory_space<hbm>> -> memref<1x1x80xi32, #tpu.memory_space<hbm>>
        %dma_start3A_664 = tpu.memref_squeeze %dma_start3A_663 : memref<1x1x80xi32, #tpu.memory_space<hbm>> -> memref<80xi32, #tpu.memory_space<hbm>>
        tpu.enqueue_dma source(%dma_start3A_664 : memref<80xi32, #tpu.memory_space<hbm>>) target(%dma_start3A_661 : memref<80xi32, #tpu.memory_space<vmem>>) target_semaphore(%arg19 : memref<!tpu.dma_semaphore, #tpu.memory_space<semaphore_mem>>)
      } else {
      }
      %mul3A_472 = arith.constant 8 : i32
      %mul3A_473 = arith.muli %scan3A_199, %mul3A_472 : i32
      %add3A_474 = arith.constant 5 : i32
      %add3A_475 = arith.addi %mul3A_473, %add3A_474 : i32
      %dma_wait3A_476 = arith.constant 5 : i32
      %dma_wait3A_477 = arith.constant 1 : i32
      %dma_wait3A_478 = arith.constant 0 : i32
      %dma_wait3A_479 = arith.constant 0 : i32
      %dma_wait3A_480 = tpu.memref_slice %arg9[%dma_wait3A_477, %dma_wait3A_478, %dma_wait3A_479] : memref<4x80x128xf32, #tpu.memory_space<vmem>> -> memref<1x80x128xf32, #tpu.memory_space<vmem>>
      %dma_wait3A_481 = tpu.memref_squeeze %dma_wait3A_480 : memref<1x80x128xf32, #tpu.memory_space<vmem>> -> memref<80x128xf32, #tpu.memory_space<vmem>>
      %dma_wait3A_482 = arith.constant 0 : i32
      %dma_wait3A_483 = tpu.memref_slice %arg7[%dma_wait3A_476, %dma_wait3A_482] : memref<8x80xi32, #tpu.memory_space<vmem>> -> memref<1x80xi32, #tpu.memory_space<vmem>>
      %dma_wait3A_484 = tpu.memref_squeeze %dma_wait3A_483 : memref<1x80xi32, #tpu.memory_space<vmem>> -> memref<80xi32, #tpu.memory_space<vmem>>
      %dma_wait3A_485 = arith.constant 0 : i32
      %dma_wait3A_486 = arith.constant 0 : i32
      %dma_wait3A_487 = tpu.memref_slice %arg2[%dma_wait3A_485, %dma_wait3A_486] : memref<10000x128xf32, #tpu.memory_space<hbm>> -> memref<10000x128xf32, #tpu.memory_space<hbm>>
      tpu.wait_indirect_dma semaphore(%arg28 : memref<!tpu.dma_semaphore, #tpu.memory_space<semaphore_mem>>) src(%dma_wait3A_487 : memref<10000x128xf32, #tpu.memory_space<hbm>>) dst(%dma_wait3A_481 : memref<80x128xf32, #tpu.memory_space<vmem>>)
      %dma_wait3A_488 = arith.constant 5 : i32
      %dma_wait3A_489 = arith.constant 0 : i32
      %dma_wait3A_490 = tpu.memref_slice %arg8[%dma_wait3A_488, %dma_wait3A_489] : memref<8x80xi32, #tpu.memory_space<vmem>> -> memref<1x80xi32, #tpu.memory_space<vmem>>
      %dma_wait3A_491 = tpu.memref_squeeze %dma_wait3A_490 : memref<1x80xi32, #tpu.memory_space<vmem>> -> memref<80xi32, #tpu.memory_space<vmem>>
      %dma_wait3A_492 = arith.constant 0 : i32
      %dma_wait3A_493 = tpu.memref_slice %arg4[%add3A, %add3A_475, %dma_wait3A_492] : memref<32x128x80xi32, #tpu.memory_space<hbm>> -> memref<1x1x80xi32, #tpu.memory_space<hbm>>
      %dma_wait3A_494 = tpu.memref_squeeze %dma_wait3A_493 : memref<1x1x80xi32, #tpu.memory_space<hbm>> -> memref<80xi32, #tpu.memory_space<hbm>>
      %dma_wait3A_495 = arith.constant 0 : i32
      %dma_wait3A_496 = tpu.memref_slice %arg8[%dma_wait3A_488, %dma_wait3A_495] : memref<8x80xi32, #tpu.memory_space<vmem>> -> memref<1x80xi32, #tpu.memory_space<vmem>>
      %dma_wait3A_497 = tpu.memref_squeeze %dma_wait3A_496 : memref<1x80xi32, #tpu.memory_space<vmem>> -> memref<80xi32, #tpu.memory_space<vmem>>
      %dma_wait3A_498 = arith.constant 0 : i32
      %dma_wait3A_499 = tpu.memref_slice %arg4[%add3A, %add3A_475, %dma_wait3A_498] : memref<32x128x80xi32, #tpu.memory_space<hbm>> -> memref<1x1x80xi32, #tpu.memory_space<hbm>>
      %dma_wait3A_500 = tpu.memref_squeeze %dma_wait3A_499 : memref<1x1x80xi32, #tpu.memory_space<hbm>> -> memref<80xi32, #tpu.memory_space<hbm>>
      tpu.wait_dma2 semaphore(%arg24 : memref<!tpu.dma_semaphore, #tpu.memory_space<semaphore_mem>>) src(%dma_wait3A_500 : memref<80xi32, #tpu.memory_space<hbm>>) dst(%dma_wait3A_497 : memref<80xi32, #tpu.memory_space<vmem>>)
      %dma_start3A_501 = arith.constant 1 : i32
      %dma_start3A_502 = arith.constant 5 : i32
      %dma_start3A_503 = arith.constant 0 : i32
      %dma_start3A_504 = arith.constant 0 : i32
      %dma_start3A_505 = tpu.memref_slice %arg9[%dma_start3A_501, %dma_start3A_503, %dma_start3A_504] : memref<4x80x128xf32, #tpu.memory_space<vmem>> -> memref<1x80x128xf32, #tpu.memory_space<vmem>>
      %dma_start3A_506 = tpu.memref_squeeze %dma_start3A_505 : memref<1x80x128xf32, #tpu.memory_space<vmem>> -> memref<80x128xf32, #tpu.memory_space<vmem>>
      %dma_start3A_507 = arith.constant 0 : i32
      %dma_start3A_508 = tpu.memref_slice %arg8[%dma_start3A_502, %dma_start3A_507] : memref<8x80xi32, #tpu.memory_space<vmem>> -> memref<1x80xi32, #tpu.memory_space<vmem>>
      %dma_start3A_509 = tpu.memref_squeeze %dma_start3A_508 : memref<1x80xi32, #tpu.memory_space<vmem>> -> memref<80xi32, #tpu.memory_space<vmem>>
      %dma_start3A_510 = arith.constant 0 : i32
      %dma_start3A_511 = arith.constant 0 : i32
      %dma_start3A_512 = tpu.memref_slice %arg10[%dma_start3A_510, %dma_start3A_511] : memref<10240x128xf32, #tpu.memory_space<vmem_shared>> -> memref<10240x128xf32, #tpu.memory_space<vmem_shared>>
      tpu.enqueue_indirect_dma source(%dma_start3A_506 : memref<80x128xf32, #tpu.memory_space<vmem>>) target(%dma_start3A_512 : memref<10240x128xf32, #tpu.memory_space<vmem_shared>>) offsets(%dma_start3A_509 : memref<80xi32, #tpu.memory_space<vmem>>) semaphore(%arg32 : memref<!tpu.dma_semaphore, #tpu.memory_space<semaphore_mem>>) {add = true}
      %add3A_513 = arith.constant 2 : i32
      %add3A_514 = arith.addi %add3A_475, %add3A_513 : i32
      %lt3A_515 = arith.constant 128 : i32
      %lt3A_516 = arith.cmpi slt, %add3A_514, %lt3A_515 : i32
      %convert_element_type3A_517 = arith.extui %lt3A_516 : i1 to i32
      %cond3A_518 = arith.constant 0 : i32
      %cond3A_519 = arith.cmpi ne, %convert_element_type3A_517, %cond3A_518 : i32
      scf.if %cond3A_519 {
        %ge3A = arith.constant 2 : i32
        %ge3A_637 = arith.cmpi sge, %add3A_475, %ge3A : i32
        %convert_element_type3A_638 = arith.extui %ge3A_637 : i1 to i32
        %cond3A_639 = arith.constant 0 : i32
        %cond3A_640 = arith.cmpi ne, %convert_element_type3A_638, %cond3A_639 : i32
        scf.if %cond3A_640 {
          %dma_wait3A_668 = arith.constant 3 : i32
          %dma_wait3A_669 = arith.constant 3 : i32
          %dma_wait3A_670 = arith.constant 0 : i32
          %dma_wait3A_671 = arith.constant 0 : i32
          %dma_wait3A_672 = tpu.memref_slice %arg9[%dma_wait3A_668, %dma_wait3A_670, %dma_wait3A_671] : memref<4x80x128xf32, #tpu.memory_space<vmem>> -> memref<1x80x128xf32, #tpu.memory_space<vmem>>
          %dma_wait3A_673 = tpu.memref_squeeze %dma_wait3A_672 : memref<1x80x128xf32, #tpu.memory_space<vmem>> -> memref<80x128xf32, #tpu.memory_space<vmem>>
          %dma_wait3A_674 = arith.constant 0 : i32
          %dma_wait3A_675 = tpu.memref_slice %arg8[%dma_wait3A_669, %dma_wait3A_674] : memref<8x80xi32, #tpu.memory_space<vmem>> -> memref<1x80xi32, #tpu.memory_space<vmem>>
          %dma_wait3A_676 = tpu.memref_squeeze %dma_wait3A_675 : memref<1x80xi32, #tpu.memory_space<vmem>> -> memref<80xi32, #tpu.memory_space<vmem>>
          %dma_wait3A_677 = arith.constant 0 : i32
          %dma_wait3A_678 = arith.constant 0 : i32
          %dma_wait3A_679 = tpu.memref_slice %arg10[%dma_wait3A_677, %dma_wait3A_678] : memref<10240x128xf32, #tpu.memory_space<vmem_shared>> -> memref<10240x128xf32, #tpu.memory_space<vmem_shared>>
          tpu.wait_indirect_dma semaphore(%arg34 : memref<!tpu.dma_semaphore, #tpu.memory_space<semaphore_mem>>) src(%dma_wait3A_673 : memref<80x128xf32, #tpu.memory_space<vmem>>) dst(%dma_wait3A_679 : memref<10240x128xf32, #tpu.memory_space<vmem_shared>>)
        } else {
        }
        %add3A_641 = arith.constant 2 : i32
        %add3A_642 = arith.addi %add3A_475, %add3A_641 : i32
        %dma_wait3A_643 = arith.constant 7 : i32
        %dma_wait3A_644 = arith.constant 0 : i32
        %dma_wait3A_645 = tpu.memref_slice %arg7[%dma_wait3A_643, %dma_wait3A_644] : memref<8x80xi32, #tpu.memory_space<vmem>> -> memref<1x80xi32, #tpu.memory_space<vmem>>
        %dma_wait3A_646 = tpu.memref_squeeze %dma_wait3A_645 : memref<1x80xi32, #tpu.memory_space<vmem>> -> memref<80xi32, #tpu.memory_space<vmem>>
        %dma_wait3A_647 = arith.constant 0 : i32
        %dma_wait3A_648 = tpu.memref_slice %arg3[%add3A, %add3A_642, %dma_wait3A_647] : memref<32x128x80xi32, #tpu.memory_space<hbm>> -> memref<1x1x80xi32, #tpu.memory_space<hbm>>
        %dma_wait3A_649 = tpu.memref_squeeze %dma_wait3A_648 : memref<1x1x80xi32, #tpu.memory_space<hbm>> -> memref<80xi32, #tpu.memory_space<hbm>>
        %dma_wait3A_650 = arith.constant 0 : i32
        %dma_wait3A_651 = tpu.memref_slice %arg7[%dma_wait3A_643, %dma_wait3A_650] : memref<8x80xi32, #tpu.memory_space<vmem>> -> memref<1x80xi32, #tpu.memory_space<vmem>>
        %dma_wait3A_652 = tpu.memref_squeeze %dma_wait3A_651 : memref<1x80xi32, #tpu.memory_space<vmem>> -> memref<80xi32, #tpu.memory_space<vmem>>
        %dma_wait3A_653 = arith.constant 0 : i32
        %dma_wait3A_654 = tpu.memref_slice %arg3[%add3A, %add3A_642, %dma_wait3A_653] : memref<32x128x80xi32, #tpu.memory_space<hbm>> -> memref<1x1x80xi32, #tpu.memory_space<hbm>>
        %dma_wait3A_655 = tpu.memref_squeeze %dma_wait3A_654 : memref<1x1x80xi32, #tpu.memory_space<hbm>> -> memref<80xi32, #tpu.memory_space<hbm>>
        tpu.wait_dma2 semaphore(%arg18 : memref<!tpu.dma_semaphore, #tpu.memory_space<semaphore_mem>>) src(%dma_wait3A_655 : memref<80xi32, #tpu.memory_space<hbm>>) dst(%dma_wait3A_652 : memref<80xi32, #tpu.memory_space<vmem>>)
        %dma_start3A_656 = arith.constant 7 : i32
        %dma_start3A_657 = arith.constant 3 : i32
        %dma_start3A_658 = arith.constant 0 : i32
        %dma_start3A_659 = arith.constant 0 : i32
        %dma_start3A_660 = tpu.memref_slice %arg9[%dma_start3A_657, %dma_start3A_658, %dma_start3A_659] : memref<4x80x128xf32, #tpu.memory_space<vmem>> -> memref<1x80x128xf32, #tpu.memory_space<vmem>>
        %dma_start3A_661 = tpu.memref_squeeze %dma_start3A_660 : memref<1x80x128xf32, #tpu.memory_space<vmem>> -> memref<80x128xf32, #tpu.memory_space<vmem>>
        %dma_start3A_662 = arith.constant 0 : i32
        %dma_start3A_663 = tpu.memref_slice %arg7[%dma_start3A_656, %dma_start3A_662] : memref<8x80xi32, #tpu.memory_space<vmem>> -> memref<1x80xi32, #tpu.memory_space<vmem>>
        %dma_start3A_664 = tpu.memref_squeeze %dma_start3A_663 : memref<1x80xi32, #tpu.memory_space<vmem>> -> memref<80xi32, #tpu.memory_space<vmem>>
        %dma_start3A_665 = arith.constant 0 : i32
        %dma_start3A_666 = arith.constant 0 : i32
        %dma_start3A_667 = tpu.memref_slice %arg2[%dma_start3A_665, %dma_start3A_666] : memref<10000x128xf32, #tpu.memory_space<hbm>> -> memref<10000x128xf32, #tpu.memory_space<hbm>>
        tpu.enqueue_indirect_dma source(%dma_start3A_667 : memref<10000x128xf32, #tpu.memory_space<hbm>>) target(%dma_start3A_661 : memref<80x128xf32, #tpu.memory_space<vmem>>) offsets(%dma_start3A_664 : memref<80xi32, #tpu.memory_space<vmem>>) semaphore(%arg30 : memref<!tpu.dma_semaphore, #tpu.memory_space<semaphore_mem>>)
      } else {
      }
      %add3A_520 = arith.constant 4 : i32
      %add3A_521 = arith.addi %add3A_475, %add3A_520 : i32
      %lt3A_522 = arith.constant 128 : i32
      %lt3A_523 = arith.cmpi slt, %add3A_521, %lt3A_522 : i32
      %convert_element_type3A_524 = arith.extui %lt3A_523 : i1 to i32
      %cond3A_525 = arith.constant 0 : i32
      %cond3A_526 = arith.cmpi ne, %convert_element_type3A_524, %cond3A_525 : i32
      scf.if %cond3A_526 {
        %add3A_637 = arith.constant 4 : i32
        %add3A_638 = arith.addi %add3A_475, %add3A_637 : i32
        %dma_start3A_639 = arith.constant 1 : i32
        %dma_start3A_640 = arith.constant 0 : i32
        %dma_start3A_641 = tpu.memref_slice %arg7[%dma_start3A_639, %dma_start3A_640] : memref<8x80xi32, #tpu.memory_space<vmem>> -> memref<1x80xi32, #tpu.memory_space<vmem>>
        %dma_start3A_642 = tpu.memref_squeeze %dma_start3A_641 : memref<1x80xi32, #tpu.memory_space<vmem>> -> memref<80xi32, #tpu.memory_space<vmem>>
        %dma_start3A_643 = arith.constant 0 : i32
        %dma_start3A_644 = tpu.memref_slice %arg3[%add3A, %add3A_638, %dma_start3A_643] : memref<32x128x80xi32, #tpu.memory_space<hbm>> -> memref<1x1x80xi32, #tpu.memory_space<hbm>>
        %dma_start3A_645 = tpu.memref_squeeze %dma_start3A_644 : memref<1x1x80xi32, #tpu.memory_space<hbm>> -> memref<80xi32, #tpu.memory_space<hbm>>
        %dma_start3A_646 = arith.constant 0 : i32
        %dma_start3A_647 = tpu.memref_slice %arg7[%dma_start3A_639, %dma_start3A_646] : memref<8x80xi32, #tpu.memory_space<vmem>> -> memref<1x80xi32, #tpu.memory_space<vmem>>
        %dma_start3A_648 = tpu.memref_squeeze %dma_start3A_647 : memref<1x80xi32, #tpu.memory_space<vmem>> -> memref<80xi32, #tpu.memory_space<vmem>>
        %dma_start3A_649 = arith.constant 0 : i32
        %dma_start3A_650 = tpu.memref_slice %arg3[%add3A, %add3A_638, %dma_start3A_649] : memref<32x128x80xi32, #tpu.memory_space<hbm>> -> memref<1x1x80xi32, #tpu.memory_space<hbm>>
        %dma_start3A_651 = tpu.memref_squeeze %dma_start3A_650 : memref<1x1x80xi32, #tpu.memory_space<hbm>> -> memref<80xi32, #tpu.memory_space<hbm>>
        tpu.enqueue_dma source(%dma_start3A_651 : memref<80xi32, #tpu.memory_space<hbm>>) target(%dma_start3A_648 : memref<80xi32, #tpu.memory_space<vmem>>) target_semaphore(%arg12 : memref<!tpu.dma_semaphore, #tpu.memory_space<semaphore_mem>>)
        %dma_start3A_652 = arith.constant 1 : i32
        %dma_start3A_653 = arith.constant 0 : i32
        %dma_start3A_654 = tpu.memref_slice %arg8[%dma_start3A_652, %dma_start3A_653] : memref<8x80xi32, #tpu.memory_space<vmem>> -> memref<1x80xi32, #tpu.memory_space<vmem>>
        %dma_start3A_655 = tpu.memref_squeeze %dma_start3A_654 : memref<1x80xi32, #tpu.memory_space<vmem>> -> memref<80xi32, #tpu.memory_space<vmem>>
        %dma_start3A_656 = arith.constant 0 : i32
        %dma_start3A_657 = tpu.memref_slice %arg4[%add3A, %add3A_638, %dma_start3A_656] : memref<32x128x80xi32, #tpu.memory_space<hbm>> -> memref<1x1x80xi32, #tpu.memory_space<hbm>>
        %dma_start3A_658 = tpu.memref_squeeze %dma_start3A_657 : memref<1x1x80xi32, #tpu.memory_space<hbm>> -> memref<80xi32, #tpu.memory_space<hbm>>
        %dma_start3A_659 = arith.constant 0 : i32
        %dma_start3A_660 = tpu.memref_slice %arg8[%dma_start3A_652, %dma_start3A_659] : memref<8x80xi32, #tpu.memory_space<vmem>> -> memref<1x80xi32, #tpu.memory_space<vmem>>
        %dma_start3A_661 = tpu.memref_squeeze %dma_start3A_660 : memref<1x80xi32, #tpu.memory_space<vmem>> -> memref<80xi32, #tpu.memory_space<vmem>>
        %dma_start3A_662 = arith.constant 0 : i32
        %dma_start3A_663 = tpu.memref_slice %arg4[%add3A, %add3A_638, %dma_start3A_662] : memref<32x128x80xi32, #tpu.memory_space<hbm>> -> memref<1x1x80xi32, #tpu.memory_space<hbm>>
        %dma_start3A_664 = tpu.memref_squeeze %dma_start3A_663 : memref<1x1x80xi32, #tpu.memory_space<hbm>> -> memref<80xi32, #tpu.memory_space<hbm>>
        tpu.enqueue_dma source(%dma_start3A_664 : memref<80xi32, #tpu.memory_space<hbm>>) target(%dma_start3A_661 : memref<80xi32, #tpu.memory_space<vmem>>) target_semaphore(%arg20 : memref<!tpu.dma_semaphore, #tpu.memory_space<semaphore_mem>>)
      } else {
      }
      %mul3A_527 = arith.constant 8 : i32
      %mul3A_528 = arith.muli %scan3A_199, %mul3A_527 : i32
      %add3A_529 = arith.constant 6 : i32
      %add3A_530 = arith.addi %mul3A_528, %add3A_529 : i32
      %dma_wait3A_531 = arith.constant 6 : i32
      %dma_wait3A_532 = arith.constant 2 : i32
      %dma_wait3A_533 = arith.constant 0 : i32
      %dma_wait3A_534 = arith.constant 0 : i32
      %dma_wait3A_535 = tpu.memref_slice %arg9[%dma_wait3A_532, %dma_wait3A_533, %dma_wait3A_534] : memref<4x80x128xf32, #tpu.memory_space<vmem>> -> memref<1x80x128xf32, #tpu.memory_space<vmem>>
      %dma_wait3A_536 = tpu.memref_squeeze %dma_wait3A_535 : memref<1x80x128xf32, #tpu.memory_space<vmem>> -> memref<80x128xf32, #tpu.memory_space<vmem>>
      %dma_wait3A_537 = arith.constant 0 : i32
      %dma_wait3A_538 = tpu.memref_slice %arg7[%dma_wait3A_531, %dma_wait3A_537] : memref<8x80xi32, #tpu.memory_space<vmem>> -> memref<1x80xi32, #tpu.memory_space<vmem>>
      %dma_wait3A_539 = tpu.memref_squeeze %dma_wait3A_538 : memref<1x80xi32, #tpu.memory_space<vmem>> -> memref<80xi32, #tpu.memory_space<vmem>>
      %dma_wait3A_540 = arith.constant 0 : i32
      %dma_wait3A_541 = arith.constant 0 : i32
      %dma_wait3A_542 = tpu.memref_slice %arg2[%dma_wait3A_540, %dma_wait3A_541] : memref<10000x128xf32, #tpu.memory_space<hbm>> -> memref<10000x128xf32, #tpu.memory_space<hbm>>
      tpu.wait_indirect_dma semaphore(%arg29 : memref<!tpu.dma_semaphore, #tpu.memory_space<semaphore_mem>>) src(%dma_wait3A_542 : memref<10000x128xf32, #tpu.memory_space<hbm>>) dst(%dma_wait3A_536 : memref<80x128xf32, #tpu.memory_space<vmem>>)
      %dma_wait3A_543 = arith.constant 6 : i32
      %dma_wait3A_544 = arith.constant 0 : i32
      %dma_wait3A_545 = tpu.memref_slice %arg8[%dma_wait3A_543, %dma_wait3A_544] : memref<8x80xi32, #tpu.memory_space<vmem>> -> memref<1x80xi32, #tpu.memory_space<vmem>>
      %dma_wait3A_546 = tpu.memref_squeeze %dma_wait3A_545 : memref<1x80xi32, #tpu.memory_space<vmem>> -> memref<80xi32, #tpu.memory_space<vmem>>
      %dma_wait3A_547 = arith.constant 0 : i32
      %dma_wait3A_548 = tpu.memref_slice %arg4[%add3A, %add3A_530, %dma_wait3A_547] : memref<32x128x80xi32, #tpu.memory_space<hbm>> -> memref<1x1x80xi32, #tpu.memory_space<hbm>>
      %dma_wait3A_549 = tpu.memref_squeeze %dma_wait3A_548 : memref<1x1x80xi32, #tpu.memory_space<hbm>> -> memref<80xi32, #tpu.memory_space<hbm>>
      %dma_wait3A_550 = arith.constant 0 : i32
      %dma_wait3A_551 = tpu.memref_slice %arg8[%dma_wait3A_543, %dma_wait3A_550] : memref<8x80xi32, #tpu.memory_space<vmem>> -> memref<1x80xi32, #tpu.memory_space<vmem>>
      %dma_wait3A_552 = tpu.memref_squeeze %dma_wait3A_551 : memref<1x80xi32, #tpu.memory_space<vmem>> -> memref<80xi32, #tpu.memory_space<vmem>>
      %dma_wait3A_553 = arith.constant 0 : i32
      %dma_wait3A_554 = tpu.memref_slice %arg4[%add3A, %add3A_530, %dma_wait3A_553] : memref<32x128x80xi32, #tpu.memory_space<hbm>> -> memref<1x1x80xi32, #tpu.memory_space<hbm>>
      %dma_wait3A_555 = tpu.memref_squeeze %dma_wait3A_554 : memref<1x1x80xi32, #tpu.memory_space<hbm>> -> memref<80xi32, #tpu.memory_space<hbm>>
      tpu.wait_dma2 semaphore(%arg25 : memref<!tpu.dma_semaphore, #tpu.memory_space<semaphore_mem>>) src(%dma_wait3A_555 : memref<80xi32, #tpu.memory_space<hbm>>) dst(%dma_wait3A_552 : memref<80xi32, #tpu.memory_space<vmem>>)
      %dma_start3A_556 = arith.constant 2 : i32
      %dma_start3A_557 = arith.constant 6 : i32
      %dma_start3A_558 = arith.constant 0 : i32
      %dma_start3A_559 = arith.constant 0 : i32
      %dma_start3A_560 = tpu.memref_slice %arg9[%dma_start3A_556, %dma_start3A_558, %dma_start3A_559] : memref<4x80x128xf32, #tpu.memory_space<vmem>> -> memref<1x80x128xf32, #tpu.memory_space<vmem>>
      %dma_start3A_561 = tpu.memref_squeeze %dma_start3A_560 : memref<1x80x128xf32, #tpu.memory_space<vmem>> -> memref<80x128xf32, #tpu.memory_space<vmem>>
      %dma_start3A_562 = arith.constant 0 : i32
      %dma_start3A_563 = tpu.memref_slice %arg8[%dma_start3A_557, %dma_start3A_562] : memref<8x80xi32, #tpu.memory_space<vmem>> -> memref<1x80xi32, #tpu.memory_space<vmem>>
      %dma_start3A_564 = tpu.memref_squeeze %dma_start3A_563 : memref<1x80xi32, #tpu.memory_space<vmem>> -> memref<80xi32, #tpu.memory_space<vmem>>
      %dma_start3A_565 = arith.constant 0 : i32
      %dma_start3A_566 = arith.constant 0 : i32
      %dma_start3A_567 = tpu.memref_slice %arg10[%dma_start3A_565, %dma_start3A_566] : memref<10240x128xf32, #tpu.memory_space<vmem_shared>> -> memref<10240x128xf32, #tpu.memory_space<vmem_shared>>
      tpu.enqueue_indirect_dma source(%dma_start3A_561 : memref<80x128xf32, #tpu.memory_space<vmem>>) target(%dma_start3A_567 : memref<10240x128xf32, #tpu.memory_space<vmem_shared>>) offsets(%dma_start3A_564 : memref<80xi32, #tpu.memory_space<vmem>>) semaphore(%arg33 : memref<!tpu.dma_semaphore, #tpu.memory_space<semaphore_mem>>) {add = true}
      %add3A_568 = arith.constant 2 : i32
      %add3A_569 = arith.addi %add3A_530, %add3A_568 : i32
      %lt3A_570 = arith.constant 128 : i32
      %lt3A_571 = arith.cmpi slt, %add3A_569, %lt3A_570 : i32
      %convert_element_type3A_572 = arith.extui %lt3A_571 : i1 to i32
      %cond3A_573 = arith.constant 0 : i32
      %cond3A_574 = arith.cmpi ne, %convert_element_type3A_572, %cond3A_573 : i32
      scf.if %cond3A_574 {
        %ge3A = arith.constant 2 : i32
        %ge3A_637 = arith.cmpi sge, %add3A_530, %ge3A : i32
        %convert_element_type3A_638 = arith.extui %ge3A_637 : i1 to i32
        %cond3A_639 = arith.constant 0 : i32
        %cond3A_640 = arith.cmpi ne, %convert_element_type3A_638, %cond3A_639 : i32
        scf.if %cond3A_640 {
          %dma_wait3A_668 = arith.constant 0 : i32
          %dma_wait3A_669 = arith.constant 4 : i32
          %dma_wait3A_670 = arith.constant 0 : i32
          %dma_wait3A_671 = arith.constant 0 : i32
          %dma_wait3A_672 = tpu.memref_slice %arg9[%dma_wait3A_668, %dma_wait3A_670, %dma_wait3A_671] : memref<4x80x128xf32, #tpu.memory_space<vmem>> -> memref<1x80x128xf32, #tpu.memory_space<vmem>>
          %dma_wait3A_673 = tpu.memref_squeeze %dma_wait3A_672 : memref<1x80x128xf32, #tpu.memory_space<vmem>> -> memref<80x128xf32, #tpu.memory_space<vmem>>
          %dma_wait3A_674 = arith.constant 0 : i32
          %dma_wait3A_675 = tpu.memref_slice %arg8[%dma_wait3A_669, %dma_wait3A_674] : memref<8x80xi32, #tpu.memory_space<vmem>> -> memref<1x80xi32, #tpu.memory_space<vmem>>
          %dma_wait3A_676 = tpu.memref_squeeze %dma_wait3A_675 : memref<1x80xi32, #tpu.memory_space<vmem>> -> memref<80xi32, #tpu.memory_space<vmem>>
          %dma_wait3A_677 = arith.constant 0 : i32
          %dma_wait3A_678 = arith.constant 0 : i32
          %dma_wait3A_679 = tpu.memref_slice %arg10[%dma_wait3A_677, %dma_wait3A_678] : memref<10240x128xf32, #tpu.memory_space<vmem_shared>> -> memref<10240x128xf32, #tpu.memory_space<vmem_shared>>
          tpu.wait_indirect_dma semaphore(%arg31 : memref<!tpu.dma_semaphore, #tpu.memory_space<semaphore_mem>>) src(%dma_wait3A_673 : memref<80x128xf32, #tpu.memory_space<vmem>>) dst(%dma_wait3A_679 : memref<10240x128xf32, #tpu.memory_space<vmem_shared>>)
        } else {
        }
        %add3A_641 = arith.constant 2 : i32
        %add3A_642 = arith.addi %add3A_530, %add3A_641 : i32
        %dma_wait3A_643 = arith.constant 0 : i32
        %dma_wait3A_644 = arith.constant 0 : i32
        %dma_wait3A_645 = tpu.memref_slice %arg7[%dma_wait3A_643, %dma_wait3A_644] : memref<8x80xi32, #tpu.memory_space<vmem>> -> memref<1x80xi32, #tpu.memory_space<vmem>>
        %dma_wait3A_646 = tpu.memref_squeeze %dma_wait3A_645 : memref<1x80xi32, #tpu.memory_space<vmem>> -> memref<80xi32, #tpu.memory_space<vmem>>
        %dma_wait3A_647 = arith.constant 0 : i32
        %dma_wait3A_648 = tpu.memref_slice %arg3[%add3A, %add3A_642, %dma_wait3A_647] : memref<32x128x80xi32, #tpu.memory_space<hbm>> -> memref<1x1x80xi32, #tpu.memory_space<hbm>>
        %dma_wait3A_649 = tpu.memref_squeeze %dma_wait3A_648 : memref<1x1x80xi32, #tpu.memory_space<hbm>> -> memref<80xi32, #tpu.memory_space<hbm>>
        %dma_wait3A_650 = arith.constant 0 : i32
        %dma_wait3A_651 = tpu.memref_slice %arg7[%dma_wait3A_643, %dma_wait3A_650] : memref<8x80xi32, #tpu.memory_space<vmem>> -> memref<1x80xi32, #tpu.memory_space<vmem>>
        %dma_wait3A_652 = tpu.memref_squeeze %dma_wait3A_651 : memref<1x80xi32, #tpu.memory_space<vmem>> -> memref<80xi32, #tpu.memory_space<vmem>>
        %dma_wait3A_653 = arith.constant 0 : i32
        %dma_wait3A_654 = tpu.memref_slice %arg3[%add3A, %add3A_642, %dma_wait3A_653] : memref<32x128x80xi32, #tpu.memory_space<hbm>> -> memref<1x1x80xi32, #tpu.memory_space<hbm>>
        %dma_wait3A_655 = tpu.memref_squeeze %dma_wait3A_654 : memref<1x1x80xi32, #tpu.memory_space<hbm>> -> memref<80xi32, #tpu.memory_space<hbm>>
        tpu.wait_dma2 semaphore(%arg11 : memref<!tpu.dma_semaphore, #tpu.memory_space<semaphore_mem>>) src(%dma_wait3A_655 : memref<80xi32, #tpu.memory_space<hbm>>) dst(%dma_wait3A_652 : memref<80xi32, #tpu.memory_space<vmem>>)
        %dma_start3A_656 = arith.constant 0 : i32
        %dma_start3A_657 = arith.constant 0 : i32
        %dma_start3A_658 = arith.constant 0 : i32
        %dma_start3A_659 = arith.constant 0 : i32
        %dma_start3A_660 = tpu.memref_slice %arg9[%dma_start3A_657, %dma_start3A_658, %dma_start3A_659] : memref<4x80x128xf32, #tpu.memory_space<vmem>> -> memref<1x80x128xf32, #tpu.memory_space<vmem>>
        %dma_start3A_661 = tpu.memref_squeeze %dma_start3A_660 : memref<1x80x128xf32, #tpu.memory_space<vmem>> -> memref<80x128xf32, #tpu.memory_space<vmem>>
        %dma_start3A_662 = arith.constant 0 : i32
        %dma_start3A_663 = tpu.memref_slice %arg7[%dma_start3A_656, %dma_start3A_662] : memref<8x80xi32, #tpu.memory_space<vmem>> -> memref<1x80xi32, #tpu.memory_space<vmem>>
        %dma_start3A_664 = tpu.memref_squeeze %dma_start3A_663 : memref<1x80xi32, #tpu.memory_space<vmem>> -> memref<80xi32, #tpu.memory_space<vmem>>
        %dma_start3A_665 = arith.constant 0 : i32
        %dma_start3A_666 = arith.constant 0 : i32
        %dma_start3A_667 = tpu.memref_slice %arg2[%dma_start3A_665, %dma_start3A_666] : memref<10000x128xf32, #tpu.memory_space<hbm>> -> memref<10000x128xf32, #tpu.memory_space<hbm>>
        tpu.enqueue_indirect_dma source(%dma_start3A_667 : memref<10000x128xf32, #tpu.memory_space<hbm>>) target(%dma_start3A_661 : memref<80x128xf32, #tpu.memory_space<vmem>>) offsets(%dma_start3A_664 : memref<80xi32, #tpu.memory_space<vmem>>) semaphore(%arg27 : memref<!tpu.dma_semaphore, #tpu.memory_space<semaphore_mem>>)
      } else {
      }
      %add3A_575 = arith.constant 4 : i32
      %add3A_576 = arith.addi %add3A_530, %add3A_575 : i32
      %lt3A_577 = arith.constant 128 : i32
      %lt3A_578 = arith.cmpi slt, %add3A_576, %lt3A_577 : i32
      %convert_element_type3A_579 = arith.extui %lt3A_578 : i1 to i32
      %cond3A_580 = arith.constant 0 : i32
      %cond3A_581 = arith.cmpi ne, %convert_element_type3A_579, %cond3A_580 : i32
      scf.if %cond3A_581 {
        %add3A_637 = arith.constant 4 : i32
        %add3A_638 = arith.addi %add3A_530, %add3A_637 : i32
        %dma_start3A_639 = arith.constant 2 : i32
        %dma_start3A_640 = arith.constant 0 : i32
        %dma_start3A_641 = tpu.memref_slice %arg7[%dma_start3A_639, %dma_start3A_640] : memref<8x80xi32, #tpu.memory_space<vmem>> -> memref<1x80xi32, #tpu.memory_space<vmem>>
        %dma_start3A_642 = tpu.memref_squeeze %dma_start3A_641 : memref<1x80xi32, #tpu.memory_space<vmem>> -> memref<80xi32, #tpu.memory_space<vmem>>
        %dma_start3A_643 = arith.constant 0 : i32
        %dma_start3A_644 = tpu.memref_slice %arg3[%add3A, %add3A_638, %dma_start3A_643] : memref<32x128x80xi32, #tpu.memory_space<hbm>> -> memref<1x1x80xi32, #tpu.memory_space<hbm>>
        %dma_start3A_645 = tpu.memref_squeeze %dma_start3A_644 : memref<1x1x80xi32, #tpu.memory_space<hbm>> -> memref<80xi32, #tpu.memory_space<hbm>>
        %dma_start3A_646 = arith.constant 0 : i32
        %dma_start3A_647 = tpu.memref_slice %arg7[%dma_start3A_639, %dma_start3A_646] : memref<8x80xi32, #tpu.memory_space<vmem>> -> memref<1x80xi32, #tpu.memory_space<vmem>>
        %dma_start3A_648 = tpu.memref_squeeze %dma_start3A_647 : memref<1x80xi32, #tpu.memory_space<vmem>> -> memref<80xi32, #tpu.memory_space<vmem>>
        %dma_start3A_649 = arith.constant 0 : i32
        %dma_start3A_650 = tpu.memref_slice %arg3[%add3A, %add3A_638, %dma_start3A_649] : memref<32x128x80xi32, #tpu.memory_space<hbm>> -> memref<1x1x80xi32, #tpu.memory_space<hbm>>
        %dma_start3A_651 = tpu.memref_squeeze %dma_start3A_650 : memref<1x1x80xi32, #tpu.memory_space<hbm>> -> memref<80xi32, #tpu.memory_space<hbm>>
        tpu.enqueue_dma source(%dma_start3A_651 : memref<80xi32, #tpu.memory_space<hbm>>) target(%dma_start3A_648 : memref<80xi32, #tpu.memory_space<vmem>>) target_semaphore(%arg13 : memref<!tpu.dma_semaphore, #tpu.memory_space<semaphore_mem>>)
        %dma_start3A_652 = arith.constant 2 : i32
        %dma_start3A_653 = arith.constant 0 : i32
        %dma_start3A_654 = tpu.memref_slice %arg8[%dma_start3A_652, %dma_start3A_653] : memref<8x80xi32, #tpu.memory_space<vmem>> -> memref<1x80xi32, #tpu.memory_space<vmem>>
        %dma_start3A_655 = tpu.memref_squeeze %dma_start3A_654 : memref<1x80xi32, #tpu.memory_space<vmem>> -> memref<80xi32, #tpu.memory_space<vmem>>
        %dma_start3A_656 = arith.constant 0 : i32
        %dma_start3A_657 = tpu.memref_slice %arg4[%add3A, %add3A_638, %dma_start3A_656] : memref<32x128x80xi32, #tpu.memory_space<hbm>> -> memref<1x1x80xi32, #tpu.memory_space<hbm>>
        %dma_start3A_658 = tpu.memref_squeeze %dma_start3A_657 : memref<1x1x80xi32, #tpu.memory_space<hbm>> -> memref<80xi32, #tpu.memory_space<hbm>>
        %dma_start3A_659 = arith.constant 0 : i32
        %dma_start3A_660 = tpu.memref_slice %arg8[%dma_start3A_652, %dma_start3A_659] : memref<8x80xi32, #tpu.memory_space<vmem>> -> memref<1x80xi32, #tpu.memory_space<vmem>>
        %dma_start3A_661 = tpu.memref_squeeze %dma_start3A_660 : memref<1x80xi32, #tpu.memory_space<vmem>> -> memref<80xi32, #tpu.memory_space<vmem>>
        %dma_start3A_662 = arith.constant 0 : i32
        %dma_start3A_663 = tpu.memref_slice %arg4[%add3A, %add3A_638, %dma_start3A_662] : memref<32x128x80xi32, #tpu.memory_space<hbm>> -> memref<1x1x80xi32, #tpu.memory_space<hbm>>
        %dma_start3A_664 = tpu.memref_squeeze %dma_start3A_663 : memref<1x1x80xi32, #tpu.memory_space<hbm>> -> memref<80xi32, #tpu.memory_space<hbm>>
        tpu.enqueue_dma source(%dma_start3A_664 : memref<80xi32, #tpu.memory_space<hbm>>) target(%dma_start3A_661 : memref<80xi32, #tpu.memory_space<vmem>>) target_semaphore(%arg21 : memref<!tpu.dma_semaphore, #tpu.memory_space<semaphore_mem>>)
      } else {
      }
      %mul3A_582 = arith.constant 8 : i32
      %mul3A_583 = arith.muli %scan3A_199, %mul3A_582 : i32
      %add3A_584 = arith.constant 7 : i32
      %add3A_585 = arith.addi %mul3A_583, %add3A_584 : i32
      %dma_wait3A_586 = arith.constant 7 : i32
      %dma_wait3A_587 = arith.constant 3 : i32
      %dma_wait3A_588 = arith.constant 0 : i32
      %dma_wait3A_589 = arith.constant 0 : i32
      %dma_wait3A_590 = tpu.memref_slice %arg9[%dma_wait3A_587, %dma_wait3A_588, %dma_wait3A_589] : memref<4x80x128xf32, #tpu.memory_space<vmem>> -> memref<1x80x128xf32, #tpu.memory_space<vmem>>
      %dma_wait3A_591 = tpu.memref_squeeze %dma_wait3A_590 : memref<1x80x128xf32, #tpu.memory_space<vmem>> -> memref<80x128xf32, #tpu.memory_space<vmem>>
      %dma_wait3A_592 = arith.constant 0 : i32
      %dma_wait3A_593 = tpu.memref_slice %arg7[%dma_wait3A_586, %dma_wait3A_592] : memref<8x80xi32, #tpu.memory_space<vmem>> -> memref<1x80xi32, #tpu.memory_space<vmem>>
      %dma_wait3A_594 = tpu.memref_squeeze %dma_wait3A_593 : memref<1x80xi32, #tpu.memory_space<vmem>> -> memref<80xi32, #tpu.memory_space<vmem>>
      %dma_wait3A_595 = arith.constant 0 : i32
      %dma_wait3A_596 = arith.constant 0 : i32
      %dma_wait3A_597 = tpu.memref_slice %arg2[%dma_wait3A_595, %dma_wait3A_596] : memref<10000x128xf32, #tpu.memory_space<hbm>> -> memref<10000x128xf32, #tpu.memory_space<hbm>>
      tpu.wait_indirect_dma semaphore(%arg30 : memref<!tpu.dma_semaphore, #tpu.memory_space<semaphore_mem>>) src(%dma_wait3A_597 : memref<10000x128xf32, #tpu.memory_space<hbm>>) dst(%dma_wait3A_591 : memref<80x128xf32, #tpu.memory_space<vmem>>)
      %dma_wait3A_598 = arith.constant 7 : i32
      %dma_wait3A_599 = arith.constant 0 : i32
      %dma_wait3A_600 = tpu.memref_slice %arg8[%dma_wait3A_598, %dma_wait3A_599] : memref<8x80xi32, #tpu.memory_space<vmem>> -> memref<1x80xi32, #tpu.memory_space<vmem>>
      %dma_wait3A_601 = tpu.memref_squeeze %dma_wait3A_600 : memref<1x80xi32, #tpu.memory_space<vmem>> -> memref<80xi32, #tpu.memory_space<vmem>>
      %dma_wait3A_602 = arith.constant 0 : i32
      %dma_wait3A_603 = tpu.memref_slice %arg4[%add3A, %add3A_585, %dma_wait3A_602] : memref<32x128x80xi32, #tpu.memory_space<hbm>> -> memref<1x1x80xi32, #tpu.memory_space<hbm>>
      %dma_wait3A_604 = tpu.memref_squeeze %dma_wait3A_603 : memref<1x1x80xi32, #tpu.memory_space<hbm>> -> memref<80xi32, #tpu.memory_space<hbm>>
      %dma_wait3A_605 = arith.constant 0 : i32
      %dma_wait3A_606 = tpu.memref_slice %arg8[%dma_wait3A_598, %dma_wait3A_605] : memref<8x80xi32, #tpu.memory_space<vmem>> -> memref<1x80xi32, #tpu.memory_space<vmem>>
      %dma_wait3A_607 = tpu.memref_squeeze %dma_wait3A_606 : memref<1x80xi32, #tpu.memory_space<vmem>> -> memref<80xi32, #tpu.memory_space<vmem>>
      %dma_wait3A_608 = arith.constant 0 : i32
      %dma_wait3A_609 = tpu.memref_slice %arg4[%add3A, %add3A_585, %dma_wait3A_608] : memref<32x128x80xi32, #tpu.memory_space<hbm>> -> memref<1x1x80xi32, #tpu.memory_space<hbm>>
      %dma_wait3A_610 = tpu.memref_squeeze %dma_wait3A_609 : memref<1x1x80xi32, #tpu.memory_space<hbm>> -> memref<80xi32, #tpu.memory_space<hbm>>
      tpu.wait_dma2 semaphore(%arg26 : memref<!tpu.dma_semaphore, #tpu.memory_space<semaphore_mem>>) src(%dma_wait3A_610 : memref<80xi32, #tpu.memory_space<hbm>>) dst(%dma_wait3A_607 : memref<80xi32, #tpu.memory_space<vmem>>)
      %dma_start3A_611 = arith.constant 3 : i32
      %dma_start3A_612 = arith.constant 7 : i32
      %dma_start3A_613 = arith.constant 0 : i32
      %dma_start3A_614 = arith.constant 0 : i32
      %dma_start3A_615 = tpu.memref_slice %arg9[%dma_start3A_611, %dma_start3A_613, %dma_start3A_614] : memref<4x80x128xf32, #tpu.memory_space<vmem>> -> memref<1x80x128xf32, #tpu.memory_space<vmem>>
      %dma_start3A_616 = tpu.memref_squeeze %dma_start3A_615 : memref<1x80x128xf32, #tpu.memory_space<vmem>> -> memref<80x128xf32, #tpu.memory_space<vmem>>
      %dma_start3A_617 = arith.constant 0 : i32
      %dma_start3A_618 = tpu.memref_slice %arg8[%dma_start3A_612, %dma_start3A_617] : memref<8x80xi32, #tpu.memory_space<vmem>> -> memref<1x80xi32, #tpu.memory_space<vmem>>
      %dma_start3A_619 = tpu.memref_squeeze %dma_start3A_618 : memref<1x80xi32, #tpu.memory_space<vmem>> -> memref<80xi32, #tpu.memory_space<vmem>>
      %dma_start3A_620 = arith.constant 0 : i32
      %dma_start3A_621 = arith.constant 0 : i32
      %dma_start3A_622 = tpu.memref_slice %arg10[%dma_start3A_620, %dma_start3A_621] : memref<10240x128xf32, #tpu.memory_space<vmem_shared>> -> memref<10240x128xf32, #tpu.memory_space<vmem_shared>>
      tpu.enqueue_indirect_dma source(%dma_start3A_616 : memref<80x128xf32, #tpu.memory_space<vmem>>) target(%dma_start3A_622 : memref<10240x128xf32, #tpu.memory_space<vmem_shared>>) offsets(%dma_start3A_619 : memref<80xi32, #tpu.memory_space<vmem>>) semaphore(%arg34 : memref<!tpu.dma_semaphore, #tpu.memory_space<semaphore_mem>>) {add = true}
      %add3A_623 = arith.constant 2 : i32
      %add3A_624 = arith.addi %add3A_585, %add3A_623 : i32
      %lt3A_625 = arith.constant 128 : i32
      %lt3A_626 = arith.cmpi slt, %add3A_624, %lt3A_625 : i32
      %convert_element_type3A_627 = arith.extui %lt3A_626 : i1 to i32
      %cond3A_628 = arith.constant 0 : i32
      %cond3A_629 = arith.cmpi ne, %convert_element_type3A_627, %cond3A_628 : i32
      scf.if %cond3A_629 {
        %ge3A = arith.constant 2 : i32
        %ge3A_637 = arith.cmpi sge, %add3A_585, %ge3A : i32
        %convert_element_type3A_638 = arith.extui %ge3A_637 : i1 to i32
        %cond3A_639 = arith.constant 0 : i32
        %cond3A_640 = arith.cmpi ne, %convert_element_type3A_638, %cond3A_639 : i32
        scf.if %cond3A_640 {
          %dma_wait3A_668 = arith.constant 1 : i32
          %dma_wait3A_669 = arith.constant 5 : i32
          %dma_wait3A_670 = arith.constant 0 : i32
          %dma_wait3A_671 = arith.constant 0 : i32
          %dma_wait3A_672 = tpu.memref_slice %arg9[%dma_wait3A_668, %dma_wait3A_670, %dma_wait3A_671] : memref<4x80x128xf32, #tpu.memory_space<vmem>> -> memref<1x80x128xf32, #tpu.memory_space<vmem>>
          %dma_wait3A_673 = tpu.memref_squeeze %dma_wait3A_672 : memref<1x80x128xf32, #tpu.memory_space<vmem>> -> memref<80x128xf32, #tpu.memory_space<vmem>>
          %dma_wait3A_674 = arith.constant 0 : i32
          %dma_wait3A_675 = tpu.memref_slice %arg8[%dma_wait3A_669, %dma_wait3A_674] : memref<8x80xi32, #tpu.memory_space<vmem>> -> memref<1x80xi32, #tpu.memory_space<vmem>>
          %dma_wait3A_676 = tpu.memref_squeeze %dma_wait3A_675 : memref<1x80xi32, #tpu.memory_space<vmem>> -> memref<80xi32, #tpu.memory_space<vmem>>
          %dma_wait3A_677 = arith.constant 0 : i32
          %dma_wait3A_678 = arith.constant 0 : i32
          %dma_wait3A_679 = tpu.memref_slice %arg10[%dma_wait3A_677, %dma_wait3A_678] : memref<10240x128xf32, #tpu.memory_space<vmem_shared>> -> memref<10240x128xf32, #tpu.memory_space<vmem_shared>>
          tpu.wait_indirect_dma semaphore(%arg32 : memref<!tpu.dma_semaphore, #tpu.memory_space<semaphore_mem>>) src(%dma_wait3A_673 : memref<80x128xf32, #tpu.memory_space<vmem>>) dst(%dma_wait3A_679 : memref<10240x128xf32, #tpu.memory_space<vmem_shared>>)
        } else {
        }
        %add3A_641 = arith.constant 2 : i32
        %add3A_642 = arith.addi %add3A_585, %add3A_641 : i32
        %dma_wait3A_643 = arith.constant 1 : i32
        %dma_wait3A_644 = arith.constant 0 : i32
        %dma_wait3A_645 = tpu.memref_slice %arg7[%dma_wait3A_643, %dma_wait3A_644] : memref<8x80xi32, #tpu.memory_space<vmem>> -> memref<1x80xi32, #tpu.memory_space<vmem>>
        %dma_wait3A_646 = tpu.memref_squeeze %dma_wait3A_645 : memref<1x80xi32, #tpu.memory_space<vmem>> -> memref<80xi32, #tpu.memory_space<vmem>>
        %dma_wait3A_647 = arith.constant 0 : i32
        %dma_wait3A_648 = tpu.memref_slice %arg3[%add3A, %add3A_642, %dma_wait3A_647] : memref<32x128x80xi32, #tpu.memory_space<hbm>> -> memref<1x1x80xi32, #tpu.memory_space<hbm>>
        %dma_wait3A_649 = tpu.memref_squeeze %dma_wait3A_648 : memref<1x1x80xi32, #tpu.memory_space<hbm>> -> memref<80xi32, #tpu.memory_space<hbm>>
        %dma_wait3A_650 = arith.constant 0 : i32
        %dma_wait3A_651 = tpu.memref_slice %arg7[%dma_wait3A_643, %dma_wait3A_650] : memref<8x80xi32, #tpu.memory_space<vmem>> -> memref<1x80xi32, #tpu.memory_space<vmem>>
        %dma_wait3A_652 = tpu.memref_squeeze %dma_wait3A_651 : memref<1x80xi32, #tpu.memory_space<vmem>> -> memref<80xi32, #tpu.memory_space<vmem>>
        %dma_wait3A_653 = arith.constant 0 : i32
        %dma_wait3A_654 = tpu.memref_slice %arg3[%add3A, %add3A_642, %dma_wait3A_653] : memref<32x128x80xi32, #tpu.memory_space<hbm>> -> memref<1x1x80xi32, #tpu.memory_space<hbm>>
        %dma_wait3A_655 = tpu.memref_squeeze %dma_wait3A_654 : memref<1x1x80xi32, #tpu.memory_space<hbm>> -> memref<80xi32, #tpu.memory_space<hbm>>
        tpu.wait_dma2 semaphore(%arg12 : memref<!tpu.dma_semaphore, #tpu.memory_space<semaphore_mem>>) src(%dma_wait3A_655 : memref<80xi32, #tpu.memory_space<hbm>>) dst(%dma_wait3A_652 : memref<80xi32, #tpu.memory_space<vmem>>)
        %dma_start3A_656 = arith.constant 1 : i32
        %dma_start3A_657 = arith.constant 1 : i32
        %dma_start3A_658 = arith.constant 0 : i32
        %dma_start3A_659 = arith.constant 0 : i32
        %dma_start3A_660 = tpu.memref_slice %arg9[%dma_start3A_657, %dma_start3A_658, %dma_start3A_659] : memref<4x80x128xf32, #tpu.memory_space<vmem>> -> memref<1x80x128xf32, #tpu.memory_space<vmem>>
        %dma_start3A_661 = tpu.memref_squeeze %dma_start3A_660 : memref<1x80x128xf32, #tpu.memory_space<vmem>> -> memref<80x128xf32, #tpu.memory_space<vmem>>
        %dma_start3A_662 = arith.constant 0 : i32
        %dma_start3A_663 = tpu.memref_slice %arg7[%dma_start3A_656, %dma_start3A_662] : memref<8x80xi32, #tpu.memory_space<vmem>> -> memref<1x80xi32, #tpu.memory_space<vmem>>
        %dma_start3A_664 = tpu.memref_squeeze %dma_start3A_663 : memref<1x80xi32, #tpu.memory_space<vmem>> -> memref<80xi32, #tpu.memory_space<vmem>>
        %dma_start3A_665 = arith.constant 0 : i32
        %dma_start3A_666 = arith.constant 0 : i32
        %dma_start3A_667 = tpu.memref_slice %arg2[%dma_start3A_665, %dma_start3A_666] : memref<10000x128xf32, #tpu.memory_space<hbm>> -> memref<10000x128xf32, #tpu.memory_space<hbm>>
        tpu.enqueue_indirect_dma source(%dma_start3A_667 : memref<10000x128xf32, #tpu.memory_space<hbm>>) target(%dma_start3A_661 : memref<80x128xf32, #tpu.memory_space<vmem>>) offsets(%dma_start3A_664 : memref<80xi32, #tpu.memory_space<vmem>>) semaphore(%arg28 : memref<!tpu.dma_semaphore, #tpu.memory_space<semaphore_mem>>)
      } else {
      }
      %add3A_630 = arith.constant 4 : i32
      %add3A_631 = arith.addi %add3A_585, %add3A_630 : i32
      %lt3A_632 = arith.constant 128 : i32
      %lt3A_633 = arith.cmpi slt, %add3A_631, %lt3A_632 : i32
      %convert_element_type3A_634 = arith.extui %lt3A_633 : i1 to i32
      %cond3A_635 = arith.constant 0 : i32
      %cond3A_636 = arith.cmpi ne, %convert_element_type3A_634, %cond3A_635 : i32
      scf.if %cond3A_636 {
        %add3A_637 = arith.constant 4 : i32
        %add3A_638 = arith.addi %add3A_585, %add3A_637 : i32
        %dma_start3A_639 = arith.constant 3 : i32
        %dma_start3A_640 = arith.constant 0 : i32
        %dma_start3A_641 = tpu.memref_slice %arg7[%dma_start3A_639, %dma_start3A_640] : memref<8x80xi32, #tpu.memory_space<vmem>> -> memref<1x80xi32, #tpu.memory_space<vmem>>
        %dma_start3A_642 = tpu.memref_squeeze %dma_start3A_641 : memref<1x80xi32, #tpu.memory_space<vmem>> -> memref<80xi32, #tpu.memory_space<vmem>>
        %dma_start3A_643 = arith.constant 0 : i32
        %dma_start3A_644 = tpu.memref_slice %arg3[%add3A, %add3A_638, %dma_start3A_643] : memref<32x128x80xi32, #tpu.memory_space<hbm>> -> memref<1x1x80xi32, #tpu.memory_space<hbm>>
        %dma_start3A_645 = tpu.memref_squeeze %dma_start3A_644 : memref<1x1x80xi32, #tpu.memory_space<hbm>> -> memref<80xi32, #tpu.memory_space<hbm>>
        %dma_start3A_646 = arith.constant 0 : i32
        %dma_start3A_647 = tpu.memref_slice %arg7[%dma_start3A_639, %dma_start3A_646] : memref<8x80xi32, #tpu.memory_space<vmem>> -> memref<1x80xi32, #tpu.memory_space<vmem>>
        %dma_start3A_648 = tpu.memref_squeeze %dma_start3A_647 : memref<1x80xi32, #tpu.memory_space<vmem>> -> memref<80xi32, #tpu.memory_space<vmem>>
        %dma_start3A_649 = arith.constant 0 : i32
        %dma_start3A_650 = tpu.memref_slice %arg3[%add3A, %add3A_638, %dma_start3A_649] : memref<32x128x80xi32, #tpu.memory_space<hbm>> -> memref<1x1x80xi32, #tpu.memory_space<hbm>>
        %dma_start3A_651 = tpu.memref_squeeze %dma_start3A_650 : memref<1x1x80xi32, #tpu.memory_space<hbm>> -> memref<80xi32, #tpu.memory_space<hbm>>
        tpu.enqueue_dma source(%dma_start3A_651 : memref<80xi32, #tpu.memory_space<hbm>>) target(%dma_start3A_648 : memref<80xi32, #tpu.memory_space<vmem>>) target_semaphore(%arg14 : memref<!tpu.dma_semaphore, #tpu.memory_space<semaphore_mem>>)
        %dma_start3A_652 = arith.constant 3 : i32
        %dma_start3A_653 = arith.constant 0 : i32
        %dma_start3A_654 = tpu.memref_slice %arg8[%dma_start3A_652, %dma_start3A_653] : memref<8x80xi32, #tpu.memory_space<vmem>> -> memref<1x80xi32, #tpu.memory_space<vmem>>
        %dma_start3A_655 = tpu.memref_squeeze %dma_start3A_654 : memref<1x80xi32, #tpu.memory_space<vmem>> -> memref<80xi32, #tpu.memory_space<vmem>>
        %dma_start3A_656 = arith.constant 0 : i32
        %dma_start3A_657 = tpu.memref_slice %arg4[%add3A, %add3A_638, %dma_start3A_656] : memref<32x128x80xi32, #tpu.memory_space<hbm>> -> memref<1x1x80xi32, #tpu.memory_space<hbm>>
        %dma_start3A_658 = tpu.memref_squeeze %dma_start3A_657 : memref<1x1x80xi32, #tpu.memory_space<hbm>> -> memref<80xi32, #tpu.memory_space<hbm>>
        %dma_start3A_659 = arith.constant 0 : i32
        %dma_start3A_660 = tpu.memref_slice %arg8[%dma_start3A_652, %dma_start3A_659] : memref<8x80xi32, #tpu.memory_space<vmem>> -> memref<1x80xi32, #tpu.memory_space<vmem>>
        %dma_start3A_661 = tpu.memref_squeeze %dma_start3A_660 : memref<1x80xi32, #tpu.memory_space<vmem>> -> memref<80xi32, #tpu.memory_space<vmem>>
        %dma_start3A_662 = arith.constant 0 : i32
        %dma_start3A_663 = tpu.memref_slice %arg4[%add3A, %add3A_638, %dma_start3A_662] : memref<32x128x80xi32, #tpu.memory_space<hbm>> -> memref<1x1x80xi32, #tpu.memory_space<hbm>>
        %dma_start3A_664 = tpu.memref_squeeze %dma_start3A_663 : memref<1x1x80xi32, #tpu.memory_space<hbm>> -> memref<80xi32, #tpu.memory_space<hbm>>
        tpu.enqueue_dma source(%dma_start3A_664 : memref<80xi32, #tpu.memory_space<hbm>>) target(%dma_start3A_661 : memref<80xi32, #tpu.memory_space<vmem>>) target_semaphore(%arg22 : memref<!tpu.dma_semaphore, #tpu.memory_space<semaphore_mem>>)
      } else {
      }
    }
    %scan3A_169 = arith.constant 16 : i32
    %dma_wait3A_170 = arith.constant 2 : i32
    %dma_wait3A_171 = arith.constant 6 : i32
    %dma_wait3A_172 = arith.constant 0 : i32
    %dma_wait3A_173 = arith.constant 0 : i32
    %dma_wait3A_174 = tpu.memref_slice %arg9[%dma_wait3A_170, %dma_wait3A_172, %dma_wait3A_173] : memref<4x80x128xf32, #tpu.memory_space<vmem>> -> memref<1x80x128xf32, #tpu.memory_space<vmem>>
    %dma_wait3A_175 = tpu.memref_squeeze %dma_wait3A_174 : memref<1x80x128xf32, #tpu.memory_space<vmem>> -> memref<80x128xf32, #tpu.memory_space<vmem>>
    %dma_wait3A_176 = arith.constant 0 : i32
    %dma_wait3A_177 = tpu.memref_slice %arg8[%dma_wait3A_171, %dma_wait3A_176] : memref<8x80xi32, #tpu.memory_space<vmem>> -> memref<1x80xi32, #tpu.memory_space<vmem>>
    %dma_wait3A_178 = tpu.memref_squeeze %dma_wait3A_177 : memref<1x80xi32, #tpu.memory_space<vmem>> -> memref<80xi32, #tpu.memory_space<vmem>>
    %dma_wait3A_179 = arith.constant 0 : i32
    %dma_wait3A_180 = arith.constant 0 : i32
    %dma_wait3A_181 = tpu.memref_slice %arg10[%dma_wait3A_179, %dma_wait3A_180] : memref<10240x128xf32, #tpu.memory_space<vmem_shared>> -> memref<10240x128xf32, #tpu.memory_space<vmem_shared>>
    tpu.wait_indirect_dma semaphore(%arg33 : memref<!tpu.dma_semaphore, #tpu.memory_space<semaphore_mem>>) src(%dma_wait3A_175 : memref<80x128xf32, #tpu.memory_space<vmem>>) dst(%dma_wait3A_181 : memref<10240x128xf32, #tpu.memory_space<vmem_shared>>)
    %dma_wait3A_182 = arith.constant 3 : i32
    %dma_wait3A_183 = arith.constant 7 : i32
    %dma_wait3A_184 = arith.constant 0 : i32
    %dma_wait3A_185 = arith.constant 0 : i32
    %dma_wait3A_186 = tpu.memref_slice %arg9[%dma_wait3A_182, %dma_wait3A_184, %dma_wait3A_185] : memref<4x80x128xf32, #tpu.memory_space<vmem>> -> memref<1x80x128xf32, #tpu.memory_space<vmem>>
    %dma_wait3A_187 = tpu.memref_squeeze %dma_wait3A_186 : memref<1x80x128xf32, #tpu.memory_space<vmem>> -> memref<80x128xf32, #tpu.memory_space<vmem>>
    %dma_wait3A_188 = arith.constant 0 : i32
    %dma_wait3A_189 = tpu.memref_slice %arg8[%dma_wait3A_183, %dma_wait3A_188] : memref<8x80xi32, #tpu.memory_space<vmem>> -> memref<1x80xi32, #tpu.memory_space<vmem>>
    %dma_wait3A_190 = tpu.memref_squeeze %dma_wait3A_189 : memref<1x80xi32, #tpu.memory_space<vmem>> -> memref<80xi32, #tpu.memory_space<vmem>>
    %dma_wait3A_191 = arith.constant 0 : i32
    %dma_wait3A_192 = arith.constant 0 : i32
    %dma_wait3A_193 = tpu.memref_slice %arg10[%dma_wait3A_191, %dma_wait3A_192] : memref<10240x128xf32, #tpu.memory_space<vmem_shared>> -> memref<10240x128xf32, #tpu.memory_space<vmem_shared>>
    tpu.wait_indirect_dma semaphore(%arg34 : memref<!tpu.dma_semaphore, #tpu.memory_space<semaphore_mem>>) src(%dma_wait3A_187 : memref<80x128xf32, #tpu.memory_space<vmem>>) dst(%dma_wait3A_193 : memref<10240x128xf32, #tpu.memory_space<vmem_shared>>)
    %barrier3A_194 = arith.constant 0 : index
    tpu.barrier barrier_id(%barrier3A_194)
    %mul3A_195 = arith.constant 640 : i32
    %mul3A_196 = arith.muli %arg1, %mul3A_195 : i32
    %mul3A_197 = arith.constant 640 : i32
    %mul3A_198 = arith.muli %arg1, %mul3A_197 : i32
    "tpu.region"() ({
      %run_scoped3A = tpu.sem_alloc : memref<!tpu.dma_semaphore, #tpu.memory_space<semaphore_mem>>
      %dma_start3A_199 = arith.constant 0 : i32
      %dma_start3A_200 = tpu.memref_slice %arg6[%arg0, %mul3A_198, %dma_start3A_199] : memref<2x10240x128xf32, #tpu.memory_space<hbm>> -> memref<1x640x128xf32, #tpu.memory_space<hbm>>
      %dma_start3A_201 = tpu.memref_squeeze %dma_start3A_200 : memref<1x640x128xf32, #tpu.memory_space<hbm>> -> memref<640x128xf32, #tpu.memory_space<hbm>>
      %dma_start3A_202 = arith.constant 0 : i32
      %dma_start3A_203 = tpu.memref_slice %arg10[%mul3A_196, %dma_start3A_202] : memref<10240x128xf32, #tpu.memory_space<vmem_shared>> -> memref<640x128xf32, #tpu.memory_space<vmem_shared>>
      tpu.enqueue_dma source(%dma_start3A_203 : memref<640x128xf32, #tpu.memory_space<vmem_shared>>) target(%dma_start3A_201 : memref<640x128xf32, #tpu.memory_space<hbm>>) target_semaphore(%run_scoped3A : memref<!tpu.dma_semaphore, #tpu.memory_space<semaphore_mem>>)
      %dma_wait3A_204 = arith.constant 0 : i32
      %dma_wait3A_205 = tpu.memref_slice %arg6[%arg0, %mul3A_198, %dma_wait3A_204] : memref<2x10240x128xf32, #tpu.memory_space<hbm>> -> memref<1x640x128xf32, #tpu.memory_space<hbm>>
      %dma_wait3A_206 = tpu.memref_squeeze %dma_wait3A_205 : memref<1x640x128xf32, #tpu.memory_space<hbm>> -> memref<640x128xf32, #tpu.memory_space<hbm>>
      %dma_wait3A_207 = arith.constant 0 : i32
      %dma_wait3A_208 = tpu.memref_slice %arg10[%mul3A_196, %dma_wait3A_207] : memref<10240x128xf32, #tpu.memory_space<vmem_shared>> -> memref<640x128xf32, #tpu.memory_space<vmem_shared>>
      tpu.wait_dma2 semaphore(%run_scoped3A : memref<!tpu.dma_semaphore, #tpu.memory_space<semaphore_mem>>) src(%dma_wait3A_208 : memref<640x128xf32, #tpu.memory_space<vmem_shared>>) dst(%dma_wait3A_206 : memref<640x128xf32, #tpu.memory_space<hbm>>)
      tpu.yield
    }) : () -> ()
    return
  }
}

module attributes {stable_mosaic.version = 14 : i64} {
  func.func @body(%arg0: i32, %arg1: memref<512x128xf32, #tpu.memory_space<vmem>>, %arg2: memref<512x128xf32, #tpu.memory_space<vmem>>, %arg3: memref<32x512xi32, #tpu.memory_space<vmem>>, %arg4: memref<512x128xf32, #tpu.memory_space<vmem>>, %arg5: memref<128x128xf32, #tpu.memory_space<vmem>>, %arg6: memref<1x128xf32, #tpu.memory_space<vmem>>, %arg7: memref<128x128xf32, #tpu.memory_space<vmem>>, %arg8: memref<512x128xf32, #tpu.memory_space<vmem>>, %arg9: memref<512x1xf32, #tpu.memory_space<vmem>>) attributes {dimension_semantics = [#tpu.dimension_semantics<arbitrary>], iteration_bounds = array<i64: 20>, scalar_prefetch = 0 : i64, scratch_operands = 0 : i64, tpu.core_type = #tpu.core_type<tc>, window_params = [{transform_indices = @transform_0, window_bounds = array<i64: 512, 128>}, {transform_indices = @transform_1, window_bounds = array<i64: 512, 128>}, {transform_indices = @transform_2, window_bounds = array<i64: 32, 512>}, {transform_indices = @transform_3, window_bounds = array<i64: 512, 128>}, {pipeline_mode = #tpu.pipeline_mode<synchronous>, transform_indices = @transform_4, window_bounds = array<i64: 128, 128>}, {pipeline_mode = #tpu.pipeline_mode<synchronous>, transform_indices = @transform_5, window_bounds = array<i64: 1, 128>}, {pipeline_mode = #tpu.pipeline_mode<synchronous>, transform_indices = @transform_6, window_bounds = array<i64: 128, 128>}, {transform_indices = @transform_7, window_bounds = array<i64: 512, 128>}, {transform_indices = @transform_8, window_bounds = array<i64: 512, 1>}]} {
    %get3A = arith.constant 0 : index
    %get3A_0 = arith.constant 0 : index
    %get3A_1 = vector.load %arg1[%get3A, %get3A_0] : memref<512x128xf32, #tpu.memory_space<vmem>>, vector<512x128xf32>
    %get3A_2 = arith.constant 0 : index
    %get3A_3 = arith.constant 0 : index
    %get3A_4 = vector.load %arg2[%get3A_2, %get3A_3] : memref<512x128xf32, #tpu.memory_space<vmem>>, vector<512x128xf32>
    %add3A = arith.addf %get3A_1, %get3A_4 : vector<512x128xf32>
    %get3A_5 = arith.constant 0 : index
    %get3A_6 = arith.constant 0 : index
    %get3A_7 = vector.load %arg3[%get3A_5, %get3A_6] : memref<32x512xi32, #tpu.memory_space<vmem>>, vector<32x512xi32>
    %convert_element_type3A = arith.sitofp %get3A_7 : vector<32x512xi32> to vector<32x512xf32>
    %reduce_sum3A = arith.constant dense<0.000000e+00> : vector<512xf32>
    %reduce_sum3A_8 = vector.multi_reduction <add>, %convert_element_type3A, %reduce_sum3A [0] : vector<32x512xf32> to vector<512xf32>
    %broadcast_in_dim3A = vector.shape_cast %reduce_sum3A_8 : vector<512xf32> to vector<512x1xf32>
    %max3A = arith.constant 1.000000e+00 : f32
    %max3A_9 = vector.broadcast %max3A : f32 to vector<512x1xf32>
    %max3A_10 = arith.maximumf %broadcast_in_dim3A, %max3A_9 : vector<512x1xf32>
    %div3A = vector.broadcast %max3A_10 : vector<512x1xf32> to vector<512x128xf32>
    %div3A_11 = arith.divf %add3A, %div3A : vector<512x128xf32>
    %get3A_12 = arith.constant 0 : index
    %get3A_13 = arith.constant 0 : index
    %get3A_14 = vector.load %arg5[%get3A_12, %get3A_13] : memref<128x128xf32, #tpu.memory_space<vmem>>, vector<128x128xf32>
    %dot_general3A = arith.constant dense<0.000000e+00> : vector<512x128xf32>
    %dot_general3A_15 = tpu.matmul %div3A_11, %get3A_14, %dot_general3A {dimension_numbers = #tpu.dot_dimension_numbers<[1], [0], [0], [1], [0, 0, 1, 1], [], []>, transpose_lhs_hint = false} : vector<512x128xf32>, vector<128x128xf32>, vector<512x128xf32> -> vector<512x128xf32>
    %get3A_16 = arith.constant 0 : index
    %get3A_17 = arith.constant 0 : index
    %get3A_18 = vector.load %arg6[%get3A_16, %get3A_17] : memref<1x128xf32, #tpu.memory_space<vmem>>, vector<1x128xf32>
    %add3A_19 = vector.broadcast %get3A_18 : vector<1x128xf32> to vector<512x128xf32>
    %add3A_20 = arith.addf %dot_general3A_15, %add3A_19 : vector<512x128xf32>
    %get3A_21 = arith.constant 0 : index
    %get3A_22 = arith.constant 0 : index
    %get3A_23 = vector.load %arg4[%get3A_21, %get3A_22] : memref<512x128xf32, #tpu.memory_space<vmem>>, vector<512x128xf32>
    %get3A_24 = arith.constant 0 : index
    %get3A_25 = arith.constant 0 : index
    %get3A_26 = vector.load %arg7[%get3A_24, %get3A_25] : memref<128x128xf32, #tpu.memory_space<vmem>>, vector<128x128xf32>
    %dot_general3A_27 = arith.constant dense<0.000000e+00> : vector<512x128xf32>
    %dot_general3A_28 = tpu.matmul %get3A_23, %get3A_26, %dot_general3A_27 {dimension_numbers = #tpu.dot_dimension_numbers<[1], [0], [0], [1], [0, 0, 1, 1], [], []>, transpose_lhs_hint = false} : vector<512x128xf32>, vector<128x128xf32>, vector<512x128xf32> -> vector<512x128xf32>
    %add3A_29 = arith.addf %add3A_20, %dot_general3A_28 : vector<512x128xf32>
    %mul3A = arith.mulf %add3A_29, %add3A_29 : vector<512x128xf32>
    %reduce_sum3A_30 = arith.constant dense<0.000000e+00> : vector<512xf32>
    %reduce_sum3A_31 = vector.multi_reduction <add>, %mul3A, %reduce_sum3A_30 [1] : vector<512x128xf32> to vector<512xf32>
    %broadcast_in_dim3A_32 = vector.shape_cast %reduce_sum3A_31 : vector<512xf32> to vector<512x1xf32>
    %sqrt3A = math.sqrt %broadcast_in_dim3A_32 : vector<512x1xf32>
    %max3A_33 = arith.constant 9.99999996E-13 : f32
    %max3A_34 = vector.broadcast %max3A_33 : f32 to vector<512x1xf32>
    %max3A_35 = arith.maximumf %sqrt3A, %max3A_34 : vector<512x1xf32>
    %div3A_36 = vector.broadcast %max3A_35 : vector<512x1xf32> to vector<512x128xf32>
    %div3A_37 = arith.divf %add3A_29, %div3A_36 : vector<512x128xf32>
    %max3A_38 = arith.constant 0.000000e+00 : f32
    %max3A_39 = vector.broadcast %max3A_38 : f32 to vector<512x128xf32>
    %max3A_40 = arith.maximumf %div3A_37, %max3A_39 : vector<512x128xf32>
    %swap3A = arith.constant 0 : index
    %swap3A_41 = arith.constant 0 : index
    %swap3A_42 = vector.load %arg8[%swap3A, %swap3A_41] : memref<512x128xf32, #tpu.memory_space<vmem>>, vector<512x128xf32>
    tpu.vector_store %arg8[%swap3A, %swap3A_41], %max3A_40 {strides = array<i32>} : memref<512x128xf32, #tpu.memory_space<vmem>>, vector<512x128xf32>,
    %swap3A_43 = arith.constant 0 : index
    %swap3A_44 = arith.constant 0 : index
    %swap3A_45 = vector.load %arg9[%swap3A_43, %swap3A_44] : memref<512x1xf32, #tpu.memory_space<vmem>>, vector<512x1xf32>
    tpu.vector_store %arg9[%swap3A_43, %swap3A_44], %max3A_10 {strides = array<i32>} : memref<512x1xf32, #tpu.memory_space<vmem>>, vector<512x1xf32>,
    return
  }
  func.func @transform_0(%arg0: i32) -> (i32, i32) {
    %c0_i32 = arith.constant 0 : i32
    %c0_i32_0 = arith.constant 0 : i32
    return %arg0, %c0_i32 : i32, i32
  }
  func.func @transform_1(%arg0: i32) -> (i32, i32) {
    %c0_i32 = arith.constant 0 : i32
    %c0_i32_0 = arith.constant 0 : i32
    return %arg0, %c0_i32 : i32, i32
  }
  func.func @transform_2(%arg0: i32) -> (i32, i32) {
    %c0_i32 = arith.constant 0 : i32
    %c0_i32_0 = arith.constant 0 : i32
    return %c0_i32, %arg0 : i32, i32
  }
  func.func @transform_3(%arg0: i32) -> (i32, i32) {
    %c0_i32 = arith.constant 0 : i32
    %c0_i32_0 = arith.constant 0 : i32
    return %arg0, %c0_i32 : i32, i32
  }
  func.func @transform_4(%arg0: i32) -> (i32, i32) {
    %c0_i32 = arith.constant 0 : i32
    %c0_i32_0 = arith.constant 0 : i32
    %c0_i32_1 = arith.constant 0 : i32
    return %c0_i32, %c0_i32_0 : i32, i32
  }
  func.func @transform_5(%arg0: i32) -> (i32, i32) {
    %c0_i32 = arith.constant 0 : i32
    %c0_i32_0 = arith.constant 0 : i32
    %c0_i32_1 = arith.constant 0 : i32
    return %c0_i32, %c0_i32_0 : i32, i32
  }
  func.func @transform_6(%arg0: i32) -> (i32, i32) {
    %c0_i32 = arith.constant 0 : i32
    %c0_i32_0 = arith.constant 0 : i32
    %c0_i32_1 = arith.constant 0 : i32
    return %c0_i32, %c0_i32_0 : i32, i32
  }
  func.func @transform_7(%arg0: i32) -> (i32, i32) {
    %c0_i32 = arith.constant 0 : i32
    %c0_i32_0 = arith.constant 0 : i32
    return %arg0, %c0_i32 : i32, i32
  }
  func.func @transform_8(%arg0: i32) -> (i32, i32) {
    %c0_i32 = arith.constant 0 : i32
    %c0_i32_0 = arith.constant 0 : i32
    return %arg0, %c0_i32 : i32, i32
  }
}

module attributes {stable_mosaic.version = 14 : i64} {
  func.func @body(%arg0: i32, %arg1: memref<512x128xf32, #tpu.memory_space<vmem>>, %arg2: memref<512x128xf32, #tpu.memory_space<vmem>>, %arg3: memref<512x1xf32, #tpu.memory_space<vmem>>, %arg4: memref<512x128xf32, #tpu.memory_space<vmem>>, %arg5: memref<128x128xf32, #tpu.memory_space<vmem>>, %arg6: memref<1x128xf32, #tpu.memory_space<vmem>>, %arg7: memref<128x128xf32, #tpu.memory_space<vmem>>, %arg8: memref<512x128xf32, #tpu.memory_space<vmem>>) attributes {dimension_semantics = [#tpu.dimension_semantics<arbitrary>], iteration_bounds = array<i64: 20>, scalar_prefetch = 0 : i64, scratch_operands = 0 : i64, tpu.core_type = #tpu.core_type<tc>, window_params = [{transform_indices = @transform_0, window_bounds = array<i64: 512, 128>}, {transform_indices = @transform_1, window_bounds = array<i64: 512, 128>}, {transform_indices = @transform_2, window_bounds = array<i64: 512, 1>}, {transform_indices = @transform_3, window_bounds = array<i64: 512, 128>}, {pipeline_mode = #tpu.pipeline_mode<synchronous>, transform_indices = @transform_4, window_bounds = array<i64: 128, 128>}, {pipeline_mode = #tpu.pipeline_mode<synchronous>, transform_indices = @transform_5, window_bounds = array<i64: 1, 128>}, {pipeline_mode = #tpu.pipeline_mode<synchronous>, transform_indices = @transform_6, window_bounds = array<i64: 128, 128>}, {transform_indices = @transform_7, window_bounds = array<i64: 512, 128>}]} {
    %get3A = arith.constant 0 : index
    %get3A_0 = arith.constant 0 : index
    %get3A_1 = vector.load %arg1[%get3A, %get3A_0] : memref<512x128xf32, #tpu.memory_space<vmem>>, vector<512x128xf32>
    %get3A_2 = arith.constant 0 : index
    %get3A_3 = arith.constant 0 : index
    %get3A_4 = vector.load %arg2[%get3A_2, %get3A_3] : memref<512x128xf32, #tpu.memory_space<vmem>>, vector<512x128xf32>
    %add3A = arith.addf %get3A_1, %get3A_4 : vector<512x128xf32>
    %get3A_5 = arith.constant 0 : index
    %get3A_6 = arith.constant 0 : index
    %get3A_7 = vector.load %arg3[%get3A_5, %get3A_6] : memref<512x1xf32, #tpu.memory_space<vmem>>, vector<512x1xf32>
    %div3A = vector.broadcast %get3A_7 : vector<512x1xf32> to vector<512x128xf32>
    %div3A_8 = arith.divf %add3A, %div3A : vector<512x128xf32>
    %get3A_9 = arith.constant 0 : index
    %get3A_10 = arith.constant 0 : index
    %get3A_11 = vector.load %arg5[%get3A_9, %get3A_10] : memref<128x128xf32, #tpu.memory_space<vmem>>, vector<128x128xf32>
    %dot_general3A = arith.constant dense<0.000000e+00> : vector<512x128xf32>
    %dot_general3A_12 = tpu.matmul %div3A_8, %get3A_11, %dot_general3A {dimension_numbers = #tpu.dot_dimension_numbers<[1], [0], [0], [1], [0, 0, 1, 1], [], []>, transpose_lhs_hint = false} : vector<512x128xf32>, vector<128x128xf32>, vector<512x128xf32> -> vector<512x128xf32>
    %get3A_13 = arith.constant 0 : index
    %get3A_14 = arith.constant 0 : index
    %get3A_15 = vector.load %arg6[%get3A_13, %get3A_14] : memref<1x128xf32, #tpu.memory_space<vmem>>, vector<1x128xf32>
    %add3A_16 = vector.broadcast %get3A_15 : vector<1x128xf32> to vector<512x128xf32>
    %add3A_17 = arith.addf %dot_general3A_12, %add3A_16 : vector<512x128xf32>
    %get3A_18 = arith.constant 0 : index
    %get3A_19 = arith.constant 0 : index
    %get3A_20 = vector.load %arg4[%get3A_18, %get3A_19] : memref<512x128xf32, #tpu.memory_space<vmem>>, vector<512x128xf32>
    %get3A_21 = arith.constant 0 : index
    %get3A_22 = arith.constant 0 : index
    %get3A_23 = vector.load %arg7[%get3A_21, %get3A_22] : memref<128x128xf32, #tpu.memory_space<vmem>>, vector<128x128xf32>
    %dot_general3A_24 = arith.constant dense<0.000000e+00> : vector<512x128xf32>
    %dot_general3A_25 = tpu.matmul %get3A_20, %get3A_23, %dot_general3A_24 {dimension_numbers = #tpu.dot_dimension_numbers<[1], [0], [0], [1], [0, 0, 1, 1], [], []>, transpose_lhs_hint = false} : vector<512x128xf32>, vector<128x128xf32>, vector<512x128xf32> -> vector<512x128xf32>
    %add3A_26 = arith.addf %add3A_17, %dot_general3A_25 : vector<512x128xf32>
    %mul3A = arith.mulf %add3A_26, %add3A_26 : vector<512x128xf32>
    %reduce_sum3A = arith.constant dense<0.000000e+00> : vector<512xf32>
    %reduce_sum3A_27 = vector.multi_reduction <add>, %mul3A, %reduce_sum3A [1] : vector<512x128xf32> to vector<512xf32>
    %broadcast_in_dim3A = vector.shape_cast %reduce_sum3A_27 : vector<512xf32> to vector<512x1xf32>
    %sqrt3A = math.sqrt %broadcast_in_dim3A : vector<512x1xf32>
    %max3A = arith.constant 9.99999996E-13 : f32
    %max3A_28 = vector.broadcast %max3A : f32 to vector<512x1xf32>
    %max3A_29 = arith.maximumf %sqrt3A, %max3A_28 : vector<512x1xf32>
    %div3A_30 = vector.broadcast %max3A_29 : vector<512x1xf32> to vector<512x128xf32>
    %div3A_31 = arith.divf %add3A_26, %div3A_30 : vector<512x128xf32>
    %swap3A = arith.constant 0 : index
    %swap3A_32 = arith.constant 0 : index
    %swap3A_33 = vector.load %arg8[%swap3A, %swap3A_32] : memref<512x128xf32, #tpu.memory_space<vmem>>, vector<512x128xf32>
    tpu.vector_store %arg8[%swap3A, %swap3A_32], %div3A_31 {strides = array<i32>} : memref<512x128xf32, #tpu.memory_space<vmem>>, vector<512x128xf32>,
    return
  }
  func.func @transform_0(%arg0: i32) -> (i32, i32) {
    %c0_i32 = arith.constant 0 : i32
    %c0_i32_0 = arith.constant 0 : i32
    return %arg0, %c0_i32 : i32, i32
  }
  func.func @transform_1(%arg0: i32) -> (i32, i32) {
    %c0_i32 = arith.constant 0 : i32
    %c0_i32_0 = arith.constant 0 : i32
    return %arg0, %c0_i32 : i32, i32
  }
  func.func @transform_2(%arg0: i32) -> (i32, i32) {
    %c0_i32 = arith.constant 0 : i32
    %c0_i32_0 = arith.constant 0 : i32
    return %arg0, %c0_i32 : i32, i32
  }
  func.func @transform_3(%arg0: i32) -> (i32, i32) {
    %c0_i32 = arith.constant 0 : i32
    %c0_i32_0 = arith.constant 0 : i32
    return %arg0, %c0_i32 : i32, i32
  }
  func.func @transform_4(%arg0: i32) -> (i32, i32) {
    %c0_i32 = arith.constant 0 : i32
    %c0_i32_0 = arith.constant 0 : i32
    %c0_i32_1 = arith.constant 0 : i32
    return %c0_i32, %c0_i32_0 : i32, i32
  }
  func.func @transform_5(%arg0: i32) -> (i32, i32) {
    %c0_i32 = arith.constant 0 : i32
    %c0_i32_0 = arith.constant 0 : i32
    %c0_i32_1 = arith.constant 0 : i32
    return %c0_i32, %c0_i32_0 : i32, i32
  }
  func.func @transform_6(%arg0: i32) -> (i32, i32) {
    %c0_i32 = arith.constant 0 : i32
    %c0_i32_0 = arith.constant 0 : i32
    %c0_i32_1 = arith.constant 0 : i32
    return %c0_i32, %c0_i32_0 : i32, i32
  }
  func.func @transform_7(%arg0: i32) -> (i32, i32) {
    %c0_i32 = arith.constant 0 : i32
    %c0_i32_0 = arith.constant 0 : i32
    return %arg0, %c0_i32 : i32, i32
  }
}

</mosaic_0001>

<sc_bundles>
// kernel: kernel.10.cloned.1.call-start
scs
__scs_entry_jumppad:
0x0: {  	(pc) =	sbr.rel $0x88, $3  }
0x1: {  	(tag) =	ssettag $0x0;
	lr =	simm.s32 $0x1  }
0x2: {  	[smem:$0x3F99] =	sst lr;
	_ =	strace $0xD0000000  }
0x3: {  	_ = 	snop  }
0x4: {  	_ = 	snop  }
0x5: {  	_ = 	snop  }
0x6: {  	_ = 	snop  }
0x7: {  	_ = 	snop  }
__scs_overlays_trampoline_lowered:
0x8: {  	[smem:$0x3FA8] =	sst s0  }
0x9: {  	[smem:$0x3FA9] =	sst s1  }
0xa: {  	[smem:$0x3FAA] =	sst s2  }
0xb: {  	[smem:$0x3FAB] =	sst s3  }
0xc: {  	[smem:$0x3FAC] =	sst s4  }
0xd: {  	[smem:$0x3FAD] =	sst s5  }
0xe: {  	[smem:$0x3FAE] =	sst s6  }
0xf: {  	[smem:$0x3FAF] =	sst s7  }
0x10: {  	[smem:$0x3FB0] =	sst s8  }
0x11: {  	[smem:$0x3FB1] =	sst s9;
	s0 =	simm.s32 @!p0 $0x0  }
0x12: {  	s1 =	sld [smem:$0x3F97];
	s0 =	simm.s32 @p0 $0x1  }
0x13: {  	[smem:$0x3FB2] =	sst s0;
	s0 =	simm.s32 @!p1 $0x0  }
0x14: {  	s2 =	sld [smem:$0x3F96];
	s0 =	simm.s32 @p1 $0x1  }
0x15: {  	[smem:$0x3FB3] =	sst s0;
	s0 =	simm.s32 @!p2 $0x0  }
0x16: {  	s3 =	sld [smem:$0x3FDB];
	s0 =	simm.s32 @p2 $0x1  }
0x17: {  	s4 =	simm.s32 $0x1BF5;
	[smem:$0x3FB5] =	sst s0  }
0x18: {  	s0 =	sld [smem:$0x3F98];
	_ =	swait.ge [sflag:s4], $0x0  }
0x19: {  	s7 =	sld [smem:$0x3F99]  }
0x1a: {  	s8 =	sadd.s32 $0xFFFFE003, lr  }
0x1b: {  	s9 =	sadd.s32 $0xFFFFFEF7, lr;
	s5 =	simm.s32 $0xFFFFFFFF;
	p2 =	slt.u32 s8, $0xFFFFF086  }
0x1c: {  	p1 =	slt.u32 s9, $0xF7A;
	s5 =	simm.s32 @!p2 $0x0  }
0x1d: {  	s5 =	simm.s32 @p1 $0x1;
	p0 =	seq.s32 s7, s2  }
0x1e: {  	s7 =	smul.u32 @!p0 $0xF7A, s2;
	p2 =	seq.s32 @!p0 s5, $0x0  }
0x1f: {  	s9 =	smul.u32 $0xF7A, s1;
	s8 =	simm.s32 @!p0 $0x1BF5;
	p2 =	por !p2, p0  }
0x20: {  	[sflag:s8] =	ssyncset.s32 @!p0 $0xFFFFF086;
	s6 =	sadd.s32 @!p0 s3, s7;
	s7 =	simm.s32 @!p0 $0x108  }
0x21: {  	s3 =	sadd.s32 s3, s9;
	s6 =	sadd.s32 @!p0 $0x88, s6;
	s7 =	simm.s32 @p2 $0x1082  }
0x22: {  	[simem:s7], [sflag:s8] =	dma.local @!p0 [hbm:s6], $0xF7A  }
0x23: {  	s9 =	sor.u32 $0xD0000000, s2;
	s6 =	simm.s32 $0x108;
	_ =	swait.ge @!p0 [sflag:s8], $0x0  }
0x24: {  	s3 =	sadd.s32 $0x88, s3;
	s6 =	simm.s32 @!p1 $0x1082;
	[sflag:s4] =	ssyncset.s32 $0xFFFFF086  }
0x25: {  	[simem:s6], [sflag:s4] =	dma.local [hbm:s3], $0xF7A  }
0x26: {  	[smem:$0x3F99] =	sst s1;
	(tag) =	ssettag s2;
	_ =	strace s9  }
0x27: {  	s1 =	sld [smem:$0x3FA9]  }
0x28: {  	s2 =	sld [smem:$0x3FAA]  }
0x29: {  	s4 =	sld [smem:$0x3FAC]  }
0x2a: {  	p0 =	seq.s32 s5, $0x0;
	s5 =	sld [smem:$0x3FAD]  }
0x2b: {  	s6 =	sld [smem:$0x3FAE]  }
0x2c: {  	s7 =	sld [smem:$0x3FAF]  }
0x2d: {  	s3 =	simm.s32 $0x108;
	s8 =	sld [smem:$0x3FB0]  }
0x2e: {  	s3 =	simm.s32 @!p0 $0x1082;
	s9 =	sld [smem:$0x3FB1]  }
0x2f: {  	lr =	sadd.s32 s0, s3;
	s0 =	sld [smem:$0x3FA8]  }
0x30: {  	s3 =	sld [smem:$0x3FAB]  }
0x31: {  	[smem:$0x3FB4] =	sst s10  }
0x32: {  	s10 =	sld [smem:$0x3FB2];
	_ =	sdelay $0x3  }
0x33: {  	p0 =	seq.s32 s10, $0x1;
	s10 =	sld [smem:$0x3FB4];
	_ =	sdelay $0x3  }
0x34: {  	[smem:$0x3FB4] =	sst s10  }
0x35: {  	s10 =	sld [smem:$0x3FB3];
	_ =	sdelay $0x3  }
0x36: {  	p1 =	seq.s32 s10, $0x1;
	s10 =	sld [smem:$0x3FB4];
	_ =	sdelay $0x3  }
0x37: {  	[smem:$0x3FB4] =	sst s10  }
0x38: {  	s10 =	sld [smem:$0x3FB5]  }
0x39: {  	_ = 	snop;
	(pc) =	sbr.ind lr, $3  }
0x3a: {  	_ = 	snop  }
0x3b: {  	_ = 	snop  }
0x3c: {  	p2 =	seq.s32 s10, $0x1;
	s10 =	sld [smem:$0x3FB4]  }
0x3d: {  	_ =	shalt  }
0x3e: {  	_ =	shalt  }
0x3f: {  	_ =	shalt  }
0x40: {  	_ =	shalt  }
0x41: {  	_ =	shalt  }
0x42: {  	_ =	shalt  }
0x43: {  	_ =	shalt  }
0x44: {  	_ =	shalt  }
0x45: {  	_ =	shalt  }
0x46: {  	_ =	shalt  }
0x47: {  	_ =	shalt  }
0x48: {  	_ =	shalt  }
0x49: {  	_ =	shalt  }
0x4a: {  	_ =	shalt  }
0x4b: {  	_ =	shalt  }
0x4c: {  	_ =	shalt  }
0x4d: {  	_ =	shalt  }
0x4e: {  	_ =	shalt  }
0x4f: {  	_ =	shalt  }
0x50: {  	_ =	shalt  }
0x51: {  	_ =	shalt  }
0x52: {  	_ =	shalt  }
0x53: {  	_ =	shalt  }
0x54: {  	_ =	shalt  }
0x55: {  	_ =	shalt  }
0x56: {  	_ =	shalt  }
0x57: {  	_ =	shalt  }
0x58: {  	_ =	shalt  }
0x59: {  	_ =	shalt  }
0x5a: {  	_ =	shalt  }
0x5b: {  	_ =	shalt  }
0x5c: {  	_ =	shalt  }
0x5d: {  	_ =	shalt  }
0x5e: {  	_ =	shalt  }
0x5f: {  	_ =	shalt  }
0x60: {  	_ =	shalt  }
0x61: {  	_ =	shalt  }
0x62: {  	_ =	shalt  }
0x63: {  	_ =	shalt  }
0x64: {  	_ =	shalt  }
0x65: {  	_ =	shalt  }
0x66: {  	_ =	shalt  }
0x67: {  	_ =	shalt  }
0x68: {  	_ =	shalt  }
0x69: {  	_ =	shalt  }
0x6a: {  	_ =	shalt  }
0x6b: {  	_ =	shalt  }
0x6c: {  	_ =	shalt  }
0x6d: {  	_ =	shalt  }
0x6e: {  	_ =	shalt  }
0x6f: {  	_ =	shalt  }
0x70: {  	_ =	shalt  }
0x71: {  	_ =	shalt  }
0x72: {  	_ =	shalt  }
0x73: {  	_ =	shalt  }
0x74: {  	_ =	shalt  }
0x75: {  	_ =	shalt  }
0x76: {  	_ =	shalt  }
0x77: {  	_ =	shalt  }
0x78: {  	_ =	shalt  }
0x79: {  	_ =	shalt  }
0x7a: {  	_ =	shalt  }
0x7b: {  	_ =	shalt  }
0x7c: {  	_ =	shalt  }
0x7d: {  	_ =	shalt  }
0x7e: {  	_ =	shalt  }
0x7f: {  	_ =	shalt  }
0x80: {  	_ =	shalt  }
0x81: {  	_ =	shalt  }
0x82: {  	_ =	shalt  }
0x83: {  	_ =	shalt  }
0x84: {  	_ =	shalt  }
0x85: {  	_ =	shalt  }
0x86: {  	_ =	shalt  }
0x87: {  	_ =	shalt  }
.Lfunc_end0:
.L_simem_size_0:
called_computation.1_lowered:
.L_overlay_start_0:
0x88: {  	s2 =	sld [smem:$0x3FD9]  }
0x89: {  	s3 =	sld [smem:$0x3FFE];
	_ =	sdelay $0x1  }
0x8a: {  	s1 =	srdreg.scid  }
0x8b: {  	s0 =	sand.u32 $0x1, s1  }
0x8c: {  	s17 =	sshll.u32 s0, $0xA;
	s2 =	sadd.s32 s3, s2  }
0x8d: {  	s2 =	sadd.s32 s2, s17  }
0x8e: {  	[smem:$0x3FC0] =	sst s2  }
0x8f: {  	_ = 	snop  }
0x90: {  	s18 =	sld [smem:$0x3FC9]  }
0x91: {  	s4 =	sld [smem:$0x3FD0];
	(tm) =	ssettm $0x1  }
0x92: {  	s19 =	sld [smem:$0x3FFB];
	_ =	sdelay $0x3  }
0x93: {  	_ =	strace s19  }
0x94: {  	s2 =	sld [smem:$0x3FFC];
	_ =	sdelay $0x3  }
0x95: {  	_ =	strace s2  }
0x96: {  	s2 =	sld [smem:$0x3FFD];
	_ =	sdelay $0x3  }
0x97: {  	_ =	strace s2  }
0x98: {  	_ =	strace $0x8FFFFFFF  }
0x99: {  	s20 =	sld [smem:$0x3FDB];
	_ =	sdelay $0x1  }
0x9a: {  	s5 =	simm.s32 $_scs_section_size  }
0x9b: {  	s6 =	simm.s32 $_size__tile_overlayer_lowered;
	s7 =	simm.s32 $_tile_overlayer_lowered  }
0x9c: {  	s8 =	simm.s32 $0x1BFF;
	s21 =	sshll.u32 s7, $0x1;
	s5 =	sadd.s32 s5, s20  }
0x9d: {  	s22 =	simm.s32 $0x0;
	s6 =	sshll.u32 s6, $0x1;
	s7 =	sadd.s32 s21, s5  }
0x9e: {  	[timem:s22], [sflag:s8] =	dma.local [hbm:s7], s6  }
0x9f: {  	_ =	swait.ge [sflag:s8], s6  }
0xa0: {  	s6 =	ssub.s32 $0x0, s6;
	[sflag:s8] =	ssyncset.done $0x0  }
0xa1: {  	[sflag:s8] =	ssyncadd.s32 s6;
	_ =	sdelay $0x1  }
0xa2: {  	s23 =	simm.s32 $0x1B8B  }
0xa3: {  	_ =	swait.ge [sflag:s23], $0x1  }
0xa4: {  	[sflag:s23] =	ssyncset.done $0x0  }
0xa5: {  	[sflag:s23] =	ssyncadd.s32 $0xFFFFFFFF  }
0xa6: {  	s6 =	sld [smem:$0x0]  }
0xa7: {  	s7 =	sand.u32 $0xFFFFFFFE, s1  }
0xa8: {  	p0 =	sne.s32 s1, s7  }
0xa9: {  	s7 =	sshll.u32 @p0 s7, $0xE  }
0xaa: {  	s7 =	sadd.s32 @p0 $0x11B8D, s7;
	s8 =	sshll.u32 @p0 s6, $0x11  }
0xab: {  	s7 =	sor.u32 @p0 s8, s7  }
0xac: {  	[sflag:s7] =	ssyncadd.remote.s32 @p0 $0x1;
	_ =	sdelay $0x1  }
0xad: {  	s7 =	simm.s32 @p0 $0x1B8D  }
0xae: {  	_ =	swait.eq @p0 [sflag:s7], $0x1  }
0xaf: {  	[sflag:s7] =	ssyncadd.s32 @p0 $0xFFFFFFFF  }
0xb0: {  	s8 =	sshll.u32 @!p0 s1, $0xE  }
0xb1: {  	s8 =	sor.u32 @!p0 $0x4000, s8;
	s7 =	simm.s32 @!p0 $0x1B8D  }
0xb2: {  	s6 =	sshll.u32 @!p0 s6, $0x11;
	s8 =	sadd.s32 @!p0 $0x11B8D, s8;
	_ =	swait.eq @!p0 [sflag:s7], $0x1  }
0xb3: {  	s6 =	sor.u32 @!p0 s6, s8;
	[sflag:s7] =	ssyncadd.s32 @!p0 $0xFFFFFFFF  }
0xb4: {  	s25 =	simm.s32 $0x1B8E;
	s24 =	sld [smem:$0x3FFE];
	[sflag:s6] =	ssyncadd.remote.s32 @!p0 $0x1  }
0xb5: {  	s26 =	simm.s32 $execute0_lowered;
	[smem:$0x3FD2] =	sst s25  }
0xb6: {  	s7 =	sshll.u32 s26, $0x1;
	_ =	strace $0x80000049;
	[dreg:$0x1] =	wrdreg $0xFFFFFFFF  }
0xb7: {  	s28 =	simm.s32 $_size_execute0_lowered;
	s5 =	sadd.s32 s5, s7;
	[dreg:$0x0] =	wrdreg $0x0  }
0xb8: {  	s7 =	sshll.u32 s28, $0x1;
	[dreg:$0x2] =	wrdreg s5  }
0xb9: {  	[dreg:$0x3] =	wrdreg s7  }
0xba: {  	[dreg:$0x4] =	wrdreg $0xC0  }
0xbb: {  	_ =	task [dreg:s22], $0x5FFFF  }
0xbc: {  	[dreg:$0x1] =	wrdreg $0xFFFFFFFF  }
0xbd: {  	[dreg:$0x0] =	wrdreg $0x60  }
0xbe: {  	[dreg:$0x2] =	wrdreg s18  }
0xbf: {  	[dreg:$0x3] =	wrdreg s4  }
0xc0: {  	[dreg:$0x4] =	wrdreg s24  }
0xc1: {  	[dreg:$0x5] =	wrdreg $0xA5000  }
0xc2: {  	[dreg:$0x6] =	wrdreg $0xA  }
0xc3: {  	_ =	task.clear_ibuf [dreg:s22], $0x7FFFF;
	_ =	strace $0x90000049  }
0xc4: {  	s29 =	simm.s32 $0xA;
	_ =	strace $0x8000004B  }
0xc5: {  	_ =	swait.ge [sflag:s29], $0x1  }
0xc6: {  	[sflag:s29] =	ssyncadd.s32 $0xFFFFFFFF  }
0xc7: {  	_ =	strace $0x9000004B  }
0xc8: {  	_ =	sfence  }
0xc9: {  	s30 =	sld [smem:$0x0];
	_ =	sdelay $0x2  }
0xca: {  	s31 =	sshll.u32 s1, $0xD;
	s1 =	sshrl.u32 s1, $0x2  }
0xcb: {  	s4 =	sand.u32 $0x4000, s31;
	s1 =	sadd.s32 s1, s30  }
0xcc: {  	s0 =	sor.u32 s4, s0;
	s1 =	sshll.u32 s1, $0x11  }
0xcd: {  	s0 =	sor.u32 s1, s0  }
0xce: {  	s0 =	sadd.s32 $0x8F2B, s0  }
0xcf: {  	[sflag:s0] =	ssyncadd.remote.s32 $0x1  }
0xd0: {  	_ =	sfence.sel $0xFFFF  }
0xd1: {  	[dreg:$0x0] =	wrdreg $0xFFFFFFFF;
	(pc) =	sbr.abs _section_cstart, $3  }
0xd2: {  	[dreg:$0x1] =	wrdreg $0xFFFFFFFF  }
0xd3: {  	_ =	task.clear_ibuf [dreg:s22], $0x2FFFF;
	_ =	strace $0x9FFFFFFF  }
0xd4: {  	(tm) =	ssettm $0x7FFFFFFF  }
0xd5: {  	_ =	shalt  }
tec
execute0_lowered:
.L_overlay_start_1:
0x0: {  	(tag) =	ssettag $0x1  }
0x1: {  	s0 =	srdreg.scid;
	s3 =	rddreg [dreg:$0x1]  }
0x2: {  	s11 =	stileid.u32;
	s2 =	rddreg [dreg:$0x2]  }
0x3: {  	s1 =	simm.s32 $0x0;
	s4 =	sand.u32 $0x1, s0;
	s0 =	smul.u32 $0x14000, s11  }
0x4: {  	s31 =	simm.s32 $0x2D00;
	s28 =	simm.s32 $0x6;
	s10 =	smul.u32 $0x2800, s11  }
0x5: {  	s30 =	simm.s32 $0xD;
	s29 =	simm.s32 $0x10;
	s6 =	smul.u32 $0x140000, s4  }
0x6: {  	s5 =	sshll.u32 s4, $0x4;
	s8 =	ssub.s32 $0x2, s4;
	s4 =	smul.u32 $0x28000, s4  }
0x7: {  	[smem:$0x7FF] =	sst s1;
	s7 =	sadd.s32 $0x2000, s2;
	s5 =	sor.u32 s11, s5  }
0x8: {  	s9 =	sshrl.u32 s8, $0x1;
	s5 =	smul.u32 $0x2800, s5;
	s4 =	sadd.s32 s10, s4  }
0x9: {  	s6 =	sadd.s32 s0, s6;
	s8 =	ssub.s32 s8, s9;
	s18 =	sor.u32 $0x370, s4  }
0xa: {  	s22 =	sor.u32 $0x320, s4;
	s23 =	sor.u32 $0x2D0, s4;
	s5 =	sshrl.u32 s5, $0x3  }
0xb: {  	s25 =	sor.u32 $0x280, s4;
	s20 =	sshrl.u32 s18, $0x3;
	s12 =	sadd.s32 s3, s5  }
0xc: {  	s10 =	sshrl.u32 s25, $0x3;
	s14 =	sadd.s32 s7, s5;
	[dreg:$0x5] =	wrdreg s12  }
0xd: {  	s13 =	sor.u32 $0xA, s5;
	s21 =	sadd.s32 s20, s7;
	[dreg:$0x6] =	wrdreg s14  }
0xe: {  	s18 =	sor.u32 $0x190, s4;
	s15 =	sadd.s32 s3, s13;
	[dreg:$0xd] =	wrdreg s21  }
0xf: {  	s16 =	sor.u32 $0x14, s5;
	s9 =	sadd.s32 s7, s13;
	[dreg:$0x7] =	wrdreg s15  }
0x10: {  	s5 =	sor.u32 $0x1E, s5;
	s17 =	sadd.s32 s3, s16;
	[dreg:$0x8] =	wrdreg s9  }
0x11: {  	s19 =	sadd.s32 s3, s5;
	s5 =	sadd.s32 s7, s5;
	[dreg:$0x9] =	wrdreg s17  }
0x12: {  	s12 =	sadd.s32 s10, s7;
	s13 =	sor.u32 $0x230, s4;
	[dreg:$0xb] =	wrdreg s19  }
0x13: {  	s21 =	sshrl.u32 s6, $0x3;
	s6 =	simm.s32 $0x370;
	[dreg:$0xc] =	wrdreg s5  }
0x14: {  	s9 =	sadd.s32 s7, s16;
	s5 =	sshrl.u32 s22, $0x3;
	[dreg:$0x13] =	wrdreg s12  }
0x15: {  	s14 =	sshrl.u32 s13, $0x3;
	[dreg:$0xa] =	wrdreg s9;
	s9 =	sadd.s32 s20, s3  }
0x16: {  	s15 =	sor.u32 $0x1E0, s4;
	s24 =	sadd.s32 s5, s7;
	[dreg:$0xe] =	wrdreg s9  }
0x17: {  	s4 =	sor.u32 $0x140, s4;
	s5 =	sadd.s32 s5, s3;
	[dreg:$0xf] =	wrdreg s24  }
0x18: {  	s22 =	sshll.u32 s11, $0x6;
	s16 =	sadd.s32 s14, s7;
	[dreg:$0x10] =	wrdreg s5  }
0x19: {  	s12 =	simm.s32 $0x500;
	s13 =	simm.s32 $0x7D00;
	[dreg:$0x15] =	wrdreg s16  }
0x1a: {  	s17 =	sshrl.u32 s15, $0x3;
	s9 =	sshrl.u32 s23, $0x3;
	s23 =	rddreg [dreg:$0x0]  }
0x1b: {  	s4 =	sshrl.u32 s4, $0x3;
	s5 =	sadd.s32 s10, s3;
	s24 =	rddreg [dreg:$0x3]  }
0x1c: {  	s15 =	simm.s32 $0x18;
	s20 =	sadd.s32 s4, s7;
	[dreg:$0x14] =	wrdreg s5  }
0x1d: {  	s10 =	simm.s32 $0x12;
	s26 =	sadd.s32 s9, s7;
	[dreg:$0x1b] =	wrdreg s20  }
0x1e: {  	s16 =	simm.s32 $0x3C0;
	s9 =	sadd.s32 s9, s3;
	[dreg:$0x11] =	wrdreg s26  }
0x1f: {  	s5 =	sadd.s32 s14, s3;
	s0 =	sadd.s32 s0, s24;
	[dreg:$0x12] =	wrdreg s9  }
0x20: {  	s14 =	simm.s32 $0xE;
	s20 =	simm.s32 $0x8;
	[dreg:$0x16] =	wrdreg s5  }
0x21: {  	s9 =	sadd.s32 s17, s7;
	s5 =	sadd.s32 s17, s3;
	s26 =	smax.u32 s8, $0x1  }
0x22: {  	s8 =	simm.s32 $0x7;
	[dreg:$0x18] =	wrdreg s5;
	s5 =	sshrl.u32 s18, $0x3  }
0x23: {  	s17 =	simm.s32 $0x410;
	[dreg:$0x17] =	wrdreg s9;
	s19 =	sadd.s32 s5, s7  }
0x24: {  	s9 =	simm.s32 $0x0;
	s5 =	sadd.s32 s5, s3;
	[dreg:$0x19] =	wrdreg s19  }
0x25: {  	s18 =	simm.s32 $0x1E0;
	s3 =	sadd.s32 s4, s3;
	[dreg:$0x1a] =	wrdreg s5  }
0x26: {  	s4 =	simm.s32 $0xF0;
	s7 =	simm.s32 $0x17;
	[dreg:$0x1c] =	wrdreg s3  }
0x27: {  	s3 =	sadd.s32 s21, s2;
	s2 =	sadd.s32 $0x18800, s2;
	s5 =	simm.s32 $0x50  }
.Ltmp0:
0x28: {  	_ =	strace $0x8000004A;
	[dreg:$0x1d] =	wrdreg s2;
	(pc) =	sbr.rel .LBB2_1-.Ltmp0, $4  }
0x29: {  	s21 =	simm.s32 $0x14;
	s19 =	simm.s32 $0x4B0;
	[dreg:$0x1e] =	wrdreg s0  }
0x2a: {  	s2 =	sor.u32 $0x1C19, s22;
	s25 =	sadd.s32 $0x1B000, s3;
	[smem:$0x7FD] =	sst s26  }
0x2b: {  	s3 =	simm.s32 $0x19;
	s22 =	simm.s32 $0x11;
	[smem:$0x7FC] =	sst s25  }
0x2c: {  	s26 =	simm.s32 $0x16;
	s25 =	simm.s32 $0xC;
	[dreg:$0x1f] =	wrdreg s2  }
.LBB2_4:
0x2d: {  	_ =	swait.ge [sflag:s7], $0x2800  }
0x2e: {  	[sflag:s7] =	ssyncset.done $0x0  }
0x2f: {  	[sflag:s7] =	ssyncadd.s32 $0xFFFFD800  }
0x30: {  	_ =	swait.ge [sflag:s15], $0x2800  }
0x31: {  	[sflag:s15] =	ssyncset.done $0x0  }
0x32: {  	[sflag:s15] =	ssyncadd.s32 $0xFFFFD800  }
0x33: {  	[bflag:$0x0] =	sbarrier.arrive $0xFFFF  }
0x34: {  	s0 =	sld [smem:$0x7FC]  }
0x35: {  	s3 =	sld [smem:$0x7FB];
	_ =	sdelay $0x1  }
0x36: {  	s2 =	rddreg [dreg:$0x1f]  }
0x37: {  	[hbm:s0], [sflag:s2] =	dma.local [spmem:s3], $0x2800  }
0x38: {  	s3 =	simm.s32 $0x19  }
0x39: {  	_ =	swait.ge [sflag:s3], $0x2800  }
0x3a: {  	s9 =	sld [smem:$0x7FA]  }
0x3b: {  	s11 =	sld [smem:$0x7FD];
	_ =	sdelay $0x1  }
0x3c: {  	s9 =	sadd.s32 $0x1, s9  }
0x3d: {  	p0 =	sne.s32 s9, s11  }
.Ltmp1:
0x3e: {  	_ = 	snop;
	(pc) =	sbr.rel @!p0 .LBB2_5-.Ltmp1, $3  }
0x3f: {  	_ =	sdelay $0x1  }
0x40: {  	[sflag:s3] =	ssyncset.done $0x0  }
0x41: {  	s4 =	simm.s32 $0xF0;
	s6 =	simm.s32 $0x370;
	[sflag:s3] =	ssyncadd.s32 $0xFFFFD800  }
.LBB2_1:
0x42: {  	[smem:$0x7FA] =	sst s9  }
0x43: {  	s0 =	rddreg [dreg:$0x1e]  }
0x44: {  	s11 =	rddreg [dreg:$0x1d];
	s0 =	sshrl.u32 s0, $0x3  }
0x45: {  	[smem:$0x7FB] =	sst s0  }
0x46: {  	[spmem:s0], [sflag:s2] =	dma.local [hbm:s11], $0x2800  }
0x47: {  	_ =	swait.ge [sflag:s3], $0x2800  }
0x48: {  	[sflag:s3] =	ssyncset.done $0x0  }
0x49: {  	[sflag:s3] =	ssyncadd.s32 $0xFFFFD800  }
0x4a: {  	[bflag:$0x0] =	sbarrier.arrive $0xFFFF  }
0x4b: {  	s3 =	rddreg [dreg:$0x5]  }
0x4c: {  	[tilespmem:s1], [sflag:$0x1] =	stream.linear.gather [hbm4b:s3+s1], $0x50, $0x38;
	[tilespmem:$0x1E500] =	vst v63  }
0x4d: {  	s11 =	simm.s32 $0x280;
	s9 =	rddreg [dreg:$0x6]  }
0x4e: {  	[tilespmem:s11], [sflag:$0x9] =	stream.linear.gather [hbm4b:s9+s1], $0x50, $0x38;
	[tilespmem:$0x1E500] =	vst v63  }
0x4f: {  	s3 =	rddreg [dreg:$0x7]  }
0x50: {  	[tilespmem:s5], [sflag:$0x2] =	stream.linear.gather [hbm4b:s3+s1], $0x50, $0x38;
	[tilespmem:$0x1E500] =	vst v63  }
0x51: {  	s9 =	rddreg [dreg:$0x8];
	s11 =	simm.s32 $0x2D0  }
0x52: {  	[tilespmem:s11], [sflag:$0xA] =	stream.linear.gather [hbm4b:s9+s1], $0x50, $0x38;
	[tilespmem:$0x1E500] =	vst v63  }
0x53: {  	s2 =	rddreg [dreg:$0x9];
	s3 =	simm.s32 $0xA0  }
0x54: {  	[tilespmem:s3], [sflag:$0x3] =	stream.linear.gather [hbm4b:s2+s1], $0x50, $0x38;
	[tilespmem:$0x1E500] =	vst v63  }
0x55: {  	s9 =	rddreg [dreg:$0xa];
	s11 =	simm.s32 $0x320  }
0x56: {  	[tilespmem:s11], [sflag:$0xB] =	stream.linear.gather [hbm4b:s9+s1], $0x50, $0x38;
	[tilespmem:$0x1E500] =	vst v63  }
0x57: {  	s3 =	rddreg [dreg:$0xb]  }
0x58: {  	[tilespmem:s4], [sflag:$0x4] =	stream.linear.gather [hbm4b:s3+s1], $0x50, $0x38;
	[tilespmem:$0x1E500] =	vst v63  }
0x59: {  	s9 =	rddreg [dreg:$0xc];
	s11 =	simm.s32 $0x1  }
0x5a: {  	[tilespmem:s6], [sflag:$0xC] =	stream.linear.gather [hbm4b:s9+s1], $0x50, $0x38;
	[tilespmem:$0x1E500] =	vst v63  }
0x5b: {  	_ =	swait.ge [sflag:s11], $0x50  }
0x5c: {  	[sflag:s11] =	ssyncset.done $0x0  }
0x5d: {  	[sflag:s11] =	ssyncadd.s32 $0xFFFFFFB0  }
0x5e: {  	[tilespmem:s12], [sflag:$0x11] =	stream.indirect.gather [hbm4b:s23+s5], $0x80, s1, s5, $0xb8;
	[tilespmem:$0x1E500] =	vst v63  }
0x5f: {  	s12 =	simm.s32 $0x2  }
0x60: {  	_ =	swait.ge [sflag:s12], $0x50  }
0x61: {  	[sflag:s12] =	ssyncset.done $0x0  }
0x62: {  	s9 =	simm.s32 $0x0;
	[sflag:s12] =	ssyncadd.s32 $0xFFFFFFB0  }
0x63: {  	[tilespmem:s31], [sflag:$0x12] =	stream.indirect.gather [hbm4b:s23+s5], $0x80, s5, s5, $0xb8;
	[tilespmem:$0x1E500] =	vst v63  }
.LBB2_2:
0x64: {  	_ =	swait.ge [sflag:s22], $0x2800  }
0x65: {  	[sflag:s22] =	ssyncset.done $0x0  }
0x66: {  	s0 =	simm.s32 $0x9;
	[sflag:s22] =	ssyncadd.s32 $0xFFFFD800  }
0x67: {  	_ =	swait.ge [sflag:s0], $0x50  }
0x68: {  	s11 =	simm.s32 $0x280;
	p0 =	seq.s32 s9, $0x0;
	[sflag:s0] =	ssyncset.done $0x0  }
0x69: {  	s3 =	simm.s32 $0x500;
	s2 =	simm.s32 @!p0 $0x17;
	[sflag:s0] =	ssyncadd.s32 $0xFFFFFFB0  }
0x6a: {  	[spmem:s24] =	stream.indirect.scatter.add.f32 [tilespmem:s3], [sflag:$0x15], $0x80, s11, s5, $0xb8;
	[tilespmem:$0x1E500] =	vst v63  }
0x6b: {  	_ =	swait.ge @!p0 [sflag:s2], $0x2800  }
0x6c: {  	[sflag:s2] =	ssyncset.done @!p0 $0x0  }
0x6d: {  	s12 =	simm.s32 $0x3;
	[sflag:s2] =	ssyncadd.s32 @!p0 $0xFFFFD800  }
0x6e: {  	_ =	swait.ge [sflag:s12], $0x50  }
0x6f: {  	s11 =	simm.s32 $0x5500;
	[sflag:s12] =	ssyncset.done $0x0  }
0x70: {  	s2 =	simm.s32 $0xA0;
	[sflag:s12] =	ssyncadd.s32 $0xFFFFFFB0;
	s12 =	rddreg [dreg:$0x1c]  }
0x71: {  	[tilespmem:s11], [sflag:$0x13] =	stream.indirect.gather [hbm4b:s23+s5], $0x80, s2, s5, $0xb8;
	[tilespmem:$0x1E500] =	vst v63  }
0x72: {  	s0 =	sadd.s32 s9, s12;
	s12 =	simm.s32 $0x140;
	s2 =	rddreg [dreg:$0x1b]  }
0x73: {  	[tilespmem:s12], [sflag:$0x5] =	stream.linear.gather [hbm4b:s0+s1], $0x50, $0x38;
	[tilespmem:$0x1E500] =	vst v63  }
0x74: {  	s0 =	sadd.s32 s9, s2  }
0x75: {  	[tilespmem:s16], [sflag:$0xD] =	stream.linear.gather [hbm4b:s0+s1], $0x50, $0x38;
	[tilespmem:$0x1E500] =	vst v63  }
0x76: {  	_ =	swait.ge [sflag:s10], $0x2800  }
0x77: {  	[sflag:s10] =	ssyncset.done $0x0  }
0x78: {  	s2 =	simm.s32 $0xA;
	[sflag:s10] =	ssyncadd.s32 $0xFFFFD800  }
0x79: {  	_ =	swait.ge [sflag:s2], $0x50  }
0x7a: {  	[sflag:s2] =	ssyncset.done $0x0  }
0x7b: {  	[sflag:s2] =	ssyncadd.s32 $0xFFFFFFB0;
	s2 =	simm.s32 $0x2D0  }
0x7c: {  	[spmem:s24] =	stream.indirect.scatter.add.f32 [tilespmem:s31], [sflag:$0x16], $0x80, s2, s5, $0xb8;
	[tilespmem:$0x1E500] =	vst v63  }
0x7d: {  	s2 =	simm.s32 @!p0 $0x18  }
0x7e: {  	_ =	swait.ge @!p0 [sflag:s2], $0x2800  }
0x7f: {  	[sflag:s2] =	ssyncset.done @!p0 $0x0  }
0x80: {  	[sflag:s2] =	ssyncadd.s32 @!p0 $0xFFFFD800;
	s2 =	simm.s32 $0x4  }
0x81: {  	_ =	swait.ge [sflag:s2], $0x50  }
0x82: {  	[sflag:s2] =	ssyncset.done $0x0  }
0x83: {  	[sflag:s2] =	ssyncadd.s32 $0xFFFFFFB0  }
0x84: {  	[tilespmem:s13], [sflag:$0x14] =	stream.indirect.gather [hbm4b:s23+s5], $0x80, s4, s5, $0xb8;
	[tilespmem:$0x1E500] =	vst v63  }
0x85: {  	s4 =	rddreg [dreg:$0x1a]  }
0x86: {  	s2 =	rddreg [dreg:$0x19];
	s0 =	sadd.s32 s9, s4;
	s4 =	simm.s32 $0x190  }
0x87: {  	[tilespmem:s4], [sflag:$0x6] =	stream.linear.gather [hbm4b:s0+s1], $0x50, $0x38;
	[tilespmem:$0x1E500] =	vst v63  }
0x88: {  	s0 =	sadd.s32 s9, s2;
	s2 =	simm.s32 $0x13  }
0x89: {  	[tilespmem:s17], [sflag:$0xE] =	stream.linear.gather [hbm4b:s0+s1], $0x50, $0x38;
	[tilespmem:$0x1E500] =	vst v63  }
0x8a: {  	_ =	swait.ge [sflag:s2], $0x2800  }
0x8b: {  	[sflag:s2] =	ssyncset.done $0x0  }
0x8c: {  	[sflag:s2] =	ssyncadd.s32 $0xFFFFD800;
	s2 =	simm.s32 $0xB  }
0x8d: {  	_ =	swait.ge [sflag:s2], $0x50  }
0x8e: {  	[sflag:s2] =	ssyncset.done $0x0  }
0x8f: {  	[sflag:s2] =	ssyncadd.s32 $0xFFFFFFB0;
	s2 =	simm.s32 $0x320  }
0x90: {  	[spmem:s24] =	stream.indirect.scatter.add.f32 [tilespmem:s11], [sflag:$0x17], $0x80, s2, s5, $0xb8;
	[tilespmem:$0x1E500] =	vst v63  }
0x91: {  	s2 =	simm.s32 $0x15  }
0x92: {  	_ =	swait.ge [sflag:s2], $0x2800  }
0x93: {  	[sflag:s2] =	ssyncset.done $0x0  }
0x94: {  	[sflag:s2] =	ssyncadd.s32 $0xFFFFD800;
	s2 =	simm.s32 $0x5  }
0x95: {  	_ =	swait.ge [sflag:s2], $0x50  }
0x96: {  	[sflag:s2] =	ssyncset.done $0x0  }
0x97: {  	[sflag:s2] =	ssyncadd.s32 $0xFFFFFFB0  }
0x98: {  	[tilespmem:s3], [sflag:$0x11] =	stream.indirect.gather [hbm4b:s23+s5], $0x80, s12, s5, $0xb8;
	[tilespmem:$0x1E500] =	vst v63  }
0x99: {  	s12 =	rddreg [dreg:$0x18]  }
0x9a: {  	s0 =	sadd.s32 s9, s12;
	s12 =	rddreg [dreg:$0x17]  }
0x9b: {  	[tilespmem:s18], [sflag:$0x7] =	stream.linear.gather [hbm4b:s0+s1], $0x50, $0x38;
	[tilespmem:$0x1E500] =	vst v63  }
0x9c: {  	s0 =	sadd.s32 s9, s12;
	s12 =	simm.s32 $0x460  }
0x9d: {  	[tilespmem:s12], [sflag:$0xF] =	stream.linear.gather [hbm4b:s0+s1], $0x50, $0x38;
	[tilespmem:$0x1E500] =	vst v63  }
0x9e: {  	_ =	swait.ge [sflag:s21], $0x2800  }
0x9f: {  	[sflag:s21] =	ssyncset.done $0x0  }
0xa0: {  	[sflag:s21] =	ssyncadd.s32 $0xFFFFD800  }
0xa1: {  	_ =	swait.ge [sflag:s25], $0x50  }
0xa2: {  	[sflag:s25] =	ssyncset.done $0x0  }
0xa3: {  	[sflag:s25] =	ssyncadd.s32 $0xFFFFFFB0  }
0xa4: {  	[spmem:s24] =	stream.indirect.scatter.add.f32 [tilespmem:s13], [sflag:$0x18], $0x80, s6, s5, $0xb8;
	[tilespmem:$0x1E500] =	vst v63  }
0xa5: {  	_ =	swait.ge [sflag:s26], $0x2800  }
0xa6: {  	[sflag:s26] =	ssyncset.done $0x0  }
0xa7: {  	[sflag:s26] =	ssyncadd.s32 $0xFFFFD800  }
0xa8: {  	_ =	swait.ge [sflag:s28], $0x50  }
0xa9: {  	[sflag:s28] =	ssyncset.done $0x0  }
0xaa: {  	s12 =	rddreg [dreg:$0x16];
	[sflag:s28] =	ssyncadd.s32 $0xFFFFFFB0  }
0xab: {  	[tilespmem:s31], [sflag:$0x12] =	stream.indirect.gather [hbm4b:s23+s5], $0x80, s4, s5, $0xb8;
	[tilespmem:$0x1E500] =	vst v63  }
0xac: {  	s6 =	rddreg [dreg:$0x15];
	s0 =	sadd.s32 s9, s12;
	s4 =	simm.s32 $0x230  }
0xad: {  	[tilespmem:s4], [sflag:$0x8] =	stream.linear.gather [hbm4b:s0+s1], $0x50, $0x38;
	[tilespmem:$0x1E500] =	vst v63  }
0xae: {  	s12 =	sadd.s32 s9, s6  }
0xaf: {  	[tilespmem:s19], [sflag:$0x10] =	stream.linear.gather [hbm4b:s12+s1], $0x50, $0x38;
	[tilespmem:$0x1E500] =	vst v63  }
0xb0: {  	_ =	swait.ge [sflag:s22], $0x2800  }
0xb1: {  	[sflag:s22] =	ssyncset.done $0x0  }
0xb2: {  	[sflag:s22] =	ssyncadd.s32 $0xFFFFD800  }
0xb3: {  	_ =	swait.ge [sflag:s30], $0x50  }
0xb4: {  	[sflag:s30] =	ssyncset.done $0x0  }
0xb5: {  	[sflag:s30] =	ssyncadd.s32 $0xFFFFFFB0  }
0xb6: {  	[spmem:s24] =	stream.indirect.scatter.add.f32 [tilespmem:s3], [sflag:$0x15], $0x80, s16, s5, $0xb8;
	[tilespmem:$0x1E500] =	vst v63  }
0xb7: {  	_ =	swait.ge [sflag:s7], $0x2800  }
0xb8: {  	[sflag:s7] =	ssyncset.done $0x0  }
0xb9: {  	[sflag:s7] =	ssyncadd.s32 $0xFFFFD800  }
0xba: {  	_ =	swait.ge [sflag:s8], $0x50  }
0xbb: {  	[sflag:s8] =	ssyncset.done $0x0  }
0xbc: {  	p0 =	seq.s32 s9, $0x4B0;
	s0 =	rddreg [dreg:$0x14];
	[sflag:s8] =	ssyncadd.s32 $0xFFFFFFB0  }
0xbd: {  	[tilespmem:s11], [sflag:$0x13] =	stream.indirect.gather [hbm4b:s23+s5], $0x80, s18, s5, $0xb8;
	[tilespmem:$0x1E500] =	vst v63  }
0xbe: {  	s2 =	simm.s32 @!p0 $0x0;
	s0 =	sadd.s32 @!p0 s9, s0  }
0xbf: {  	[tilespmem:s2], [sflag:$0x1] =	stream.linear.gather @!p0 [hbm4b:s0+s2], $0x50, $0x38;
	[tilespmem:$0x1E500] =	vst v63  }
0xc0: {  	s0 =	rddreg [dreg:$0x13]  }
0xc1: {  	s3 =	simm.s32 @!p0 $0x280;
	s0 =	sadd.s32 @!p0 s9, s0  }
0xc2: {  	[tilespmem:s3], [sflag:$0x9] =	stream.linear.gather @!p0 [hbm4b:s0+s2], $0x50, $0x38;
	[tilespmem:$0x1E500] =	vst v63  }
0xc3: {  	_ =	swait.ge [sflag:s10], $0x2800  }
0xc4: {  	[sflag:s10] =	ssyncset.done $0x0  }
0xc5: {  	[sflag:s10] =	ssyncadd.s32 $0xFFFFD800  }
0xc6: {  	_ =	swait.ge [sflag:s14], $0x50  }
0xc7: {  	[sflag:s14] =	ssyncset.done $0x0  }
0xc8: {  	[sflag:s14] =	ssyncadd.s32 $0xFFFFFFB0  }
0xc9: {  	[spmem:s24] =	stream.indirect.scatter.add.f32 [tilespmem:s31], [sflag:$0x16], $0x80, s17, s5, $0xb8;
	[tilespmem:$0x1E500] =	vst v63  }
0xca: {  	_ =	swait.ge [sflag:s15], $0x2800  }
0xcb: {  	[sflag:s15] =	ssyncset.done $0x0  }
0xcc: {  	[sflag:s15] =	ssyncadd.s32 $0xFFFFD800  }
0xcd: {  	_ =	swait.ge [sflag:s20], $0x50  }
0xce: {  	[sflag:s20] =	ssyncset.done $0x0  }
0xcf: {  	s0 =	simm.s32 @p0 $0x13;
	[sflag:s20] =	ssyncadd.s32 $0xFFFFFFB0  }
0xd0: {  	[tilespmem:s13], [sflag:$0x14] =	stream.indirect.gather [hbm4b:s23+s5], $0x80, s4, s5, $0xb8;
	[tilespmem:$0x1E500] =	vst v63  }
0xd1: {  	_ =	swait.ge @p0 [sflag:s0], $0x2800  }
0xd2: {  	[sflag:s0] =	ssyncset.done @p0 $0x0  }
0xd3: {  	[sflag:s0] =	ssyncadd.s32 @p0 $0xFFFFD800;
	s0 =	simm.s32 @p0 $0xF  }
0xd4: {  	_ =	swait.ge @p0 [sflag:s0], $0x50  }
0xd5: {  	s3 =	simm.s32 @p0 $0x460;
	[sflag:s0] =	ssyncset.done @p0 $0x0  }
0xd6: {  	s4 =	simm.s32 @p0 $0x5500;
	[sflag:s0] =	ssyncadd.s32 @p0 $0xFFFFFFB0;
	s0 =	simm.s32 @p0 $0x50  }
0xd7: {  	[spmem:s24] =	stream.indirect.scatter.add.f32 @p0 [tilespmem:s4], [sflag:$0x17], $0x80, s3, s0, $0xb8;
	[tilespmem:$0x1E500] =	vst v63  }
0xd8: {  	s0 =	rddreg [dreg:$0x12]  }
0xd9: {  	s3 =	simm.s32 @!p0 $0x50;
	s0 =	sadd.s32 @!p0 s9, s0  }
0xda: {  	[tilespmem:s3], [sflag:$0x2] =	stream.linear.gather @!p0 [hbm4b:s0+s2], $0x50, $0x38;
	[tilespmem:$0x1E500] =	vst v63  }
0xdb: {  	s0 =	rddreg [dreg:$0x11]  }
0xdc: {  	s4 =	simm.s32 @!p0 $0x2D0;
	s0 =	sadd.s32 @!p0 s9, s0  }
0xdd: {  	[tilespmem:s4], [sflag:$0xA] =	stream.linear.gather @!p0 [hbm4b:s0+s2], $0x50, $0x38;
	[tilespmem:$0x1E500] =	vst v63  }
0xde: {  	s0 =	simm.s32 @!p0 $0x13  }
0xdf: {  	_ =	swait.ge @!p0 [sflag:s0], $0x2800  }
0xe0: {  	[sflag:s0] =	ssyncset.done @!p0 $0x0  }
0xe1: {  	[sflag:s0] =	ssyncadd.s32 @!p0 $0xFFFFD800;
	s0 =	simm.s32 @!p0 $0xF  }
0xe2: {  	_ =	swait.ge @!p0 [sflag:s0], $0x50  }
0xe3: {  	[sflag:s0] =	ssyncset.done @!p0 $0x0  }
0xe4: {  	s4 =	simm.s32 @!p0 $0x5500;
	[sflag:s0] =	ssyncadd.s32 @!p0 $0xFFFFFFB0;
	s0 =	simm.s32 @!p0 $0x460  }
0xe5: {  	[spmem:s24] =	stream.indirect.scatter.add.f32 @!p0 [tilespmem:s4], [sflag:$0x17], $0x80, s0, s3, $0xb8;
	[tilespmem:$0x1E500] =	vst v63  }
0xe6: {  	s0 =	simm.s32 @!p0 $0x15  }
0xe7: {  	_ =	swait.ge @!p0 [sflag:s0], $0x2800  }
0xe8: {  	[sflag:s0] =	ssyncset.done @!p0 $0x0  }
0xe9: {  	[sflag:s0] =	ssyncadd.s32 @!p0 $0xFFFFD800;
	s0 =	simm.s32 @!p0 $0x1  }
0xea: {  	_ =	swait.ge @!p0 [sflag:s0], $0x50  }
0xeb: {  	[sflag:s0] =	ssyncset.done @!p0 $0x0  }
0xec: {  	[sflag:s0] =	ssyncadd.s32 @!p0 $0xFFFFFFB0;
	s0 =	simm.s32 @!p0 $0x500  }
0xed: {  	[tilespmem:s0], [sflag:$0x11] =	stream.indirect.gather @!p0 [hbm4b:s23+s3], $0x80, s2, s3, $0xb8;
	[tilespmem:$0x1E500] =	vst v63  }
0xee: {  	s0 =	rddreg [dreg:$0x10]  }
0xef: {  	s3 =	simm.s32 @!p0 $0xA0;
	s0 =	sadd.s32 @!p0 s9, s0  }
0xf0: {  	[tilespmem:s3], [sflag:$0x3] =	stream.linear.gather @!p0 [hbm4b:s0+s2], $0x50, $0x38;
	[tilespmem:$0x1E500] =	vst v63  }
0xf1: {  	s0 =	rddreg [dreg:$0xf]  }
0xf2: {  	s3 =	simm.s32 @!p0 $0x320;
	s0 =	sadd.s32 @!p0 s9, s0  }
0xf3: {  	[tilespmem:s3], [sflag:$0xB] =	stream.linear.gather @!p0 [hbm4b:s0+s2], $0x50, $0x38;
	[tilespmem:$0x1E500] =	vst v63  }
0xf4: {  	_ =	swait.ge [sflag:s21], $0x2800  }
0xf5: {  	[sflag:s21] =	ssyncset.done $0x0  }
.Ltmp2:
0xf6: {  	[sflag:s21] =	ssyncadd.s32 $0xFFFFD800;
	(pc) =	sbr.rel @p0 .LBB2_4-.Ltmp2, $4  }
0xf7: {  	_ =	swait.ge [sflag:s29], $0x50  }
0xf8: {  	s6 =	simm.s32 $0xF0;
	[sflag:s29] =	ssyncset.done $0x0  }
0xf9: {  	s12 =	simm.s32 $0x500;
	s11 =	simm.s32 $0x370;
	[sflag:s29] =	ssyncadd.s32 $0xFFFFFFB0  }
0xfa: {  	[spmem:s24] =	stream.indirect.scatter.add.f32 [tilespmem:s13], [sflag:$0x18], $0x80, s19, s5, $0xb8;
	[tilespmem:$0x1E500] =	vst v63  }
0xfb: {  	_ =	swait.ge [sflag:s26], $0x2800  }
0xfc: {  	[sflag:s26] =	ssyncset.done $0x0  }
0xfd: {  	s0 =	simm.s32 $0x2;
	[sflag:s26] =	ssyncadd.s32 $0xFFFFD800  }
0xfe: {  	_ =	swait.ge [sflag:s0], $0x50  }
0xff: {  	[sflag:s0] =	ssyncset.done $0x0  }
0x100: {  	[sflag:s0] =	ssyncadd.s32 $0xFFFFFFB0  }
0x101: {  	[tilespmem:s31], [sflag:$0x12] =	stream.indirect.gather [hbm4b:s23+s5], $0x80, s5, s5, $0xb8;
	[tilespmem:$0x1E500] =	vst v63  }
.Ltmp3:
0x102: {  	s4 =	rddreg [dreg:$0xe];
	(pc) =	sbr.rel .LBB2_2-.Ltmp3, $4  }
0x103: {  	s12 =	rddreg [dreg:$0xd];
	s0 =	sadd.s32 s9, s4;
	s4 =	simm.s32 $0xF0  }
0x104: {  	[tilespmem:s6], [sflag:$0x4] =	stream.linear.gather [hbm4b:s0+s1], $0x50, $0x38;
	[tilespmem:$0x1E500] =	vst v63  }
0x105: {  	s0 =	sadd.s32 s9, s12;
	s9 =	sadd.s32 $0x50, s9;
	s6 =	simm.s32 $0x370  }
0x106: {  	[tilespmem:s11], [sflag:$0xC] =	stream.linear.gather [hbm4b:s0+s1], $0x50, $0x38;
	[tilespmem:$0x1E500] =	vst v63  }
.LBB2_5:
0x107: {  	_ =	sfence.sel $0x180000  }
0x108: {  	[bflag:$0x0] =	sbarrier.arrive $0xFFFF  }
0x109: {  	_ =	strace $0x9000004A  }
0x10a: {  	s0 =	stileid.u32;
	[bflag:$0x2] =	sbarrier.arrive $0xFFFF  }
0x10b: {  	p0 =	sne.s32 s0, $0x0;
	s0 =	rddreg [dreg:$0x4]  }
0x10c: {  	s0 =	sadd.s32 @!p0 $0x100000, s0  }
0x10d: {  	[sflag:s0] =	ssyncadd.tile.s32 @!p0 $0x1;
	_ =	shalt  }
.Lfunc_end2:
_tile_overlayer_lowered:
.L_overlay_start_2:
0x10e: {  	(tag) =	ssettag $0x2  }
0x10f: {  	s0 =	rddreg [dreg:$0x0];
	s2 =	stileid.u32  }
0x110: {  	s1 =	rddreg [dreg:$0x1];
	p0 =	sne.s32 s2, $0x0  }
0x111: {  	s3 =	rddreg [dreg:$0x2];
	[bflag:$0x3] =	sbarrier.arrive $0xFFFF;
	s2 =	simm.s32 @!p0 $0x1C19  }
0x112: {  	[timem:s3], [sflag:s2] =	dma.local @!p0 [hbm:s0], s1  }
0x113: {  	s0 =	simm.s32 @!p0 $0x19  }
0x114: {  	_ =	swait.ge @!p0 [sflag:s0], s1  }
0x115: {  	s1 =	ssub.s32 @!p0 $0x0, s1;
	[sflag:s0] =	ssyncset.done @!p0 $0x0  }
0x116: {  	[sflag:s0] =	ssyncadd.s32 @!p0 s1  }
0x117: {  	[bflag:$0x3] =	sbarrier.arrive $0xFFFF  }
0x118: {  	_ =	shalt  }

// kernel: kernel.13.cloned.1.call-start
scs
__scs_entry_jumppad:
0x0: {  	(pc) =	sbr.rel $0x88, $3  }
0x1: {  	(tag) =	ssettag $0x0;
	lr =	simm.s32 $0x1  }
0x2: {  	[smem:$0x3F99] =	sst lr;
	_ =	strace $0xD0000000  }
0x3: {  	_ = 	snop  }
0x4: {  	_ = 	snop  }
0x5: {  	_ = 	snop  }
0x6: {  	_ = 	snop  }
0x7: {  	_ = 	snop  }
__scs_overlays_trampoline_lowered:
0x8: {  	[smem:$0x3FA8] =	sst s0  }
0x9: {  	[smem:$0x3FA9] =	sst s1  }
0xa: {  	[smem:$0x3FAA] =	sst s2  }
0xb: {  	[smem:$0x3FAB] =	sst s3  }
0xc: {  	[smem:$0x3FAC] =	sst s4  }
0xd: {  	[smem:$0x3FAD] =	sst s5  }
0xe: {  	[smem:$0x3FAE] =	sst s6  }
0xf: {  	[smem:$0x3FAF] =	sst s7  }
0x10: {  	[smem:$0x3FB0] =	sst s8  }
0x11: {  	[smem:$0x3FB1] =	sst s9;
	s0 =	simm.s32 @!p0 $0x0  }
0x12: {  	s1 =	sld [smem:$0x3F97];
	s0 =	simm.s32 @p0 $0x1  }
0x13: {  	[smem:$0x3FB2] =	sst s0;
	s0 =	simm.s32 @!p1 $0x0  }
0x14: {  	s2 =	sld [smem:$0x3F96];
	s0 =	simm.s32 @p1 $0x1  }
0x15: {  	[smem:$0x3FB3] =	sst s0;
	s0 =	simm.s32 @!p2 $0x0  }
0x16: {  	s3 =	sld [smem:$0x3FDB];
	s0 =	simm.s32 @p2 $0x1  }
0x17: {  	s4 =	simm.s32 $0x1BF5;
	[smem:$0x3FB5] =	sst s0  }
0x18: {  	s0 =	sld [smem:$0x3F98];
	_ =	swait.ge [sflag:s4], $0x0  }
0x19: {  	s7 =	sld [smem:$0x3F99]  }
0x1a: {  	s8 =	sadd.s32 $0xFFFFE003, lr  }
0x1b: {  	s9 =	sadd.s32 $0xFFFFFEF7, lr;
	s5 =	simm.s32 $0xFFFFFFFF;
	p2 =	slt.u32 s8, $0xFFFFF086  }
0x1c: {  	p1 =	slt.u32 s9, $0xF7A;
	s5 =	simm.s32 @!p2 $0x0  }
0x1d: {  	s5 =	simm.s32 @p1 $0x1;
	p0 =	seq.s32 s7, s2  }
0x1e: {  	s7 =	smul.u32 @!p0 $0xF7A, s2;
	p2 =	seq.s32 @!p0 s5, $0x0  }
0x1f: {  	s9 =	smul.u32 $0xF7A, s1;
	s8 =	simm.s32 @!p0 $0x1BF5;
	p2 =	por !p2, p0  }
0x20: {  	[sflag:s8] =	ssyncset.s32 @!p0 $0xFFFFF086;
	s6 =	sadd.s32 @!p0 s3, s7;
	s7 =	simm.s32 @!p0 $0x108  }
0x21: {  	s3 =	sadd.s32 s3, s9;
	s6 =	sadd.s32 @!p0 $0x88, s6;
	s7 =	simm.s32 @p2 $0x1082  }
0x22: {  	[simem:s7], [sflag:s8] =	dma.local @!p0 [hbm:s6], $0xF7A  }
0x23: {  	s9 =	sor.u32 $0xD0000000, s2;
	s6 =	simm.s32 $0x108;
	_ =	swait.ge @!p0 [sflag:s8], $0x0  }
0x24: {  	s3 =	sadd.s32 $0x88, s3;
	s6 =	simm.s32 @!p1 $0x1082;
	[sflag:s4] =	ssyncset.s32 $0xFFFFF086  }
0x25: {  	[simem:s6], [sflag:s4] =	dma.local [hbm:s3], $0xF7A  }
0x26: {  	[smem:$0x3F99] =	sst s1;
	(tag) =	ssettag s2;
	_ =	strace s9  }
0x27: {  	s1 =	sld [smem:$0x3FA9]  }
0x28: {  	s2 =	sld [smem:$0x3FAA]  }
0x29: {  	s4 =	sld [smem:$0x3FAC]  }
0x2a: {  	p0 =	seq.s32 s5, $0x0;
	s5 =	sld [smem:$0x3FAD]  }
0x2b: {  	s6 =	sld [smem:$0x3FAE]  }
0x2c: {  	s7 =	sld [smem:$0x3FAF]  }
0x2d: {  	s3 =	simm.s32 $0x108;
	s8 =	sld [smem:$0x3FB0]  }
0x2e: {  	s3 =	simm.s32 @!p0 $0x1082;
	s9 =	sld [smem:$0x3FB1]  }
0x2f: {  	lr =	sadd.s32 s0, s3;
	s0 =	sld [smem:$0x3FA8]  }
0x30: {  	s3 =	sld [smem:$0x3FAB]  }
0x31: {  	[smem:$0x3FB4] =	sst s10  }
0x32: {  	s10 =	sld [smem:$0x3FB2];
	_ =	sdelay $0x3  }
0x33: {  	p0 =	seq.s32 s10, $0x1;
	s10 =	sld [smem:$0x3FB4];
	_ =	sdelay $0x3  }
0x34: {  	[smem:$0x3FB4] =	sst s10  }
0x35: {  	s10 =	sld [smem:$0x3FB3];
	_ =	sdelay $0x3  }
0x36: {  	p1 =	seq.s32 s10, $0x1;
	s10 =	sld [smem:$0x3FB4];
	_ =	sdelay $0x3  }
0x37: {  	[smem:$0x3FB4] =	sst s10  }
0x38: {  	s10 =	sld [smem:$0x3FB5]  }
0x39: {  	_ = 	snop;
	(pc) =	sbr.ind lr, $3  }
0x3a: {  	_ = 	snop  }
0x3b: {  	_ = 	snop  }
0x3c: {  	p2 =	seq.s32 s10, $0x1;
	s10 =	sld [smem:$0x3FB4]  }
0x3d: {  	_ =	shalt  }
0x3e: {  	_ =	shalt  }
0x3f: {  	_ =	shalt  }
0x40: {  	_ =	shalt  }
0x41: {  	_ =	shalt  }
0x42: {  	_ =	shalt  }
0x43: {  	_ =	shalt  }
0x44: {  	_ =	shalt  }
0x45: {  	_ =	shalt  }
0x46: {  	_ =	shalt  }
0x47: {  	_ =	shalt  }
0x48: {  	_ =	shalt  }
0x49: {  	_ =	shalt  }
0x4a: {  	_ =	shalt  }
0x4b: {  	_ =	shalt  }
0x4c: {  	_ =	shalt  }
0x4d: {  	_ =	shalt  }
0x4e: {  	_ =	shalt  }
0x4f: {  	_ =	shalt  }
0x50: {  	_ =	shalt  }
0x51: {  	_ =	shalt  }
0x52: {  	_ =	shalt  }
0x53: {  	_ =	shalt  }
0x54: {  	_ =	shalt  }
0x55: {  	_ =	shalt  }
0x56: {  	_ =	shalt  }
0x57: {  	_ =	shalt  }
0x58: {  	_ =	shalt  }
0x59: {  	_ =	shalt  }
0x5a: {  	_ =	shalt  }
0x5b: {  	_ =	shalt  }
0x5c: {  	_ =	shalt  }
0x5d: {  	_ =	shalt  }
0x5e: {  	_ =	shalt  }
0x5f: {  	_ =	shalt  }
0x60: {  	_ =	shalt  }
0x61: {  	_ =	shalt  }
0x62: {  	_ =	shalt  }
0x63: {  	_ =	shalt  }
0x64: {  	_ =	shalt  }
0x65: {  	_ =	shalt  }
0x66: {  	_ =	shalt  }
0x67: {  	_ =	shalt  }
0x68: {  	_ =	shalt  }
0x69: {  	_ =	shalt  }
0x6a: {  	_ =	shalt  }
0x6b: {  	_ =	shalt  }
0x6c: {  	_ =	shalt  }
0x6d: {  	_ =	shalt  }
0x6e: {  	_ =	shalt  }
0x6f: {  	_ =	shalt  }
0x70: {  	_ =	shalt  }
0x71: {  	_ =	shalt  }
0x72: {  	_ =	shalt  }
0x73: {  	_ =	shalt  }
0x74: {  	_ =	shalt  }
0x75: {  	_ =	shalt  }
0x76: {  	_ =	shalt  }
0x77: {  	_ =	shalt  }
0x78: {  	_ =	shalt  }
0x79: {  	_ =	shalt  }
0x7a: {  	_ =	shalt  }
0x7b: {  	_ =	shalt  }
0x7c: {  	_ =	shalt  }
0x7d: {  	_ =	shalt  }
0x7e: {  	_ =	shalt  }
0x7f: {  	_ =	shalt  }
0x80: {  	_ =	shalt  }
0x81: {  	_ =	shalt  }
0x82: {  	_ =	shalt  }
0x83: {  	_ =	shalt  }
0x84: {  	_ =	shalt  }
0x85: {  	_ =	shalt  }
0x86: {  	_ =	shalt  }
0x87: {  	_ =	shalt  }
.Lfunc_end0:
.L_simem_size_0:
called_computation.2_lowered:
.L_overlay_start_0:
0x88: {  	s2 =	sld [smem:$0x3FD9]  }
0x89: {  	s3 =	sld [smem:$0x3FFE];
	_ =	sdelay $0x1  }
0x8a: {  	s1 =	srdreg.scid  }
0x8b: {  	s0 =	sand.u32 $0x1, s1  }
0x8c: {  	s17 =	sshll.u32 s0, $0xA;
	s2 =	sadd.s32 s3, s2  }
0x8d: {  	s2 =	sadd.s32 s2, s17  }
0x8e: {  	[smem:$0x3FC0] =	sst s2  }
0x8f: {  	_ = 	snop  }
0x90: {  	s2 =	sld [smem:$0x3FD0];
	(tm) =	ssettm $0x1  }
0x91: {  	s18 =	sld [smem:$0x3FFB];
	_ =	sdelay $0x3  }
0x92: {  	_ =	strace s18  }
0x93: {  	s3 =	sld [smem:$0x3FFC];
	_ =	sdelay $0x3  }
0x94: {  	_ =	strace s3  }
0x95: {  	s3 =	sld [smem:$0x3FFD];
	_ =	sdelay $0x3  }
0x96: {  	_ =	strace s3  }
0x97: {  	_ =	strace $0x8FFFFFFF  }
0x98: {  	s19 =	sld [smem:$0x3FDB];
	_ =	sdelay $0x1  }
0x99: {  	s4 =	simm.s32 $_scs_section_size  }
0x9a: {  	s5 =	simm.s32 $_size__tile_overlayer_lowered;
	s6 =	simm.s32 $_tile_overlayer_lowered  }
0x9b: {  	s22 =	simm.s32 $0x1BFF;
	s21 =	sshll.u32 s6, $0x1;
	s3 =	sadd.s32 s4, s19  }
0x9c: {  	s7 =	simm.s32 $0x0;
	s20 =	sshll.u32 s5, $0x1;
	s5 =	sadd.s32 s21, s3  }
0x9d: {  	[timem:s7], [sflag:s22] =	dma.local [hbm:s5], s20  }
0x9e: {  	_ =	swait.ge [sflag:s22], s20  }
0x9f: {  	s4 =	ssub.s32 $0x0, s20;
	[sflag:s22] =	ssyncset.done $0x0  }
0xa0: {  	[sflag:s22] =	ssyncadd.s32 s4;
	_ =	sdelay $0x1  }
0xa1: {  	s23 =	simm.s32 $0x1B8B  }
0xa2: {  	_ =	swait.ge [sflag:s23], $0x1  }
0xa3: {  	[sflag:s23] =	ssyncset.done $0x0  }
0xa4: {  	s25 =	simm.s32 $0x1B8E;
	s24 =	sld [smem:$0x3FFE];
	[sflag:s23] =	ssyncadd.s32 $0xFFFFFFFF  }
0xa5: {  	s26 =	simm.s32 $execute0_lowered;
	[smem:$0x3FD2] =	sst s25  }
0xa6: {  	s5 =	sshll.u32 s26, $0x1;
	_ =	strace $0x8000004C;
	[dreg:$0x1] =	wrdreg $0xFFFFFFFF  }
0xa7: {  	s28 =	simm.s32 $_size_execute0_lowered;
	s3 =	sadd.s32 s3, s5;
	[dreg:$0x0] =	wrdreg $0x0  }
0xa8: {  	s5 =	sshll.u32 s28, $0x1;
	[dreg:$0x2] =	wrdreg s3  }
0xa9: {  	[dreg:$0x3] =	wrdreg s5  }
0xaa: {  	[dreg:$0x4] =	wrdreg $0xC0  }
0xab: {  	_ =	task [dreg:s7], $0x5FFFF  }
0xac: {  	[dreg:$0x1] =	wrdreg $0xFFFFFFFF  }
0xad: {  	[dreg:$0x0] =	wrdreg $0x60  }
0xae: {  	[dreg:$0x2] =	wrdreg s24  }
0xaf: {  	[dreg:$0x3] =	wrdreg s2  }
0xb0: {  	[dreg:$0x4] =	wrdreg $0xA5000  }
0xb1: {  	[dreg:$0x5] =	wrdreg $0x9  }
0xb2: {  	_ =	task.clear_ibuf [dreg:s7], $0x6FFFF;
	_ =	strace $0x9000004C  }
0xb3: {  	s29 =	simm.s32 $0x9;
	_ =	strace $0x8000004E  }
0xb4: {  	_ =	swait.ge [sflag:s29], $0x1  }
0xb5: {  	[sflag:s29] =	ssyncadd.s32 $0xFFFFFFFF  }
0xb6: {  	_ =	strace $0x9000004E  }
0xb7: {  	_ =	sfence  }
0xb8: {  	s30 =	sld [smem:$0x0];
	_ =	sdelay $0x2  }
0xb9: {  	s31 =	sshll.u32 s1, $0xD;
	s1 =	sshrl.u32 s1, $0x2  }
0xba: {  	s3 =	sand.u32 $0x4000, s31;
	s1 =	sadd.s32 s1, s30  }
0xbb: {  	s0 =	sor.u32 s3, s0;
	s1 =	sshll.u32 s1, $0x11  }
0xbc: {  	s0 =	sor.u32 s1, s0  }
0xbd: {  	s0 =	sadd.s32 $0x8F2B, s0  }
0xbe: {  	[sflag:s0] =	ssyncadd.remote.s32 $0x1  }
0xbf: {  	_ =	sfence.sel $0xFFFF  }
0xc0: {  	[dreg:$0x0] =	wrdreg $0xFFFFFFFF;
	(pc) =	sbr.abs _section_cstart, $3  }
0xc1: {  	[dreg:$0x1] =	wrdreg $0xFFFFFFFF  }
0xc2: {  	_ =	task.clear_ibuf [dreg:s7], $0x2FFFF;
	_ =	strace $0x9FFFFFFF  }
0xc3: {  	(tm) =	ssettm $0x7FFFFFFF  }
tec
execute0_lowered:
.L_overlay_start_1:
0x0: {  	(tag) =	ssettag $0x1  }
0x1: {  	s1 =	srdreg.scid;
	s0 =	rddreg [dreg:$0x0]  }
0x2: {  	s11 =	stileid.u32;
	s4 =	rddreg [dreg:$0x1]  }
0x3: {  	s31 =	simm.s32 $0x2D00;
	s30 =	simm.s32 $0xD;
	s28 =	simm.s32 $0x10  }
0x4: {  	s3 =	sand.u32 $0x1, s1;
	s2 =	smul.u32 $0x14000, s11;
	s1 =	simm.s32 $0x0  }
0x5: {  	s7 =	sadd.s32 $0x2000, s0;
	s10 =	smul.u32 $0x2800, s11;
	s29 =	sadd.s32 $0x1B000, s0  }
0x6: {  	s5 =	sshll.u32 s3, $0x4;
	s6 =	smul.u32 $0x140000, s3;
	[smem:$0x7FF] =	sst s1  }
0x7: {  	s8 =	ssub.s32 $0x2, s3;
	s3 =	smul.u32 $0x28000, s3;
	s5 =	sor.u32 s11, s5  }
0x8: {  	s9 =	sshrl.u32 s8, $0x1;
	s5 =	smul.u32 $0x2800, s5;
	s6 =	sadd.s32 s2, s6  }
0x9: {  	s8 =	ssub.s32 s8, s9;
	s3 =	sadd.s32 s10, s3;
	s6 =	sshrl.u32 s6, $0x3  }
0xa: {  	s19 =	sor.u32 $0x370, s3;
	s21 =	sor.u32 $0x320, s3;
	s23 =	sor.u32 $0x2D0, s3  }
0xb: {  	s10 =	sor.u32 $0x280, s3;
	s5 =	sshrl.u32 s5, $0x3;
	s20 =	sshrl.u32 s19, $0x3  }
0xc: {  	s25 =	sshrl.u32 s23, $0x3;
	s19 =	sor.u32 $0x190, s3;
	s23 =	rddreg [dreg:$0x2]  }
0xd: {  	s13 =	sadd.s32 s4, s5;
	s14 =	sadd.s32 s7, s5;
	s15 =	sor.u32 $0xA, s5  }
0xe: {  	s16 =	sor.u32 $0x14, s5;
	s5 =	sor.u32 $0x1E, s5;
	s22 =	sadd.s32 s20, s7  }
0xf: {  	s26 =	sadd.s32 s25, s7;
	s2 =	sadd.s32 s2, s23;
	[dreg:$0x4] =	wrdreg s13  }
0x10: {  	[dreg:$0x5] =	wrdreg s14;
	s12 =	sadd.s32 s4, s15;
	s9 =	sadd.s32 s7, s15  }
0x11: {  	s17 =	sadd.s32 s4, s16;
	s18 =	sadd.s32 s4, s5;
	[dreg:$0xc] =	wrdreg s22  }
0x12: {  	s5 =	sadd.s32 s7, s5;
	[dreg:$0x10] =	wrdreg s26;
	s13 =	sor.u32 $0x230, s3  }
0x13: {  	s15 =	sor.u32 $0x1E0, s3;
	s3 =	sor.u32 $0x140, s3;
	[dreg:$0x6] =	wrdreg s12  }
0x14: {  	s22 =	sadd.s32 s6, s0;
	s0 =	sadd.s32 $0x18800, s0;
	[dreg:$0x7] =	wrdreg s9  }
0x15: {  	s26 =	smax.u32 s8, $0x1;
	s6 =	simm.s32 $0x370;
	[dreg:$0x8] =	wrdreg s17  }
0x16: {  	s8 =	simm.s32 $0x7;
	s9 =	sadd.s32 s7, s16;
	[dreg:$0xa] =	wrdreg s18  }
0x17: {  	[dreg:$0xb] =	wrdreg s5;
	s5 =	sadd.s32 s20, s4;
	s12 =	sshrl.u32 s10, $0x3  }
0x18: {  	s16 =	sshrl.u32 s15, $0x3;
	s20 =	sshrl.u32 s19, $0x3;
	s3 =	sshrl.u32 s3, $0x3  }
0x19: {  	s10 =	simm.s32 $0x12;
	s15 =	simm.s32 $0x18;
	[dreg:$0x9] =	wrdreg s9  }
0x1a: {  	s19 =	simm.s32 $0x4B0;
	[dreg:$0xd] =	wrdreg s5;
	s5 =	sadd.s32 s25, s4  }
0x1b: {  	s9 =	sshrl.u32 s21, $0x3;
	s14 =	sadd.s32 s12, s7;
	[dreg:$0x11] =	wrdreg s5  }
0x1c: {  	s18 =	sadd.s32 s16, s7;
	s21 =	sadd.s32 s3, s7;
	[dreg:$0x12] =	wrdreg s14  }
0x1d: {  	s3 =	sadd.s32 s3, s4;
	s25 =	sadd.s32 $0x43000, s22;
	[dreg:$0x16] =	wrdreg s18  }
0x1e: {  	s22 =	simm.s32 $0x11;
	s24 =	sadd.s32 s9, s7;
	[dreg:$0x1a] =	wrdreg s21  }
0x1f: {  	s9 =	sadd.s32 s9, s4;
	s5 =	sadd.s32 s12, s4;
	[dreg:$0x1b] =	wrdreg s3  }
0x20: {  	s3 =	simm.s32 $0x19;
	s12 =	simm.s32 $0x500;
	[dreg:$0xe] =	wrdreg s24  }
0x21: {  	s21 =	simm.s32 $0x14;
	s14 =	simm.s32 $0xE;
	[dreg:$0xf] =	wrdreg s9  }
0x22: {  	s9 =	sshrl.u32 s13, $0x3;
	[dreg:$0x13] =	wrdreg s5;
	s5 =	sadd.s32 s16, s4  }
0x23: {  	s18 =	simm.s32 $0x1E0;
	s17 =	sadd.s32 s9, s7;
	[dreg:$0x17] =	wrdreg s5  }
0x24: {  	s24 =	sshll.u32 s11, $0x6;
	s9 =	sadd.s32 s9, s4;
	[dreg:$0x14] =	wrdreg s17  }
0x25: {  	s13 =	simm.s32 $0x7D00;
	s5 =	sadd.s32 s20, s4;
	[dreg:$0x15] =	wrdreg s9  }
0x26: {  	s16 =	simm.s32 $0x3C0;
	s9 =	sadd.s32 s20, s7;
	[dreg:$0x19] =	wrdreg s5  }
0x27: {  	s4 =	simm.s32 $0xF0;
	s5 =	simm.s32 $0x50;
	[dreg:$0x18] =	wrdreg s9  }
.Ltmp0:
0x28: {  	_ =	strace $0x8000004D;
	[dreg:$0x1c] =	wrdreg s0;
	(pc) =	sbr.rel .LBB2_1-.Ltmp0, $4  }
0x29: {  	s7 =	simm.s32 $0x17;
	s20 =	simm.s32 $0x8;
	[dreg:$0x1d] =	wrdreg s2  }
0x2a: {  	s17 =	simm.s32 $0x410;
	s9 =	simm.s32 $0x0;
	[dreg:$0x1f] =	wrdreg s25  }
0x2b: {  	s2 =	sor.u32 $0x1C19, s24;
	[smem:$0x7FD] =	sst s26;
	s24 =	simm.s32 $0xC  }
0x2c: {  	s25 =	simm.s32 $0x16;
	s26 =	simm.s32 $0x6;
	[dreg:$0x1e] =	wrdreg s2  }
.LBB2_4:
0x2d: {  	_ =	swait.ge [sflag:s7], $0x2800  }
0x2e: {  	[sflag:s7] =	ssyncset.done $0x0  }
0x2f: {  	[sflag:s7] =	ssyncadd.s32 $0xFFFFD800  }
0x30: {  	_ =	swait.ge [sflag:s15], $0x2800  }
0x31: {  	[sflag:s15] =	ssyncset.done $0x0  }
0x32: {  	[sflag:s15] =	ssyncadd.s32 $0xFFFFD800  }
0x33: {  	[bflag:$0x0] =	sbarrier.arrive $0xFFFF  }
0x34: {  	s3 =	sld [smem:$0x7FC]  }
0x35: {  	s2 =	rddreg [dreg:$0x1e]  }
0x36: {  	s0 =	rddreg [dreg:$0x1f]  }
0x37: {  	[hbm:s0], [sflag:s2] =	dma.local [spmem:s3], $0x2800  }
0x38: {  	s3 =	simm.s32 $0x19  }
0x39: {  	_ =	swait.ge [sflag:s3], $0x2800  }
0x3a: {  	s9 =	sld [smem:$0x7FB]  }
0x3b: {  	s11 =	sld [smem:$0x7FD];
	_ =	sdelay $0x1  }
0x3c: {  	s9 =	sadd.s32 $0x1, s9  }
0x3d: {  	p0 =	sne.s32 s9, s11  }
.Ltmp1:
0x3e: {  	_ = 	snop;
	(pc) =	sbr.rel @!p0 .LBB2_5-.Ltmp1, $3  }
0x3f: {  	_ =	sdelay $0x1  }
0x40: {  	[sflag:s3] =	ssyncset.done $0x0  }
0x41: {  	s4 =	simm.s32 $0xF0;
	s6 =	simm.s32 $0x370;
	[sflag:s3] =	ssyncadd.s32 $0xFFFFD800  }
.LBB2_1:
0x42: {  	[smem:$0x7FB] =	sst s9  }
0x43: {  	s0 =	rddreg [dreg:$0x1d]  }
0x44: {  	s11 =	rddreg [dreg:$0x1c];
	s0 =	sshrl.u32 s0, $0x3  }
0x45: {  	[smem:$0x7FC] =	sst s0  }
0x46: {  	[spmem:s0], [sflag:s2] =	dma.local [hbm:s11], $0x2800  }
0x47: {  	_ =	swait.ge [sflag:s3], $0x2800  }
0x48: {  	[sflag:s3] =	ssyncset.done $0x0  }
0x49: {  	[sflag:s3] =	ssyncadd.s32 $0xFFFFD800  }
0x4a: {  	[bflag:$0x0] =	sbarrier.arrive $0xFFFF  }
0x4b: {  	s3 =	rddreg [dreg:$0x4]  }
0x4c: {  	[tilespmem:s1], [sflag:$0x1] =	stream.linear.gather [hbm4b:s3+s1], $0x50, $0x38;
	[tilespmem:$0x1E500] =	vst v63  }
0x4d: {  	s11 =	simm.s32 $0x280;
	s9 =	rddreg [dreg:$0x5]  }
0x4e: {  	[tilespmem:s11], [sflag:$0x9] =	stream.linear.gather [hbm4b:s9+s1], $0x50, $0x38;
	[tilespmem:$0x1E500] =	vst v63  }
0x4f: {  	s3 =	rddreg [dreg:$0x6]  }
0x50: {  	[tilespmem:s5], [sflag:$0x2] =	stream.linear.gather [hbm4b:s3+s1], $0x50, $0x38;
	[tilespmem:$0x1E500] =	vst v63  }
0x51: {  	s9 =	rddreg [dreg:$0x7];
	s11 =	simm.s32 $0x2D0  }
0x52: {  	[tilespmem:s11], [sflag:$0xA] =	stream.linear.gather [hbm4b:s9+s1], $0x50, $0x38;
	[tilespmem:$0x1E500] =	vst v63  }
0x53: {  	s2 =	rddreg [dreg:$0x8];
	s3 =	simm.s32 $0xA0  }
0x54: {  	[tilespmem:s3], [sflag:$0x3] =	stream.linear.gather [hbm4b:s2+s1], $0x50, $0x38;
	[tilespmem:$0x1E500] =	vst v63  }
0x55: {  	s9 =	rddreg [dreg:$0x9];
	s11 =	simm.s32 $0x320  }
0x56: {  	[tilespmem:s11], [sflag:$0xB] =	stream.linear.gather [hbm4b:s9+s1], $0x50, $0x38;
	[tilespmem:$0x1E500] =	vst v63  }
0x57: {  	s3 =	rddreg [dreg:$0xa]  }
0x58: {  	[tilespmem:s4], [sflag:$0x4] =	stream.linear.gather [hbm4b:s3+s1], $0x50, $0x38;
	[tilespmem:$0x1E500] =	vst v63  }
0x59: {  	s9 =	rddreg [dreg:$0xb];
	s11 =	simm.s32 $0x1  }
0x5a: {  	[tilespmem:s6], [sflag:$0xC] =	stream.linear.gather [hbm4b:s9+s1], $0x50, $0x38;
	[tilespmem:$0x1E500] =	vst v63  }
0x5b: {  	_ =	swait.ge [sflag:s11], $0x50  }
0x5c: {  	[sflag:s11] =	ssyncset.done $0x0  }
0x5d: {  	[sflag:s11] =	ssyncadd.s32 $0xFFFFFFB0  }
0x5e: {  	[tilespmem:s12], [sflag:$0x11] =	stream.indirect.gather [hbm4b:s29+s5], $0x80, s1, s5, $0xb8;
	[tilespmem:$0x1E500] =	vst v63  }
0x5f: {  	s12 =	simm.s32 $0x2  }
0x60: {  	_ =	swait.ge [sflag:s12], $0x50  }
0x61: {  	[sflag:s12] =	ssyncset.done $0x0  }
0x62: {  	s9 =	simm.s32 $0x0;
	[sflag:s12] =	ssyncadd.s32 $0xFFFFFFB0  }
0x63: {  	[tilespmem:s31], [sflag:$0x12] =	stream.indirect.gather [hbm4b:s29+s5], $0x80, s5, s5, $0xb8;
	[tilespmem:$0x1E500] =	vst v63  }
.LBB2_2:
0x64: {  	_ =	swait.ge [sflag:s22], $0x2800  }
0x65: {  	[sflag:s22] =	ssyncset.done $0x0  }
0x66: {  	s0 =	simm.s32 $0x9;
	[sflag:s22] =	ssyncadd.s32 $0xFFFFD800  }
0x67: {  	_ =	swait.ge [sflag:s0], $0x50  }
0x68: {  	s11 =	simm.s32 $0x280;
	p0 =	seq.s32 s9, $0x0;
	[sflag:s0] =	ssyncset.done $0x0  }
0x69: {  	s3 =	simm.s32 $0x500;
	s2 =	simm.s32 @!p0 $0x17;
	[sflag:s0] =	ssyncadd.s32 $0xFFFFFFB0  }
0x6a: {  	[spmem:s23] =	stream.indirect.scatter.add.f32 [tilespmem:s3], [sflag:$0x15], $0x80, s11, s5, $0xb8;
	[tilespmem:$0x1E500] =	vst v63  }
0x6b: {  	_ =	swait.ge @!p0 [sflag:s2], $0x2800  }
0x6c: {  	[sflag:s2] =	ssyncset.done @!p0 $0x0  }
0x6d: {  	s12 =	simm.s32 $0x3;
	[sflag:s2] =	ssyncadd.s32 @!p0 $0xFFFFD800  }
0x6e: {  	_ =	swait.ge [sflag:s12], $0x50  }
0x6f: {  	s11 =	simm.s32 $0x5500;
	[sflag:s12] =	ssyncset.done $0x0  }
0x70: {  	s2 =	simm.s32 $0xA0;
	[sflag:s12] =	ssyncadd.s32 $0xFFFFFFB0;
	s12 =	rddreg [dreg:$0x1b]  }
0x71: {  	[tilespmem:s11], [sflag:$0x13] =	stream.indirect.gather [hbm4b:s29+s5], $0x80, s2, s5, $0xb8;
	[tilespmem:$0x1E500] =	vst v63  }
0x72: {  	s0 =	sadd.s32 s9, s12;
	s12 =	simm.s32 $0x140;
	s2 =	rddreg [dreg:$0x1a]  }
0x73: {  	[tilespmem:s12], [sflag:$0x5] =	stream.linear.gather [hbm4b:s0+s1], $0x50, $0x38;
	[tilespmem:$0x1E500] =	vst v63  }
0x74: {  	s0 =	sadd.s32 s9, s2  }
0x75: {  	[tilespmem:s16], [sflag:$0xD] =	stream.linear.gather [hbm4b:s0+s1], $0x50, $0x38;
	[tilespmem:$0x1E500] =	vst v63  }
0x76: {  	_ =	swait.ge [sflag:s10], $0x2800  }
0x77: {  	[sflag:s10] =	ssyncset.done $0x0  }
0x78: {  	s2 =	simm.s32 $0xA;
	[sflag:s10] =	ssyncadd.s32 $0xFFFFD800  }
0x79: {  	_ =	swait.ge [sflag:s2], $0x50  }
0x7a: {  	[sflag:s2] =	ssyncset.done $0x0  }
0x7b: {  	[sflag:s2] =	ssyncadd.s32 $0xFFFFFFB0;
	s2 =	simm.s32 $0x2D0  }
0x7c: {  	[spmem:s23] =	stream.indirect.scatter.add.f32 [tilespmem:s31], [sflag:$0x16], $0x80, s2, s5, $0xb8;
	[tilespmem:$0x1E500] =	vst v63  }
0x7d: {  	s2 =	simm.s32 @!p0 $0x18  }
0x7e: {  	_ =	swait.ge @!p0 [sflag:s2], $0x2800  }
0x7f: {  	[sflag:s2] =	ssyncset.done @!p0 $0x0  }
0x80: {  	[sflag:s2] =	ssyncadd.s32 @!p0 $0xFFFFD800;
	s2 =	simm.s32 $0x4  }
0x81: {  	_ =	swait.ge [sflag:s2], $0x50  }
0x82: {  	[sflag:s2] =	ssyncset.done $0x0  }
0x83: {  	[sflag:s2] =	ssyncadd.s32 $0xFFFFFFB0  }
0x84: {  	[tilespmem:s13], [sflag:$0x14] =	stream.indirect.gather [hbm4b:s29+s5], $0x80, s4, s5, $0xb8;
	[tilespmem:$0x1E500] =	vst v63  }
0x85: {  	s4 =	rddreg [dreg:$0x19]  }
0x86: {  	s2 =	rddreg [dreg:$0x18];
	s0 =	sadd.s32 s9, s4;
	s4 =	simm.s32 $0x190  }
0x87: {  	[tilespmem:s4], [sflag:$0x6] =	stream.linear.gather [hbm4b:s0+s1], $0x50, $0x38;
	[tilespmem:$0x1E500] =	vst v63  }
0x88: {  	s0 =	sadd.s32 s9, s2;
	s2 =	simm.s32 $0x13  }
0x89: {  	[tilespmem:s17], [sflag:$0xE] =	stream.linear.gather [hbm4b:s0+s1], $0x50, $0x38;
	[tilespmem:$0x1E500] =	vst v63  }
0x8a: {  	_ =	swait.ge [sflag:s2], $0x2800  }
0x8b: {  	[sflag:s2] =	ssyncset.done $0x0  }
0x8c: {  	[sflag:s2] =	ssyncadd.s32 $0xFFFFD800;
	s2 =	simm.s32 $0xB  }
0x8d: {  	_ =	swait.ge [sflag:s2], $0x50  }
0x8e: {  	[sflag:s2] =	ssyncset.done $0x0  }
0x8f: {  	[sflag:s2] =	ssyncadd.s32 $0xFFFFFFB0;
	s2 =	simm.s32 $0x320  }
0x90: {  	[spmem:s23] =	stream.indirect.scatter.add.f32 [tilespmem:s11], [sflag:$0x17], $0x80, s2, s5, $0xb8;
	[tilespmem:$0x1E500] =	vst v63  }
0x91: {  	s2 =	simm.s32 $0x15  }
0x92: {  	_ =	swait.ge [sflag:s2], $0x2800  }
0x93: {  	[sflag:s2] =	ssyncset.done $0x0  }
0x94: {  	[sflag:s2] =	ssyncadd.s32 $0xFFFFD800;
	s2 =	simm.s32 $0x5  }
0x95: {  	_ =	swait.ge [sflag:s2], $0x50  }
0x96: {  	[sflag:s2] =	ssyncset.done $0x0  }
0x97: {  	[sflag:s2] =	ssyncadd.s32 $0xFFFFFFB0  }
0x98: {  	[tilespmem:s3], [sflag:$0x11] =	stream.indirect.gather [hbm4b:s29+s5], $0x80, s12, s5, $0xb8;
	[tilespmem:$0x1E500] =	vst v63  }
0x99: {  	s12 =	rddreg [dreg:$0x17]  }
0x9a: {  	s0 =	sadd.s32 s9, s12;
	s12 =	rddreg [dreg:$0x16]  }
0x9b: {  	[tilespmem:s18], [sflag:$0x7] =	stream.linear.gather [hbm4b:s0+s1], $0x50, $0x38;
	[tilespmem:$0x1E500] =	vst v63  }
0x9c: {  	s0 =	sadd.s32 s9, s12;
	s12 =	simm.s32 $0x460  }
0x9d: {  	[tilespmem:s12], [sflag:$0xF] =	stream.linear.gather [hbm4b:s0+s1], $0x50, $0x38;
	[tilespmem:$0x1E500] =	vst v63  }
0x9e: {  	_ =	swait.ge [sflag:s21], $0x2800  }
0x9f: {  	[sflag:s21] =	ssyncset.done $0x0  }
0xa0: {  	[sflag:s21] =	ssyncadd.s32 $0xFFFFD800  }
0xa1: {  	_ =	swait.ge [sflag:s24], $0x50  }
0xa2: {  	[sflag:s24] =	ssyncset.done $0x0  }
0xa3: {  	[sflag:s24] =	ssyncadd.s32 $0xFFFFFFB0  }
0xa4: {  	[spmem:s23] =	stream.indirect.scatter.add.f32 [tilespmem:s13], [sflag:$0x18], $0x80, s6, s5, $0xb8;
	[tilespmem:$0x1E500] =	vst v63  }
0xa5: {  	_ =	swait.ge [sflag:s25], $0x2800  }
0xa6: {  	[sflag:s25] =	ssyncset.done $0x0  }
0xa7: {  	[sflag:s25] =	ssyncadd.s32 $0xFFFFD800  }
0xa8: {  	_ =	swait.ge [sflag:s26], $0x50  }
0xa9: {  	[sflag:s26] =	ssyncset.done $0x0  }
0xaa: {  	s12 =	rddreg [dreg:$0x15];
	[sflag:s26] =	ssyncadd.s32 $0xFFFFFFB0  }
0xab: {  	[tilespmem:s31], [sflag:$0x12] =	stream.indirect.gather [hbm4b:s29+s5], $0x80, s4, s5, $0xb8;
	[tilespmem:$0x1E500] =	vst v63  }
0xac: {  	s6 =	rddreg [dreg:$0x14];
	s0 =	sadd.s32 s9, s12;
	s4 =	simm.s32 $0x230  }
0xad: {  	[tilespmem:s4], [sflag:$0x8] =	stream.linear.gather [hbm4b:s0+s1], $0x50, $0x38;
	[tilespmem:$0x1E500] =	vst v63  }
0xae: {  	s12 =	sadd.s32 s9, s6  }
0xaf: {  	[tilespmem:s19], [sflag:$0x10] =	stream.linear.gather [hbm4b:s12+s1], $0x50, $0x38;
	[tilespmem:$0x1E500] =	vst v63  }
0xb0: {  	_ =	swait.ge [sflag:s22], $0x2800  }
0xb1: {  	[sflag:s22] =	ssyncset.done $0x0  }
0xb2: {  	[sflag:s22] =	ssyncadd.s32 $0xFFFFD800  }
0xb3: {  	_ =	swait.ge [sflag:s30], $0x50  }
0xb4: {  	[sflag:s30] =	ssyncset.done $0x0  }
0xb5: {  	[sflag:s30] =	ssyncadd.s32 $0xFFFFFFB0  }
0xb6: {  	[spmem:s23] =	stream.indirect.scatter.add.f32 [tilespmem:s3], [sflag:$0x15], $0x80, s16, s5, $0xb8;
	[tilespmem:$0x1E500] =	vst v63  }
0xb7: {  	_ =	swait.ge [sflag:s7], $0x2800  }
0xb8: {  	[sflag:s7] =	ssyncset.done $0x0  }
0xb9: {  	[sflag:s7] =	ssyncadd.s32 $0xFFFFD800  }
0xba: {  	_ =	swait.ge [sflag:s8], $0x50  }
0xbb: {  	[sflag:s8] =	ssyncset.done $0x0  }
0xbc: {  	p0 =	seq.s32 s9, $0x4B0;
	s0 =	rddreg [dreg:$0x13];
	[sflag:s8] =	ssyncadd.s32 $0xFFFFFFB0  }
0xbd: {  	[tilespmem:s11], [sflag:$0x13] =	stream.indirect.gather [hbm4b:s29+s5], $0x80, s18, s5, $0xb8;
	[tilespmem:$0x1E500] =	vst v63  }
0xbe: {  	s2 =	simm.s32 @!p0 $0x0;
	s0 =	sadd.s32 @!p0 s9, s0  }
0xbf: {  	[tilespmem:s2], [sflag:$0x1] =	stream.linear.gather @!p0 [hbm4b:s0+s2], $0x50, $0x38;
	[tilespmem:$0x1E500] =	vst v63  }
0xc0: {  	s0 =	rddreg [dreg:$0x12]  }
0xc1: {  	s3 =	simm.s32 @!p0 $0x280;
	s0 =	sadd.s32 @!p0 s9, s0  }
0xc2: {  	[tilespmem:s3], [sflag:$0x9] =	stream.linear.gather @!p0 [hbm4b:s0+s2], $0x50, $0x38;
	[tilespmem:$0x1E500] =	vst v63  }
0xc3: {  	_ =	swait.ge [sflag:s10], $0x2800  }
0xc4: {  	[sflag:s10] =	ssyncset.done $0x0  }
0xc5: {  	[sflag:s10] =	ssyncadd.s32 $0xFFFFD800  }
0xc6: {  	_ =	swait.ge [sflag:s14], $0x50  }
0xc7: {  	[sflag:s14] =	ssyncset.done $0x0  }
0xc8: {  	[sflag:s14] =	ssyncadd.s32 $0xFFFFFFB0  }
0xc9: {  	[spmem:s23] =	stream.indirect.scatter.add.f32 [tilespmem:s31], [sflag:$0x16], $0x80, s17, s5, $0xb8;
	[tilespmem:$0x1E500] =	vst v63  }
0xca: {  	_ =	swait.ge [sflag:s15], $0x2800  }
0xcb: {  	[sflag:s15] =	ssyncset.done $0x0  }
0xcc: {  	[sflag:s15] =	ssyncadd.s32 $0xFFFFD800  }
0xcd: {  	_ =	swait.ge [sflag:s20], $0x50  }
0xce: {  	[sflag:s20] =	ssyncset.done $0x0  }
0xcf: {  	s0 =	simm.s32 @p0 $0x13;
	[sflag:s20] =	ssyncadd.s32 $0xFFFFFFB0  }
0xd0: {  	[tilespmem:s13], [sflag:$0x14] =	stream.indirect.gather [hbm4b:s29+s5], $0x80, s4, s5, $0xb8;
	[tilespmem:$0x1E500] =	vst v63  }
0xd1: {  	_ =	swait.ge @p0 [sflag:s0], $0x2800  }
0xd2: {  	[sflag:s0] =	ssyncset.done @p0 $0x0  }
0xd3: {  	[sflag:s0] =	ssyncadd.s32 @p0 $0xFFFFD800;
	s0 =	simm.s32 @p0 $0xF  }
0xd4: {  	_ =	swait.ge @p0 [sflag:s0], $0x50  }
0xd5: {  	s3 =	simm.s32 @p0 $0x460;
	[sflag:s0] =	ssyncset.done @p0 $0x0  }
0xd6: {  	s4 =	simm.s32 @p0 $0x5500;
	[sflag:s0] =	ssyncadd.s32 @p0 $0xFFFFFFB0;
	s0 =	simm.s32 @p0 $0x50  }
0xd7: {  	[spmem:s23] =	stream.indirect.scatter.add.f32 @p0 [tilespmem:s4], [sflag:$0x17], $0x80, s3, s0, $0xb8;
	[tilespmem:$0x1E500] =	vst v63  }
0xd8: {  	s0 =	rddreg [dreg:$0x11]  }
0xd9: {  	s3 =	simm.s32 @!p0 $0x50;
	s0 =	sadd.s32 @!p0 s9, s0  }
0xda: {  	[tilespmem:s3], [sflag:$0x2] =	stream.linear.gather @!p0 [hbm4b:s0+s2], $0x50, $0x38;
	[tilespmem:$0x1E500] =	vst v63  }
0xdb: {  	s0 =	rddreg [dreg:$0x10]  }
0xdc: {  	s4 =	simm.s32 @!p0 $0x2D0;
	s0 =	sadd.s32 @!p0 s9, s0  }
0xdd: {  	[tilespmem:s4], [sflag:$0xA] =	stream.linear.gather @!p0 [hbm4b:s0+s2], $0x50, $0x38;
	[tilespmem:$0x1E500] =	vst v63  }
0xde: {  	s0 =	simm.s32 @!p0 $0x13  }
0xdf: {  	_ =	swait.ge @!p0 [sflag:s0], $0x2800  }
0xe0: {  	[sflag:s0] =	ssyncset.done @!p0 $0x0  }
0xe1: {  	[sflag:s0] =	ssyncadd.s32 @!p0 $0xFFFFD800;
	s0 =	simm.s32 @!p0 $0xF  }
0xe2: {  	_ =	swait.ge @!p0 [sflag:s0], $0x50  }
0xe3: {  	[sflag:s0] =	ssyncset.done @!p0 $0x0  }
0xe4: {  	s4 =	simm.s32 @!p0 $0x5500;
	[sflag:s0] =	ssyncadd.s32 @!p0 $0xFFFFFFB0;
	s0 =	simm.s32 @!p0 $0x460  }
0xe5: {  	[spmem:s23] =	stream.indirect.scatter.add.f32 @!p0 [tilespmem:s4], [sflag:$0x17], $0x80, s0, s3, $0xb8;
	[tilespmem:$0x1E500] =	vst v63  }
0xe6: {  	s0 =	simm.s32 @!p0 $0x15  }
0xe7: {  	_ =	swait.ge @!p0 [sflag:s0], $0x2800  }
0xe8: {  	[sflag:s0] =	ssyncset.done @!p0 $0x0  }
0xe9: {  	[sflag:s0] =	ssyncadd.s32 @!p0 $0xFFFFD800;
	s0 =	simm.s32 @!p0 $0x1  }
0xea: {  	_ =	swait.ge @!p0 [sflag:s0], $0x50  }
0xeb: {  	[sflag:s0] =	ssyncset.done @!p0 $0x0  }
0xec: {  	[sflag:s0] =	ssyncadd.s32 @!p0 $0xFFFFFFB0;
	s0 =	simm.s32 @!p0 $0x500  }
0xed: {  	[tilespmem:s0], [sflag:$0x11] =	stream.indirect.gather @!p0 [hbm4b:s29+s3], $0x80, s2, s3, $0xb8;
	[tilespmem:$0x1E500] =	vst v63  }
0xee: {  	s0 =	rddreg [dreg:$0xf]  }
0xef: {  	s3 =	simm.s32 @!p0 $0xA0;
	s0 =	sadd.s32 @!p0 s9, s0  }
0xf0: {  	[tilespmem:s3], [sflag:$0x3] =	stream.linear.gather @!p0 [hbm4b:s0+s2], $0x50, $0x38;
	[tilespmem:$0x1E500] =	vst v63  }
0xf1: {  	s0 =	rddreg [dreg:$0xe]  }
0xf2: {  	s3 =	simm.s32 @!p0 $0x320;
	s0 =	sadd.s32 @!p0 s9, s0  }
0xf3: {  	[tilespmem:s3], [sflag:$0xB] =	stream.linear.gather @!p0 [hbm4b:s0+s2], $0x50, $0x38;
	[tilespmem:$0x1E500] =	vst v63  }
0xf4: {  	_ =	swait.ge [sflag:s21], $0x2800  }
0xf5: {  	[sflag:s21] =	ssyncset.done $0x0  }
.Ltmp2:
0xf6: {  	[sflag:s21] =	ssyncadd.s32 $0xFFFFD800;
	(pc) =	sbr.rel @p0 .LBB2_4-.Ltmp2, $4  }
0xf7: {  	_ =	swait.ge [sflag:s28], $0x50  }
0xf8: {  	s6 =	simm.s32 $0xF0;
	[sflag:s28] =	ssyncset.done $0x0  }
0xf9: {  	s12 =	simm.s32 $0x500;
	s11 =	simm.s32 $0x370;
	[sflag:s28] =	ssyncadd.s32 $0xFFFFFFB0  }
0xfa: {  	[spmem:s23] =	stream.indirect.scatter.add.f32 [tilespmem:s13], [sflag:$0x18], $0x80, s19, s5, $0xb8;
	[tilespmem:$0x1E500] =	vst v63  }
0xfb: {  	_ =	swait.ge [sflag:s25], $0x2800  }
0xfc: {  	[sflag:s25] =	ssyncset.done $0x0  }
0xfd: {  	s0 =	simm.s32 $0x2;
	[sflag:s25] =	ssyncadd.s32 $0xFFFFD800  }
0xfe: {  	_ =	swait.ge [sflag:s0], $0x50  }
0xff: {  	[sflag:s0] =	ssyncset.done $0x0  }
0x100: {  	[sflag:s0] =	ssyncadd.s32 $0xFFFFFFB0  }
0x101: {  	[tilespmem:s31], [sflag:$0x12] =	stream.indirect.gather [hbm4b:s29+s5], $0x80, s5, s5, $0xb8;
	[tilespmem:$0x1E500] =	vst v63  }
.Ltmp3:
0x102: {  	s4 =	rddreg [dreg:$0xd];
	(pc) =	sbr.rel .LBB2_2-.Ltmp3, $4  }
0x103: {  	s12 =	rddreg [dreg:$0xc];
	s0 =	sadd.s32 s9, s4;
	s4 =	simm.s32 $0xF0  }
0x104: {  	[tilespmem:s6], [sflag:$0x4] =	stream.linear.gather [hbm4b:s0+s1], $0x50, $0x38;
	[tilespmem:$0x1E500] =	vst v63  }
0x105: {  	s0 =	sadd.s32 s9, s12;
	s9 =	sadd.s32 $0x50, s9;
	s6 =	simm.s32 $0x370  }
0x106: {  	[tilespmem:s11], [sflag:$0xC] =	stream.linear.gather [hbm4b:s0+s1], $0x50, $0x38;
	[tilespmem:$0x1E500] =	vst v63  }
.LBB2_5:
0x107: {  	_ =	sfence.sel $0x180000  }
0x108: {  	[bflag:$0x0] =	sbarrier.arrive $0xFFFF  }
0x109: {  	_ =	strace $0x9000004D  }
0x10a: {  	s0 =	stileid.u32;
	[bflag:$0x2] =	sbarrier.arrive $0xFFFF  }
0x10b: {  	p0 =	sne.s32 s0, $0x0;
	s0 =	rddreg [dreg:$0x3]  }
0x10c: {  	s0 =	sadd.s32 @!p0 $0x100000, s0  }
0x10d: {  	[sflag:s0] =	ssyncadd.tile.s32 @!p0 $0x1;
	_ =	shalt  }
.Lfunc_end2:
_tile_overlayer_lowered:
.L_overlay_start_2:
0x10e: {  	(tag) =	ssettag $0x2  }
0x10f: {  	s0 =	rddreg [dreg:$0x0];
	s2 =	stileid.u32  }
0x110: {  	s1 =	rddreg [dreg:$0x1];
	p0 =	sne.s32 s2, $0x0  }
0x111: {  	s3 =	rddreg [dreg:$0x2];
	[bflag:$0x3] =	sbarrier.arrive $0xFFFF;
	s2 =	simm.s32 @!p0 $0x1C19  }
0x112: {  	[timem:s3], [sflag:s2] =	dma.local @!p0 [hbm:s0], s1  }
0x113: {  	s0 =	simm.s32 @!p0 $0x19  }
0x114: {  	_ =	swait.ge @!p0 [sflag:s0], s1  }
0x115: {  	s1 =	ssub.s32 @!p0 $0x0, s1;
	[sflag:s0] =	ssyncset.done @!p0 $0x0  }
0x116: {  	[sflag:s0] =	ssyncadd.s32 @!p0 s1  }
0x117: {  	[bflag:$0x3] =	sbarrier.arrive $0xFFFF  }
0x118: {  	_ =	shalt  }

// kernel: kernel.7.cloned.1.call-start
scs
__scs_entry_jumppad:
0x0: {  	(pc) =	sbr.rel $0x88, $3  }
0x1: {  	(tag) =	ssettag $0x0;
	lr =	simm.s32 $0x1  }
0x2: {  	[smem:$0x3F99] =	sst lr;
	_ =	strace $0xD0000000  }
0x3: {  	_ = 	snop  }
0x4: {  	_ = 	snop  }
0x5: {  	_ = 	snop  }
0x6: {  	_ = 	snop  }
0x7: {  	_ = 	snop  }
__scs_overlays_trampoline_lowered:
0x8: {  	[smem:$0x3FA8] =	sst s0  }
0x9: {  	[smem:$0x3FA9] =	sst s1  }
0xa: {  	[smem:$0x3FAA] =	sst s2  }
0xb: {  	[smem:$0x3FAB] =	sst s3  }
0xc: {  	[smem:$0x3FAC] =	sst s4  }
0xd: {  	[smem:$0x3FAD] =	sst s5  }
0xe: {  	[smem:$0x3FAE] =	sst s6  }
0xf: {  	[smem:$0x3FAF] =	sst s7  }
0x10: {  	[smem:$0x3FB0] =	sst s8  }
0x11: {  	[smem:$0x3FB1] =	sst s9;
	s0 =	simm.s32 @!p0 $0x0  }
0x12: {  	s1 =	sld [smem:$0x3F97];
	s0 =	simm.s32 @p0 $0x1  }
0x13: {  	[smem:$0x3FB2] =	sst s0;
	s0 =	simm.s32 @!p1 $0x0  }
0x14: {  	s2 =	sld [smem:$0x3F96];
	s0 =	simm.s32 @p1 $0x1  }
0x15: {  	[smem:$0x3FB3] =	sst s0;
	s0 =	simm.s32 @!p2 $0x0  }
0x16: {  	s3 =	sld [smem:$0x3FDB];
	s0 =	simm.s32 @p2 $0x1  }
0x17: {  	s4 =	simm.s32 $0x1BF5;
	[smem:$0x3FB5] =	sst s0  }
0x18: {  	s0 =	sld [smem:$0x3F98];
	_ =	swait.ge [sflag:s4], $0x0  }
0x19: {  	s7 =	sld [smem:$0x3F99]  }
0x1a: {  	s8 =	sadd.s32 $0xFFFFE003, lr  }
0x1b: {  	s9 =	sadd.s32 $0xFFFFFEF7, lr;
	s5 =	simm.s32 $0xFFFFFFFF;
	p2 =	slt.u32 s8, $0xFFFFF086  }
0x1c: {  	p1 =	slt.u32 s9, $0xF7A;
	s5 =	simm.s32 @!p2 $0x0  }
0x1d: {  	s5 =	simm.s32 @p1 $0x1;
	p0 =	seq.s32 s7, s2  }
0x1e: {  	s7 =	smul.u32 @!p0 $0xF7A, s2;
	p2 =	seq.s32 @!p0 s5, $0x0  }
0x1f: {  	s9 =	smul.u32 $0xF7A, s1;
	s8 =	simm.s32 @!p0 $0x1BF5;
	p2 =	por !p2, p0  }
0x20: {  	[sflag:s8] =	ssyncset.s32 @!p0 $0xFFFFF086;
	s6 =	sadd.s32 @!p0 s3, s7;
	s7 =	simm.s32 @!p0 $0x108  }
0x21: {  	s3 =	sadd.s32 s3, s9;
	s6 =	sadd.s32 @!p0 $0x88, s6;
	s7 =	simm.s32 @p2 $0x1082  }
0x22: {  	[simem:s7], [sflag:s8] =	dma.local @!p0 [hbm:s6], $0xF7A  }
0x23: {  	s9 =	sor.u32 $0xD0000000, s2;
	s6 =	simm.s32 $0x108;
	_ =	swait.ge @!p0 [sflag:s8], $0x0  }
0x24: {  	s3 =	sadd.s32 $0x88, s3;
	s6 =	simm.s32 @!p1 $0x1082;
	[sflag:s4] =	ssyncset.s32 $0xFFFFF086  }
0x25: {  	[simem:s6], [sflag:s4] =	dma.local [hbm:s3], $0xF7A  }
0x26: {  	[smem:$0x3F99] =	sst s1;
	(tag) =	ssettag s2;
	_ =	strace s9  }
0x27: {  	s1 =	sld [smem:$0x3FA9]  }
0x28: {  	s2 =	sld [smem:$0x3FAA]  }
0x29: {  	s4 =	sld [smem:$0x3FAC]  }
0x2a: {  	p0 =	seq.s32 s5, $0x0;
	s5 =	sld [smem:$0x3FAD]  }
0x2b: {  	s6 =	sld [smem:$0x3FAE]  }
0x2c: {  	s7 =	sld [smem:$0x3FAF]  }
0x2d: {  	s3 =	simm.s32 $0x108;
	s8 =	sld [smem:$0x3FB0]  }
0x2e: {  	s3 =	simm.s32 @!p0 $0x1082;
	s9 =	sld [smem:$0x3FB1]  }
0x2f: {  	lr =	sadd.s32 s0, s3;
	s0 =	sld [smem:$0x3FA8]  }
0x30: {  	s3 =	sld [smem:$0x3FAB]  }
0x31: {  	[smem:$0x3FB4] =	sst s10  }
0x32: {  	s10 =	sld [smem:$0x3FB2];
	_ =	sdelay $0x3  }
0x33: {  	p0 =	seq.s32 s10, $0x1;
	s10 =	sld [smem:$0x3FB4];
	_ =	sdelay $0x3  }
0x34: {  	[smem:$0x3FB4] =	sst s10  }
0x35: {  	s10 =	sld [smem:$0x3FB3];
	_ =	sdelay $0x3  }
0x36: {  	p1 =	seq.s32 s10, $0x1;
	s10 =	sld [smem:$0x3FB4];
	_ =	sdelay $0x3  }
0x37: {  	[smem:$0x3FB4] =	sst s10  }
0x38: {  	s10 =	sld [smem:$0x3FB5]  }
0x39: {  	_ = 	snop;
	(pc) =	sbr.ind lr, $3  }
0x3a: {  	_ = 	snop  }
0x3b: {  	_ = 	snop  }
0x3c: {  	p2 =	seq.s32 s10, $0x1;
	s10 =	sld [smem:$0x3FB4]  }
0x3d: {  	_ =	shalt  }
0x3e: {  	_ =	shalt  }
0x3f: {  	_ =	shalt  }
0x40: {  	_ =	shalt  }
0x41: {  	_ =	shalt  }
0x42: {  	_ =	shalt  }
0x43: {  	_ =	shalt  }
0x44: {  	_ =	shalt  }
0x45: {  	_ =	shalt  }
0x46: {  	_ =	shalt  }
0x47: {  	_ =	shalt  }
0x48: {  	_ =	shalt  }
0x49: {  	_ =	shalt  }
0x4a: {  	_ =	shalt  }
0x4b: {  	_ =	shalt  }
0x4c: {  	_ =	shalt  }
0x4d: {  	_ =	shalt  }
0x4e: {  	_ =	shalt  }
0x4f: {  	_ =	shalt  }
0x50: {  	_ =	shalt  }
0x51: {  	_ =	shalt  }
0x52: {  	_ =	shalt  }
0x53: {  	_ =	shalt  }
0x54: {  	_ =	shalt  }
0x55: {  	_ =	shalt  }
0x56: {  	_ =	shalt  }
0x57: {  	_ =	shalt  }
0x58: {  	_ =	shalt  }
0x59: {  	_ =	shalt  }
0x5a: {  	_ =	shalt  }
0x5b: {  	_ =	shalt  }
0x5c: {  	_ =	shalt  }
0x5d: {  	_ =	shalt  }
0x5e: {  	_ =	shalt  }
0x5f: {  	_ =	shalt  }
0x60: {  	_ =	shalt  }
0x61: {  	_ =	shalt  }
0x62: {  	_ =	shalt  }
0x63: {  	_ =	shalt  }
0x64: {  	_ =	shalt  }
0x65: {  	_ =	shalt  }
0x66: {  	_ =	shalt  }
0x67: {  	_ =	shalt  }
0x68: {  	_ =	shalt  }
0x69: {  	_ =	shalt  }
0x6a: {  	_ =	shalt  }
0x6b: {  	_ =	shalt  }
0x6c: {  	_ =	shalt  }
0x6d: {  	_ =	shalt  }
0x6e: {  	_ =	shalt  }
0x6f: {  	_ =	shalt  }
0x70: {  	_ =	shalt  }
0x71: {  	_ =	shalt  }
0x72: {  	_ =	shalt  }
0x73: {  	_ =	shalt  }
0x74: {  	_ =	shalt  }
0x75: {  	_ =	shalt  }
0x76: {  	_ =	shalt  }
0x77: {  	_ =	shalt  }
0x78: {  	_ =	shalt  }
0x79: {  	_ =	shalt  }
0x7a: {  	_ =	shalt  }
0x7b: {  	_ =	shalt  }
0x7c: {  	_ =	shalt  }
0x7d: {  	_ =	shalt  }
0x7e: {  	_ =	shalt  }
0x7f: {  	_ =	shalt  }
0x80: {  	_ =	shalt  }
0x81: {  	_ =	shalt  }
0x82: {  	_ =	shalt  }
0x83: {  	_ =	shalt  }
0x84: {  	_ =	shalt  }
0x85: {  	_ =	shalt  }
0x86: {  	_ =	shalt  }
0x87: {  	_ =	shalt  }
.Lfunc_end0:
.L_simem_size_0:
called_computation_lowered:
.L_overlay_start_0:
0x88: {  	s2 =	sld [smem:$0x3FD9]  }
0x89: {  	s3 =	sld [smem:$0x3FFE];
	_ =	sdelay $0x1  }
0x8a: {  	s1 =	srdreg.scid  }
0x8b: {  	s0 =	sand.u32 $0x1, s1  }
0x8c: {  	s16 =	sshll.u32 s0, $0xA;
	s2 =	sadd.s32 s3, s2  }
0x8d: {  	s2 =	sadd.s32 s2, s16  }
0x8e: {  	[smem:$0x3FC0] =	sst s2  }
0x8f: {  	_ = 	snop  }
0x90: {  	(tm) =	ssettm $0x1  }
0x91: {  	s17 =	sld [smem:$0x3FFB];
	_ =	sdelay $0x3  }
0x92: {  	_ =	strace s17  }
0x93: {  	s2 =	sld [smem:$0x3FFC];
	_ =	sdelay $0x3  }
0x94: {  	_ =	strace s2  }
0x95: {  	s2 =	sld [smem:$0x3FFD];
	_ =	sdelay $0x3  }
0x96: {  	_ =	strace s2  }
0x97: {  	_ =	strace $0x8FFFFFFF  }
0x98: {  	s18 =	sld [smem:$0x3FDB];
	_ =	sdelay $0x1  }
0x99: {  	s19 =	simm.s32 $_scs_section_size  }
0x9a: {  	s4 =	simm.s32 $_size__tile_overlayer_lowered;
	s5 =	simm.s32 $_tile_overlayer_lowered  }
0x9b: {  	s22 =	simm.s32 $0x1BFF;
	s21 =	sshll.u32 s5, $0x1;
	s2 =	sadd.s32 s19, s18  }
0x9c: {  	s6 =	simm.s32 $0x0;
	s20 =	sshll.u32 s4, $0x1;
	s4 =	sadd.s32 s21, s2  }
0x9d: {  	[timem:s6], [sflag:s22] =	dma.local [hbm:s4], s20  }
0x9e: {  	_ =	swait.ge [sflag:s22], s20  }
0x9f: {  	s3 =	ssub.s32 $0x0, s20;
	[sflag:s22] =	ssyncset.done $0x0  }
0xa0: {  	[sflag:s22] =	ssyncadd.s32 s3;
	_ =	sdelay $0x1  }
0xa1: {  	s23 =	simm.s32 $0x1B8B  }
0xa2: {  	_ =	swait.ge [sflag:s23], $0x1  }
0xa3: {  	[sflag:s23] =	ssyncset.done $0x0  }
0xa4: {  	s25 =	simm.s32 $0x1B8E;
	s24 =	sld [smem:$0x3FFE];
	[sflag:s23] =	ssyncadd.s32 $0xFFFFFFFF  }
0xa5: {  	s26 =	simm.s32 $execute0_lowered;
	[smem:$0x3FD2] =	sst s25  }
0xa6: {  	s4 =	sshll.u32 s26, $0x1;
	_ =	strace $0x80000046;
	[dreg:$0x1] =	wrdreg $0xFFFFFFFF  }
0xa7: {  	s28 =	simm.s32 $_size_execute0_lowered;
	s2 =	sadd.s32 s2, s4;
	[dreg:$0x0] =	wrdreg $0x0  }
0xa8: {  	s4 =	sshll.u32 s28, $0x1;
	[dreg:$0x2] =	wrdreg s2  }
0xa9: {  	[dreg:$0x3] =	wrdreg s4  }
0xaa: {  	[dreg:$0x4] =	wrdreg $0xC0  }
0xab: {  	_ =	task [dreg:s6], $0x5FFFF  }
0xac: {  	[dreg:$0x1] =	wrdreg $0xFFFFFFFF  }
0xad: {  	[dreg:$0x0] =	wrdreg $0x60  }
0xae: {  	[dreg:$0x2] =	wrdreg s24  }
0xaf: {  	[dreg:$0x3] =	wrdreg $0x9  }
0xb0: {  	_ =	task.clear_ibuf [dreg:s6], $0x4FFFF;
	_ =	strace $0x90000046  }
0xb1: {  	s29 =	simm.s32 $0x9;
	_ =	strace $0x80000048  }
0xb2: {  	_ =	swait.ge [sflag:s29], $0x1  }
0xb3: {  	[sflag:s29] =	ssyncadd.s32 $0xFFFFFFFF  }
0xb4: {  	_ =	strace $0x90000048  }
0xb5: {  	_ =	sfence  }
0xb6: {  	s30 =	sld [smem:$0x0];
	_ =	sdelay $0x2  }
0xb7: {  	s31 =	sshll.u32 s1, $0xD;
	s1 =	sshrl.u32 s1, $0x2  }
0xb8: {  	s3 =	sand.u32 $0x4000, s31;
	s1 =	sadd.s32 s1, s30  }
0xb9: {  	s0 =	sor.u32 s3, s0;
	s1 =	sshll.u32 s1, $0x11  }
0xba: {  	s0 =	sor.u32 s1, s0  }
0xbb: {  	s0 =	sadd.s32 $0x8F2B, s0  }
0xbc: {  	[sflag:s0] =	ssyncadd.remote.s32 $0x1  }
0xbd: {  	_ =	sfence.sel $0xFFFF  }
0xbe: {  	[dreg:$0x0] =	wrdreg $0xFFFFFFFF;
	(pc) =	sbr.abs _section_cstart, $3  }
0xbf: {  	[dreg:$0x1] =	wrdreg $0xFFFFFFFF  }
0xc0: {  	_ =	task.clear_ibuf [dreg:s6], $0x2FFFF;
	_ =	strace $0x9FFFFFFF  }
0xc1: {  	(tm) =	ssettm $0x7FFFFFFF  }
tec
execute0_lowered:
.L_overlay_start_1:
0x0: {  	(tag) =	ssettag $0x1  }
0x1: {  	s0 =	srdreg.scid  }
0x2: {  	s3 =	sand.u32 $0x1, s0  }
0x3: {  	s0 =	stileid.u32;
	s1 =	sshll.u32 s3, $0x4  }
0x4: {  	s4 =	rddreg [dreg:$0x0];
	s1 =	sor.u32 s0, s1  }
0x5: {  	s2 =	simm.s32 $0x0;
	s9 =	simm.s32 $0x2800;
	s5 =	smul.u32 $0x2800, s1  }
0x6: {  	s10 =	simm.s32 $0x0;
	[smem:$0x7FF] =	sst s2;
	s6 =	ssub.s32 $0x2, s3  }
0x7: {  	v0 =	vlaneseq.u32;
	s3 =	sadd.s32 $0xC000, s4;
	s31 =	sshrl.u32 s6, $0x1;
	s5 =	sshrl.u32 s5, $0x3  }
0x8: {  	v0 =	vmul.u32 $0x1400, v0;
	s1 =	rddreg [dreg:$0x1];
	_ =	strace $0x80000047;
	s7 =	sadd.s32 s5, s4  }
0x9: {  	s8 =	ssub.s32 s6, s31;
	s4 =	sadd.s32 $0x2000, s7;
	s5 =	sadd.s32 $0xE800, s7  }
0xa: {  	v1 =	vimm.s32 $0x1;
	v2 =	vadd.s32 $0xFFFFEC00, v0;
	s6 =	sadd.s32 $0xEA80, s7;
	s7 =	smax.u32 s8, $0x1;
	s8 =	simm.s32 $0x1  }
.LBB2_1:
0xb: {  	[tilespmem:s2], [sflag:$0x1] =	stream.linear.gather [hbm4b:s4+s2], $0x2800, $0x38;
	[tilespmem:$0x16800] =	vst v63  }
0xc: {  	_ =	swait.ge [sflag:s8], $0x2800  }
0xd: {  	[sflag:s8] =	ssyncset.done $0x0  }
0xe: {  	[sflag:s8] =	ssyncadd.s32 $0xFFFFD800  }
0xf: {  	[tilespmem:s9], [sflag:$0x1] =	stream.linear.gather [hbm4b:s3+s2], $0x14000, $0x38;
	[tilespmem:$0x16800] =	vst v63  }
0x10: {  	_ =	swait.ge [sflag:s8], $0x14000  }
0x11: {  	[sflag:s8] =	ssyncset.done $0x0  }
0x12: {  	s11 =	simm.s32 $0x0;
	[sflag:s8] =	ssyncadd.s32 $0xFFFEC000  }
.LBB2_2:
0x13: {  	s12 =	sshra.s32 s11, $0x2  }
0x14: {  	v3 =	vld [tilespmem:s12+$0x0];
	_ =	sdelay $0x4  }
0x15: {  	vm0 =	vlt.u32 v3, $0x1400;
	v3 =	vadd.s32 v0, v3  }
0x16: {  	v3 =	vsel vm0, v3, v0;
	_ =	sdelay $0x4  }
0x17: {  	[tilespmem:v3+s9+$0x0] =	vst.idx.add.s32.msk vm0, v1  }
0x18: {  	v3 =	vld [tilespmem:s12+$0x10];
	_ =	sdelay $0x4  }
0x19: {  	vm12 =	vlt.u32 v3, $0x1400;
	v3 =	vadd.s32 v0, v3  }
0x1a: {  	v3 =	vsel vm12, v3, v0;
	_ =	sdelay $0x4  }
0x1b: {  	[tilespmem:v3+s9+$0x0] =	vst.idx.add.s32.msk vm12, v1  }
0x1c: {  	v3 =	vld [tilespmem:s12+$0x20];
	_ =	sdelay $0x4  }
0x1d: {  	vm13 =	vlt.u32 v3, $0x1400;
	v3 =	vadd.s32 v0, v3  }
0x1e: {  	v3 =	vsel vm13, v3, v0;
	_ =	sdelay $0x4  }
0x1f: {  	[tilespmem:v3+s9+$0x0] =	vst.idx.add.s32.msk vm13, v1  }
0x20: {  	v3 =	vld [tilespmem:s12+$0x30];
	_ =	sdelay $0x4  }
0x21: {  	vm14 =	vlt.u32 v3, $0x1400;
	v3 =	vadd.s32 v0, v3  }
0x22: {  	v3 =	vsel vm14, v3, v0;
	_ =	sdelay $0x4  }
0x23: {  	[tilespmem:v3+s9+$0x0] =	vst.idx.add.s32.msk vm14, v1  }
0x24: {  	v3 =	vld [tilespmem:s12+$0x40];
	_ =	sdelay $0x4  }
0x25: {  	vm15 =	vlt.u32 v3, $0x1400;
	v3 =	vadd.s32 v0, v3  }
0x26: {  	p0 =	sne.s32 s11, $0x9EC0;
	v3 =	vsel vm15, v3, v0  }
.Ltmp0:
0x27: {  	_ = 	snop;
	(pc) =	sbr.rel @p0 .LBB2_2-.Ltmp0, $2  }
0x28: {  	_ =	sdelay $0x2  }
0x29: {  	s11 =	sadd.s32 $0x140, s11;
	[tilespmem:v3+s9+$0x0] =	vst.idx.add.s32.msk vm15, v1  }
0x2a: {  	s11 =	simm.s32 $0x0  }
0x2b: {  	s12 =	simm.s32 $0x40;
	v3 =	vld [tilespmem:s11+$0x3C00]  }
.LBB2_4:
0x2c: {  	p0 =	sne.s32 s12, $0x4FC0;
	v4 =	vld [tilespmem:s11+$0x2800]  }
0x2d: {  	v5 =	vld [tilespmem:s11+$0x5000]  }
0x2e: {  	v6 =	vld [tilespmem:s11+$0x6400]  }
0x2f: {  	v7 =	vld [tilespmem:s11+$0x7800]  }
0x30: {  	v8 =	vld [tilespmem:s11+$0x8C00]  }
0x31: {  	v3 =	vadd.s32 v4, v3;
	v4 =	vld [tilespmem:s11+$0xA000]  }
0x32: {  	v3 =	vadd.s32 v5, v3;
	v5 =	vld [tilespmem:s11+$0xB400]  }
0x33: {  	v3 =	vadd.s32 v6, v3;
	v6 =	vld [tilespmem:s11+$0xC800]  }
0x34: {  	v3 =	vadd.s32 v7, v3;
	v7 =	vld [tilespmem:s11+$0xDC00]  }
0x35: {  	v3 =	vadd.s32 v8, v3;
	v8 =	vld [tilespmem:s11+$0xF000]  }
0x36: {  	v3 =	vadd.s32 v4, v3;
	v4 =	vld [tilespmem:s11+$0x10400]  }
0x37: {  	v3 =	vadd.s32 v5, v3;
	v5 =	vld [tilespmem:s11+$0x11800]  }
0x38: {  	v3 =	vadd.s32 v6, v3;
	v6 =	vld [tilespmem:s11+$0x12C00]  }
0x39: {  	v3 =	vadd.s32 v7, v3;
	v7 =	vld [tilespmem:s11+$0x14000]  }
0x3a: {  	v3 =	vadd.s32 v8, v3;
	v8 =	vld [tilespmem:s11+$0x15400]  }
0x3b: {  	v3 =	vadd.s32 v4, v3  }
.Ltmp1:
0x3c: {  	v3 =	vadd.s32 v5, v3;
	(pc) =	sbr.rel @p0 .LBB2_4-.Ltmp1, $4  }
0x3d: {  	v3 =	vadd.s32 v6, v3  }
0x3e: {  	v3 =	vadd.s32 v7, v3  }
0x3f: {  	s13 =	sshra.s32 s12, $0x2;
	v4 =	vadd.s32 v8, v3  }
0x40: {  	s12 =	sadd.s32 $0x40, s12;
	v3 =	vld [tilespmem:s13+$0x3C00];
	[tilespmem:s11+$0x2800] =	vst v4;
	s11 =	smov.u32 s13  }
0x41: {  	v4 =	vld [tilespmem:s11+$0x2800]  }
0x42: {  	v5 =	vld [tilespmem:s11+$0x5000]  }
0x43: {  	v6 =	vld [tilespmem:s11+$0x6400]  }
0x44: {  	v7 =	vld [tilespmem:s11+$0x7800]  }
0x45: {  	v8 =	vld [tilespmem:s11+$0x8C00]  }
0x46: {  	v54 =	vld [tilespmem:s11+$0xA000];
	v3 =	vadd.s32 v4, v3  }
0x47: {  	v55 =	vld [tilespmem:s11+$0xB400];
	v3 =	vadd.s32 v5, v3  }
0x48: {  	v56 =	vld [tilespmem:s11+$0xC800];
	v3 =	vadd.s32 v6, v3  }
0x49: {  	v57 =	vld [tilespmem:s11+$0xDC00];
	v3 =	vadd.s32 v7, v3  }
0x4a: {  	v58 =	vld [tilespmem:s11+$0xF000];
	v3 =	vadd.s32 v8, v3  }
0x4b: {  	v59 =	vld [tilespmem:s11+$0x10400];
	v3 =	vadd.s32 v54, v3  }
0x4c: {  	v60 =	vld [tilespmem:s11+$0x11800];
	v3 =	vadd.s32 v55, v3  }
0x4d: {  	v61 =	vld [tilespmem:s11+$0x12C00];
	v3 =	vadd.s32 v56, v3  }
0x4e: {  	v62 =	vld [tilespmem:s11+$0x14000];
	v3 =	vadd.s32 v57, v3  }
0x4f: {  	v63 =	vld [tilespmem:s11+$0x15400];
	v3 =	vadd.s32 v58, v3  }
0x50: {  	v3 =	vadd.s32 v59, v3  }
0x51: {  	v3 =	vadd.s32 v60, v3  }
0x52: {  	v3 =	vadd.s32 v61, v3  }
0x53: {  	v3 =	vadd.s32 v62, v3  }
0x54: {  	v3 =	vadd.s32 v63, v3  }
0x55: {  	[tilespmem:s11+$0x2800] =	vst v3;
	s11 =	simm.s32 $0x0  }
0x56: {  	[hbm4b:s5+s11] =	stream.linear.scatter [tilespmem:s9], [sflag:$0x1], $0x1400, $0x38;
	[tilespmem:$0x16800] =	vst v63  }
0x57: {  	_ =	swait.ge [sflag:s8], $0x1400  }
0x58: {  	[sflag:s8] =	ssyncset.done $0x0  }
0x59: {  	[sflag:s8] =	ssyncadd.s32 $0xFFFFEC00  }
0x5a: {  	[tilespmem:s9], [sflag:$0x1] =	stream.linear.gather [hbm4b:s3+s11], $0x14000, $0x38;
	[tilespmem:$0x16800] =	vst v63  }
0x5b: {  	_ =	swait.ge [sflag:s8], $0x14000  }
0x5c: {  	[sflag:s8] =	ssyncset.done $0x0  }
0x5d: {  	[sflag:s8] =	ssyncadd.s32 $0xFFFEC000  }
.LBB2_6:
0x5e: {  	s12 =	sshra.s32 s11, $0x2  }
0x5f: {  	v3 =	vld [tilespmem:s12+$0x0];
	_ =	sdelay $0x4  }
0x60: {  	v4 =	vadd.s32 $0xFFFFEC00, v3  }
0x61: {  	v3 =	vadd.s32 v2, v3;
	vm0 =	vlt.u32 v4, $0x1400  }
0x62: {  	v3 =	vsel vm0, v3, v0;
	_ =	sdelay $0x4  }
0x63: {  	[tilespmem:v3+s9+$0x0] =	vst.idx.add.s32.msk vm0, v1  }
0x64: {  	v3 =	vld [tilespmem:s12+$0x10];
	_ =	sdelay $0x4  }
0x65: {  	v60 =	vadd.s32 $0xFFFFEC00, v3  }
0x66: {  	v3 =	vadd.s32 v2, v3;
	vm12 =	vlt.u32 v60, $0x1400  }
0x67: {  	v3 =	vsel vm12, v3, v0;
	_ =	sdelay $0x4  }
0x68: {  	[tilespmem:v3+s9+$0x0] =	vst.idx.add.s32.msk vm12, v1  }
0x69: {  	v3 =	vld [tilespmem:s12+$0x20];
	_ =	sdelay $0x4  }
0x6a: {  	v61 =	vadd.s32 $0xFFFFEC00, v3  }
0x6b: {  	v3 =	vadd.s32 v2, v3;
	vm13 =	vlt.u32 v61, $0x1400  }
0x6c: {  	v3 =	vsel vm13, v3, v0;
	_ =	sdelay $0x4  }
0x6d: {  	[tilespmem:v3+s9+$0x0] =	vst.idx.add.s32.msk vm13, v1  }
0x6e: {  	v3 =	vld [tilespmem:s12+$0x30];
	_ =	sdelay $0x4  }
0x6f: {  	v62 =	vadd.s32 $0xFFFFEC00, v3  }
0x70: {  	v3 =	vadd.s32 v2, v3;
	vm14 =	vlt.u32 v62, $0x1400  }
0x71: {  	v3 =	vsel vm14, v3, v0;
	_ =	sdelay $0x4  }
0x72: {  	[tilespmem:v3+s9+$0x0] =	vst.idx.add.s32.msk vm14, v1  }
0x73: {  	v3 =	vld [tilespmem:s12+$0x40];
	_ =	sdelay $0x4  }
0x74: {  	v63 =	vadd.s32 $0xFFFFEC00, v3  }
0x75: {  	v3 =	vadd.s32 v2, v3;
	vm15 =	vlt.u32 v63, $0x1400  }
0x76: {  	p0 =	sne.s32 s11, $0x9EC0;
	v3 =	vsel vm15, v3, v0  }
.Ltmp2:
0x77: {  	_ = 	snop;
	(pc) =	sbr.rel @p0 .LBB2_6-.Ltmp2, $2  }
0x78: {  	_ =	sdelay $0x2  }
0x79: {  	s11 =	sadd.s32 $0x140, s11;
	[tilespmem:v3+s9+$0x0] =	vst.idx.add.s32.msk vm15, v1  }
0x7a: {  	s11 =	simm.s32 $0x0  }
0x7b: {  	s12 =	simm.s32 $0x40;
	v3 =	vld [tilespmem:s11+$0x3C00]  }
.LBB2_8:
0x7c: {  	p0 =	sne.s32 s12, $0x4FC0;
	v4 =	vld [tilespmem:s11+$0x2800]  }
0x7d: {  	v5 =	vld [tilespmem:s11+$0x5000]  }
0x7e: {  	v6 =	vld [tilespmem:s11+$0x6400]  }
0x7f: {  	v7 =	vld [tilespmem:s11+$0x7800]  }
0x80: {  	v8 =	vld [tilespmem:s11+$0x8C00]  }
0x81: {  	v3 =	vadd.s32 v4, v3;
	v4 =	vld [tilespmem:s11+$0xA000]  }
0x82: {  	v3 =	vadd.s32 v5, v3;
	v5 =	vld [tilespmem:s11+$0xB400]  }
0x83: {  	v3 =	vadd.s32 v6, v3;
	v6 =	vld [tilespmem:s11+$0xC800]  }
0x84: {  	v3 =	vadd.s32 v7, v3;
	v7 =	vld [tilespmem:s11+$0xDC00]  }
0x85: {  	v3 =	vadd.s32 v8, v3;
	v8 =	vld [tilespmem:s11+$0xF000]  }
0x86: {  	v3 =	vadd.s32 v4, v3;
	v4 =	vld [tilespmem:s11+$0x10400]  }
0x87: {  	v3 =	vadd.s32 v5, v3;
	v5 =	vld [tilespmem:s11+$0x11800]  }
0x88: {  	v3 =	vadd.s32 v6, v3;
	v6 =	vld [tilespmem:s11+$0x12C00]  }
0x89: {  	v3 =	vadd.s32 v7, v3;
	v7 =	vld [tilespmem:s11+$0x14000]  }
0x8a: {  	v3 =	vadd.s32 v8, v3;
	v8 =	vld [tilespmem:s11+$0x15400]  }
0x8b: {  	v3 =	vadd.s32 v4, v3  }
.Ltmp3:
0x8c: {  	v3 =	vadd.s32 v5, v3;
	(pc) =	sbr.rel @p0 .LBB2_8-.Ltmp3, $4  }
0x8d: {  	v3 =	vadd.s32 v6, v3  }
0x8e: {  	v3 =	vadd.s32 v7, v3  }
0x8f: {  	s13 =	sshra.s32 s12, $0x2;
	v4 =	vadd.s32 v8, v3  }
0x90: {  	s12 =	sadd.s32 $0x40, s12;
	v3 =	vld [tilespmem:s13+$0x3C00];
	[tilespmem:s11+$0x2800] =	vst v4;
	s11 =	smov.u32 s13  }
0x91: {  	v4 =	vld [tilespmem:s11+$0x2800]  }
0x92: {  	v5 =	vld [tilespmem:s11+$0x5000]  }
0x93: {  	v6 =	vld [tilespmem:s11+$0x6400]  }
0x94: {  	v7 =	vld [tilespmem:s11+$0x7800]  }
0x95: {  	v8 =	vld [tilespmem:s11+$0x8C00]  }
0x96: {  	v54 =	vld [tilespmem:s11+$0xA000];
	v3 =	vadd.s32 v4, v3  }
0x97: {  	v55 =	vld [tilespmem:s11+$0xB400];
	v3 =	vadd.s32 v5, v3  }
0x98: {  	v56 =	vld [tilespmem:s11+$0xC800];
	v3 =	vadd.s32 v6, v3  }
0x99: {  	v57 =	vld [tilespmem:s11+$0xDC00];
	v3 =	vadd.s32 v7, v3  }
0x9a: {  	v58 =	vld [tilespmem:s11+$0xF000];
	v3 =	vadd.s32 v8, v3  }
0x9b: {  	v59 =	vld [tilespmem:s11+$0x10400];
	v3 =	vadd.s32 v54, v3  }
0x9c: {  	v60 =	vld [tilespmem:s11+$0x11800];
	v3 =	vadd.s32 v55, v3  }
0x9d: {  	v61 =	vld [tilespmem:s11+$0x12C00];
	v3 =	vadd.s32 v56, v3  }
0x9e: {  	v62 =	vld [tilespmem:s11+$0x14000];
	v3 =	vadd.s32 v57, v3  }
0x9f: {  	v63 =	vld [tilespmem:s11+$0x15400];
	v3 =	vadd.s32 v58, v3  }
0xa0: {  	v3 =	vadd.s32 v59, v3  }
0xa1: {  	v3 =	vadd.s32 v60, v3  }
0xa2: {  	v3 =	vadd.s32 v61, v3  }
0xa3: {  	s10 =	sadd.s32 $0x1, s10;
	v3 =	vadd.s32 v62, v3  }
0xa4: {  	p0 =	sne.s32 s10, s7;
	v3 =	vadd.s32 v63, v3  }
.Ltmp4:
0xa5: {  	[tilespmem:s11+$0x2800] =	vst v3;
	(pc) =	sbr.rel @p0 .LBB2_1-.Ltmp4, $4  }
0xa6: {  	[hbm4b:s6+s2] =	stream.linear.scatter [tilespmem:s9], [sflag:$0x1], $0x1400, $0x38;
	[tilespmem:$0x16800] =	vst v63  }
0xa7: {  	_ =	swait.ge [sflag:s8], $0x1400  }
0xa8: {  	[sflag:s8] =	ssyncset.done $0x0  }
0xa9: {  	[sflag:s8] =	ssyncadd.s32 $0xFFFFEC00  }
0xaa: {  	_ =	sfence.sel $0x180000  }
0xab: {  	[bflag:$0x0] =	sbarrier.arrive $0xFFFF  }
0xac: {  	p0 =	sne.s32 s0, $0x0;
	_ =	strace $0x90000047  }
0xad: {  	s0 =	sadd.s32 @!p0 $0x100000, s1;
	[bflag:$0x2] =	sbarrier.arrive $0xFFFF  }
0xae: {  	[sflag:s0] =	ssyncadd.tile.s32 @!p0 $0x1;
	_ =	shalt  }
.Lfunc_end2:
_tile_overlayer_lowered:
.L_overlay_start_2:
0xaf: {  	(tag) =	ssettag $0x2  }
0xb0: {  	s0 =	rddreg [dreg:$0x0];
	s2 =	stileid.u32  }
0xb1: {  	s1 =	rddreg [dreg:$0x1];
	p0 =	sne.s32 s2, $0x0  }
0xb2: {  	s3 =	rddreg [dreg:$0x2];
	[bflag:$0x3] =	sbarrier.arrive $0xFFFF;
	s2 =	simm.s32 @!p0 $0x1C01  }
0xb3: {  	[timem:s3], [sflag:s2] =	dma.local @!p0 [hbm:s0], s1  }
0xb4: {  	s0 =	simm.s32 @!p0 $0x1  }
0xb5: {  	_ =	swait.ge @!p0 [sflag:s0], s1  }
0xb6: {  	s1 =	ssub.s32 @!p0 $0x0, s1;
	[sflag:s0] =	ssyncset.done @!p0 $0x0  }
0xb7: {  	[sflag:s0] =	ssyncadd.s32 @!p0 s1  }
0xb8: {  	[bflag:$0x3] =	sbarrier.arrive $0xFFFF  }
0xb9: {  	_ =	shalt  }

</sc_bundles>
